<compile_context>
chip_gen: v7x
topology: tpu7x:2x2x1
jax: 0.10.2.dev20260603
libtpu: 0.0.44.dev20260713+nightly
codegen_flags: <defaults>
</compile_context>

<pallas_src>
import functools

import jax
import jax.numpy as jnp
from jax import lax
from jax.experimental import pallas as pl
from jax.experimental.pallas import tpu as pltpu
from jax.experimental.pallas import tpu_sc as plsc

N_NODES = 10000
NPAD = 10240
N_EDGES = 160000
EPAD = 163840
TILE = 640
NT = N_EDGES // TILE
NT_PAD = EPAD // TILE
NW = 32
PER_W = EPAD // NW
NCH = PER_W // 128
FE = float(N_EDGES)
FN = float(N_NODES)
EPS = 1e-5

MP_CFG = [(16, 10, 32, 32), (32, 32, 64, 64)]


def _lrelu(v):
    return jnp.where(v >= 0, v, 0.1 * v)


def _full(shape):
    return pl.BlockSpec(shape, lambda *_: (0,) * len(shape))


def _tiled(c):
    return pl.BlockSpec((TILE, c), lambda t: (t, 0))


def _tiled_clamped(c):
    return pl.BlockSpec((TILE, c), lambda t: (jnp.minimum(t, NT - 1), 0))


def _st(stats_ref, g_ref, b_ref, n):
    m = stats_ref[0:1, :] / n
    var = stats_ref[1:2, :] / n - m * m
    s = g_ref[...] * lax.rsqrt(var + EPS)
    return s, b_ref[...] - m * s


def _acc_stats(o_ref, v):
    t = pl.program_id(0)

    @pl.when(t == 0)
    def _():
        o_ref[...] = jnp.zeros_like(o_ref)

    o_ref[0:1, :] += jnp.sum(v, axis=0, keepdims=True)
    o_ref[1:2, :] += jnp.sum(v * v, axis=0, keepdims=True)




def _estats_body(e_ref, o_ref):
    _acc_stats(o_ref, e_ref[...])


def _estats(e):
    c = e.shape[1]
    return pl.pallas_call(
        _estats_body,
        grid=(NT,),
        in_specs=[_tiled(c)],
        out_specs=_full((2, c)),
        out_shape=jax.ShapeDtypeStruct((2, c), jnp.float32),
    )(e)


def _node_prep_body(x_ref, g_ref, b_ref, o_ref):
    v = x_ref[...]
    m = jnp.mean(v, axis=0, keepdims=True)
    var = jnp.mean(v * v, axis=0, keepdims=True) - m * m
    s = g_ref[...] * lax.rsqrt(var + EPS)
    o_ref[...] = v * s + (b_ref[...] - m * s)


def _node_prep(x, g, b):
    c = x.shape[1]
    return pl.pallas_call(
        _node_prep_body,
        grid=(1,),
        in_specs=[_full((N_NODES, c)), _full((1, c)), _full((1, c))],
        out_specs=_full((N_NODES, c)),
        out_shape=jax.ShapeDtypeStruct((N_NODES, c), jnp.float32),
    )(x, g.reshape(1, -1), b.reshape(1, -1))


def _h1(ni, src_ref, dst_ref, e_ref, es_ref, eg_ref, eb_ref,
        w1a_ref, w1b_ref, w1c_ref, b1_ref):
    se, te = _st(es_ref, eg_ref, eb_ref, FE)
    en = e_ref[...] * se + te
    h = (jnp.dot(src_ref[:, :ni], w1a_ref[...], preferred_element_type=jnp.float32)
         + jnp.dot(dst_ref[:, :ni], w1b_ref[...], preferred_element_type=jnp.float32)
         + jnp.dot(en, w1c_ref[...], preferred_element_type=jnp.float32)
         + b1_ref[...])
    return _lrelu(h), en


def _passA_body(ni, src_ref, dst_ref, e_ref, es_ref, eg_ref, eb_ref,
                w1a_ref, w1b_ref, w1c_ref, b1_ref, h_ref, o_ref):
    h, _ = _h1(ni, src_ref, dst_ref, e_ref, es_ref, eg_ref, eb_ref,
               w1a_ref, w1b_ref, w1c_ref, b1_ref)
    h_ref[...] = h
    _acc_stats(o_ref, h)


def _passB_body(h1_ref, e_ref, es_ref, eg_ref, eb_ref,
                s1_ref, g1_ref, bb1_ref, w2_ref, b2_ref,
                lw_ref, lb_ref, h2_ref, o_ref):
    se, te = _st(es_ref, eg_ref, eb_ref, FE)
    en = e_ref[...] * se + te
    s1, t1 = _st(s1_ref, g1_ref, bb1_ref, FE)
    h = h1_ref[...] * s1 + t1
    h2 = (_lrelu(jnp.dot(h, w2_ref[...], preferred_element_type=jnp.float32)
                 + b2_ref[...])
          + jnp.dot(en, lw_ref[...], preferred_element_type=jnp.float32)
          + lb_ref[...])
    h2_ref[...] = h2
    _acc_stats(o_ref, h2)


def _passC_body(h2_ref, s2_ref, g2_ref, bb2_ref, nw1_ref, nb1_ref, o_ref):
    s2, t2 = _st(s2_ref, g2_ref, bb2_ref, FE)
    en = h2_ref[...] * s2 + t2
    w = _lrelu(jnp.dot(en, nw1_ref[...], preferred_element_type=jnp.float32)
               + nb1_ref[...])
    _acc_stats(o_ref, w)


def _passD_body(ni, no, h2_ref, src_ref, s2_ref, g2_ref, bb2_ref,
                s3_ref, g3_ref, bb3_ref, nw1_ref, nb1_ref,
                nw2_ref, nb2_ref, msg_ref):
    s2, t2 = _st(s2_ref, g2_ref, bb2_ref, FE)
    en = h2_ref[...] * s2 + t2
    w = _lrelu(jnp.dot(en, nw1_ref[...], preferred_element_type=jnp.float32)
               + nb1_ref[...])
    s3, t3 = _st(s3_ref, g3_ref, bb3_ref, FE)
    wn = w * s3 + t3
    wf = jnp.dot(wn, nw2_ref[...], preferred_element_type=jnp.float32) + nb2_ref[...]
    src = src_ref[:, :ni]
    acc = src[:, 0:1] * wf[:, 0:no]
    for i in range(1, ni):
        acc += src[:, i:i + 1] * wf[:, i * no:(i + 1) * no]
    rows = pl.program_id(0) * TILE + lax.broadcasted_iota(jnp.int32, (TILE, 1), 0)
    acc = jnp.where(rows < N_EDGES, acc, 0.0)
    msg_ref[...] = jnp.concatenate(
        [acc, jnp.zeros((TILE, 128 - no), jnp.float32)], axis=1)


def _passF_body(no, agg_ref, xn_ref, root_ref, bias_ref, g_ref, b_ref, o_ref):
    agg = (agg_ref[0:N_NODES, :no] + agg_ref[NPAD:NPAD + N_NODES, :no])
    xp = (agg
          + jnp.dot(xn_ref[...], root_ref[...], preferred_element_type=jnp.float32)
          + bias_ref[...])
    m = jnp.mean(xp, axis=0, keepdims=True)
    var = jnp.mean(xp * xp, axis=0, keepdims=True) - m * m
    s = g_ref[...] * lax.rsqrt(var + EPS)
    o_ref[...] = xp * s + (b_ref[...] - m * s)


def _edge_mlp_body(src_ref, dst_ref, e_ref, es_ref, eg_ref, eb_ref,
                   w0a_ref, w0b_ref, w0c_ref, b0_ref,
                   w1_ref, b1_ref, w2_ref, b2_ref, w3_ref, b3_ref,
                   w4_ref, b4_ref, o_ref):
    se, te = _st(es_ref, eg_ref, eb_ref, FE)
    en = e_ref[...] * se + te
    h = (jnp.dot(src_ref[:, :64], w0a_ref[...], preferred_element_type=jnp.float32)
         + jnp.dot(dst_ref[:, :64], w0b_ref[...], preferred_element_type=jnp.float32)
         + jnp.dot(en, w0c_ref[...], preferred_element_type=jnp.float32)
         + b0_ref[...])
    h = _lrelu(h)
    for wr, br, last in ((w1_ref, b1_ref, False), (w2_ref, b2_ref, False),
                         (w3_ref, b3_ref, False), (w4_ref, b4_ref, True)):
        h = jnp.dot(h, wr[...], preferred_element_type=jnp.float32) + br[...]
        if not last:
            h = _lrelu(h)
    o_ref[...] = h


def _node_mlp_body(x_ref, w0_ref, b0_ref, w1_ref, b1_ref, w2_ref, b2_ref,
                   w3_ref, b3_ref, w4_ref, b4_ref, o_ref):
    h = x_ref[...]
    for wr, br, last in ((w0_ref, b0_ref, False), (w1_ref, b1_ref, False),
                         (w2_ref, b2_ref, False), (w3_ref, b3_ref, False),
                         (w4_ref, b4_ref, True)):
        h = jnp.dot(h, wr[...], preferred_element_type=jnp.float32) + br[...]
        if not last:
            h = _lrelu(h)
    o_ref[...] = h




def _sc_gather(c):
    mesh = plsc.VectorSubcoreMesh(core_axis_name="c", subcore_axis_name="s")

    @functools.partial(
        pl.kernel,
        mesh=mesh,
        out_type=[jax.ShapeDtypeStruct((EPAD, 128), jnp.float32),
                  jax.ShapeDtypeStruct((EPAD, 128), jnp.float32)],
        scratch_types=[pltpu.VMEM((NCH, 128), jnp.int32),
                       pltpu.VMEM((NCH, 128), jnp.int32),
                       pltpu.VMEM((128, 128), jnp.float32),
                       pltpu.VMEM((128, 128), jnp.float32),
                       pltpu.VMEM((128, 128), jnp.float32),
                       pltpu.VMEM((128, 128), jnp.float32)]
                      + [pltpu.SemaphoreType.DMA] * 8,
    )
    def k(xp_hbm, row_hbm, col_hbm, src_hbm, dst_hbm, row_v, col_v,
          bs0, bs1, bd0, bd1, gs0, gs1, gd0, gd1, ws0, ws1, wd0, wd1):
        wid = lax.axis_index("s") * 2 + lax.axis_index("c")
        pltpu.sync_copy(row_hbm.at[pl.ds(wid * NCH, NCH)], row_v)
        pltpu.sync_copy(col_hbm.at[pl.ds(wid * NCH, NCH)], col_v)

        def issue_g(j, bs, bd, gs, gd):
            pltpu.async_copy(xp_hbm.at[row_v.at[j]], bs, gs)
            pltpu.async_copy(xp_hbm.at[col_v.at[j]], bd, gd)

        def wait_g(bs, bd, gs, gd):
            pltpu.make_async_copy(xp_hbm.at[row_v.at[0]], bs, gs).wait()
            pltpu.make_async_copy(xp_hbm.at[col_v.at[0]], bd, gd).wait()

        def issue_w(j, bs, bd, ws, wd):
            base = wid * PER_W + j * 128
            pltpu.async_copy(bs, src_hbm.at[pl.ds(base, 128)], ws)
            pltpu.async_copy(bd, dst_hbm.at[pl.ds(base, 128)], wd)

        def wait_w(bs, bd, ws, wd):
            base = wid * PER_W
            pltpu.make_async_copy(bs, src_hbm.at[pl.ds(base, 128)], ws).wait()
            pltpu.make_async_copy(bd, dst_hbm.at[pl.ds(base, 128)], wd).wait()

        issue_g(0, bs0, bd0, gs0, gd0)

        def body(i, carry):
            j0 = i * 2

            @pl.when(i > 0)
            def _():
                wait_w(bs1, bd1, ws1, wd1)

            issue_g(j0 + 1, bs1, bd1, gs1, gd1)
            wait_g(bs0, bd0, gs0, gd0)
            issue_w(j0, bs0, bd0, ws0, wd0)

            wait_w(bs0, bd0, ws0, wd0)
            issue_g(jnp.minimum(j0 + 2, NCH - 1), bs0, bd0, gs0, gd0)
            wait_g(bs1, bd1, gs1, gd1)
            issue_w(j0 + 1, bs1, bd1, ws1, wd1)
            return carry

        lax.fori_loop(0, NCH // 2, body, 0)
        wait_g(bs0, bd0, gs0, gd0)
        wait_w(bs1, bd1, ws1, wd1)

    return k


def _sc_scatter():
    mesh = plsc.VectorSubcoreMesh(core_axis_name="c", subcore_axis_name="s")

    @functools.partial(
        pl.kernel,
        mesh=mesh,
        out_type=jax.ShapeDtypeStruct((2 * NPAD, 128), jnp.float32),
        scratch_types=[pltpu.VMEM((NCH, 128), jnp.int32),
                       pltpu.VMEM((128, 128), jnp.float32),
                       pltpu.VMEM((128, 128), jnp.float32),
                       pltpu.VMEM_SHARED((NPAD, 128), jnp.float32)]
                      + [pltpu.SemaphoreType.DMA] * 4,
    )
    def k(msg_hbm, col_hbm, zero_hbm, out_hbm, col_v, mb0, mb1, acc_sh,
          ls0, ls1, ss0, ss1):
        cid = lax.axis_index("c")
        sid = lax.axis_index("s")
        wid = sid * 2 + cid

        @pl.when(sid == 0)
        def _():
            pltpu.sync_copy(zero_hbm, acc_sh)

        plsc.subcore_barrier()
        pltpu.sync_copy(col_hbm.at[pl.ds(wid * NCH, NCH)], col_v)

        def issue_l(j, mb, ls):
            pltpu.async_copy(msg_hbm.at[pl.ds(wid * PER_W + j * 128, 128)], mb, ls)

        def wait_l(mb, ls):
            pltpu.make_async_copy(msg_hbm.at[pl.ds(0, 128)], mb, ls).wait()

        def issue_s(j, mb, ss):
            pltpu.async_copy(mb, acc_sh.at[col_v.at[j]], ss, add=True)

        def wait_s(mb, ss):
            pltpu.make_async_copy(mb, acc_sh.at[col_v.at[0]], ss).wait()

        issue_l(0, mb0, ls0)

        def body(i, carry):
            j0 = i * 2

            @pl.when(i > 0)
            def _():
                wait_s(mb1, ss1)

            issue_l(j0 + 1, mb1, ls1)
            wait_l(mb0, ls0)
            issue_s(j0, mb0, ss0)

            wait_s(mb0, ss0)
            issue_l(jnp.minimum(j0 + 2, NCH - 1), mb0, ls0)
            wait_l(mb1, ls1)
            issue_s(j0 + 1, mb1, ss1)
            return carry

        lax.fori_loop(0, NCH // 2, body, 0)
        wait_l(mb0, ls0)
        wait_s(mb1, ss1)
        plsc.subcore_barrier()
        step = NPAD // 16
        pltpu.sync_copy(acc_sh.at[pl.ds(sid * step, step)],
                        out_hbm.at[pl.ds(cid * NPAD + sid * step, step)])

    return k




def _edge_pass(body, n_out_stats, tiled_in, full_in, extra_out=None,
               grid_n=NT, clamp=False):
    tspec = _tiled_clamped if clamp else _tiled
    in_specs = [tspec(w) for _, w in tiled_in]
    tiled_in = [a for a, _ in tiled_in]
    in_specs += [_full(a.shape) for a in full_in]
    out_specs = []
    out_shapes = []
    if extra_out is not None:
        out_specs.append(pl.BlockSpec((TILE, extra_out[1]), lambda t: (t, 0)))
        out_shapes.append(jax.ShapeDtypeStruct(extra_out, jnp.float32))
    if n_out_stats:
        out_specs.append(_full((2, n_out_stats)))
        out_shapes.append(jax.ShapeDtypeStruct((2, n_out_stats), jnp.float32))
    out_specs = out_specs[0] if len(out_specs) == 1 else out_specs
    out_shapes = out_shapes[0] if len(out_shapes) == 1 else out_shapes
    return pl.pallas_call(
        body,
        grid=(grid_n,),
        in_specs=in_specs,
        out_specs=out_specs,
        out_shape=out_shapes,
    )(*tiled_in, *full_in)


def kernel(x, e, params, edge_index, xbatch):
    p = params
    q = lambda v: v.reshape(1, -1)
    pad = EPAD - N_EDGES
    row2 = jnp.concatenate(
        [edge_index[0], jnp.zeros((pad,), jnp.int32)]).reshape(EPAD // 128, 128)
    col2 = jnp.concatenate(
        [edge_index[1], jnp.zeros((pad,), jnp.int32)]).reshape(EPAD // 128, 128)

    e_stats = _estats(e)
    e_cur, e_g, e_b = e, q(p['bn_edge_g']), q(p['bn_edge_b'])
    xn = _node_prep(x, p['bn_node_g'], p['bn_node_b'])

    for i, (ni, ei, no, eo) in enumerate(MP_CFG):
        pre = 'em%d' % i
        w1 = p[pre + '_W1']
        w1a, w1b, w1c = w1[:ni], w1[ni:2 * ni], w1[2 * ni:]
        nout = w1.shape[1]
        xnp = jnp.pad(xn, ((0, 0), (0, 128 - ni)))
        src, dst = _sc_gather(ni)(xnp, row2, col2)

        h1, stats1 = _edge_pass(
            functools.partial(_passA_body, ni), nout,
            [(src, 128), (dst, 128), (e_cur, ei)],
            [e_stats, e_g, e_b, w1a, w1b, w1c, q(p[pre + '_b1'])],
            extra_out=(N_EDGES, nout))

        h2, stats2 = _edge_pass(
            _passB_body, eo,
            [(h1, nout), (e_cur, ei)],
            [e_stats, e_g, e_b,
             stats1, q(p[pre + '_bn1_g']), q(p[pre + '_bn1_b']),
             p[pre + '_W2'], q(p[pre + '_b2']),
             p[pre + '_linW'], q(p[pre + '_linb'])],
            extra_out=(N_EDGES, eo))

        g2, b2 = q(p[pre + '_bn2_g']), q(p[pre + '_bn2_b'])
        npre = 'nn%d' % i
        stats3 = _edge_pass(
            _passC_body, 2 * eo,
            [(h2, eo)],
            [stats2, g2, b2, p[npre + '_W1'], q(p[npre + '_b1'])])

        msg = _edge_pass(
            functools.partial(_passD_body, ni, no), 0,
            [(h2, eo), (src, 128)],
            [stats2, g2, b2, stats3,
             q(p[npre + '_bn_g']), q(p[npre + '_bn_b']),
             p[npre + '_W1'], q(p[npre + '_b1']),
             p[npre + '_W2'], q(p[npre + '_b2'])],
            extra_out=(EPAD, 128), grid_n=NT_PAD, clamp=True)

        zero = jnp.zeros((NPAD, 128), jnp.float32)
        aggp = _sc_scatter()(msg, col2, zero)

        xn = pl.pallas_call(
            functools.partial(_passF_body, no),
            grid=(1,),
            in_specs=[_full((2 * NPAD, 128)), _full((N_NODES, ni)),
                      _full((ni, no)), _full((1, no)), _full((1, no)),
                      _full((1, no))],
            out_specs=_full((N_NODES, no)),
            out_shape=jax.ShapeDtypeStruct((N_NODES, no), jnp.float32),
        )(aggp, xn, p['conv%d_root' % i], q(p['conv%d_bias' % i]),
          q(p['bn%d_g' % i]), q(p['bn%d_b' % i]))

        e_cur, e_stats, e_g, e_b = h2, stats2, g2, b2

    src, dst = _sc_gather(64)(jnp.pad(xn, ((0, 0), (0, 64))), row2, col2)
    w0 = p['ep_W0']
    he = _edge_pass(
        _edge_mlp_body, 0,
        [(src, 128), (dst, 128), (e_cur, 64)],
        [e_stats, e_g, e_b, w0[:64], w0[64:128], w0[128:], q(p['ep_b0']),
         p['ep_W1'], q(p['ep_b1']), p['ep_W2'], q(p['ep_b2']),
         p['ep_W3'], q(p['ep_b3']), p['ep_W4'], q(p['ep_b4'])],
        extra_out=(N_EDGES, 2))

    hn = pl.pallas_call(
        _node_mlp_body,
        grid=(1,),
        in_specs=[_full((N_NODES, 64))] + [
            _full(p['np_W%d' % j].shape) if k == 0 else _full((1, p['np_W%d' % j].shape[1]))
            for j in range(5) for k in range(2)],
        out_specs=_full((N_NODES, 2)),
        out_shape=jax.ShapeDtypeStruct((N_NODES, 2), jnp.float32),
    )(xn, *[a for j in range(5) for a in (p['np_W%d' % j], q(p['np_b%d' % j]))])

    return hn, he

# --- scband reference (transcript-rebuilt; emitter-appended) ---
"""Pipeline reference for scband-nnconv-model-25048249270792 (READ-ONLY COPY).

The authoritative reference and input builder live on the scoring server;
editing this copy changes nothing except your own understanding.
"""

import jax, jax.numpy as jnp
import numpy as np

N_NODES = 10000
N_EDGES = 160000
NODE_IN = 16
EDGE_IN = 10
MP = [(16, 10, 32, 32), (32, 32, 64, 64)]


def _init_lin(key, nin, nout):
    k1, k2 = jax.random.split(key)
    s = 1.0 / np.sqrt(nin)
    W = jax.random.uniform(k1, (nin, nout), minval=-s, maxval=s, dtype=jnp.float32)
    b = jax.random.uniform(k2, (nout,), minval=-s, maxval=s, dtype=jnp.float32)
    return W, b


def _make_params(key):
    keys = iter(jax.random.split(key, 40))
    p = {}
    p['bn_node_g'] = jnp.ones((NODE_IN,), jnp.float32)
    p['bn_node_b'] = jnp.zeros((NODE_IN,), jnp.float32)
    p['bn_edge_g'] = jnp.ones((EDGE_IN,), jnp.float32)
    p['bn_edge_b'] = jnp.zeros((EDGE_IN,), jnp.float32)
    for i, (ni, ei, no, eo) in enumerate(MP):
        nin = 2 * ni + ei
        nout = max(2 * nin, 32)
        p['em%d_W1' % i], p['em%d_b1' % i] = _init_lin(next(keys), nin, nout)
        p['em%d_bn1_g' % i] = jnp.ones((nout,), jnp.float32)
        p['em%d_bn1_b' % i] = jnp.zeros((nout,), jnp.float32)
        p['em%d_W2' % i], p['em%d_b2' % i] = _init_lin(next(keys), nout, eo)
        p['em%d_linW' % i], p['em%d_linb' % i] = _init_lin(next(keys), ei, eo)
        p['em%d_bn2_g' % i] = jnp.ones((eo,), jnp.float32)
        p['em%d_bn2_b' % i] = jnp.zeros((eo,), jnp.float32)
        p['nn%d_W1' % i], p['nn%d_b1' % i] = _init_lin(next(keys), eo, 2 * eo)
        p['nn%d_bn_g' % i] = jnp.ones((2 * eo,), jnp.float32)
        p['nn%d_bn_b' % i] = jnp.zeros((2 * eo,), jnp.float32)
        p['nn%d_W2' % i], p['nn%d_b2' % i] = _init_lin(next(keys), 2 * eo, ni * no)
        p['conv%d_root' % i], p['conv%d_bias' % i] = _init_lin(next(keys), ni, no)
        p['bn%d_g' % i] = jnp.ones((no,), jnp.float32)
        p['bn%d_b' % i] = jnp.zeros((no,), jnp.float32)
    ep_dims = [2 * 64 + 64, 64, 32, 16, 8, 2]
    np_dims = [64, 64, 32, 16, 8, 2]
    for j in range(5):
        p['ep_W%d' % j], p['ep_b%d' % j] = _init_lin(next(keys), ep_dims[j], ep_dims[j + 1])
        p['np_W%d' % j], p['np_b%d' % j] = _init_lin(next(keys), np_dims[j], np_dims[j + 1])
    return p


def setup_inputs(seed: int = 0):
    key = jax.random.key(seed)
    k1, k2, k3, kp = jax.random.split(key, 4)
    x = jax.random.normal(k1, (N_NODES, NODE_IN), dtype=jnp.float32)
    e = jax.random.normal(k2, (N_EDGES, EDGE_IN), dtype=jnp.float32)
    edge_index = jax.random.randint(k3, (2, N_EDGES), 0, N_NODES, dtype=jnp.int32)
    xbatch = jnp.zeros((N_NODES,), dtype=jnp.int32)
    params = _make_params(kp)
    return {'x': x, 'e': e, 'params': params, 'edge_index': edge_index, 'xbatch': xbatch}


def _lrelu(x):
    return jnp.where(x >= 0, x, 0.1 * x)


def _bn(x, g, b, eps=1e-5):
    m = jnp.mean(x, axis=0)
    v = jnp.var(x, axis=0)
    return (x - m) * jax.lax.rsqrt(v + eps) * g + b


def _forward(x, e, p, edge_index, xbatch):
    row = edge_index[0]
    col = edge_index[1]
    x = x.reshape(-1, NODE_IN)
    e = e.reshape(-1, EDGE_IN)
    e = _bn(e, p['bn_edge_g'], p['bn_edge_b'])
    x = _bn(x, p['bn_node_g'], p['bn_node_b'])
    for i, (ni, ei, no, eo) in enumerate(MP):
        src = x[row]
        dst = x[col]
        h = jnp.concatenate([src, dst, e], axis=1)
        h = _lrelu(h @ p['em%d_W1' % i] + p['em%d_b1' % i])
        h = _bn(h, p['em%d_bn1_g' % i], p['em%d_bn1_b' % i])
        h = _lrelu(h @ p['em%d_W2' % i] + p['em%d_b2' % i])
        h = h + (e @ p['em%d_linW' % i] + p['em%d_linb' % i])
        e = _bn(h, p['em%d_bn2_g' % i], p['em%d_bn2_b' % i])
        w = _lrelu(e @ p['nn%d_W1' % i] + p['nn%d_b1' % i])
        w = _bn(w, p['nn%d_bn_g' % i], p['nn%d_bn_b' % i])
        w = w @ p['nn%d_W2' % i] + p['nn%d_b2' % i]
        W = w.reshape(-1, ni, no)
        msg = jnp.einsum('ei,eio->eo', x[row], W)
        agg = jax.ops.segment_sum(msg, col, num_segments=x.shape[0])
        x = agg + x @ p['conv%d_root' % i] + p['conv%d_bias' % i]
        x = _bn(x, p['bn%d_g' % i], p['bn%d_b' % i])
    src = x[row]
    dst = x[col]
    he = jnp.concatenate([src, dst, e], axis=1)
    for j in range(5):
        he = he @ p['ep_W%d' % j] + p['ep_b%d' % j]
        if j < 4:
            he = _lrelu(he)
    hn = x
    for j in range(5):
        hn = hn @ p['np_W%d' % j] + p['np_b%d' % j]
        if j < 4:
            hn = _lrelu(hn)
    return hn, he


def reference(x, e, params, edge_index, xbatch):
    return _forward(x, e, params, edge_index, xbatch)

if __name__ == "__main__":
    import jax
    _d = setup_inputs()
    print(jax.jit(kernel)(*tuple(_d.values())))

</pallas_src>

<mosaic_0001>
#map = affine_map<(d0, d1) -> (0, 0)>
module attributes {stable_mosaic.version = 14 : i64} {
  func.func @k(%arg0: i32, %arg1: i32, %arg2: memref<10000x128xf32, #tpu.memory_space<hbm>>, %arg3: memref<1280x128xi32, #tpu.memory_space<hbm>>, %arg4: memref<1280x128xi32, #tpu.memory_space<hbm>>, %arg5: memref<163840x128xf32, #tpu.memory_space<hbm>>, %arg6: memref<163840x128xf32, #tpu.memory_space<hbm>>, %arg7: memref<40x128xi32, #tpu.memory_space<vmem>>, %arg8: memref<40x128xi32, #tpu.memory_space<vmem>>, %arg9: memref<128x128xf32, #tpu.memory_space<vmem>>, %arg10: memref<128x128xf32, #tpu.memory_space<vmem>>, %arg11: memref<128x128xf32, #tpu.memory_space<vmem>>, %arg12: memref<128x128xf32, #tpu.memory_space<vmem>>, %arg13: memref<!tpu.dma_semaphore, #tpu.memory_space<semaphore_mem>>, %arg14: memref<!tpu.dma_semaphore, #tpu.memory_space<semaphore_mem>>, %arg15: memref<!tpu.dma_semaphore, #tpu.memory_space<semaphore_mem>>, %arg16: memref<!tpu.dma_semaphore, #tpu.memory_space<semaphore_mem>>, %arg17: memref<!tpu.dma_semaphore, #tpu.memory_space<semaphore_mem>>, %arg18: memref<!tpu.dma_semaphore, #tpu.memory_space<semaphore_mem>>, %arg19: memref<!tpu.dma_semaphore, #tpu.memory_space<semaphore_mem>>, %arg20: memref<!tpu.dma_semaphore, #tpu.memory_space<semaphore_mem>>) attributes {dimension_semantics = [#tpu.dimension_semantics<core_parallel>, #tpu.dimension_semantics<subcore_parallel>], iteration_bounds = array<i64: 2, 16>, scalar_prefetch = 0 : i64, scratch_operands = 14 : i64, tpu.core_type = #tpu.core_type<sc_vector_subcore>, window_params = [{transform_indices = #map}, {transform_indices = #map}, {transform_indices = #map}, {transform_indices = #map}, {transform_indices = #map}]} {
    %mul3A = arith.constant 2 : i32
    %mul3A_0 = arith.muli %arg1, %mul3A : i32
    %add3A = arith.addi %mul3A_0, %arg0 : i32
    %mul3A_1 = arith.constant 40 : i32
    %mul3A_2 = arith.muli %add3A, %mul3A_1 : i32
    "tpu.region"() ({
      %run_scoped3A = tpu.sem_alloc : memref<!tpu.dma_semaphore, #tpu.memory_space<semaphore_mem>>
      %dma_start3A_46 = arith.constant 0 : i32
      %dma_start3A_47 = tpu.memref_slice %arg3[%mul3A_2, %dma_start3A_46] : memref<1280x128xi32, #tpu.memory_space<hbm>> -> memref<40x128xi32, #tpu.memory_space<hbm>>
      %dma_start3A_48 = arith.constant 0 : i32
      %dma_start3A_49 = tpu.memref_slice %arg3[%mul3A_2, %dma_start3A_48] : memref<1280x128xi32, #tpu.memory_space<hbm>> -> memref<40x128xi32, #tpu.memory_space<hbm>>
      tpu.enqueue_dma source(%dma_start3A_49 : memref<40x128xi32, #tpu.memory_space<hbm>>) target(%arg7 : memref<40x128xi32, #tpu.memory_space<vmem>>) target_semaphore(%run_scoped3A : memref<!tpu.dma_semaphore, #tpu.memory_space<semaphore_mem>>)
      %dma_wait3A_50 = arith.constant 0 : i32
      %dma_wait3A_51 = tpu.memref_slice %arg3[%mul3A_2, %dma_wait3A_50] : memref<1280x128xi32, #tpu.memory_space<hbm>> -> memref<40x128xi32, #tpu.memory_space<hbm>>
      %dma_wait3A_52 = arith.constant 0 : i32
      %dma_wait3A_53 = tpu.memref_slice %arg3[%mul3A_2, %dma_wait3A_52] : memref<1280x128xi32, #tpu.memory_space<hbm>> -> memref<40x128xi32, #tpu.memory_space<hbm>>
      tpu.wait_dma2 semaphore(%run_scoped3A : memref<!tpu.dma_semaphore, #tpu.memory_space<semaphore_mem>>) src(%dma_wait3A_53 : memref<40x128xi32, #tpu.memory_space<hbm>>) dst(%arg7 : memref<40x128xi32, #tpu.memory_space<vmem>>)
      tpu.yield
    }) : () -> ()
    %mul3A_3 = arith.constant 40 : i32
    %mul3A_4 = arith.muli %add3A, %mul3A_3 : i32
    "tpu.region"() ({
      %run_scoped3A = tpu.sem_alloc : memref<!tpu.dma_semaphore, #tpu.memory_space<semaphore_mem>>
      %dma_start3A_46 = arith.constant 0 : i32
      %dma_start3A_47 = tpu.memref_slice %arg4[%mul3A_4, %dma_start3A_46] : memref<1280x128xi32, #tpu.memory_space<hbm>> -> memref<40x128xi32, #tpu.memory_space<hbm>>
      %dma_start3A_48 = arith.constant 0 : i32
      %dma_start3A_49 = tpu.memref_slice %arg4[%mul3A_4, %dma_start3A_48] : memref<1280x128xi32, #tpu.memory_space<hbm>> -> memref<40x128xi32, #tpu.memory_space<hbm>>
      tpu.enqueue_dma source(%dma_start3A_49 : memref<40x128xi32, #tpu.memory_space<hbm>>) target(%arg8 : memref<40x128xi32, #tpu.memory_space<vmem>>) target_semaphore(%run_scoped3A : memref<!tpu.dma_semaphore, #tpu.memory_space<semaphore_mem>>)
      %dma_wait3A_50 = arith.constant 0 : i32
      %dma_wait3A_51 = tpu.memref_slice %arg4[%mul3A_4, %dma_wait3A_50] : memref<1280x128xi32, #tpu.memory_space<hbm>> -> memref<40x128xi32, #tpu.memory_space<hbm>>
      %dma_wait3A_52 = arith.constant 0 : i32
      %dma_wait3A_53 = tpu.memref_slice %arg4[%mul3A_4, %dma_wait3A_52] : memref<1280x128xi32, #tpu.memory_space<hbm>> -> memref<40x128xi32, #tpu.memory_space<hbm>>
      tpu.wait_dma2 semaphore(%run_scoped3A : memref<!tpu.dma_semaphore, #tpu.memory_space<semaphore_mem>>) src(%dma_wait3A_53 : memref<40x128xi32, #tpu.memory_space<hbm>>) dst(%arg8 : memref<40x128xi32, #tpu.memory_space<vmem>>)
      tpu.yield
    }) : () -> ()
    %dma_start3A = arith.constant 0 : i32
    %dma_start3A_5 = arith.constant 0 : i32
    %dma_start3A_6 = tpu.memref_slice %arg7[%dma_start3A, %dma_start3A_5] : memref<40x128xi32, #tpu.memory_space<vmem>> -> memref<1x128xi32, #tpu.memory_space<vmem>>
    %dma_start3A_7 = tpu.memref_squeeze %dma_start3A_6 : memref<1x128xi32, #tpu.memory_space<vmem>> -> memref<128xi32, #tpu.memory_space<vmem>>
    %dma_start3A_8 = arith.constant 0 : i32
    %dma_start3A_9 = arith.constant 0 : i32
    %dma_start3A_10 = tpu.memref_slice %arg2[%dma_start3A_8, %dma_start3A_9] : memref<10000x128xf32, #tpu.memory_space<hbm>> -> memref<10000x128xf32, #tpu.memory_space<hbm>>
    tpu.enqueue_indirect_dma source(%dma_start3A_10 : memref<10000x128xf32, #tpu.memory_space<hbm>>) target(%arg9 : memref<128x128xf32, #tpu.memory_space<vmem>>) offsets(%dma_start3A_7 : memref<128xi32, #tpu.memory_space<vmem>>) semaphore(%arg13 : memref<!tpu.dma_semaphore, #tpu.memory_space<semaphore_mem>>)
    %dma_start3A_11 = arith.constant 0 : i32
    %dma_start3A_12 = arith.constant 0 : i32
    %dma_start3A_13 = tpu.memref_slice %arg8[%dma_start3A_11, %dma_start3A_12] : memref<40x128xi32, #tpu.memory_space<vmem>> -> memref<1x128xi32, #tpu.memory_space<vmem>>
    %dma_start3A_14 = tpu.memref_squeeze %dma_start3A_13 : memref<1x128xi32, #tpu.memory_space<vmem>> -> memref<128xi32, #tpu.memory_space<vmem>>
    %dma_start3A_15 = arith.constant 0 : i32
    %dma_start3A_16 = arith.constant 0 : i32
    %dma_start3A_17 = tpu.memref_slice %arg2[%dma_start3A_15, %dma_start3A_16] : memref<10000x128xf32, #tpu.memory_space<hbm>> -> memref<10000x128xf32, #tpu.memory_space<hbm>>
    tpu.enqueue_indirect_dma source(%dma_start3A_17 : memref<10000x128xf32, #tpu.memory_space<hbm>>) target(%arg11 : memref<128x128xf32, #tpu.memory_space<vmem>>) offsets(%dma_start3A_14 : memref<128xi32, #tpu.memory_space<vmem>>) semaphore(%arg15 : memref<!tpu.dma_semaphore, #tpu.memory_space<semaphore_mem>>)
    %scan3A = arith.constant 0 : i32
    %scan3A_18 = arith.constant 0 : i32
    %scan3A_19 = arith.constant 20 : i32
    %scan3A_20 = arith.addi %scan3A_18, %scan3A_19 : i32
    %scan3A_21 = arith.constant 1 : i32
    scf.for %scan3A_46 = %scan3A_18 to %scan3A_20 step %scan3A_21  : i32 {
      %mul3A_47 = arith.constant 2 : i32
      %mul3A_48 = arith.muli %scan3A_46, %mul3A_47 : i32
      %gt3A = arith.constant 0 : i32
      %gt3A_49 = arith.cmpi sgt, %scan3A_46, %gt3A : i32
      %convert_element_type3A = arith.extui %gt3A_49 : i1 to i32
      %cond3A = arith.constant 0 : i32
      %cond3A_50 = arith.cmpi ne, %convert_element_type3A, %cond3A : i32
      scf.if %cond3A_50 {
        %mul3A_146 = arith.constant 5120 : i32
        %mul3A_147 = arith.muli %add3A, %mul3A_146 : i32
        %dma_wait3A_148 = arith.constant 0 : i32
        %dma_wait3A_149 = tpu.memref_slice %arg5[%mul3A_147, %dma_wait3A_148] : memref<163840x128xf32, #tpu.memory_space<hbm>> -> memref<128x128xf32, #tpu.memory_space<hbm>>
        %dma_wait3A_150 = arith.constant 0 : i32
        %dma_wait3A_151 = tpu.memref_slice %arg5[%mul3A_147, %dma_wait3A_150] : memref<163840x128xf32, #tpu.memory_space<hbm>> -> memref<128x128xf32, #tpu.memory_space<hbm>>
        tpu.wait_dma2 semaphore(%arg18 : memref<!tpu.dma_semaphore, #tpu.memory_space<semaphore_mem>>) src(%arg10 : memref<128x128xf32, #tpu.memory_space<vmem>>) dst(%dma_wait3A_151 : memref<128x128xf32, #tpu.memory_space<hbm>>)
        %dma_wait3A_152 = arith.constant 0 : i32
        %dma_wait3A_153 = tpu.memref_slice %arg6[%mul3A_147, %dma_wait3A_152] : memref<163840x128xf32, #tpu.memory_space<hbm>> -> memref<128x128xf32, #tpu.memory_space<hbm>>
        %dma_wait3A_154 = arith.constant 0 : i32
        %dma_wait3A_155 = tpu.memref_slice %arg6[%mul3A_147, %dma_wait3A_154] : memref<163840x128xf32, #tpu.memory_space<hbm>> -> memref<128x128xf32, #tpu.memory_space<hbm>>
        tpu.wait_dma2 semaphore(%arg20 : memref<!tpu.dma_semaphore, #tpu.memory_space<semaphore_mem>>) src(%arg12 : memref<128x128xf32, #tpu.memory_space<vmem>>) dst(%dma_wait3A_155 : memref<128x128xf32, #tpu.memory_space<hbm>>)
      } else {
      }
      %add3A_51 = arith.constant 1 : i32
      %add3A_52 = arith.addi %mul3A_48, %add3A_51 : i32
      %dma_start3A_53 = arith.constant 0 : i32
      %dma_start3A_54 = tpu.memref_slice %arg7[%add3A_52, %dma_start3A_53] : memref<40x128xi32, #tpu.memory_space<vmem>> -> memref<1x128xi32, #tpu.memory_space<vmem>>
      %dma_start3A_55 = tpu.memref_squeeze %dma_start3A_54 : memref<1x128xi32, #tpu.memory_space<vmem>> -> memref<128xi32, #tpu.memory_space<vmem>>
      %dma_start3A_56 = arith.constant 0 : i32
      %dma_start3A_57 = arith.constant 0 : i32
      %dma_start3A_58 = tpu.memref_slice %arg2[%dma_start3A_56, %dma_start3A_57] : memref<10000x128xf32, #tpu.memory_space<hbm>> -> memref<10000x128xf32, #tpu.memory_space<hbm>>
      tpu.enqueue_indirect_dma source(%dma_start3A_58 : memref<10000x128xf32, #tpu.memory_space<hbm>>) target(%arg10 : memref<128x128xf32, #tpu.memory_space<vmem>>) offsets(%dma_start3A_55 : memref<128xi32, #tpu.memory_space<vmem>>) semaphore(%arg14 : memref<!tpu.dma_semaphore, #tpu.memory_space<semaphore_mem>>)
      %dma_start3A_59 = arith.constant 0 : i32
      %dma_start3A_60 = tpu.memref_slice %arg8[%add3A_52, %dma_start3A_59] : memref<40x128xi32, #tpu.memory_space<vmem>> -> memref<1x128xi32, #tpu.memory_space<vmem>>
      %dma_start3A_61 = tpu.memref_squeeze %dma_start3A_60 : memref<1x128xi32, #tpu.memory_space<vmem>> -> memref<128xi32, #tpu.memory_space<vmem>>
      %dma_start3A_62 = arith.constant 0 : i32
      %dma_start3A_63 = arith.constant 0 : i32
      %dma_start3A_64 = tpu.memref_slice %arg2[%dma_start3A_62, %dma_start3A_63] : memref<10000x128xf32, #tpu.memory_space<hbm>> -> memref<10000x128xf32, #tpu.memory_space<hbm>>
      tpu.enqueue_indirect_dma source(%dma_start3A_64 : memref<10000x128xf32, #tpu.memory_space<hbm>>) target(%arg12 : memref<128x128xf32, #tpu.memory_space<vmem>>) offsets(%dma_start3A_61 : memref<128xi32, #tpu.memory_space<vmem>>) semaphore(%arg16 : memref<!tpu.dma_semaphore, #tpu.memory_space<semaphore_mem>>)
      %dma_wait3A_65 = arith.constant 0 : i32
      %dma_wait3A_66 = arith.constant 0 : i32
      %dma_wait3A_67 = tpu.memref_slice %arg7[%dma_wait3A_65, %dma_wait3A_66] : memref<40x128xi32, #tpu.memory_space<vmem>> -> memref<1x128xi32, #tpu.memory_space<vmem>>
      %dma_wait3A_68 = tpu.memref_squeeze %dma_wait3A_67 : memref<1x128xi32, #tpu.memory_space<vmem>> -> memref<128xi32, #tpu.memory_space<vmem>>
      %dma_wait3A_69 = arith.constant 0 : i32
      %dma_wait3A_70 = arith.constant 0 : i32
      %dma_wait3A_71 = tpu.memref_slice %arg2[%dma_wait3A_69, %dma_wait3A_70] : memref<10000x128xf32, #tpu.memory_space<hbm>> -> memref<10000x128xf32, #tpu.memory_space<hbm>>
      tpu.wait_indirect_dma semaphore(%arg13 : memref<!tpu.dma_semaphore, #tpu.memory_space<semaphore_mem>>) src(%dma_wait3A_71 : memref<10000x128xf32, #tpu.memory_space<hbm>>) dst(%arg9 : memref<128x128xf32, #tpu.memory_space<vmem>>)
      %dma_wait3A_72 = arith.constant 0 : i32
      %dma_wait3A_73 = arith.constant 0 : i32
      %dma_wait3A_74 = tpu.memref_slice %arg8[%dma_wait3A_72, %dma_wait3A_73] : memref<40x128xi32, #tpu.memory_space<vmem>> -> memref<1x128xi32, #tpu.memory_space<vmem>>
      %dma_wait3A_75 = tpu.memref_squeeze %dma_wait3A_74 : memref<1x128xi32, #tpu.memory_space<vmem>> -> memref<128xi32, #tpu.memory_space<vmem>>
      %dma_wait3A_76 = arith.constant 0 : i32
      %dma_wait3A_77 = arith.constant 0 : i32
      %dma_wait3A_78 = tpu.memref_slice %arg2[%dma_wait3A_76, %dma_wait3A_77] : memref<10000x128xf32, #tpu.memory_space<hbm>> -> memref<10000x128xf32, #tpu.memory_space<hbm>>
      tpu.wait_indirect_dma semaphore(%arg15 : memref<!tpu.dma_semaphore, #tpu.memory_space<semaphore_mem>>) src(%dma_wait3A_78 : memref<10000x128xf32, #tpu.memory_space<hbm>>) dst(%arg11 : memref<128x128xf32, #tpu.memory_space<vmem>>)
      %mul3A_79 = arith.constant 5120 : i32
      %mul3A_80 = arith.muli %add3A, %mul3A_79 : i32
      %mul3A_81 = arith.constant 128 : i32
      %mul3A_82 = arith.muli %mul3A_48, %mul3A_81 : i32
      %add3A_83 = arith.addi %mul3A_80, %mul3A_82 : i32
      %dma_start3A_84 = arith.constant 0 : i32
      %dma_start3A_85 = tpu.memref_slice %arg5[%add3A_83, %dma_start3A_84] : memref<163840x128xf32, #tpu.memory_space<hbm>> -> memref<128x128xf32, #tpu.memory_space<hbm>>
      %dma_start3A_86 = arith.constant 0 : i32
      %dma_start3A_87 = tpu.memref_slice %arg5[%add3A_83, %dma_start3A_86] : memref<163840x128xf32, #tpu.memory_space<hbm>> -> memref<128x128xf32, #tpu.memory_space<hbm>>
      tpu.enqueue_dma source(%arg9 : memref<128x128xf32, #tpu.memory_space<vmem>>) target(%dma_start3A_87 : memref<128x128xf32, #tpu.memory_space<hbm>>) target_semaphore(%arg17 : memref<!tpu.dma_semaphore, #tpu.memory_space<semaphore_mem>>)
      %dma_start3A_88 = arith.constant 0 : i32
      %dma_start3A_89 = tpu.memref_slice %arg6[%add3A_83, %dma_start3A_88] : memref<163840x128xf32, #tpu.memory_space<hbm>> -> memref<128x128xf32, #tpu.memory_space<hbm>>
      %dma_start3A_90 = arith.constant 0 : i32
      %dma_start3A_91 = tpu.memref_slice %arg6[%add3A_83, %dma_start3A_90] : memref<163840x128xf32, #tpu.memory_space<hbm>> -> memref<128x128xf32, #tpu.memory_space<hbm>>
      tpu.enqueue_dma source(%arg11 : memref<128x128xf32, #tpu.memory_space<vmem>>) target(%dma_start3A_91 : memref<128x128xf32, #tpu.memory_space<hbm>>) target_semaphore(%arg19 : memref<!tpu.dma_semaphore, #tpu.memory_space<semaphore_mem>>)
      %mul3A_92 = arith.constant 5120 : i32
      %mul3A_93 = arith.muli %add3A, %mul3A_92 : i32
      %dma_wait3A_94 = arith.constant 0 : i32
      %dma_wait3A_95 = tpu.memref_slice %arg5[%mul3A_93, %dma_wait3A_94] : memref<163840x128xf32, #tpu.memory_space<hbm>> -> memref<128x128xf32, #tpu.memory_space<hbm>>
      %dma_wait3A_96 = arith.constant 0 : i32
      %dma_wait3A_97 = tpu.memref_slice %arg5[%mul3A_93, %dma_wait3A_96] : memref<163840x128xf32, #tpu.memory_space<hbm>> -> memref<128x128xf32, #tpu.memory_space<hbm>>
      tpu.wait_dma2 semaphore(%arg17 : memref<!tpu.dma_semaphore, #tpu.memory_space<semaphore_mem>>) src(%arg9 : memref<128x128xf32, #tpu.memory_space<vmem>>) dst(%dma_wait3A_97 : memref<128x128xf32, #tpu.memory_space<hbm>>)
      %dma_wait3A_98 = arith.constant 0 : i32
      %dma_wait3A_99 = tpu.memref_slice %arg6[%mul3A_93, %dma_wait3A_98] : memref<163840x128xf32, #tpu.memory_space<hbm>> -> memref<128x128xf32, #tpu.memory_space<hbm>>
      %dma_wait3A_100 = arith.constant 0 : i32
      %dma_wait3A_101 = tpu.memref_slice %arg6[%mul3A_93, %dma_wait3A_100] : memref<163840x128xf32, #tpu.memory_space<hbm>> -> memref<128x128xf32, #tpu.memory_space<hbm>>
      tpu.wait_dma2 semaphore(%arg19 : memref<!tpu.dma_semaphore, #tpu.memory_space<semaphore_mem>>) src(%arg11 : memref<128x128xf32, #tpu.memory_space<vmem>>) dst(%dma_wait3A_101 : memref<128x128xf32, #tpu.memory_space<hbm>>)
      %add3A_102 = arith.constant 2 : i32
      %add3A_103 = arith.addi %mul3A_48, %add3A_102 : i32
      %min3A = arith.constant 39 : i32
      %min3A_104 = arith.minsi %add3A_103, %min3A : i32
      %dma_start3A_105 = arith.constant 0 : i32
      %dma_start3A_106 = tpu.memref_slice %arg7[%min3A_104, %dma_start3A_105] : memref<40x128xi32, #tpu.memory_space<vmem>> -> memref<1x128xi32, #tpu.memory_space<vmem>>
      %dma_start3A_107 = tpu.memref_squeeze %dma_start3A_106 : memref<1x128xi32, #tpu.memory_space<vmem>> -> memref<128xi32, #tpu.memory_space<vmem>>
      %dma_start3A_108 = arith.constant 0 : i32
      %dma_start3A_109 = arith.constant 0 : i32
      %dma_start3A_110 = tpu.memref_slice %arg2[%dma_start3A_108, %dma_start3A_109] : memref<10000x128xf32, #tpu.memory_space<hbm>> -> memref<10000x128xf32, #tpu.memory_space<hbm>>
      tpu.enqueue_indirect_dma source(%dma_start3A_110 : memref<10000x128xf32, #tpu.memory_space<hbm>>) target(%arg9 : memref<128x128xf32, #tpu.memory_space<vmem>>) offsets(%dma_start3A_107 : memref<128xi32, #tpu.memory_space<vmem>>) semaphore(%arg13 : memref<!tpu.dma_semaphore, #tpu.memory_space<semaphore_mem>>)
      %dma_start3A_111 = arith.constant 0 : i32
      %dma_start3A_112 = tpu.memref_slice %arg8[%min3A_104, %dma_start3A_111] : memref<40x128xi32, #tpu.memory_space<vmem>> -> memref<1x128xi32, #tpu.memory_space<vmem>>
      %dma_start3A_113 = tpu.memref_squeeze %dma_start3A_112 : memref<1x128xi32, #tpu.memory_space<vmem>> -> memref<128xi32, #tpu.memory_space<vmem>>
      %dma_start3A_114 = arith.constant 0 : i32
      %dma_start3A_115 = arith.constant 0 : i32
      %dma_start3A_116 = tpu.memref_slice %arg2[%dma_start3A_114, %dma_start3A_115] : memref<10000x128xf32, #tpu.memory_space<hbm>> -> memref<10000x128xf32, #tpu.memory_space<hbm>>
      tpu.enqueue_indirect_dma source(%dma_start3A_116 : memref<10000x128xf32, #tpu.memory_space<hbm>>) target(%arg11 : memref<128x128xf32, #tpu.memory_space<vmem>>) offsets(%dma_start3A_113 : memref<128xi32, #tpu.memory_space<vmem>>) semaphore(%arg15 : memref<!tpu.dma_semaphore, #tpu.memory_space<semaphore_mem>>)
      %dma_wait3A_117 = arith.constant 0 : i32
      %dma_wait3A_118 = arith.constant 0 : i32
      %dma_wait3A_119 = tpu.memref_slice %arg7[%dma_wait3A_117, %dma_wait3A_118] : memref<40x128xi32, #tpu.memory_space<vmem>> -> memref<1x128xi32, #tpu.memory_space<vmem>>
      %dma_wait3A_120 = tpu.memref_squeeze %dma_wait3A_119 : memref<1x128xi32, #tpu.memory_space<vmem>> -> memref<128xi32, #tpu.memory_space<vmem>>
      %dma_wait3A_121 = arith.constant 0 : i32
      %dma_wait3A_122 = arith.constant 0 : i32
      %dma_wait3A_123 = tpu.memref_slice %arg2[%dma_wait3A_121, %dma_wait3A_122] : memref<10000x128xf32, #tpu.memory_space<hbm>> -> memref<10000x128xf32, #tpu.memory_space<hbm>>
      tpu.wait_indirect_dma semaphore(%arg14 : memref<!tpu.dma_semaphore, #tpu.memory_space<semaphore_mem>>) src(%dma_wait3A_123 : memref<10000x128xf32, #tpu.memory_space<hbm>>) dst(%arg10 : memref<128x128xf32, #tpu.memory_space<vmem>>)
      %dma_wait3A_124 = arith.constant 0 : i32
      %dma_wait3A_125 = arith.constant 0 : i32
      %dma_wait3A_126 = tpu.memref_slice %arg8[%dma_wait3A_124, %dma_wait3A_125] : memref<40x128xi32, #tpu.memory_space<vmem>> -> memref<1x128xi32, #tpu.memory_space<vmem>>
      %dma_wait3A_127 = tpu.memref_squeeze %dma_wait3A_126 : memref<1x128xi32, #tpu.memory_space<vmem>> -> memref<128xi32, #tpu.memory_space<vmem>>
      %dma_wait3A_128 = arith.constant 0 : i32
      %dma_wait3A_129 = arith.constant 0 : i32
      %dma_wait3A_130 = tpu.memref_slice %arg2[%dma_wait3A_128, %dma_wait3A_129] : memref<10000x128xf32, #tpu.memory_space<hbm>> -> memref<10000x128xf32, #tpu.memory_space<hbm>>
      tpu.wait_indirect_dma semaphore(%arg16 : memref<!tpu.dma_semaphore, #tpu.memory_space<semaphore_mem>>) src(%dma_wait3A_130 : memref<10000x128xf32, #tpu.memory_space<hbm>>) dst(%arg12 : memref<128x128xf32, #tpu.memory_space<vmem>>)
      %add3A_131 = arith.constant 1 : i32
      %add3A_132 = arith.addi %mul3A_48, %add3A_131 : i32
      %mul3A_133 = arith.constant 5120 : i32
      %mul3A_134 = arith.muli %add3A, %mul3A_133 : i32
      %mul3A_135 = arith.constant 128 : i32
      %mul3A_136 = arith.muli %add3A_132, %mul3A_135 : i32
      %add3A_137 = arith.addi %mul3A_134, %mul3A_136 : i32
      %dma_start3A_138 = arith.constant 0 : i32
      %dma_start3A_139 = tpu.memref_slice %arg5[%add3A_137, %dma_start3A_138] : memref<163840x128xf32, #tpu.memory_space<hbm>> -> memref<128x128xf32, #tpu.memory_space<hbm>>
      %dma_start3A_140 = arith.constant 0 : i32
      %dma_start3A_141 = tpu.memref_slice %arg5[%add3A_137, %dma_start3A_140] : memref<163840x128xf32, #tpu.memory_space<hbm>> -> memref<128x128xf32, #tpu.memory_space<hbm>>
      tpu.enqueue_dma source(%arg10 : memref<128x128xf32, #tpu.memory_space<vmem>>) target(%dma_start3A_141 : memref<128x128xf32, #tpu.memory_space<hbm>>) target_semaphore(%arg18 : memref<!tpu.dma_semaphore, #tpu.memory_space<semaphore_mem>>)
      %dma_start3A_142 = arith.constant 0 : i32
      %dma_start3A_143 = tpu.memref_slice %arg6[%add3A_137, %dma_start3A_142] : memref<163840x128xf32, #tpu.memory_space<hbm>> -> memref<128x128xf32, #tpu.memory_space<hbm>>
      %dma_start3A_144 = arith.constant 0 : i32
      %dma_start3A_145 = tpu.memref_slice %arg6[%add3A_137, %dma_start3A_144] : memref<163840x128xf32, #tpu.memory_space<hbm>> -> memref<128x128xf32, #tpu.memory_space<hbm>>
      tpu.enqueue_dma source(%arg12 : memref<128x128xf32, #tpu.memory_space<vmem>>) target(%dma_start3A_145 : memref<128x128xf32, #tpu.memory_space<hbm>>) target_semaphore(%arg20 : memref<!tpu.dma_semaphore, #tpu.memory_space<semaphore_mem>>)
    }
    %scan3A_22 = arith.constant 20 : i32
    %dma_wait3A = arith.constant 0 : i32
    %dma_wait3A_23 = arith.constant 0 : i32
    %dma_wait3A_24 = tpu.memref_slice %arg7[%dma_wait3A, %dma_wait3A_23] : memref<40x128xi32, #tpu.memory_space<vmem>> -> memref<1x128xi32, #tpu.memory_space<vmem>>
    %dma_wait3A_25 = tpu.memref_squeeze %dma_wait3A_24 : memref<1x128xi32, #tpu.memory_space<vmem>> -> memref<128xi32, #tpu.memory_space<vmem>>
    %dma_wait3A_26 = arith.constant 0 : i32
    %dma_wait3A_27 = arith.constant 0 : i32
    %dma_wait3A_28 = tpu.memref_slice %arg2[%dma_wait3A_26, %dma_wait3A_27] : memref<10000x128xf32, #tpu.memory_space<hbm>> -> memref<10000x128xf32, #tpu.memory_space<hbm>>
    tpu.wait_indirect_dma semaphore(%arg13 : memref<!tpu.dma_semaphore, #tpu.memory_space<semaphore_mem>>) src(%dma_wait3A_28 : memref<10000x128xf32, #tpu.memory_space<hbm>>) dst(%arg9 : memref<128x128xf32, #tpu.memory_space<vmem>>)
    %dma_wait3A_29 = arith.constant 0 : i32
    %dma_wait3A_30 = arith.constant 0 : i32
    %dma_wait3A_31 = tpu.memref_slice %arg8[%dma_wait3A_29, %dma_wait3A_30] : memref<40x128xi32, #tpu.memory_space<vmem>> -> memref<1x128xi32, #tpu.memory_space<vmem>>
    %dma_wait3A_32 = tpu.memref_squeeze %dma_wait3A_31 : memref<1x128xi32, #tpu.memory_space<vmem>> -> memref<128xi32, #tpu.memory_space<vmem>>
    %dma_wait3A_33 = arith.constant 0 : i32
    %dma_wait3A_34 = arith.constant 0 : i32
    %dma_wait3A_35 = tpu.memref_slice %arg2[%dma_wait3A_33, %dma_wait3A_34] : memref<10000x128xf32, #tpu.memory_space<hbm>> -> memref<10000x128xf32, #tpu.memory_space<hbm>>
    tpu.wait_indirect_dma semaphore(%arg15 : memref<!tpu.dma_semaphore, #tpu.memory_space<semaphore_mem>>) src(%dma_wait3A_35 : memref<10000x128xf32, #tpu.memory_space<hbm>>) dst(%arg11 : memref<128x128xf32, #tpu.memory_space<vmem>>)
    %mul3A_36 = arith.constant 5120 : i32
    %mul3A_37 = arith.muli %add3A, %mul3A_36 : i32
    %dma_wait3A_38 = arith.constant 0 : i32
    %dma_wait3A_39 = tpu.memref_slice %arg5[%mul3A_37, %dma_wait3A_38] : memref<163840x128xf32, #tpu.memory_space<hbm>> -> memref<128x128xf32, #tpu.memory_space<hbm>>
    %dma_wait3A_40 = arith.constant 0 : i32
    %dma_wait3A_41 = tpu.memref_slice %arg5[%mul3A_37, %dma_wait3A_40] : memref<163840x128xf32, #tpu.memory_space<hbm>> -> memref<128x128xf32, #tpu.memory_space<hbm>>
    tpu.wait_dma2 semaphore(%arg18 : memref<!tpu.dma_semaphore, #tpu.memory_space<semaphore_mem>>) src(%arg10 : memref<128x128xf32, #tpu.memory_space<vmem>>) dst(%dma_wait3A_41 : memref<128x128xf32, #tpu.memory_space<hbm>>)
    %dma_wait3A_42 = arith.constant 0 : i32
    %dma_wait3A_43 = tpu.memref_slice %arg6[%mul3A_37, %dma_wait3A_42] : memref<163840x128xf32, #tpu.memory_space<hbm>> -> memref<128x128xf32, #tpu.memory_space<hbm>>
    %dma_wait3A_44 = arith.constant 0 : i32
    %dma_wait3A_45 = tpu.memref_slice %arg6[%mul3A_37, %dma_wait3A_44] : memref<163840x128xf32, #tpu.memory_space<hbm>> -> memref<128x128xf32, #tpu.memory_space<hbm>>
    tpu.wait_dma2 semaphore(%arg20 : memref<!tpu.dma_semaphore, #tpu.memory_space<semaphore_mem>>) src(%arg12 : memref<128x128xf32, #tpu.memory_space<vmem>>) dst(%dma_wait3A_45 : memref<128x128xf32, #tpu.memory_space<hbm>>)
    return
  }
}

#map = affine_map<(d0, d1) -> (0, 0)>
module attributes {stable_mosaic.version = 14 : i64} {
  func.func @k(%arg0: i32, %arg1: i32, %arg2: memref<163840x128xf32, #tpu.memory_space<hbm>>, %arg3: memref<1280x128xi32, #tpu.memory_space<hbm>>, %arg4: memref<10240x128xf32, #tpu.memory_space<hbm>>, %arg5: memref<20480x128xf32, #tpu.memory_space<hbm>>, %arg6: memref<40x128xi32, #tpu.memory_space<vmem>>, %arg7: memref<128x128xf32, #tpu.memory_space<vmem>>, %arg8: memref<128x128xf32, #tpu.memory_space<vmem>>, %arg9: memref<10240x128xf32, #tpu.memory_space<vmem_shared>>, %arg10: memref<!tpu.dma_semaphore, #tpu.memory_space<semaphore_mem>>, %arg11: memref<!tpu.dma_semaphore, #tpu.memory_space<semaphore_mem>>, %arg12: memref<!tpu.dma_semaphore, #tpu.memory_space<semaphore_mem>>, %arg13: memref<!tpu.dma_semaphore, #tpu.memory_space<semaphore_mem>>) attributes {dimension_semantics = [#tpu.dimension_semantics<core_parallel>, #tpu.dimension_semantics<subcore_parallel>], iteration_bounds = array<i64: 2, 16>, scalar_prefetch = 0 : i64, scratch_operands = 8 : i64, tpu.core_type = #tpu.core_type<sc_vector_subcore>, window_params = [{transform_indices = #map}, {transform_indices = #map}, {transform_indices = #map}, {transform_indices = #map}]} {
    %mul3A = arith.constant 2 : i32
    %mul3A_0 = arith.muli %arg1, %mul3A : i32
    %add3A = arith.addi %mul3A_0, %arg0 : i32
    %eq3A = arith.constant 0 : i32
    %eq3A_1 = arith.cmpi eq, %arg1, %eq3A : i32
    %convert_element_type3A = arith.extui %eq3A_1 : i1 to i32
    %cond3A = arith.constant 0 : i32
    %cond3A_2 = arith.cmpi ne, %convert_element_type3A, %cond3A : i32
    scf.if %cond3A_2 {
      "tpu.region"() ({
        %run_scoped3A = tpu.sem_alloc : memref<!tpu.dma_semaphore, #tpu.memory_space<semaphore_mem>>
        tpu.enqueue_dma source(%arg4 : memref<10240x128xf32, #tpu.memory_space<hbm>>) target(%arg9 : memref<10240x128xf32, #tpu.memory_space<vmem_shared>>) target_semaphore(%run_scoped3A : memref<!tpu.dma_semaphore, #tpu.memory_space<semaphore_mem>>)
        tpu.wait_dma2 semaphore(%run_scoped3A : memref<!tpu.dma_semaphore, #tpu.memory_space<semaphore_mem>>) src(%arg4 : memref<10240x128xf32, #tpu.memory_space<hbm>>) dst(%arg9 : memref<10240x128xf32, #tpu.memory_space<vmem_shared>>)
        tpu.yield
      }) : () -> ()
    } else {
    }
    %barrier3A = arith.constant 0 : index
    tpu.barrier barrier_id(%barrier3A)
    %mul3A_3 = arith.constant 40 : i32
    %mul3A_4 = arith.muli %add3A, %mul3A_3 : i32
    "tpu.region"() ({
      %run_scoped3A = tpu.sem_alloc : memref<!tpu.dma_semaphore, #tpu.memory_space<semaphore_mem>>
      %dma_start3A_37 = arith.constant 0 : i32
      %dma_start3A_38 = tpu.memref_slice %arg3[%mul3A_4, %dma_start3A_37] : memref<1280x128xi32, #tpu.memory_space<hbm>> -> memref<40x128xi32, #tpu.memory_space<hbm>>
      %dma_start3A_39 = arith.constant 0 : i32
      %dma_start3A_40 = tpu.memref_slice %arg3[%mul3A_4, %dma_start3A_39] : memref<1280x128xi32, #tpu.memory_space<hbm>> -> memref<40x128xi32, #tpu.memory_space<hbm>>
      tpu.enqueue_dma source(%dma_start3A_40 : memref<40x128xi32, #tpu.memory_space<hbm>>) target(%arg6 : memref<40x128xi32, #tpu.memory_space<vmem>>) target_semaphore(%run_scoped3A : memref<!tpu.dma_semaphore, #tpu.memory_space<semaphore_mem>>)
      %dma_wait3A_41 = arith.constant 0 : i32
      %dma_wait3A_42 = tpu.memref_slice %arg3[%mul3A_4, %dma_wait3A_41] : memref<1280x128xi32, #tpu.memory_space<hbm>> -> memref<40x128xi32, #tpu.memory_space<hbm>>
      %dma_wait3A_43 = arith.constant 0 : i32
      %dma_wait3A_44 = tpu.memref_slice %arg3[%mul3A_4, %dma_wait3A_43] : memref<1280x128xi32, #tpu.memory_space<hbm>> -> memref<40x128xi32, #tpu.memory_space<hbm>>
      tpu.wait_dma2 semaphore(%run_scoped3A : memref<!tpu.dma_semaphore, #tpu.memory_space<semaphore_mem>>) src(%dma_wait3A_44 : memref<40x128xi32, #tpu.memory_space<hbm>>) dst(%arg6 : memref<40x128xi32, #tpu.memory_space<vmem>>)
      tpu.yield
    }) : () -> ()
    %mul3A_5 = arith.constant 5120 : i32
    %mul3A_6 = arith.muli %add3A, %mul3A_5 : i32
    %add3A_7 = arith.constant 0 : i32
    %add3A_8 = arith.addi %mul3A_6, %add3A_7 : i32
    %dma_start3A = arith.constant 0 : i32
    %dma_start3A_9 = tpu.memref_slice %arg2[%add3A_8, %dma_start3A] : memref<163840x128xf32, #tpu.memory_space<hbm>> -> memref<128x128xf32, #tpu.memory_space<hbm>>
    %dma_start3A_10 = arith.constant 0 : i32
    %dma_start3A_11 = tpu.memref_slice %arg2[%add3A_8, %dma_start3A_10] : memref<163840x128xf32, #tpu.memory_space<hbm>> -> memref<128x128xf32, #tpu.memory_space<hbm>>
    tpu.enqueue_dma source(%dma_start3A_11 : memref<128x128xf32, #tpu.memory_space<hbm>>) target(%arg7 : memref<128x128xf32, #tpu.memory_space<vmem>>) target_semaphore(%arg10 : memref<!tpu.dma_semaphore, #tpu.memory_space<semaphore_mem>>)
    %scan3A = arith.constant 0 : i32
    %scan3A_12 = arith.constant 0 : i32
    %scan3A_13 = arith.constant 20 : i32
    %scan3A_14 = arith.addi %scan3A_12, %scan3A_13 : i32
    %scan3A_15 = arith.constant 1 : i32
    scf.for %scan3A_37 = %scan3A_12 to %scan3A_14 step %scan3A_15  : i32 {
      %mul3A_38 = arith.constant 2 : i32
      %mul3A_39 = arith.muli %scan3A_37, %mul3A_38 : i32
      %gt3A = arith.constant 0 : i32
      %gt3A_40 = arith.cmpi sgt, %scan3A_37, %gt3A : i32
      %convert_element_type3A_41 = arith.extui %gt3A_40 : i1 to i32
      %cond3A_42 = arith.constant 0 : i32
      %cond3A_43 = arith.cmpi ne, %convert_element_type3A_41, %cond3A_42 : i32
      scf.if %cond3A_43 {
        %dma_wait3A_100 = arith.constant 0 : i32
        %dma_wait3A_101 = arith.constant 0 : i32
        %dma_wait3A_102 = tpu.memref_slice %arg6[%dma_wait3A_100, %dma_wait3A_101] : memref<40x128xi32, #tpu.memory_space<vmem>> -> memref<1x128xi32, #tpu.memory_space<vmem>>
        %dma_wait3A_103 = tpu.memref_squeeze %dma_wait3A_102 : memref<1x128xi32, #tpu.memory_space<vmem>> -> memref<128xi32, #tpu.memory_space<vmem>>
        %dma_wait3A_104 = arith.constant 0 : i32
        %dma_wait3A_105 = arith.constant 0 : i32
        %dma_wait3A_106 = tpu.memref_slice %arg9[%dma_wait3A_104, %dma_wait3A_105] : memref<10240x128xf32, #tpu.memory_space<vmem_shared>> -> memref<10240x128xf32, #tpu.memory_space<vmem_shared>>
        tpu.wait_indirect_dma semaphore(%arg13 : memref<!tpu.dma_semaphore, #tpu.memory_space<semaphore_mem>>) src(%arg8 : memref<128x128xf32, #tpu.memory_space<vmem>>) dst(%dma_wait3A_106 : memref<10240x128xf32, #tpu.memory_space<vmem_shared>>)
      } else {
      }
      %add3A_44 = arith.constant 1 : i32
      %add3A_45 = arith.addi %mul3A_39, %add3A_44 : i32
      %mul3A_46 = arith.constant 5120 : i32
      %mul3A_47 = arith.muli %add3A, %mul3A_46 : i32
      %mul3A_48 = arith.constant 128 : i32
      %mul3A_49 = arith.muli %add3A_45, %mul3A_48 : i32
      %add3A_50 = arith.addi %mul3A_47, %mul3A_49 : i32
      %dma_start3A_51 = arith.constant 0 : i32
      %dma_start3A_52 = tpu.memref_slice %arg2[%add3A_50, %dma_start3A_51] : memref<163840x128xf32, #tpu.memory_space<hbm>> -> memref<128x128xf32, #tpu.memory_space<hbm>>
      %dma_start3A_53 = arith.constant 0 : i32
      %dma_start3A_54 = tpu.memref_slice %arg2[%add3A_50, %dma_start3A_53] : memref<163840x128xf32, #tpu.memory_space<hbm>> -> memref<128x128xf32, #tpu.memory_space<hbm>>
      tpu.enqueue_dma source(%dma_start3A_54 : memref<128x128xf32, #tpu.memory_space<hbm>>) target(%arg8 : memref<128x128xf32, #tpu.memory_space<vmem>>) target_semaphore(%arg11 : memref<!tpu.dma_semaphore, #tpu.memory_space<semaphore_mem>>)
      %dma_wait3A_55 = arith.constant 0 : i32
      %dma_wait3A_56 = arith.constant 0 : i32
      %dma_wait3A_57 = tpu.memref_slice %arg2[%dma_wait3A_55, %dma_wait3A_56] : memref<163840x128xf32, #tpu.memory_space<hbm>> -> memref<128x128xf32, #tpu.memory_space<hbm>>
      %dma_wait3A_58 = arith.constant 0 : i32
      %dma_wait3A_59 = arith.constant 0 : i32
      %dma_wait3A_60 = tpu.memref_slice %arg2[%dma_wait3A_58, %dma_wait3A_59] : memref<163840x128xf32, #tpu.memory_space<hbm>> -> memref<128x128xf32, #tpu.memory_space<hbm>>
      tpu.wait_dma2 semaphore(%arg10 : memref<!tpu.dma_semaphore, #tpu.memory_space<semaphore_mem>>) src(%dma_wait3A_60 : memref<128x128xf32, #tpu.memory_space<hbm>>) dst(%arg7 : memref<128x128xf32, #tpu.memory_space<vmem>>)
      %dma_start3A_61 = arith.constant 0 : i32
      %dma_start3A_62 = tpu.memref_slice %arg6[%mul3A_39, %dma_start3A_61] : memref<40x128xi32, #tpu.memory_space<vmem>> -> memref<1x128xi32, #tpu.memory_space<vmem>>
      %dma_start3A_63 = tpu.memref_squeeze %dma_start3A_62 : memref<1x128xi32, #tpu.memory_space<vmem>> -> memref<128xi32, #tpu.memory_space<vmem>>
      %dma_start3A_64 = arith.constant 0 : i32
      %dma_start3A_65 = arith.constant 0 : i32
      %dma_start3A_66 = tpu.memref_slice %arg9[%dma_start3A_64, %dma_start3A_65] : memref<10240x128xf32, #tpu.memory_space<vmem_shared>> -> memref<10240x128xf32, #tpu.memory_space<vmem_shared>>
      tpu.enqueue_indirect_dma source(%arg7 : memref<128x128xf32, #tpu.memory_space<vmem>>) target(%dma_start3A_66 : memref<10240x128xf32, #tpu.memory_space<vmem_shared>>) offsets(%dma_start3A_63 : memref<128xi32, #tpu.memory_space<vmem>>) semaphore(%arg12 : memref<!tpu.dma_semaphore, #tpu.memory_space<semaphore_mem>>) {add = true}
      %dma_wait3A_67 = arith.constant 0 : i32
      %dma_wait3A_68 = arith.constant 0 : i32
      %dma_wait3A_69 = tpu.memref_slice %arg6[%dma_wait3A_67, %dma_wait3A_68] : memref<40x128xi32, #tpu.memory_space<vmem>> -> memref<1x128xi32, #tpu.memory_space<vmem>>
      %dma_wait3A_70 = tpu.memref_squeeze %dma_wait3A_69 : memref<1x128xi32, #tpu.memory_space<vmem>> -> memref<128xi32, #tpu.memory_space<vmem>>
      %dma_wait3A_71 = arith.constant 0 : i32
      %dma_wait3A_72 = arith.constant 0 : i32
      %dma_wait3A_73 = tpu.memref_slice %arg9[%dma_wait3A_71, %dma_wait3A_72] : memref<10240x128xf32, #tpu.memory_space<vmem_shared>> -> memref<10240x128xf32, #tpu.memory_space<vmem_shared>>
      tpu.wait_indirect_dma semaphore(%arg12 : memref<!tpu.dma_semaphore, #tpu.memory_space<semaphore_mem>>) src(%arg7 : memref<128x128xf32, #tpu.memory_space<vmem>>) dst(%dma_wait3A_73 : memref<10240x128xf32, #tpu.memory_space<vmem_shared>>)
      %add3A_74 = arith.constant 2 : i32
      %add3A_75 = arith.addi %mul3A_39, %add3A_74 : i32
      %min3A = arith.constant 39 : i32
      %min3A_76 = arith.minsi %add3A_75, %min3A : i32
      %mul3A_77 = arith.constant 5120 : i32
      %mul3A_78 = arith.muli %add3A, %mul3A_77 : i32
      %mul3A_79 = arith.constant 128 : i32
      %mul3A_80 = arith.muli %min3A_76, %mul3A_79 : i32
      %add3A_81 = arith.addi %mul3A_78, %mul3A_80 : i32
      %dma_start3A_82 = arith.constant 0 : i32
      %dma_start3A_83 = tpu.memref_slice %arg2[%add3A_81, %dma_start3A_82] : memref<163840x128xf32, #tpu.memory_space<hbm>> -> memref<128x128xf32, #tpu.memory_space<hbm>>
      %dma_start3A_84 = arith.constant 0 : i32
      %dma_start3A_85 = tpu.memref_slice %arg2[%add3A_81, %dma_start3A_84] : memref<163840x128xf32, #tpu.memory_space<hbm>> -> memref<128x128xf32, #tpu.memory_space<hbm>>
      tpu.enqueue_dma source(%dma_start3A_85 : memref<128x128xf32, #tpu.memory_space<hbm>>) target(%arg7 : memref<128x128xf32, #tpu.memory_space<vmem>>) target_semaphore(%arg10 : memref<!tpu.dma_semaphore, #tpu.memory_space<semaphore_mem>>)
      %dma_wait3A_86 = arith.constant 0 : i32
      %dma_wait3A_87 = arith.constant 0 : i32
      %dma_wait3A_88 = tpu.memref_slice %arg2[%dma_wait3A_86, %dma_wait3A_87] : memref<163840x128xf32, #tpu.memory_space<hbm>> -> memref<128x128xf32, #tpu.memory_space<hbm>>
      %dma_wait3A_89 = arith.constant 0 : i32
      %dma_wait3A_90 = arith.constant 0 : i32
      %dma_wait3A_91 = tpu.memref_slice %arg2[%dma_wait3A_89, %dma_wait3A_90] : memref<163840x128xf32, #tpu.memory_space<hbm>> -> memref<128x128xf32, #tpu.memory_space<hbm>>
      tpu.wait_dma2 semaphore(%arg11 : memref<!tpu.dma_semaphore, #tpu.memory_space<semaphore_mem>>) src(%dma_wait3A_91 : memref<128x128xf32, #tpu.memory_space<hbm>>) dst(%arg8 : memref<128x128xf32, #tpu.memory_space<vmem>>)
      %add3A_92 = arith.constant 1 : i32
      %add3A_93 = arith.addi %mul3A_39, %add3A_92 : i32
      %dma_start3A_94 = arith.constant 0 : i32
      %dma_start3A_95 = tpu.memref_slice %arg6[%add3A_93, %dma_start3A_94] : memref<40x128xi32, #tpu.memory_space<vmem>> -> memref<1x128xi32, #tpu.memory_space<vmem>>
      %dma_start3A_96 = tpu.memref_squeeze %dma_start3A_95 : memref<1x128xi32, #tpu.memory_space<vmem>> -> memref<128xi32, #tpu.memory_space<vmem>>
      %dma_start3A_97 = arith.constant 0 : i32
      %dma_start3A_98 = arith.constant 0 : i32
      %dma_start3A_99 = tpu.memref_slice %arg9[%dma_start3A_97, %dma_start3A_98] : memref<10240x128xf32, #tpu.memory_space<vmem_shared>> -> memref<10240x128xf32, #tpu.memory_space<vmem_shared>>
      tpu.enqueue_indirect_dma source(%arg8 : memref<128x128xf32, #tpu.memory_space<vmem>>) target(%dma_start3A_99 : memref<10240x128xf32, #tpu.memory_space<vmem_shared>>) offsets(%dma_start3A_96 : memref<128xi32, #tpu.memory_space<vmem>>) semaphore(%arg13 : memref<!tpu.dma_semaphore, #tpu.memory_space<semaphore_mem>>) {add = true}
    }
    %scan3A_16 = arith.constant 20 : i32
    %dma_wait3A = arith.constant 0 : i32
    %dma_wait3A_17 = arith.constant 0 : i32
    %dma_wait3A_18 = tpu.memref_slice %arg2[%dma_wait3A, %dma_wait3A_17] : memref<163840x128xf32, #tpu.memory_space<hbm>> -> memref<128x128xf32, #tpu.memory_space<hbm>>
    %dma_wait3A_19 = arith.constant 0 : i32
    %dma_wait3A_20 = arith.constant 0 : i32
    %dma_wait3A_21 = tpu.memref_slice %arg2[%dma_wait3A_19, %dma_wait3A_20] : memref<163840x128xf32, #tpu.memory_space<hbm>> -> memref<128x128xf32, #tpu.memory_space<hbm>>
    tpu.wait_dma2 semaphore(%arg10 : memref<!tpu.dma_semaphore, #tpu.memory_space<semaphore_mem>>) src(%dma_wait3A_21 : memref<128x128xf32, #tpu.memory_space<hbm>>) dst(%arg7 : memref<128x128xf32, #tpu.memory_space<vmem>>)
    %dma_wait3A_22 = arith.constant 0 : i32
    %dma_wait3A_23 = arith.constant 0 : i32
    %dma_wait3A_24 = tpu.memref_slice %arg6[%dma_wait3A_22, %dma_wait3A_23] : memref<40x128xi32, #tpu.memory_space<vmem>> -> memref<1x128xi32, #tpu.memory_space<vmem>>
    %dma_wait3A_25 = tpu.memref_squeeze %dma_wait3A_24 : memref<1x128xi32, #tpu.memory_space<vmem>> -> memref<128xi32, #tpu.memory_space<vmem>>
    %dma_wait3A_26 = arith.constant 0 : i32
    %dma_wait3A_27 = arith.constant 0 : i32
    %dma_wait3A_28 = tpu.memref_slice %arg9[%dma_wait3A_26, %dma_wait3A_27] : memref<10240x128xf32, #tpu.memory_space<vmem_shared>> -> memref<10240x128xf32, #tpu.memory_space<vmem_shared>>
    tpu.wait_indirect_dma semaphore(%arg13 : memref<!tpu.dma_semaphore, #tpu.memory_space<semaphore_mem>>) src(%arg8 : memref<128x128xf32, #tpu.memory_space<vmem>>) dst(%dma_wait3A_28 : memref<10240x128xf32, #tpu.memory_space<vmem_shared>>)
    %barrier3A_29 = arith.constant 0 : index
    tpu.barrier barrier_id(%barrier3A_29)
    %mul3A_30 = arith.constant 640 : i32
    %mul3A_31 = arith.muli %arg1, %mul3A_30 : i32
    %mul3A_32 = arith.constant 10240 : i32
    %mul3A_33 = arith.muli %arg0, %mul3A_32 : i32
    %mul3A_34 = arith.constant 640 : i32
    %mul3A_35 = arith.muli %arg1, %mul3A_34 : i32
    %add3A_36 = arith.addi %mul3A_33, %mul3A_35 : i32
    "tpu.region"() ({
      %run_scoped3A = tpu.sem_alloc : memref<!tpu.dma_semaphore, #tpu.memory_space<semaphore_mem>>
      %dma_start3A_37 = arith.constant 0 : i32
      %dma_start3A_38 = tpu.memref_slice %arg5[%add3A_36, %dma_start3A_37] : memref<20480x128xf32, #tpu.memory_space<hbm>> -> memref<640x128xf32, #tpu.memory_space<hbm>>
      %dma_start3A_39 = arith.constant 0 : i32
      %dma_start3A_40 = tpu.memref_slice %arg9[%mul3A_31, %dma_start3A_39] : memref<10240x128xf32, #tpu.memory_space<vmem_shared>> -> memref<640x128xf32, #tpu.memory_space<vmem_shared>>
      tpu.enqueue_dma source(%dma_start3A_40 : memref<640x128xf32, #tpu.memory_space<vmem_shared>>) target(%dma_start3A_38 : memref<640x128xf32, #tpu.memory_space<hbm>>) target_semaphore(%run_scoped3A : memref<!tpu.dma_semaphore, #tpu.memory_space<semaphore_mem>>)
      %dma_wait3A_41 = arith.constant 0 : i32
      %dma_wait3A_42 = tpu.memref_slice %arg5[%add3A_36, %dma_wait3A_41] : memref<20480x128xf32, #tpu.memory_space<hbm>> -> memref<640x128xf32, #tpu.memory_space<hbm>>
      %dma_wait3A_43 = arith.constant 0 : i32
      %dma_wait3A_44 = tpu.memref_slice %arg9[%mul3A_31, %dma_wait3A_43] : memref<10240x128xf32, #tpu.memory_space<vmem_shared>> -> memref<640x128xf32, #tpu.memory_space<vmem_shared>>
      tpu.wait_dma2 semaphore(%run_scoped3A : memref<!tpu.dma_semaphore, #tpu.memory_space<semaphore_mem>>) src(%dma_wait3A_44 : memref<640x128xf32, #tpu.memory_space<vmem_shared>>) dst(%dma_wait3A_42 : memref<640x128xf32, #tpu.memory_space<hbm>>)
      tpu.yield
    }) : () -> ()
    return
  }
}

#map = affine_map<(d0, d1) -> (0, 0)>
module attributes {stable_mosaic.version = 14 : i64} {
  func.func @k(%arg0: i32, %arg1: i32, %arg2: memref<163840x128xf32, #tpu.memory_space<hbm>>, %arg3: memref<1280x128xi32, #tpu.memory_space<hbm>>, %arg4: memref<10240x128xf32, #tpu.memory_space<hbm>>, %arg5: memref<20480x128xf32, #tpu.memory_space<hbm>>, %arg6: memref<40x128xi32, #tpu.memory_space<vmem>>, %arg7: memref<128x128xf32, #tpu.memory_space<vmem>>, %arg8: memref<128x128xf32, #tpu.memory_space<vmem>>, %arg9: memref<10240x128xf32, #tpu.memory_space<vmem_shared>>, %arg10: memref<!tpu.dma_semaphore, #tpu.memory_space<semaphore_mem>>, %arg11: memref<!tpu.dma_semaphore, #tpu.memory_space<semaphore_mem>>, %arg12: memref<!tpu.dma_semaphore, #tpu.memory_space<semaphore_mem>>, %arg13: memref<!tpu.dma_semaphore, #tpu.memory_space<semaphore_mem>>) attributes {dimension_semantics = [#tpu.dimension_semantics<core_parallel>, #tpu.dimension_semantics<subcore_parallel>], iteration_bounds = array<i64: 2, 16>, scalar_prefetch = 0 : i64, scratch_operands = 8 : i64, tpu.core_type = #tpu.core_type<sc_vector_subcore>, window_params = [{transform_indices = #map}, {transform_indices = #map}, {transform_indices = #map}, {transform_indices = #map}]} {
    %mul3A = arith.constant 2 : i32
    %mul3A_0 = arith.muli %arg1, %mul3A : i32
    %add3A = arith.addi %mul3A_0, %arg0 : i32
    %eq3A = arith.constant 0 : i32
    %eq3A_1 = arith.cmpi eq, %arg1, %eq3A : i32
    %convert_element_type3A = arith.extui %eq3A_1 : i1 to i32
    %cond3A = arith.constant 0 : i32
    %cond3A_2 = arith.cmpi ne, %convert_element_type3A, %cond3A : i32
    scf.if %cond3A_2 {
      "tpu.region"() ({
        %run_scoped3A = tpu.sem_alloc : memref<!tpu.dma_semaphore, #tpu.memory_space<semaphore_mem>>
        tpu.enqueue_dma source(%arg4 : memref<10240x128xf32, #tpu.memory_space<hbm>>) target(%arg9 : memref<10240x128xf32, #tpu.memory_space<vmem_shared>>) target_semaphore(%run_scoped3A : memref<!tpu.dma_semaphore, #tpu.memory_space<semaphore_mem>>)
        tpu.wait_dma2 semaphore(%run_scoped3A : memref<!tpu.dma_semaphore, #tpu.memory_space<semaphore_mem>>) src(%arg4 : memref<10240x128xf32, #tpu.memory_space<hbm>>) dst(%arg9 : memref<10240x128xf32, #tpu.memory_space<vmem_shared>>)
        tpu.yield
      }) : () -> ()
    } else {
    }
    %barrier3A = arith.constant 0 : index
    tpu.barrier barrier_id(%barrier3A)
    %mul3A_3 = arith.constant 40 : i32
    %mul3A_4 = arith.muli %add3A, %mul3A_3 : i32
    "tpu.region"() ({
      %run_scoped3A = tpu.sem_alloc : memref<!tpu.dma_semaphore, #tpu.memory_space<semaphore_mem>>
      %dma_start3A_37 = arith.constant 0 : i32
      %dma_start3A_38 = tpu.memref_slice %arg3[%mul3A_4, %dma_start3A_37] : memref<1280x128xi32, #tpu.memory_space<hbm>> -> memref<40x128xi32, #tpu.memory_space<hbm>>
      %dma_start3A_39 = arith.constant 0 : i32
      %dma_start3A_40 = tpu.memref_slice %arg3[%mul3A_4, %dma_start3A_39] : memref<1280x128xi32, #tpu.memory_space<hbm>> -> memref<40x128xi32, #tpu.memory_space<hbm>>
      tpu.enqueue_dma source(%dma_start3A_40 : memref<40x128xi32, #tpu.memory_space<hbm>>) target(%arg6 : memref<40x128xi32, #tpu.memory_space<vmem>>) target_semaphore(%run_scoped3A : memref<!tpu.dma_semaphore, #tpu.memory_space<semaphore_mem>>)
      %dma_wait3A_41 = arith.constant 0 : i32
      %dma_wait3A_42 = tpu.memref_slice %arg3[%mul3A_4, %dma_wait3A_41] : memref<1280x128xi32, #tpu.memory_space<hbm>> -> memref<40x128xi32, #tpu.memory_space<hbm>>
      %dma_wait3A_43 = arith.constant 0 : i32
      %dma_wait3A_44 = tpu.memref_slice %arg3[%mul3A_4, %dma_wait3A_43] : memref<1280x128xi32, #tpu.memory_space<hbm>> -> memref<40x128xi32, #tpu.memory_space<hbm>>
      tpu.wait_dma2 semaphore(%run_scoped3A : memref<!tpu.dma_semaphore, #tpu.memory_space<semaphore_mem>>) src(%dma_wait3A_44 : memref<40x128xi32, #tpu.memory_space<hbm>>) dst(%arg6 : memref<40x128xi32, #tpu.memory_space<vmem>>)
      tpu.yield
    }) : () -> ()
    %mul3A_5 = arith.constant 5120 : i32
    %mul3A_6 = arith.muli %add3A, %mul3A_5 : i32
    %add3A_7 = arith.constant 0 : i32
    %add3A_8 = arith.addi %mul3A_6, %add3A_7 : i32
    %dma_start3A = arith.constant 0 : i32
    %dma_start3A_9 = tpu.memref_slice %arg2[%add3A_8, %dma_start3A] : memref<163840x128xf32, #tpu.memory_space<hbm>> -> memref<128x128xf32, #tpu.memory_space<hbm>>
    %dma_start3A_10 = arith.constant 0 : i32
    %dma_start3A_11 = tpu.memref_slice %arg2[%add3A_8, %dma_start3A_10] : memref<163840x128xf32, #tpu.memory_space<hbm>> -> memref<128x128xf32, #tpu.memory_space<hbm>>
    tpu.enqueue_dma source(%dma_start3A_11 : memref<128x128xf32, #tpu.memory_space<hbm>>) target(%arg7 : memref<128x128xf32, #tpu.memory_space<vmem>>) target_semaphore(%arg10 : memref<!tpu.dma_semaphore, #tpu.memory_space<semaphore_mem>>)
    %scan3A = arith.constant 0 : i32
    %scan3A_12 = arith.constant 0 : i32
    %scan3A_13 = arith.constant 20 : i32
    %scan3A_14 = arith.addi %scan3A_12, %scan3A_13 : i32
    %scan3A_15 = arith.constant 1 : i32
    scf.for %scan3A_37 = %scan3A_12 to %scan3A_14 step %scan3A_15  : i32 {
      %mul3A_38 = arith.constant 2 : i32
      %mul3A_39 = arith.muli %scan3A_37, %mul3A_38 : i32
      %gt3A = arith.constant 0 : i32
      %gt3A_40 = arith.cmpi sgt, %scan3A_37, %gt3A : i32
      %convert_element_type3A_41 = arith.extui %gt3A_40 : i1 to i32
      %cond3A_42 = arith.constant 0 : i32
      %cond3A_43 = arith.cmpi ne, %convert_element_type3A_41, %cond3A_42 : i32
      scf.if %cond3A_43 {
        %dma_wait3A_100 = arith.constant 0 : i32
        %dma_wait3A_101 = arith.constant 0 : i32
        %dma_wait3A_102 = tpu.memref_slice %arg6[%dma_wait3A_100, %dma_wait3A_101] : memref<40x128xi32, #tpu.memory_space<vmem>> -> memref<1x128xi32, #tpu.memory_space<vmem>>
        %dma_wait3A_103 = tpu.memref_squeeze %dma_wait3A_102 : memref<1x128xi32, #tpu.memory_space<vmem>> -> memref<128xi32, #tpu.memory_space<vmem>>
        %dma_wait3A_104 = arith.constant 0 : i32
        %dma_wait3A_105 = arith.constant 0 : i32
        %dma_wait3A_106 = tpu.memref_slice %arg9[%dma_wait3A_104, %dma_wait3A_105] : memref<10240x128xf32, #tpu.memory_space<vmem_shared>> -> memref<10240x128xf32, #tpu.memory_space<vmem_shared>>
        tpu.wait_indirect_dma semaphore(%arg13 : memref<!tpu.dma_semaphore, #tpu.memory_space<semaphore_mem>>) src(%arg8 : memref<128x128xf32, #tpu.memory_space<vmem>>) dst(%dma_wait3A_106 : memref<10240x128xf32, #tpu.memory_space<vmem_shared>>)
      } else {
      }
      %add3A_44 = arith.constant 1 : i32
      %add3A_45 = arith.addi %mul3A_39, %add3A_44 : i32
      %mul3A_46 = arith.constant 5120 : i32
      %mul3A_47 = arith.muli %add3A, %mul3A_46 : i32
      %mul3A_48 = arith.constant 128 : i32
      %mul3A_49 = arith.muli %add3A_45, %mul3A_48 : i32
      %add3A_50 = arith.addi %mul3A_47, %mul3A_49 : i32
      %dma_start3A_51 = arith.constant 0 : i32
      %dma_start3A_52 = tpu.memref_slice %arg2[%add3A_50, %dma_start3A_51] : memref<163840x128xf32, #tpu.memory_space<hbm>> -> memref<128x128xf32, #tpu.memory_space<hbm>>
      %dma_start3A_53 = arith.constant 0 : i32
      %dma_start3A_54 = tpu.memref_slice %arg2[%add3A_50, %dma_start3A_53] : memref<163840x128xf32, #tpu.memory_space<hbm>> -> memref<128x128xf32, #tpu.memory_space<hbm>>
      tpu.enqueue_dma source(%dma_start3A_54 : memref<128x128xf32, #tpu.memory_space<hbm>>) target(%arg8 : memref<128x128xf32, #tpu.memory_space<vmem>>) target_semaphore(%arg11 : memref<!tpu.dma_semaphore, #tpu.memory_space<semaphore_mem>>)
      %dma_wait3A_55 = arith.constant 0 : i32
      %dma_wait3A_56 = arith.constant 0 : i32
      %dma_wait3A_57 = tpu.memref_slice %arg2[%dma_wait3A_55, %dma_wait3A_56] : memref<163840x128xf32, #tpu.memory_space<hbm>> -> memref<128x128xf32, #tpu.memory_space<hbm>>
      %dma_wait3A_58 = arith.constant 0 : i32
      %dma_wait3A_59 = arith.constant 0 : i32
      %dma_wait3A_60 = tpu.memref_slice %arg2[%dma_wait3A_58, %dma_wait3A_59] : memref<163840x128xf32, #tpu.memory_space<hbm>> -> memref<128x128xf32, #tpu.memory_space<hbm>>
      tpu.wait_dma2 semaphore(%arg10 : memref<!tpu.dma_semaphore, #tpu.memory_space<semaphore_mem>>) src(%dma_wait3A_60 : memref<128x128xf32, #tpu.memory_space<hbm>>) dst(%arg7 : memref<128x128xf32, #tpu.memory_space<vmem>>)
      %dma_start3A_61 = arith.constant 0 : i32
      %dma_start3A_62 = tpu.memref_slice %arg6[%mul3A_39, %dma_start3A_61] : memref<40x128xi32, #tpu.memory_space<vmem>> -> memref<1x128xi32, #tpu.memory_space<vmem>>
      %dma_start3A_63 = tpu.memref_squeeze %dma_start3A_62 : memref<1x128xi32, #tpu.memory_space<vmem>> -> memref<128xi32, #tpu.memory_space<vmem>>
      %dma_start3A_64 = arith.constant 0 : i32
      %dma_start3A_65 = arith.constant 0 : i32
      %dma_start3A_66 = tpu.memref_slice %arg9[%dma_start3A_64, %dma_start3A_65] : memref<10240x128xf32, #tpu.memory_space<vmem_shared>> -> memref<10240x128xf32, #tpu.memory_space<vmem_shared>>
      tpu.enqueue_indirect_dma source(%arg7 : memref<128x128xf32, #tpu.memory_space<vmem>>) target(%dma_start3A_66 : memref<10240x128xf32, #tpu.memory_space<vmem_shared>>) offsets(%dma_start3A_63 : memref<128xi32, #tpu.memory_space<vmem>>) semaphore(%arg12 : memref<!tpu.dma_semaphore, #tpu.memory_space<semaphore_mem>>) {add = true}
      %dma_wait3A_67 = arith.constant 0 : i32
      %dma_wait3A_68 = arith.constant 0 : i32
      %dma_wait3A_69 = tpu.memref_slice %arg6[%dma_wait3A_67, %dma_wait3A_68] : memref<40x128xi32, #tpu.memory_space<vmem>> -> memref<1x128xi32, #tpu.memory_space<vmem>>
      %dma_wait3A_70 = tpu.memref_squeeze %dma_wait3A_69 : memref<1x128xi32, #tpu.memory_space<vmem>> -> memref<128xi32, #tpu.memory_space<vmem>>
      %dma_wait3A_71 = arith.constant 0 : i32
      %dma_wait3A_72 = arith.constant 0 : i32
      %dma_wait3A_73 = tpu.memref_slice %arg9[%dma_wait3A_71, %dma_wait3A_72] : memref<10240x128xf32, #tpu.memory_space<vmem_shared>> -> memref<10240x128xf32, #tpu.memory_space<vmem_shared>>
      tpu.wait_indirect_dma semaphore(%arg12 : memref<!tpu.dma_semaphore, #tpu.memory_space<semaphore_mem>>) src(%arg7 : memref<128x128xf32, #tpu.memory_space<vmem>>) dst(%dma_wait3A_73 : memref<10240x128xf32, #tpu.memory_space<vmem_shared>>)
      %add3A_74 = arith.constant 2 : i32
      %add3A_75 = arith.addi %mul3A_39, %add3A_74 : i32
      %min3A = arith.constant 39 : i32
      %min3A_76 = arith.minsi %add3A_75, %min3A : i32
      %mul3A_77 = arith.constant 5120 : i32
      %mul3A_78 = arith.muli %add3A, %mul3A_77 : i32
      %mul3A_79 = arith.constant 128 : i32
      %mul3A_80 = arith.muli %min3A_76, %mul3A_79 : i32
      %add3A_81 = arith.addi %mul3A_78, %mul3A_80 : i32
      %dma_start3A_82 = arith.constant 0 : i32
      %dma_start3A_83 = tpu.memref_slice %arg2[%add3A_81, %dma_start3A_82] : memref<163840x128xf32, #tpu.memory_space<hbm>> -> memref<128x128xf32, #tpu.memory_space<hbm>>
      %dma_start3A_84 = arith.constant 0 : i32
      %dma_start3A_85 = tpu.memref_slice %arg2[%add3A_81, %dma_start3A_84] : memref<163840x128xf32, #tpu.memory_space<hbm>> -> memref<128x128xf32, #tpu.memory_space<hbm>>
      tpu.enqueue_dma source(%dma_start3A_85 : memref<128x128xf32, #tpu.memory_space<hbm>>) target(%arg7 : memref<128x128xf32, #tpu.memory_space<vmem>>) target_semaphore(%arg10 : memref<!tpu.dma_semaphore, #tpu.memory_space<semaphore_mem>>)
      %dma_wait3A_86 = arith.constant 0 : i32
      %dma_wait3A_87 = arith.constant 0 : i32
      %dma_wait3A_88 = tpu.memref_slice %arg2[%dma_wait3A_86, %dma_wait3A_87] : memref<163840x128xf32, #tpu.memory_space<hbm>> -> memref<128x128xf32, #tpu.memory_space<hbm>>
      %dma_wait3A_89 = arith.constant 0 : i32
      %dma_wait3A_90 = arith.constant 0 : i32
      %dma_wait3A_91 = tpu.memref_slice %arg2[%dma_wait3A_89, %dma_wait3A_90] : memref<163840x128xf32, #tpu.memory_space<hbm>> -> memref<128x128xf32, #tpu.memory_space<hbm>>
      tpu.wait_dma2 semaphore(%arg11 : memref<!tpu.dma_semaphore, #tpu.memory_space<semaphore_mem>>) src(%dma_wait3A_91 : memref<128x128xf32, #tpu.memory_space<hbm>>) dst(%arg8 : memref<128x128xf32, #tpu.memory_space<vmem>>)
      %add3A_92 = arith.constant 1 : i32
      %add3A_93 = arith.addi %mul3A_39, %add3A_92 : i32
      %dma_start3A_94 = arith.constant 0 : i32
      %dma_start3A_95 = tpu.memref_slice %arg6[%add3A_93, %dma_start3A_94] : memref<40x128xi32, #tpu.memory_space<vmem>> -> memref<1x128xi32, #tpu.memory_space<vmem>>
      %dma_start3A_96 = tpu.memref_squeeze %dma_start3A_95 : memref<1x128xi32, #tpu.memory_space<vmem>> -> memref<128xi32, #tpu.memory_space<vmem>>
      %dma_start3A_97 = arith.constant 0 : i32
      %dma_start3A_98 = arith.constant 0 : i32
      %dma_start3A_99 = tpu.memref_slice %arg9[%dma_start3A_97, %dma_start3A_98] : memref<10240x128xf32, #tpu.memory_space<vmem_shared>> -> memref<10240x128xf32, #tpu.memory_space<vmem_shared>>
      tpu.enqueue_indirect_dma source(%arg8 : memref<128x128xf32, #tpu.memory_space<vmem>>) target(%dma_start3A_99 : memref<10240x128xf32, #tpu.memory_space<vmem_shared>>) offsets(%dma_start3A_96 : memref<128xi32, #tpu.memory_space<vmem>>) semaphore(%arg13 : memref<!tpu.dma_semaphore, #tpu.memory_space<semaphore_mem>>) {add = true}
    }
    %scan3A_16 = arith.constant 20 : i32
    %dma_wait3A = arith.constant 0 : i32
    %dma_wait3A_17 = arith.constant 0 : i32
    %dma_wait3A_18 = tpu.memref_slice %arg2[%dma_wait3A, %dma_wait3A_17] : memref<163840x128xf32, #tpu.memory_space<hbm>> -> memref<128x128xf32, #tpu.memory_space<hbm>>
    %dma_wait3A_19 = arith.constant 0 : i32
    %dma_wait3A_20 = arith.constant 0 : i32
    %dma_wait3A_21 = tpu.memref_slice %arg2[%dma_wait3A_19, %dma_wait3A_20] : memref<163840x128xf32, #tpu.memory_space<hbm>> -> memref<128x128xf32, #tpu.memory_space<hbm>>
    tpu.wait_dma2 semaphore(%arg10 : memref<!tpu.dma_semaphore, #tpu.memory_space<semaphore_mem>>) src(%dma_wait3A_21 : memref<128x128xf32, #tpu.memory_space<hbm>>) dst(%arg7 : memref<128x128xf32, #tpu.memory_space<vmem>>)
    %dma_wait3A_22 = arith.constant 0 : i32
    %dma_wait3A_23 = arith.constant 0 : i32
    %dma_wait3A_24 = tpu.memref_slice %arg6[%dma_wait3A_22, %dma_wait3A_23] : memref<40x128xi32, #tpu.memory_space<vmem>> -> memref<1x128xi32, #tpu.memory_space<vmem>>
    %dma_wait3A_25 = tpu.memref_squeeze %dma_wait3A_24 : memref<1x128xi32, #tpu.memory_space<vmem>> -> memref<128xi32, #tpu.memory_space<vmem>>
    %dma_wait3A_26 = arith.constant 0 : i32
    %dma_wait3A_27 = arith.constant 0 : i32
    %dma_wait3A_28 = tpu.memref_slice %arg9[%dma_wait3A_26, %dma_wait3A_27] : memref<10240x128xf32, #tpu.memory_space<vmem_shared>> -> memref<10240x128xf32, #tpu.memory_space<vmem_shared>>
    tpu.wait_indirect_dma semaphore(%arg13 : memref<!tpu.dma_semaphore, #tpu.memory_space<semaphore_mem>>) src(%arg8 : memref<128x128xf32, #tpu.memory_space<vmem>>) dst(%dma_wait3A_28 : memref<10240x128xf32, #tpu.memory_space<vmem_shared>>)
    %barrier3A_29 = arith.constant 0 : index
    tpu.barrier barrier_id(%barrier3A_29)
    %mul3A_30 = arith.constant 640 : i32
    %mul3A_31 = arith.muli %arg1, %mul3A_30 : i32
    %mul3A_32 = arith.constant 10240 : i32
    %mul3A_33 = arith.muli %arg0, %mul3A_32 : i32
    %mul3A_34 = arith.constant 640 : i32
    %mul3A_35 = arith.muli %arg1, %mul3A_34 : i32
    %add3A_36 = arith.addi %mul3A_33, %mul3A_35 : i32
    "tpu.region"() ({
      %run_scoped3A = tpu.sem_alloc : memref<!tpu.dma_semaphore, #tpu.memory_space<semaphore_mem>>
      %dma_start3A_37 = arith.constant 0 : i32
      %dma_start3A_38 = tpu.memref_slice %arg5[%add3A_36, %dma_start3A_37] : memref<20480x128xf32, #tpu.memory_space<hbm>> -> memref<640x128xf32, #tpu.memory_space<hbm>>
      %dma_start3A_39 = arith.constant 0 : i32
      %dma_start3A_40 = tpu.memref_slice %arg9[%mul3A_31, %dma_start3A_39] : memref<10240x128xf32, #tpu.memory_space<vmem_shared>> -> memref<640x128xf32, #tpu.memory_space<vmem_shared>>
      tpu.enqueue_dma source(%dma_start3A_40 : memref<640x128xf32, #tpu.memory_space<vmem_shared>>) target(%dma_start3A_38 : memref<640x128xf32, #tpu.memory_space<hbm>>) target_semaphore(%run_scoped3A : memref<!tpu.dma_semaphore, #tpu.memory_space<semaphore_mem>>)
      %dma_wait3A_41 = arith.constant 0 : i32
      %dma_wait3A_42 = tpu.memref_slice %arg5[%add3A_36, %dma_wait3A_41] : memref<20480x128xf32, #tpu.memory_space<hbm>> -> memref<640x128xf32, #tpu.memory_space<hbm>>
      %dma_wait3A_43 = arith.constant 0 : i32
      %dma_wait3A_44 = tpu.memref_slice %arg9[%mul3A_31, %dma_wait3A_43] : memref<10240x128xf32, #tpu.memory_space<vmem_shared>> -> memref<640x128xf32, #tpu.memory_space<vmem_shared>>
      tpu.wait_dma2 semaphore(%run_scoped3A : memref<!tpu.dma_semaphore, #tpu.memory_space<semaphore_mem>>) src(%dma_wait3A_44 : memref<640x128xf32, #tpu.memory_space<vmem_shared>>) dst(%dma_wait3A_42 : memref<640x128xf32, #tpu.memory_space<hbm>>)
      tpu.yield
    }) : () -> ()
    return
  }
}

#map = affine_map<(d0, d1) -> (0, 0)>
module attributes {stable_mosaic.version = 14 : i64} {
  func.func @k(%arg0: i32, %arg1: i32, %arg2: memref<10000x128xf32, #tpu.memory_space<hbm>>, %arg3: memref<1280x128xi32, #tpu.memory_space<hbm>>, %arg4: memref<1280x128xi32, #tpu.memory_space<hbm>>, %arg5: memref<163840x128xf32, #tpu.memory_space<hbm>>, %arg6: memref<163840x128xf32, #tpu.memory_space<hbm>>, %arg7: memref<40x128xi32, #tpu.memory_space<vmem>>, %arg8: memref<40x128xi32, #tpu.memory_space<vmem>>, %arg9: memref<128x128xf32, #tpu.memory_space<vmem>>, %arg10: memref<128x128xf32, #tpu.memory_space<vmem>>, %arg11: memref<128x128xf32, #tpu.memory_space<vmem>>, %arg12: memref<128x128xf32, #tpu.memory_space<vmem>>, %arg13: memref<!tpu.dma_semaphore, #tpu.memory_space<semaphore_mem>>, %arg14: memref<!tpu.dma_semaphore, #tpu.memory_space<semaphore_mem>>, %arg15: memref<!tpu.dma_semaphore, #tpu.memory_space<semaphore_mem>>, %arg16: memref<!tpu.dma_semaphore, #tpu.memory_space<semaphore_mem>>, %arg17: memref<!tpu.dma_semaphore, #tpu.memory_space<semaphore_mem>>, %arg18: memref<!tpu.dma_semaphore, #tpu.memory_space<semaphore_mem>>, %arg19: memref<!tpu.dma_semaphore, #tpu.memory_space<semaphore_mem>>, %arg20: memref<!tpu.dma_semaphore, #tpu.memory_space<semaphore_mem>>) attributes {dimension_semantics = [#tpu.dimension_semantics<core_parallel>, #tpu.dimension_semantics<subcore_parallel>], iteration_bounds = array<i64: 2, 16>, scalar_prefetch = 0 : i64, scratch_operands = 14 : i64, tpu.core_type = #tpu.core_type<sc_vector_subcore>, window_params = [{transform_indices = #map}, {transform_indices = #map}, {transform_indices = #map}, {transform_indices = #map}, {transform_indices = #map}]} {
    %mul3A = arith.constant 2 : i32
    %mul3A_0 = arith.muli %arg1, %mul3A : i32
    %add3A = arith.addi %mul3A_0, %arg0 : i32
    %mul3A_1 = arith.constant 40 : i32
    %mul3A_2 = arith.muli %add3A, %mul3A_1 : i32
    "tpu.region"() ({
      %run_scoped3A = tpu.sem_alloc : memref<!tpu.dma_semaphore, #tpu.memory_space<semaphore_mem>>
      %dma_start3A_46 = arith.constant 0 : i32
      %dma_start3A_47 = tpu.memref_slice %arg3[%mul3A_2, %dma_start3A_46] : memref<1280x128xi32, #tpu.memory_space<hbm>> -> memref<40x128xi32, #tpu.memory_space<hbm>>
      %dma_start3A_48 = arith.constant 0 : i32
      %dma_start3A_49 = tpu.memref_slice %arg3[%mul3A_2, %dma_start3A_48] : memref<1280x128xi32, #tpu.memory_space<hbm>> -> memref<40x128xi32, #tpu.memory_space<hbm>>
      tpu.enqueue_dma source(%dma_start3A_49 : memref<40x128xi32, #tpu.memory_space<hbm>>) target(%arg7 : memref<40x128xi32, #tpu.memory_space<vmem>>) target_semaphore(%run_scoped3A : memref<!tpu.dma_semaphore, #tpu.memory_space<semaphore_mem>>)
      %dma_wait3A_50 = arith.constant 0 : i32
      %dma_wait3A_51 = tpu.memref_slice %arg3[%mul3A_2, %dma_wait3A_50] : memref<1280x128xi32, #tpu.memory_space<hbm>> -> memref<40x128xi32, #tpu.memory_space<hbm>>
      %dma_wait3A_52 = arith.constant 0 : i32
      %dma_wait3A_53 = tpu.memref_slice %arg3[%mul3A_2, %dma_wait3A_52] : memref<1280x128xi32, #tpu.memory_space<hbm>> -> memref<40x128xi32, #tpu.memory_space<hbm>>
      tpu.wait_dma2 semaphore(%run_scoped3A : memref<!tpu.dma_semaphore, #tpu.memory_space<semaphore_mem>>) src(%dma_wait3A_53 : memref<40x128xi32, #tpu.memory_space<hbm>>) dst(%arg7 : memref<40x128xi32, #tpu.memory_space<vmem>>)
      tpu.yield
    }) : () -> ()
    %mul3A_3 = arith.constant 40 : i32
    %mul3A_4 = arith.muli %add3A, %mul3A_3 : i32
    "tpu.region"() ({
      %run_scoped3A = tpu.sem_alloc : memref<!tpu.dma_semaphore, #tpu.memory_space<semaphore_mem>>
      %dma_start3A_46 = arith.constant 0 : i32
      %dma_start3A_47 = tpu.memref_slice %arg4[%mul3A_4, %dma_start3A_46] : memref<1280x128xi32, #tpu.memory_space<hbm>> -> memref<40x128xi32, #tpu.memory_space<hbm>>
      %dma_start3A_48 = arith.constant 0 : i32
      %dma_start3A_49 = tpu.memref_slice %arg4[%mul3A_4, %dma_start3A_48] : memref<1280x128xi32, #tpu.memory_space<hbm>> -> memref<40x128xi32, #tpu.memory_space<hbm>>
      tpu.enqueue_dma source(%dma_start3A_49 : memref<40x128xi32, #tpu.memory_space<hbm>>) target(%arg8 : memref<40x128xi32, #tpu.memory_space<vmem>>) target_semaphore(%run_scoped3A : memref<!tpu.dma_semaphore, #tpu.memory_space<semaphore_mem>>)
      %dma_wait3A_50 = arith.constant 0 : i32
      %dma_wait3A_51 = tpu.memref_slice %arg4[%mul3A_4, %dma_wait3A_50] : memref<1280x128xi32, #tpu.memory_space<hbm>> -> memref<40x128xi32, #tpu.memory_space<hbm>>
      %dma_wait3A_52 = arith.constant 0 : i32
      %dma_wait3A_53 = tpu.memref_slice %arg4[%mul3A_4, %dma_wait3A_52] : memref<1280x128xi32, #tpu.memory_space<hbm>> -> memref<40x128xi32, #tpu.memory_space<hbm>>
      tpu.wait_dma2 semaphore(%run_scoped3A : memref<!tpu.dma_semaphore, #tpu.memory_space<semaphore_mem>>) src(%dma_wait3A_53 : memref<40x128xi32, #tpu.memory_space<hbm>>) dst(%arg8 : memref<40x128xi32, #tpu.memory_space<vmem>>)
      tpu.yield
    }) : () -> ()
    %dma_start3A = arith.constant 0 : i32
    %dma_start3A_5 = arith.constant 0 : i32
    %dma_start3A_6 = tpu.memref_slice %arg7[%dma_start3A, %dma_start3A_5] : memref<40x128xi32, #tpu.memory_space<vmem>> -> memref<1x128xi32, #tpu.memory_space<vmem>>
    %dma_start3A_7 = tpu.memref_squeeze %dma_start3A_6 : memref<1x128xi32, #tpu.memory_space<vmem>> -> memref<128xi32, #tpu.memory_space<vmem>>
    %dma_start3A_8 = arith.constant 0 : i32
    %dma_start3A_9 = arith.constant 0 : i32
    %dma_start3A_10 = tpu.memref_slice %arg2[%dma_start3A_8, %dma_start3A_9] : memref<10000x128xf32, #tpu.memory_space<hbm>> -> memref<10000x128xf32, #tpu.memory_space<hbm>>
    tpu.enqueue_indirect_dma source(%dma_start3A_10 : memref<10000x128xf32, #tpu.memory_space<hbm>>) target(%arg9 : memref<128x128xf32, #tpu.memory_space<vmem>>) offsets(%dma_start3A_7 : memref<128xi32, #tpu.memory_space<vmem>>) semaphore(%arg13 : memref<!tpu.dma_semaphore, #tpu.memory_space<semaphore_mem>>)
    %dma_start3A_11 = arith.constant 0 : i32
    %dma_start3A_12 = arith.constant 0 : i32
    %dma_start3A_13 = tpu.memref_slice %arg8[%dma_start3A_11, %dma_start3A_12] : memref<40x128xi32, #tpu.memory_space<vmem>> -> memref<1x128xi32, #tpu.memory_space<vmem>>
    %dma_start3A_14 = tpu.memref_squeeze %dma_start3A_13 : memref<1x128xi32, #tpu.memory_space<vmem>> -> memref<128xi32, #tpu.memory_space<vmem>>
    %dma_start3A_15 = arith.constant 0 : i32
    %dma_start3A_16 = arith.constant 0 : i32
    %dma_start3A_17 = tpu.memref_slice %arg2[%dma_start3A_15, %dma_start3A_16] : memref<10000x128xf32, #tpu.memory_space<hbm>> -> memref<10000x128xf32, #tpu.memory_space<hbm>>
    tpu.enqueue_indirect_dma source(%dma_start3A_17 : memref<10000x128xf32, #tpu.memory_space<hbm>>) target(%arg11 : memref<128x128xf32, #tpu.memory_space<vmem>>) offsets(%dma_start3A_14 : memref<128xi32, #tpu.memory_space<vmem>>) semaphore(%arg15 : memref<!tpu.dma_semaphore, #tpu.memory_space<semaphore_mem>>)
    %scan3A = arith.constant 0 : i32
    %scan3A_18 = arith.constant 0 : i32
    %scan3A_19 = arith.constant 20 : i32
    %scan3A_20 = arith.addi %scan3A_18, %scan3A_19 : i32
    %scan3A_21 = arith.constant 1 : i32
    scf.for %scan3A_46 = %scan3A_18 to %scan3A_20 step %scan3A_21  : i32 {
      %mul3A_47 = arith.constant 2 : i32
      %mul3A_48 = arith.muli %scan3A_46, %mul3A_47 : i32
      %gt3A = arith.constant 0 : i32
      %gt3A_49 = arith.cmpi sgt, %scan3A_46, %gt3A : i32
      %convert_element_type3A = arith.extui %gt3A_49 : i1 to i32
      %cond3A = arith.constant 0 : i32
      %cond3A_50 = arith.cmpi ne, %convert_element_type3A, %cond3A : i32
      scf.if %cond3A_50 {
        %mul3A_146 = arith.constant 5120 : i32
        %mul3A_147 = arith.muli %add3A, %mul3A_146 : i32
        %dma_wait3A_148 = arith.constant 0 : i32
        %dma_wait3A_149 = tpu.memref_slice %arg5[%mul3A_147, %dma_wait3A_148] : memref<163840x128xf32, #tpu.memory_space<hbm>> -> memref<128x128xf32, #tpu.memory_space<hbm>>
        %dma_wait3A_150 = arith.constant 0 : i32
        %dma_wait3A_151 = tpu.memref_slice %arg5[%mul3A_147, %dma_wait3A_150] : memref<163840x128xf32, #tpu.memory_space<hbm>> -> memref<128x128xf32, #tpu.memory_space<hbm>>
        tpu.wait_dma2 semaphore(%arg18 : memref<!tpu.dma_semaphore, #tpu.memory_space<semaphore_mem>>) src(%arg10 : memref<128x128xf32, #tpu.memory_space<vmem>>) dst(%dma_wait3A_151 : memref<128x128xf32, #tpu.memory_space<hbm>>)
        %dma_wait3A_152 = arith.constant 0 : i32
        %dma_wait3A_153 = tpu.memref_slice %arg6[%mul3A_147, %dma_wait3A_152] : memref<163840x128xf32, #tpu.memory_space<hbm>> -> memref<128x128xf32, #tpu.memory_space<hbm>>
        %dma_wait3A_154 = arith.constant 0 : i32
        %dma_wait3A_155 = tpu.memref_slice %arg6[%mul3A_147, %dma_wait3A_154] : memref<163840x128xf32, #tpu.memory_space<hbm>> -> memref<128x128xf32, #tpu.memory_space<hbm>>
        tpu.wait_dma2 semaphore(%arg20 : memref<!tpu.dma_semaphore, #tpu.memory_space<semaphore_mem>>) src(%arg12 : memref<128x128xf32, #tpu.memory_space<vmem>>) dst(%dma_wait3A_155 : memref<128x128xf32, #tpu.memory_space<hbm>>)
      } else {
      }
      %add3A_51 = arith.constant 1 : i32
      %add3A_52 = arith.addi %mul3A_48, %add3A_51 : i32
      %dma_start3A_53 = arith.constant 0 : i32
      %dma_start3A_54 = tpu.memref_slice %arg7[%add3A_52, %dma_start3A_53] : memref<40x128xi32, #tpu.memory_space<vmem>> -> memref<1x128xi32, #tpu.memory_space<vmem>>
      %dma_start3A_55 = tpu.memref_squeeze %dma_start3A_54 : memref<1x128xi32, #tpu.memory_space<vmem>> -> memref<128xi32, #tpu.memory_space<vmem>>
      %dma_start3A_56 = arith.constant 0 : i32
      %dma_start3A_57 = arith.constant 0 : i32
      %dma_start3A_58 = tpu.memref_slice %arg2[%dma_start3A_56, %dma_start3A_57] : memref<10000x128xf32, #tpu.memory_space<hbm>> -> memref<10000x128xf32, #tpu.memory_space<hbm>>
      tpu.enqueue_indirect_dma source(%dma_start3A_58 : memref<10000x128xf32, #tpu.memory_space<hbm>>) target(%arg10 : memref<128x128xf32, #tpu.memory_space<vmem>>) offsets(%dma_start3A_55 : memref<128xi32, #tpu.memory_space<vmem>>) semaphore(%arg14 : memref<!tpu.dma_semaphore, #tpu.memory_space<semaphore_mem>>)
      %dma_start3A_59 = arith.constant 0 : i32
      %dma_start3A_60 = tpu.memref_slice %arg8[%add3A_52, %dma_start3A_59] : memref<40x128xi32, #tpu.memory_space<vmem>> -> memref<1x128xi32, #tpu.memory_space<vmem>>
      %dma_start3A_61 = tpu.memref_squeeze %dma_start3A_60 : memref<1x128xi32, #tpu.memory_space<vmem>> -> memref<128xi32, #tpu.memory_space<vmem>>
      %dma_start3A_62 = arith.constant 0 : i32
      %dma_start3A_63 = arith.constant 0 : i32
      %dma_start3A_64 = tpu.memref_slice %arg2[%dma_start3A_62, %dma_start3A_63] : memref<10000x128xf32, #tpu.memory_space<hbm>> -> memref<10000x128xf32, #tpu.memory_space<hbm>>
      tpu.enqueue_indirect_dma source(%dma_start3A_64 : memref<10000x128xf32, #tpu.memory_space<hbm>>) target(%arg12 : memref<128x128xf32, #tpu.memory_space<vmem>>) offsets(%dma_start3A_61 : memref<128xi32, #tpu.memory_space<vmem>>) semaphore(%arg16 : memref<!tpu.dma_semaphore, #tpu.memory_space<semaphore_mem>>)
      %dma_wait3A_65 = arith.constant 0 : i32
      %dma_wait3A_66 = arith.constant 0 : i32
      %dma_wait3A_67 = tpu.memref_slice %arg7[%dma_wait3A_65, %dma_wait3A_66] : memref<40x128xi32, #tpu.memory_space<vmem>> -> memref<1x128xi32, #tpu.memory_space<vmem>>
      %dma_wait3A_68 = tpu.memref_squeeze %dma_wait3A_67 : memref<1x128xi32, #tpu.memory_space<vmem>> -> memref<128xi32, #tpu.memory_space<vmem>>
      %dma_wait3A_69 = arith.constant 0 : i32
      %dma_wait3A_70 = arith.constant 0 : i32
      %dma_wait3A_71 = tpu.memref_slice %arg2[%dma_wait3A_69, %dma_wait3A_70] : memref<10000x128xf32, #tpu.memory_space<hbm>> -> memref<10000x128xf32, #tpu.memory_space<hbm>>
      tpu.wait_indirect_dma semaphore(%arg13 : memref<!tpu.dma_semaphore, #tpu.memory_space<semaphore_mem>>) src(%dma_wait3A_71 : memref<10000x128xf32, #tpu.memory_space<hbm>>) dst(%arg9 : memref<128x128xf32, #tpu.memory_space<vmem>>)
      %dma_wait3A_72 = arith.constant 0 : i32
      %dma_wait3A_73 = arith.constant 0 : i32
      %dma_wait3A_74 = tpu.memref_slice %arg8[%dma_wait3A_72, %dma_wait3A_73] : memref<40x128xi32, #tpu.memory_space<vmem>> -> memref<1x128xi32, #tpu.memory_space<vmem>>
      %dma_wait3A_75 = tpu.memref_squeeze %dma_wait3A_74 : memref<1x128xi32, #tpu.memory_space<vmem>> -> memref<128xi32, #tpu.memory_space<vmem>>
      %dma_wait3A_76 = arith.constant 0 : i32
      %dma_wait3A_77 = arith.constant 0 : i32
      %dma_wait3A_78 = tpu.memref_slice %arg2[%dma_wait3A_76, %dma_wait3A_77] : memref<10000x128xf32, #tpu.memory_space<hbm>> -> memref<10000x128xf32, #tpu.memory_space<hbm>>
      tpu.wait_indirect_dma semaphore(%arg15 : memref<!tpu.dma_semaphore, #tpu.memory_space<semaphore_mem>>) src(%dma_wait3A_78 : memref<10000x128xf32, #tpu.memory_space<hbm>>) dst(%arg11 : memref<128x128xf32, #tpu.memory_space<vmem>>)
      %mul3A_79 = arith.constant 5120 : i32
      %mul3A_80 = arith.muli %add3A, %mul3A_79 : i32
      %mul3A_81 = arith.constant 128 : i32
      %mul3A_82 = arith.muli %mul3A_48, %mul3A_81 : i32
      %add3A_83 = arith.addi %mul3A_80, %mul3A_82 : i32
      %dma_start3A_84 = arith.constant 0 : i32
      %dma_start3A_85 = tpu.memref_slice %arg5[%add3A_83, %dma_start3A_84] : memref<163840x128xf32, #tpu.memory_space<hbm>> -> memref<128x128xf32, #tpu.memory_space<hbm>>
      %dma_start3A_86 = arith.constant 0 : i32
      %dma_start3A_87 = tpu.memref_slice %arg5[%add3A_83, %dma_start3A_86] : memref<163840x128xf32, #tpu.memory_space<hbm>> -> memref<128x128xf32, #tpu.memory_space<hbm>>
      tpu.enqueue_dma source(%arg9 : memref<128x128xf32, #tpu.memory_space<vmem>>) target(%dma_start3A_87 : memref<128x128xf32, #tpu.memory_space<hbm>>) target_semaphore(%arg17 : memref<!tpu.dma_semaphore, #tpu.memory_space<semaphore_mem>>)
      %dma_start3A_88 = arith.constant 0 : i32
      %dma_start3A_89 = tpu.memref_slice %arg6[%add3A_83, %dma_start3A_88] : memref<163840x128xf32, #tpu.memory_space<hbm>> -> memref<128x128xf32, #tpu.memory_space<hbm>>
      %dma_start3A_90 = arith.constant 0 : i32
      %dma_start3A_91 = tpu.memref_slice %arg6[%add3A_83, %dma_start3A_90] : memref<163840x128xf32, #tpu.memory_space<hbm>> -> memref<128x128xf32, #tpu.memory_space<hbm>>
      tpu.enqueue_dma source(%arg11 : memref<128x128xf32, #tpu.memory_space<vmem>>) target(%dma_start3A_91 : memref<128x128xf32, #tpu.memory_space<hbm>>) target_semaphore(%arg19 : memref<!tpu.dma_semaphore, #tpu.memory_space<semaphore_mem>>)
      %mul3A_92 = arith.constant 5120 : i32
      %mul3A_93 = arith.muli %add3A, %mul3A_92 : i32
      %dma_wait3A_94 = arith.constant 0 : i32
      %dma_wait3A_95 = tpu.memref_slice %arg5[%mul3A_93, %dma_wait3A_94] : memref<163840x128xf32, #tpu.memory_space<hbm>> -> memref<128x128xf32, #tpu.memory_space<hbm>>
      %dma_wait3A_96 = arith.constant 0 : i32
      %dma_wait3A_97 = tpu.memref_slice %arg5[%mul3A_93, %dma_wait3A_96] : memref<163840x128xf32, #tpu.memory_space<hbm>> -> memref<128x128xf32, #tpu.memory_space<hbm>>
      tpu.wait_dma2 semaphore(%arg17 : memref<!tpu.dma_semaphore, #tpu.memory_space<semaphore_mem>>) src(%arg9 : memref<128x128xf32, #tpu.memory_space<vmem>>) dst(%dma_wait3A_97 : memref<128x128xf32, #tpu.memory_space<hbm>>)
      %dma_wait3A_98 = arith.constant 0 : i32
      %dma_wait3A_99 = tpu.memref_slice %arg6[%mul3A_93, %dma_wait3A_98] : memref<163840x128xf32, #tpu.memory_space<hbm>> -> memref<128x128xf32, #tpu.memory_space<hbm>>
      %dma_wait3A_100 = arith.constant 0 : i32
      %dma_wait3A_101 = tpu.memref_slice %arg6[%mul3A_93, %dma_wait3A_100] : memref<163840x128xf32, #tpu.memory_space<hbm>> -> memref<128x128xf32, #tpu.memory_space<hbm>>
      tpu.wait_dma2 semaphore(%arg19 : memref<!tpu.dma_semaphore, #tpu.memory_space<semaphore_mem>>) src(%arg11 : memref<128x128xf32, #tpu.memory_space<vmem>>) dst(%dma_wait3A_101 : memref<128x128xf32, #tpu.memory_space<hbm>>)
      %add3A_102 = arith.constant 2 : i32
      %add3A_103 = arith.addi %mul3A_48, %add3A_102 : i32
      %min3A = arith.constant 39 : i32
      %min3A_104 = arith.minsi %add3A_103, %min3A : i32
      %dma_start3A_105 = arith.constant 0 : i32
      %dma_start3A_106 = tpu.memref_slice %arg7[%min3A_104, %dma_start3A_105] : memref<40x128xi32, #tpu.memory_space<vmem>> -> memref<1x128xi32, #tpu.memory_space<vmem>>
      %dma_start3A_107 = tpu.memref_squeeze %dma_start3A_106 : memref<1x128xi32, #tpu.memory_space<vmem>> -> memref<128xi32, #tpu.memory_space<vmem>>
      %dma_start3A_108 = arith.constant 0 : i32
      %dma_start3A_109 = arith.constant 0 : i32
      %dma_start3A_110 = tpu.memref_slice %arg2[%dma_start3A_108, %dma_start3A_109] : memref<10000x128xf32, #tpu.memory_space<hbm>> -> memref<10000x128xf32, #tpu.memory_space<hbm>>
      tpu.enqueue_indirect_dma source(%dma_start3A_110 : memref<10000x128xf32, #tpu.memory_space<hbm>>) target(%arg9 : memref<128x128xf32, #tpu.memory_space<vmem>>) offsets(%dma_start3A_107 : memref<128xi32, #tpu.memory_space<vmem>>) semaphore(%arg13 : memref<!tpu.dma_semaphore, #tpu.memory_space<semaphore_mem>>)
      %dma_start3A_111 = arith.constant 0 : i32
      %dma_start3A_112 = tpu.memref_slice %arg8[%min3A_104, %dma_start3A_111] : memref<40x128xi32, #tpu.memory_space<vmem>> -> memref<1x128xi32, #tpu.memory_space<vmem>>
      %dma_start3A_113 = tpu.memref_squeeze %dma_start3A_112 : memref<1x128xi32, #tpu.memory_space<vmem>> -> memref<128xi32, #tpu.memory_space<vmem>>
      %dma_start3A_114 = arith.constant 0 : i32
      %dma_start3A_115 = arith.constant 0 : i32
      %dma_start3A_116 = tpu.memref_slice %arg2[%dma_start3A_114, %dma_start3A_115] : memref<10000x128xf32, #tpu.memory_space<hbm>> -> memref<10000x128xf32, #tpu.memory_space<hbm>>
      tpu.enqueue_indirect_dma source(%dma_start3A_116 : memref<10000x128xf32, #tpu.memory_space<hbm>>) target(%arg11 : memref<128x128xf32, #tpu.memory_space<vmem>>) offsets(%dma_start3A_113 : memref<128xi32, #tpu.memory_space<vmem>>) semaphore(%arg15 : memref<!tpu.dma_semaphore, #tpu.memory_space<semaphore_mem>>)
      %dma_wait3A_117 = arith.constant 0 : i32
      %dma_wait3A_118 = arith.constant 0 : i32
      %dma_wait3A_119 = tpu.memref_slice %arg7[%dma_wait3A_117, %dma_wait3A_118] : memref<40x128xi32, #tpu.memory_space<vmem>> -> memref<1x128xi32, #tpu.memory_space<vmem>>
      %dma_wait3A_120 = tpu.memref_squeeze %dma_wait3A_119 : memref<1x128xi32, #tpu.memory_space<vmem>> -> memref<128xi32, #tpu.memory_space<vmem>>
      %dma_wait3A_121 = arith.constant 0 : i32
      %dma_wait3A_122 = arith.constant 0 : i32
      %dma_wait3A_123 = tpu.memref_slice %arg2[%dma_wait3A_121, %dma_wait3A_122] : memref<10000x128xf32, #tpu.memory_space<hbm>> -> memref<10000x128xf32, #tpu.memory_space<hbm>>
      tpu.wait_indirect_dma semaphore(%arg14 : memref<!tpu.dma_semaphore, #tpu.memory_space<semaphore_mem>>) src(%dma_wait3A_123 : memref<10000x128xf32, #tpu.memory_space<hbm>>) dst(%arg10 : memref<128x128xf32, #tpu.memory_space<vmem>>)
      %dma_wait3A_124 = arith.constant 0 : i32
      %dma_wait3A_125 = arith.constant 0 : i32
      %dma_wait3A_126 = tpu.memref_slice %arg8[%dma_wait3A_124, %dma_wait3A_125] : memref<40x128xi32, #tpu.memory_space<vmem>> -> memref<1x128xi32, #tpu.memory_space<vmem>>
      %dma_wait3A_127 = tpu.memref_squeeze %dma_wait3A_126 : memref<1x128xi32, #tpu.memory_space<vmem>> -> memref<128xi32, #tpu.memory_space<vmem>>
      %dma_wait3A_128 = arith.constant 0 : i32
      %dma_wait3A_129 = arith.constant 0 : i32
      %dma_wait3A_130 = tpu.memref_slice %arg2[%dma_wait3A_128, %dma_wait3A_129] : memref<10000x128xf32, #tpu.memory_space<hbm>> -> memref<10000x128xf32, #tpu.memory_space<hbm>>
      tpu.wait_indirect_dma semaphore(%arg16 : memref<!tpu.dma_semaphore, #tpu.memory_space<semaphore_mem>>) src(%dma_wait3A_130 : memref<10000x128xf32, #tpu.memory_space<hbm>>) dst(%arg12 : memref<128x128xf32, #tpu.memory_space<vmem>>)
      %add3A_131 = arith.constant 1 : i32
      %add3A_132 = arith.addi %mul3A_48, %add3A_131 : i32
      %mul3A_133 = arith.constant 5120 : i32
      %mul3A_134 = arith.muli %add3A, %mul3A_133 : i32
      %mul3A_135 = arith.constant 128 : i32
      %mul3A_136 = arith.muli %add3A_132, %mul3A_135 : i32
      %add3A_137 = arith.addi %mul3A_134, %mul3A_136 : i32
      %dma_start3A_138 = arith.constant 0 : i32
      %dma_start3A_139 = tpu.memref_slice %arg5[%add3A_137, %dma_start3A_138] : memref<163840x128xf32, #tpu.memory_space<hbm>> -> memref<128x128xf32, #tpu.memory_space<hbm>>
      %dma_start3A_140 = arith.constant 0 : i32
      %dma_start3A_141 = tpu.memref_slice %arg5[%add3A_137, %dma_start3A_140] : memref<163840x128xf32, #tpu.memory_space<hbm>> -> memref<128x128xf32, #tpu.memory_space<hbm>>
      tpu.enqueue_dma source(%arg10 : memref<128x128xf32, #tpu.memory_space<vmem>>) target(%dma_start3A_141 : memref<128x128xf32, #tpu.memory_space<hbm>>) target_semaphore(%arg18 : memref<!tpu.dma_semaphore, #tpu.memory_space<semaphore_mem>>)
      %dma_start3A_142 = arith.constant 0 : i32
      %dma_start3A_143 = tpu.memref_slice %arg6[%add3A_137, %dma_start3A_142] : memref<163840x128xf32, #tpu.memory_space<hbm>> -> memref<128x128xf32, #tpu.memory_space<hbm>>
      %dma_start3A_144 = arith.constant 0 : i32
      %dma_start3A_145 = tpu.memref_slice %arg6[%add3A_137, %dma_start3A_144] : memref<163840x128xf32, #tpu.memory_space<hbm>> -> memref<128x128xf32, #tpu.memory_space<hbm>>
      tpu.enqueue_dma source(%arg12 : memref<128x128xf32, #tpu.memory_space<vmem>>) target(%dma_start3A_145 : memref<128x128xf32, #tpu.memory_space<hbm>>) target_semaphore(%arg20 : memref<!tpu.dma_semaphore, #tpu.memory_space<semaphore_mem>>)
    }
    %scan3A_22 = arith.constant 20 : i32
    %dma_wait3A = arith.constant 0 : i32
    %dma_wait3A_23 = arith.constant 0 : i32
    %dma_wait3A_24 = tpu.memref_slice %arg7[%dma_wait3A, %dma_wait3A_23] : memref<40x128xi32, #tpu.memory_space<vmem>> -> memref<1x128xi32, #tpu.memory_space<vmem>>
    %dma_wait3A_25 = tpu.memref_squeeze %dma_wait3A_24 : memref<1x128xi32, #tpu.memory_space<vmem>> -> memref<128xi32, #tpu.memory_space<vmem>>
    %dma_wait3A_26 = arith.constant 0 : i32
    %dma_wait3A_27 = arith.constant 0 : i32
    %dma_wait3A_28 = tpu.memref_slice %arg2[%dma_wait3A_26, %dma_wait3A_27] : memref<10000x128xf32, #tpu.memory_space<hbm>> -> memref<10000x128xf32, #tpu.memory_space<hbm>>
    tpu.wait_indirect_dma semaphore(%arg13 : memref<!tpu.dma_semaphore, #tpu.memory_space<semaphore_mem>>) src(%dma_wait3A_28 : memref<10000x128xf32, #tpu.memory_space<hbm>>) dst(%arg9 : memref<128x128xf32, #tpu.memory_space<vmem>>)
    %dma_wait3A_29 = arith.constant 0 : i32
    %dma_wait3A_30 = arith.constant 0 : i32
    %dma_wait3A_31 = tpu.memref_slice %arg8[%dma_wait3A_29, %dma_wait3A_30] : memref<40x128xi32, #tpu.memory_space<vmem>> -> memref<1x128xi32, #tpu.memory_space<vmem>>
    %dma_wait3A_32 = tpu.memref_squeeze %dma_wait3A_31 : memref<1x128xi32, #tpu.memory_space<vmem>> -> memref<128xi32, #tpu.memory_space<vmem>>
    %dma_wait3A_33 = arith.constant 0 : i32
    %dma_wait3A_34 = arith.constant 0 : i32
    %dma_wait3A_35 = tpu.memref_slice %arg2[%dma_wait3A_33, %dma_wait3A_34] : memref<10000x128xf32, #tpu.memory_space<hbm>> -> memref<10000x128xf32, #tpu.memory_space<hbm>>
    tpu.wait_indirect_dma semaphore(%arg15 : memref<!tpu.dma_semaphore, #tpu.memory_space<semaphore_mem>>) src(%dma_wait3A_35 : memref<10000x128xf32, #tpu.memory_space<hbm>>) dst(%arg11 : memref<128x128xf32, #tpu.memory_space<vmem>>)
    %mul3A_36 = arith.constant 5120 : i32
    %mul3A_37 = arith.muli %add3A, %mul3A_36 : i32
    %dma_wait3A_38 = arith.constant 0 : i32
    %dma_wait3A_39 = tpu.memref_slice %arg5[%mul3A_37, %dma_wait3A_38] : memref<163840x128xf32, #tpu.memory_space<hbm>> -> memref<128x128xf32, #tpu.memory_space<hbm>>
    %dma_wait3A_40 = arith.constant 0 : i32
    %dma_wait3A_41 = tpu.memref_slice %arg5[%mul3A_37, %dma_wait3A_40] : memref<163840x128xf32, #tpu.memory_space<hbm>> -> memref<128x128xf32, #tpu.memory_space<hbm>>
    tpu.wait_dma2 semaphore(%arg18 : memref<!tpu.dma_semaphore, #tpu.memory_space<semaphore_mem>>) src(%arg10 : memref<128x128xf32, #tpu.memory_space<vmem>>) dst(%dma_wait3A_41 : memref<128x128xf32, #tpu.memory_space<hbm>>)
    %dma_wait3A_42 = arith.constant 0 : i32
    %dma_wait3A_43 = tpu.memref_slice %arg6[%mul3A_37, %dma_wait3A_42] : memref<163840x128xf32, #tpu.memory_space<hbm>> -> memref<128x128xf32, #tpu.memory_space<hbm>>
    %dma_wait3A_44 = arith.constant 0 : i32
    %dma_wait3A_45 = tpu.memref_slice %arg6[%mul3A_37, %dma_wait3A_44] : memref<163840x128xf32, #tpu.memory_space<hbm>> -> memref<128x128xf32, #tpu.memory_space<hbm>>
    tpu.wait_dma2 semaphore(%arg20 : memref<!tpu.dma_semaphore, #tpu.memory_space<semaphore_mem>>) src(%arg12 : memref<128x128xf32, #tpu.memory_space<vmem>>) dst(%dma_wait3A_45 : memref<128x128xf32, #tpu.memory_space<hbm>>)
    return
  }
}

#map = affine_map<(d0, d1) -> (0, 0)>
module attributes {stable_mosaic.version = 14 : i64} {
  func.func @k(%arg0: i32, %arg1: i32, %arg2: memref<10000x128xf32, #tpu.memory_space<hbm>>, %arg3: memref<1280x128xi32, #tpu.memory_space<hbm>>, %arg4: memref<1280x128xi32, #tpu.memory_space<hbm>>, %arg5: memref<163840x128xf32, #tpu.memory_space<hbm>>, %arg6: memref<163840x128xf32, #tpu.memory_space<hbm>>, %arg7: memref<40x128xi32, #tpu.memory_space<vmem>>, %arg8: memref<40x128xi32, #tpu.memory_space<vmem>>, %arg9: memref<128x128xf32, #tpu.memory_space<vmem>>, %arg10: memref<128x128xf32, #tpu.memory_space<vmem>>, %arg11: memref<128x128xf32, #tpu.memory_space<vmem>>, %arg12: memref<128x128xf32, #tpu.memory_space<vmem>>, %arg13: memref<!tpu.dma_semaphore, #tpu.memory_space<semaphore_mem>>, %arg14: memref<!tpu.dma_semaphore, #tpu.memory_space<semaphore_mem>>, %arg15: memref<!tpu.dma_semaphore, #tpu.memory_space<semaphore_mem>>, %arg16: memref<!tpu.dma_semaphore, #tpu.memory_space<semaphore_mem>>, %arg17: memref<!tpu.dma_semaphore, #tpu.memory_space<semaphore_mem>>, %arg18: memref<!tpu.dma_semaphore, #tpu.memory_space<semaphore_mem>>, %arg19: memref<!tpu.dma_semaphore, #tpu.memory_space<semaphore_mem>>, %arg20: memref<!tpu.dma_semaphore, #tpu.memory_space<semaphore_mem>>) attributes {dimension_semantics = [#tpu.dimension_semantics<core_parallel>, #tpu.dimension_semantics<subcore_parallel>], iteration_bounds = array<i64: 2, 16>, scalar_prefetch = 0 : i64, scratch_operands = 14 : i64, tpu.core_type = #tpu.core_type<sc_vector_subcore>, window_params = [{transform_indices = #map}, {transform_indices = #map}, {transform_indices = #map}, {transform_indices = #map}, {transform_indices = #map}]} {
    %mul3A = arith.constant 2 : i32
    %mul3A_0 = arith.muli %arg1, %mul3A : i32
    %add3A = arith.addi %mul3A_0, %arg0 : i32
    %mul3A_1 = arith.constant 40 : i32
    %mul3A_2 = arith.muli %add3A, %mul3A_1 : i32
    "tpu.region"() ({
      %run_scoped3A = tpu.sem_alloc : memref<!tpu.dma_semaphore, #tpu.memory_space<semaphore_mem>>
      %dma_start3A_46 = arith.constant 0 : i32
      %dma_start3A_47 = tpu.memref_slice %arg3[%mul3A_2, %dma_start3A_46] : memref<1280x128xi32, #tpu.memory_space<hbm>> -> memref<40x128xi32, #tpu.memory_space<hbm>>
      %dma_start3A_48 = arith.constant 0 : i32
      %dma_start3A_49 = tpu.memref_slice %arg3[%mul3A_2, %dma_start3A_48] : memref<1280x128xi32, #tpu.memory_space<hbm>> -> memref<40x128xi32, #tpu.memory_space<hbm>>
      tpu.enqueue_dma source(%dma_start3A_49 : memref<40x128xi32, #tpu.memory_space<hbm>>) target(%arg7 : memref<40x128xi32, #tpu.memory_space<vmem>>) target_semaphore(%run_scoped3A : memref<!tpu.dma_semaphore, #tpu.memory_space<semaphore_mem>>)
      %dma_wait3A_50 = arith.constant 0 : i32
      %dma_wait3A_51 = tpu.memref_slice %arg3[%mul3A_2, %dma_wait3A_50] : memref<1280x128xi32, #tpu.memory_space<hbm>> -> memref<40x128xi32, #tpu.memory_space<hbm>>
      %dma_wait3A_52 = arith.constant 0 : i32
      %dma_wait3A_53 = tpu.memref_slice %arg3[%mul3A_2, %dma_wait3A_52] : memref<1280x128xi32, #tpu.memory_space<hbm>> -> memref<40x128xi32, #tpu.memory_space<hbm>>
      tpu.wait_dma2 semaphore(%run_scoped3A : memref<!tpu.dma_semaphore, #tpu.memory_space<semaphore_mem>>) src(%dma_wait3A_53 : memref<40x128xi32, #tpu.memory_space<hbm>>) dst(%arg7 : memref<40x128xi32, #tpu.memory_space<vmem>>)
      tpu.yield
    }) : () -> ()
    %mul3A_3 = arith.constant 40 : i32
    %mul3A_4 = arith.muli %add3A, %mul3A_3 : i32
    "tpu.region"() ({
      %run_scoped3A = tpu.sem_alloc : memref<!tpu.dma_semaphore, #tpu.memory_space<semaphore_mem>>
      %dma_start3A_46 = arith.constant 0 : i32
      %dma_start3A_47 = tpu.memref_slice %arg4[%mul3A_4, %dma_start3A_46] : memref<1280x128xi32, #tpu.memory_space<hbm>> -> memref<40x128xi32, #tpu.memory_space<hbm>>
      %dma_start3A_48 = arith.constant 0 : i32
      %dma_start3A_49 = tpu.memref_slice %arg4[%mul3A_4, %dma_start3A_48] : memref<1280x128xi32, #tpu.memory_space<hbm>> -> memref<40x128xi32, #tpu.memory_space<hbm>>
      tpu.enqueue_dma source(%dma_start3A_49 : memref<40x128xi32, #tpu.memory_space<hbm>>) target(%arg8 : memref<40x128xi32, #tpu.memory_space<vmem>>) target_semaphore(%run_scoped3A : memref<!tpu.dma_semaphore, #tpu.memory_space<semaphore_mem>>)
      %dma_wait3A_50 = arith.constant 0 : i32
      %dma_wait3A_51 = tpu.memref_slice %arg4[%mul3A_4, %dma_wait3A_50] : memref<1280x128xi32, #tpu.memory_space<hbm>> -> memref<40x128xi32, #tpu.memory_space<hbm>>
      %dma_wait3A_52 = arith.constant 0 : i32
      %dma_wait3A_53 = tpu.memref_slice %arg4[%mul3A_4, %dma_wait3A_52] : memref<1280x128xi32, #tpu.memory_space<hbm>> -> memref<40x128xi32, #tpu.memory_space<hbm>>
      tpu.wait_dma2 semaphore(%run_scoped3A : memref<!tpu.dma_semaphore, #tpu.memory_space<semaphore_mem>>) src(%dma_wait3A_53 : memref<40x128xi32, #tpu.memory_space<hbm>>) dst(%arg8 : memref<40x128xi32, #tpu.memory_space<vmem>>)
      tpu.yield
    }) : () -> ()
    %dma_start3A = arith.constant 0 : i32
    %dma_start3A_5 = arith.constant 0 : i32
    %dma_start3A_6 = tpu.memref_slice %arg7[%dma_start3A, %dma_start3A_5] : memref<40x128xi32, #tpu.memory_space<vmem>> -> memref<1x128xi32, #tpu.memory_space<vmem>>
    %dma_start3A_7 = tpu.memref_squeeze %dma_start3A_6 : memref<1x128xi32, #tpu.memory_space<vmem>> -> memref<128xi32, #tpu.memory_space<vmem>>
    %dma_start3A_8 = arith.constant 0 : i32
    %dma_start3A_9 = arith.constant 0 : i32
    %dma_start3A_10 = tpu.memref_slice %arg2[%dma_start3A_8, %dma_start3A_9] : memref<10000x128xf32, #tpu.memory_space<hbm>> -> memref<10000x128xf32, #tpu.memory_space<hbm>>
    tpu.enqueue_indirect_dma source(%dma_start3A_10 : memref<10000x128xf32, #tpu.memory_space<hbm>>) target(%arg9 : memref<128x128xf32, #tpu.memory_space<vmem>>) offsets(%dma_start3A_7 : memref<128xi32, #tpu.memory_space<vmem>>) semaphore(%arg13 : memref<!tpu.dma_semaphore, #tpu.memory_space<semaphore_mem>>)
    %dma_start3A_11 = arith.constant 0 : i32
    %dma_start3A_12 = arith.constant 0 : i32
    %dma_start3A_13 = tpu.memref_slice %arg8[%dma_start3A_11, %dma_start3A_12] : memref<40x128xi32, #tpu.memory_space<vmem>> -> memref<1x128xi32, #tpu.memory_space<vmem>>
    %dma_start3A_14 = tpu.memref_squeeze %dma_start3A_13 : memref<1x128xi32, #tpu.memory_space<vmem>> -> memref<128xi32, #tpu.memory_space<vmem>>
    %dma_start3A_15 = arith.constant 0 : i32
    %dma_start3A_16 = arith.constant 0 : i32
    %dma_start3A_17 = tpu.memref_slice %arg2[%dma_start3A_15, %dma_start3A_16] : memref<10000x128xf32, #tpu.memory_space<hbm>> -> memref<10000x128xf32, #tpu.memory_space<hbm>>
    tpu.enqueue_indirect_dma source(%dma_start3A_17 : memref<10000x128xf32, #tpu.memory_space<hbm>>) target(%arg11 : memref<128x128xf32, #tpu.memory_space<vmem>>) offsets(%dma_start3A_14 : memref<128xi32, #tpu.memory_space<vmem>>) semaphore(%arg15 : memref<!tpu.dma_semaphore, #tpu.memory_space<semaphore_mem>>)
    %scan3A = arith.constant 0 : i32
    %scan3A_18 = arith.constant 0 : i32
    %scan3A_19 = arith.constant 20 : i32
    %scan3A_20 = arith.addi %scan3A_18, %scan3A_19 : i32
    %scan3A_21 = arith.constant 1 : i32
    scf.for %scan3A_46 = %scan3A_18 to %scan3A_20 step %scan3A_21  : i32 {
      %mul3A_47 = arith.constant 2 : i32
      %mul3A_48 = arith.muli %scan3A_46, %mul3A_47 : i32
      %gt3A = arith.constant 0 : i32
      %gt3A_49 = arith.cmpi sgt, %scan3A_46, %gt3A : i32
      %convert_element_type3A = arith.extui %gt3A_49 : i1 to i32
      %cond3A = arith.constant 0 : i32
      %cond3A_50 = arith.cmpi ne, %convert_element_type3A, %cond3A : i32
      scf.if %cond3A_50 {
        %mul3A_146 = arith.constant 5120 : i32
        %mul3A_147 = arith.muli %add3A, %mul3A_146 : i32
        %dma_wait3A_148 = arith.constant 0 : i32
        %dma_wait3A_149 = tpu.memref_slice %arg5[%mul3A_147, %dma_wait3A_148] : memref<163840x128xf32, #tpu.memory_space<hbm>> -> memref<128x128xf32, #tpu.memory_space<hbm>>
        %dma_wait3A_150 = arith.constant 0 : i32
        %dma_wait3A_151 = tpu.memref_slice %arg5[%mul3A_147, %dma_wait3A_150] : memref<163840x128xf32, #tpu.memory_space<hbm>> -> memref<128x128xf32, #tpu.memory_space<hbm>>
        tpu.wait_dma2 semaphore(%arg18 : memref<!tpu.dma_semaphore, #tpu.memory_space<semaphore_mem>>) src(%arg10 : memref<128x128xf32, #tpu.memory_space<vmem>>) dst(%dma_wait3A_151 : memref<128x128xf32, #tpu.memory_space<hbm>>)
        %dma_wait3A_152 = arith.constant 0 : i32
        %dma_wait3A_153 = tpu.memref_slice %arg6[%mul3A_147, %dma_wait3A_152] : memref<163840x128xf32, #tpu.memory_space<hbm>> -> memref<128x128xf32, #tpu.memory_space<hbm>>
        %dma_wait3A_154 = arith.constant 0 : i32
        %dma_wait3A_155 = tpu.memref_slice %arg6[%mul3A_147, %dma_wait3A_154] : memref<163840x128xf32, #tpu.memory_space<hbm>> -> memref<128x128xf32, #tpu.memory_space<hbm>>
        tpu.wait_dma2 semaphore(%arg20 : memref<!tpu.dma_semaphore, #tpu.memory_space<semaphore_mem>>) src(%arg12 : memref<128x128xf32, #tpu.memory_space<vmem>>) dst(%dma_wait3A_155 : memref<128x128xf32, #tpu.memory_space<hbm>>)
      } else {
      }
      %add3A_51 = arith.constant 1 : i32
      %add3A_52 = arith.addi %mul3A_48, %add3A_51 : i32
      %dma_start3A_53 = arith.constant 0 : i32
      %dma_start3A_54 = tpu.memref_slice %arg7[%add3A_52, %dma_start3A_53] : memref<40x128xi32, #tpu.memory_space<vmem>> -> memref<1x128xi32, #tpu.memory_space<vmem>>
      %dma_start3A_55 = tpu.memref_squeeze %dma_start3A_54 : memref<1x128xi32, #tpu.memory_space<vmem>> -> memref<128xi32, #tpu.memory_space<vmem>>
      %dma_start3A_56 = arith.constant 0 : i32
      %dma_start3A_57 = arith.constant 0 : i32
      %dma_start3A_58 = tpu.memref_slice %arg2[%dma_start3A_56, %dma_start3A_57] : memref<10000x128xf32, #tpu.memory_space<hbm>> -> memref<10000x128xf32, #tpu.memory_space<hbm>>
      tpu.enqueue_indirect_dma source(%dma_start3A_58 : memref<10000x128xf32, #tpu.memory_space<hbm>>) target(%arg10 : memref<128x128xf32, #tpu.memory_space<vmem>>) offsets(%dma_start3A_55 : memref<128xi32, #tpu.memory_space<vmem>>) semaphore(%arg14 : memref<!tpu.dma_semaphore, #tpu.memory_space<semaphore_mem>>)
      %dma_start3A_59 = arith.constant 0 : i32
      %dma_start3A_60 = tpu.memref_slice %arg8[%add3A_52, %dma_start3A_59] : memref<40x128xi32, #tpu.memory_space<vmem>> -> memref<1x128xi32, #tpu.memory_space<vmem>>
      %dma_start3A_61 = tpu.memref_squeeze %dma_start3A_60 : memref<1x128xi32, #tpu.memory_space<vmem>> -> memref<128xi32, #tpu.memory_space<vmem>>
      %dma_start3A_62 = arith.constant 0 : i32
      %dma_start3A_63 = arith.constant 0 : i32
      %dma_start3A_64 = tpu.memref_slice %arg2[%dma_start3A_62, %dma_start3A_63] : memref<10000x128xf32, #tpu.memory_space<hbm>> -> memref<10000x128xf32, #tpu.memory_space<hbm>>
      tpu.enqueue_indirect_dma source(%dma_start3A_64 : memref<10000x128xf32, #tpu.memory_space<hbm>>) target(%arg12 : memref<128x128xf32, #tpu.memory_space<vmem>>) offsets(%dma_start3A_61 : memref<128xi32, #tpu.memory_space<vmem>>) semaphore(%arg16 : memref<!tpu.dma_semaphore, #tpu.memory_space<semaphore_mem>>)
      %dma_wait3A_65 = arith.constant 0 : i32
      %dma_wait3A_66 = arith.constant 0 : i32
      %dma_wait3A_67 = tpu.memref_slice %arg7[%dma_wait3A_65, %dma_wait3A_66] : memref<40x128xi32, #tpu.memory_space<vmem>> -> memref<1x128xi32, #tpu.memory_space<vmem>>
      %dma_wait3A_68 = tpu.memref_squeeze %dma_wait3A_67 : memref<1x128xi32, #tpu.memory_space<vmem>> -> memref<128xi32, #tpu.memory_space<vmem>>
      %dma_wait3A_69 = arith.constant 0 : i32
      %dma_wait3A_70 = arith.constant 0 : i32
      %dma_wait3A_71 = tpu.memref_slice %arg2[%dma_wait3A_69, %dma_wait3A_70] : memref<10000x128xf32, #tpu.memory_space<hbm>> -> memref<10000x128xf32, #tpu.memory_space<hbm>>
      tpu.wait_indirect_dma semaphore(%arg13 : memref<!tpu.dma_semaphore, #tpu.memory_space<semaphore_mem>>) src(%dma_wait3A_71 : memref<10000x128xf32, #tpu.memory_space<hbm>>) dst(%arg9 : memref<128x128xf32, #tpu.memory_space<vmem>>)
      %dma_wait3A_72 = arith.constant 0 : i32
      %dma_wait3A_73 = arith.constant 0 : i32
      %dma_wait3A_74 = tpu.memref_slice %arg8[%dma_wait3A_72, %dma_wait3A_73] : memref<40x128xi32, #tpu.memory_space<vmem>> -> memref<1x128xi32, #tpu.memory_space<vmem>>
      %dma_wait3A_75 = tpu.memref_squeeze %dma_wait3A_74 : memref<1x128xi32, #tpu.memory_space<vmem>> -> memref<128xi32, #tpu.memory_space<vmem>>
      %dma_wait3A_76 = arith.constant 0 : i32
      %dma_wait3A_77 = arith.constant 0 : i32
      %dma_wait3A_78 = tpu.memref_slice %arg2[%dma_wait3A_76, %dma_wait3A_77] : memref<10000x128xf32, #tpu.memory_space<hbm>> -> memref<10000x128xf32, #tpu.memory_space<hbm>>
      tpu.wait_indirect_dma semaphore(%arg15 : memref<!tpu.dma_semaphore, #tpu.memory_space<semaphore_mem>>) src(%dma_wait3A_78 : memref<10000x128xf32, #tpu.memory_space<hbm>>) dst(%arg11 : memref<128x128xf32, #tpu.memory_space<vmem>>)
      %mul3A_79 = arith.constant 5120 : i32
      %mul3A_80 = arith.muli %add3A, %mul3A_79 : i32
      %mul3A_81 = arith.constant 128 : i32
      %mul3A_82 = arith.muli %mul3A_48, %mul3A_81 : i32
      %add3A_83 = arith.addi %mul3A_80, %mul3A_82 : i32
      %dma_start3A_84 = arith.constant 0 : i32
      %dma_start3A_85 = tpu.memref_slice %arg5[%add3A_83, %dma_start3A_84] : memref<163840x128xf32, #tpu.memory_space<hbm>> -> memref<128x128xf32, #tpu.memory_space<hbm>>
      %dma_start3A_86 = arith.constant 0 : i32
      %dma_start3A_87 = tpu.memref_slice %arg5[%add3A_83, %dma_start3A_86] : memref<163840x128xf32, #tpu.memory_space<hbm>> -> memref<128x128xf32, #tpu.memory_space<hbm>>
      tpu.enqueue_dma source(%arg9 : memref<128x128xf32, #tpu.memory_space<vmem>>) target(%dma_start3A_87 : memref<128x128xf32, #tpu.memory_space<hbm>>) target_semaphore(%arg17 : memref<!tpu.dma_semaphore, #tpu.memory_space<semaphore_mem>>)
      %dma_start3A_88 = arith.constant 0 : i32
      %dma_start3A_89 = tpu.memref_slice %arg6[%add3A_83, %dma_start3A_88] : memref<163840x128xf32, #tpu.memory_space<hbm>> -> memref<128x128xf32, #tpu.memory_space<hbm>>
      %dma_start3A_90 = arith.constant 0 : i32
      %dma_start3A_91 = tpu.memref_slice %arg6[%add3A_83, %dma_start3A_90] : memref<163840x128xf32, #tpu.memory_space<hbm>> -> memref<128x128xf32, #tpu.memory_space<hbm>>
      tpu.enqueue_dma source(%arg11 : memref<128x128xf32, #tpu.memory_space<vmem>>) target(%dma_start3A_91 : memref<128x128xf32, #tpu.memory_space<hbm>>) target_semaphore(%arg19 : memref<!tpu.dma_semaphore, #tpu.memory_space<semaphore_mem>>)
      %mul3A_92 = arith.constant 5120 : i32
      %mul3A_93 = arith.muli %add3A, %mul3A_92 : i32
      %dma_wait3A_94 = arith.constant 0 : i32
      %dma_wait3A_95 = tpu.memref_slice %arg5[%mul3A_93, %dma_wait3A_94] : memref<163840x128xf32, #tpu.memory_space<hbm>> -> memref<128x128xf32, #tpu.memory_space<hbm>>
      %dma_wait3A_96 = arith.constant 0 : i32
      %dma_wait3A_97 = tpu.memref_slice %arg5[%mul3A_93, %dma_wait3A_96] : memref<163840x128xf32, #tpu.memory_space<hbm>> -> memref<128x128xf32, #tpu.memory_space<hbm>>
      tpu.wait_dma2 semaphore(%arg17 : memref<!tpu.dma_semaphore, #tpu.memory_space<semaphore_mem>>) src(%arg9 : memref<128x128xf32, #tpu.memory_space<vmem>>) dst(%dma_wait3A_97 : memref<128x128xf32, #tpu.memory_space<hbm>>)
      %dma_wait3A_98 = arith.constant 0 : i32
      %dma_wait3A_99 = tpu.memref_slice %arg6[%mul3A_93, %dma_wait3A_98] : memref<163840x128xf32, #tpu.memory_space<hbm>> -> memref<128x128xf32, #tpu.memory_space<hbm>>
      %dma_wait3A_100 = arith.constant 0 : i32
      %dma_wait3A_101 = tpu.memref_slice %arg6[%mul3A_93, %dma_wait3A_100] : memref<163840x128xf32, #tpu.memory_space<hbm>> -> memref<128x128xf32, #tpu.memory_space<hbm>>
      tpu.wait_dma2 semaphore(%arg19 : memref<!tpu.dma_semaphore, #tpu.memory_space<semaphore_mem>>) src(%arg11 : memref<128x128xf32, #tpu.memory_space<vmem>>) dst(%dma_wait3A_101 : memref<128x128xf32, #tpu.memory_space<hbm>>)
      %add3A_102 = arith.constant 2 : i32
      %add3A_103 = arith.addi %mul3A_48, %add3A_102 : i32
      %min3A = arith.constant 39 : i32
      %min3A_104 = arith.minsi %add3A_103, %min3A : i32
      %dma_start3A_105 = arith.constant 0 : i32
      %dma_start3A_106 = tpu.memref_slice %arg7[%min3A_104, %dma_start3A_105] : memref<40x128xi32, #tpu.memory_space<vmem>> -> memref<1x128xi32, #tpu.memory_space<vmem>>
      %dma_start3A_107 = tpu.memref_squeeze %dma_start3A_106 : memref<1x128xi32, #tpu.memory_space<vmem>> -> memref<128xi32, #tpu.memory_space<vmem>>
      %dma_start3A_108 = arith.constant 0 : i32
      %dma_start3A_109 = arith.constant 0 : i32
      %dma_start3A_110 = tpu.memref_slice %arg2[%dma_start3A_108, %dma_start3A_109] : memref<10000x128xf32, #tpu.memory_space<hbm>> -> memref<10000x128xf32, #tpu.memory_space<hbm>>
      tpu.enqueue_indirect_dma source(%dma_start3A_110 : memref<10000x128xf32, #tpu.memory_space<hbm>>) target(%arg9 : memref<128x128xf32, #tpu.memory_space<vmem>>) offsets(%dma_start3A_107 : memref<128xi32, #tpu.memory_space<vmem>>) semaphore(%arg13 : memref<!tpu.dma_semaphore, #tpu.memory_space<semaphore_mem>>)
      %dma_start3A_111 = arith.constant 0 : i32
      %dma_start3A_112 = tpu.memref_slice %arg8[%min3A_104, %dma_start3A_111] : memref<40x128xi32, #tpu.memory_space<vmem>> -> memref<1x128xi32, #tpu.memory_space<vmem>>
      %dma_start3A_113 = tpu.memref_squeeze %dma_start3A_112 : memref<1x128xi32, #tpu.memory_space<vmem>> -> memref<128xi32, #tpu.memory_space<vmem>>
      %dma_start3A_114 = arith.constant 0 : i32
      %dma_start3A_115 = arith.constant 0 : i32
      %dma_start3A_116 = tpu.memref_slice %arg2[%dma_start3A_114, %dma_start3A_115] : memref<10000x128xf32, #tpu.memory_space<hbm>> -> memref<10000x128xf32, #tpu.memory_space<hbm>>
      tpu.enqueue_indirect_dma source(%dma_start3A_116 : memref<10000x128xf32, #tpu.memory_space<hbm>>) target(%arg11 : memref<128x128xf32, #tpu.memory_space<vmem>>) offsets(%dma_start3A_113 : memref<128xi32, #tpu.memory_space<vmem>>) semaphore(%arg15 : memref<!tpu.dma_semaphore, #tpu.memory_space<semaphore_mem>>)
      %dma_wait3A_117 = arith.constant 0 : i32
      %dma_wait3A_118 = arith.constant 0 : i32
      %dma_wait3A_119 = tpu.memref_slice %arg7[%dma_wait3A_117, %dma_wait3A_118] : memref<40x128xi32, #tpu.memory_space<vmem>> -> memref<1x128xi32, #tpu.memory_space<vmem>>
      %dma_wait3A_120 = tpu.memref_squeeze %dma_wait3A_119 : memref<1x128xi32, #tpu.memory_space<vmem>> -> memref<128xi32, #tpu.memory_space<vmem>>
      %dma_wait3A_121 = arith.constant 0 : i32
      %dma_wait3A_122 = arith.constant 0 : i32
      %dma_wait3A_123 = tpu.memref_slice %arg2[%dma_wait3A_121, %dma_wait3A_122] : memref<10000x128xf32, #tpu.memory_space<hbm>> -> memref<10000x128xf32, #tpu.memory_space<hbm>>
      tpu.wait_indirect_dma semaphore(%arg14 : memref<!tpu.dma_semaphore, #tpu.memory_space<semaphore_mem>>) src(%dma_wait3A_123 : memref<10000x128xf32, #tpu.memory_space<hbm>>) dst(%arg10 : memref<128x128xf32, #tpu.memory_space<vmem>>)
      %dma_wait3A_124 = arith.constant 0 : i32
      %dma_wait3A_125 = arith.constant 0 : i32
      %dma_wait3A_126 = tpu.memref_slice %arg8[%dma_wait3A_124, %dma_wait3A_125] : memref<40x128xi32, #tpu.memory_space<vmem>> -> memref<1x128xi32, #tpu.memory_space<vmem>>
      %dma_wait3A_127 = tpu.memref_squeeze %dma_wait3A_126 : memref<1x128xi32, #tpu.memory_space<vmem>> -> memref<128xi32, #tpu.memory_space<vmem>>
      %dma_wait3A_128 = arith.constant 0 : i32
      %dma_wait3A_129 = arith.constant 0 : i32
      %dma_wait3A_130 = tpu.memref_slice %arg2[%dma_wait3A_128, %dma_wait3A_129] : memref<10000x128xf32, #tpu.memory_space<hbm>> -> memref<10000x128xf32, #tpu.memory_space<hbm>>
      tpu.wait_indirect_dma semaphore(%arg16 : memref<!tpu.dma_semaphore, #tpu.memory_space<semaphore_mem>>) src(%dma_wait3A_130 : memref<10000x128xf32, #tpu.memory_space<hbm>>) dst(%arg12 : memref<128x128xf32, #tpu.memory_space<vmem>>)
      %add3A_131 = arith.constant 1 : i32
      %add3A_132 = arith.addi %mul3A_48, %add3A_131 : i32
      %mul3A_133 = arith.constant 5120 : i32
      %mul3A_134 = arith.muli %add3A, %mul3A_133 : i32
      %mul3A_135 = arith.constant 128 : i32
      %mul3A_136 = arith.muli %add3A_132, %mul3A_135 : i32
      %add3A_137 = arith.addi %mul3A_134, %mul3A_136 : i32
      %dma_start3A_138 = arith.constant 0 : i32
      %dma_start3A_139 = tpu.memref_slice %arg5[%add3A_137, %dma_start3A_138] : memref<163840x128xf32, #tpu.memory_space<hbm>> -> memref<128x128xf32, #tpu.memory_space<hbm>>
      %dma_start3A_140 = arith.constant 0 : i32
      %dma_start3A_141 = tpu.memref_slice %arg5[%add3A_137, %dma_start3A_140] : memref<163840x128xf32, #tpu.memory_space<hbm>> -> memref<128x128xf32, #tpu.memory_space<hbm>>
      tpu.enqueue_dma source(%arg10 : memref<128x128xf32, #tpu.memory_space<vmem>>) target(%dma_start3A_141 : memref<128x128xf32, #tpu.memory_space<hbm>>) target_semaphore(%arg18 : memref<!tpu.dma_semaphore, #tpu.memory_space<semaphore_mem>>)
      %dma_start3A_142 = arith.constant 0 : i32
      %dma_start3A_143 = tpu.memref_slice %arg6[%add3A_137, %dma_start3A_142] : memref<163840x128xf32, #tpu.memory_space<hbm>> -> memref<128x128xf32, #tpu.memory_space<hbm>>
      %dma_start3A_144 = arith.constant 0 : i32
      %dma_start3A_145 = tpu.memref_slice %arg6[%add3A_137, %dma_start3A_144] : memref<163840x128xf32, #tpu.memory_space<hbm>> -> memref<128x128xf32, #tpu.memory_space<hbm>>
      tpu.enqueue_dma source(%arg12 : memref<128x128xf32, #tpu.memory_space<vmem>>) target(%dma_start3A_145 : memref<128x128xf32, #tpu.memory_space<hbm>>) target_semaphore(%arg20 : memref<!tpu.dma_semaphore, #tpu.memory_space<semaphore_mem>>)
    }
    %scan3A_22 = arith.constant 20 : i32
    %dma_wait3A = arith.constant 0 : i32
    %dma_wait3A_23 = arith.constant 0 : i32
    %dma_wait3A_24 = tpu.memref_slice %arg7[%dma_wait3A, %dma_wait3A_23] : memref<40x128xi32, #tpu.memory_space<vmem>> -> memref<1x128xi32, #tpu.memory_space<vmem>>
    %dma_wait3A_25 = tpu.memref_squeeze %dma_wait3A_24 : memref<1x128xi32, #tpu.memory_space<vmem>> -> memref<128xi32, #tpu.memory_space<vmem>>
    %dma_wait3A_26 = arith.constant 0 : i32
    %dma_wait3A_27 = arith.constant 0 : i32
    %dma_wait3A_28 = tpu.memref_slice %arg2[%dma_wait3A_26, %dma_wait3A_27] : memref<10000x128xf32, #tpu.memory_space<hbm>> -> memref<10000x128xf32, #tpu.memory_space<hbm>>
    tpu.wait_indirect_dma semaphore(%arg13 : memref<!tpu.dma_semaphore, #tpu.memory_space<semaphore_mem>>) src(%dma_wait3A_28 : memref<10000x128xf32, #tpu.memory_space<hbm>>) dst(%arg9 : memref<128x128xf32, #tpu.memory_space<vmem>>)
    %dma_wait3A_29 = arith.constant 0 : i32
    %dma_wait3A_30 = arith.constant 0 : i32
    %dma_wait3A_31 = tpu.memref_slice %arg8[%dma_wait3A_29, %dma_wait3A_30] : memref<40x128xi32, #tpu.memory_space<vmem>> -> memref<1x128xi32, #tpu.memory_space<vmem>>
    %dma_wait3A_32 = tpu.memref_squeeze %dma_wait3A_31 : memref<1x128xi32, #tpu.memory_space<vmem>> -> memref<128xi32, #tpu.memory_space<vmem>>
    %dma_wait3A_33 = arith.constant 0 : i32
    %dma_wait3A_34 = arith.constant 0 : i32
    %dma_wait3A_35 = tpu.memref_slice %arg2[%dma_wait3A_33, %dma_wait3A_34] : memref<10000x128xf32, #tpu.memory_space<hbm>> -> memref<10000x128xf32, #tpu.memory_space<hbm>>
    tpu.wait_indirect_dma semaphore(%arg15 : memref<!tpu.dma_semaphore, #tpu.memory_space<semaphore_mem>>) src(%dma_wait3A_35 : memref<10000x128xf32, #tpu.memory_space<hbm>>) dst(%arg11 : memref<128x128xf32, #tpu.memory_space<vmem>>)
    %mul3A_36 = arith.constant 5120 : i32
    %mul3A_37 = arith.muli %add3A, %mul3A_36 : i32
    %dma_wait3A_38 = arith.constant 0 : i32
    %dma_wait3A_39 = tpu.memref_slice %arg5[%mul3A_37, %dma_wait3A_38] : memref<163840x128xf32, #tpu.memory_space<hbm>> -> memref<128x128xf32, #tpu.memory_space<hbm>>
    %dma_wait3A_40 = arith.constant 0 : i32
    %dma_wait3A_41 = tpu.memref_slice %arg5[%mul3A_37, %dma_wait3A_40] : memref<163840x128xf32, #tpu.memory_space<hbm>> -> memref<128x128xf32, #tpu.memory_space<hbm>>
    tpu.wait_dma2 semaphore(%arg18 : memref<!tpu.dma_semaphore, #tpu.memory_space<semaphore_mem>>) src(%arg10 : memref<128x128xf32, #tpu.memory_space<vmem>>) dst(%dma_wait3A_41 : memref<128x128xf32, #tpu.memory_space<hbm>>)
    %dma_wait3A_42 = arith.constant 0 : i32
    %dma_wait3A_43 = tpu.memref_slice %arg6[%mul3A_37, %dma_wait3A_42] : memref<163840x128xf32, #tpu.memory_space<hbm>> -> memref<128x128xf32, #tpu.memory_space<hbm>>
    %dma_wait3A_44 = arith.constant 0 : i32
    %dma_wait3A_45 = tpu.memref_slice %arg6[%mul3A_37, %dma_wait3A_44] : memref<163840x128xf32, #tpu.memory_space<hbm>> -> memref<128x128xf32, #tpu.memory_space<hbm>>
    tpu.wait_dma2 semaphore(%arg20 : memref<!tpu.dma_semaphore, #tpu.memory_space<semaphore_mem>>) src(%arg12 : memref<128x128xf32, #tpu.memory_space<vmem>>) dst(%dma_wait3A_45 : memref<128x128xf32, #tpu.memory_space<hbm>>)
    return
  }
}

module attributes {stable_mosaic.version = 14 : i64} {
  func.func @_node_prep_body(%arg0: i32, %arg1: memref<10000x16xf32, #tpu.memory_space<vmem>>, %arg2: memref<1x16xf32, #tpu.memory_space<vmem>>, %arg3: memref<1x16xf32, #tpu.memory_space<vmem>>, %arg4: memref<10000x16xf32, #tpu.memory_space<vmem>>) attributes {dimension_semantics = [#tpu.dimension_semantics<arbitrary>], iteration_bounds = array<i64: 1>, scalar_prefetch = 0 : i64, scratch_operands = 0 : i64, tpu.core_type = #tpu.core_type<tc>, window_params = [{pipeline_mode = #tpu.pipeline_mode<synchronous>, transform_indices = @transform_0, window_bounds = array<i64: 10000, 16>}, {pipeline_mode = #tpu.pipeline_mode<synchronous>, transform_indices = @transform_1, window_bounds = array<i64: 1, 16>}, {pipeline_mode = #tpu.pipeline_mode<synchronous>, transform_indices = @transform_2, window_bounds = array<i64: 1, 16>}, {pipeline_mode = #tpu.pipeline_mode<synchronous>, transform_indices = @transform_3, window_bounds = array<i64: 10000, 16>}]} {
    %get3A = arith.constant 0 : index
    %get3A_0 = arith.constant 0 : index
    %get3A_1 = vector.load %arg1[%get3A, %get3A_0] : memref<10000x16xf32, #tpu.memory_space<vmem>>, vector<10000x16xf32>
    %reduce_sum3A = arith.constant dense<0.000000e+00> : vector<16xf32>
    %reduce_sum3A_2 = vector.multi_reduction <add>, %get3A_1, %reduce_sum3A [0] : vector<10000x16xf32> to vector<16xf32>
    %broadcast_in_dim3A = vector.shape_cast %reduce_sum3A_2 : vector<16xf32> to vector<1x16xf32>
    %div3A = arith.constant 1.000000e+04 : f32
    %div3A_3 = vector.broadcast %div3A : f32 to vector<1x16xf32>
    %div3A_4 = arith.divf %broadcast_in_dim3A, %div3A_3 : vector<1x16xf32>
    %mul3A = arith.mulf %get3A_1, %get3A_1 : vector<10000x16xf32>
    %reduce_sum3A_5 = arith.constant dense<0.000000e+00> : vector<16xf32>
    %reduce_sum3A_6 = vector.multi_reduction <add>, %mul3A, %reduce_sum3A_5 [0] : vector<10000x16xf32> to vector<16xf32>
    %broadcast_in_dim3A_7 = vector.shape_cast %reduce_sum3A_6 : vector<16xf32> to vector<1x16xf32>
    %div3A_8 = arith.constant 1.000000e+04 : f32
    %div3A_9 = vector.broadcast %div3A_8 : f32 to vector<1x16xf32>
    %div3A_10 = arith.divf %broadcast_in_dim3A_7, %div3A_9 : vector<1x16xf32>
    %mul3A_11 = arith.mulf %div3A_4, %div3A_4 : vector<1x16xf32>
    %sub3A = arith.subf %div3A_10, %mul3A_11 : vector<1x16xf32>
    %get3A_12 = arith.constant 0 : index
    %get3A_13 = arith.constant 0 : index
    %get3A_14 = vector.load %arg2[%get3A_12, %get3A_13] : memref<1x16xf32, #tpu.memory_space<vmem>>, vector<1x16xf32>
    %add3A = arith.constant 9.99999974E-6 : f32
    %add3A_15 = vector.broadcast %add3A : f32 to vector<1x16xf32>
    %add3A_16 = arith.addf %sub3A, %add3A_15 : vector<1x16xf32>
    %rsqrt3A = math.rsqrt %add3A_16 : vector<1x16xf32>
    %mul3A_17 = arith.mulf %get3A_14, %rsqrt3A : vector<1x16xf32>
    %mul3A_18 = vector.broadcast %mul3A_17 : vector<1x16xf32> to vector<10000x16xf32>
    %mul3A_19 = arith.mulf %get3A_1, %mul3A_18 : vector<10000x16xf32>
    %get3A_20 = arith.constant 0 : index
    %get3A_21 = arith.constant 0 : index
    %get3A_22 = vector.load %arg3[%get3A_20, %get3A_21] : memref<1x16xf32, #tpu.memory_space<vmem>>, vector<1x16xf32>
    %mul3A_23 = arith.mulf %div3A_4, %mul3A_17 : vector<1x16xf32>
    %sub3A_24 = arith.subf %get3A_22, %mul3A_23 : vector<1x16xf32>
    %add3A_25 = vector.broadcast %sub3A_24 : vector<1x16xf32> to vector<10000x16xf32>
    %add3A_26 = arith.addf %mul3A_19, %add3A_25 : vector<10000x16xf32>
    %swap3A = arith.constant 0 : index
    %swap3A_27 = arith.constant 0 : index
    %swap3A_28 = vector.load %arg4[%swap3A, %swap3A_27] : memref<10000x16xf32, #tpu.memory_space<vmem>>, vector<10000x16xf32>
    tpu.vector_store %arg4[%swap3A, %swap3A_27], %add3A_26 {strides = array<i32>} : memref<10000x16xf32, #tpu.memory_space<vmem>>, vector<10000x16xf32>,
    return
  }
  func.func @transform_0(%arg0: i32) -> (i32, i32) {
    %c0_i32 = arith.constant 0 : i32
    %c0_i32_0 = arith.constant 0 : i32
    %c0_i32_1 = arith.constant 0 : i32
    return %c0_i32, %c0_i32_0 : i32, i32
  }
  func.func @transform_1(%arg0: i32) -> (i32, i32) {
    %c0_i32 = arith.constant 0 : i32
    %c0_i32_0 = arith.constant 0 : i32
    %c0_i32_1 = arith.constant 0 : i32
    return %c0_i32, %c0_i32_0 : i32, i32
  }
  func.func @transform_2(%arg0: i32) -> (i32, i32) {
    %c0_i32 = arith.constant 0 : i32
    %c0_i32_0 = arith.constant 0 : i32
    %c0_i32_1 = arith.constant 0 : i32
    return %c0_i32, %c0_i32_0 : i32, i32
  }
  func.func @transform_3(%arg0: i32) -> (i32, i32) {
    %c0_i32 = arith.constant 0 : i32
    %c0_i32_0 = arith.constant 0 : i32
    %c0_i32_1 = arith.constant 0 : i32
    return %c0_i32, %c0_i32_0 : i32, i32
  }
}

module attributes {stable_mosaic.version = 14 : i64} {
  func.func @_estats_body(%arg0: i32, %arg1: memref<640x10xf32, #tpu.memory_space<vmem>>, %arg2: memref<2x10xf32, #tpu.memory_space<vmem>>) attributes {dimension_semantics = [#tpu.dimension_semantics<arbitrary>], iteration_bounds = array<i64: 250>, scalar_prefetch = 0 : i64, scratch_operands = 0 : i64, tpu.core_type = #tpu.core_type<tc>, window_params = [{transform_indices = @transform_0, window_bounds = array<i64: 640, 10>}, {pipeline_mode = #tpu.pipeline_mode<synchronous>, transform_indices = @transform_1, window_bounds = array<i64: 2, 10>}]} {
    %get3A = arith.constant 0 : index
    %get3A_0 = arith.constant 0 : index
    %get3A_1 = vector.load %arg1[%get3A, %get3A_0] : memref<640x10xf32, #tpu.memory_space<vmem>>, vector<640x10xf32>
    %eq3A = arith.constant 0 : i32
    %eq3A_2 = arith.cmpi eq, %arg0, %eq3A : i32
    %convert_element_type3A = arith.extui %eq3A_2 : i1 to i32
    %cond3A = arith.constant 0 : i32
    %cond3A_3 = arith.cmpi ne, %convert_element_type3A, %cond3A : i32
    scf.if %cond3A_3 {
      %broadcast_in_dim3A_20 = arith.constant 0.000000e+00 : f32
      %broadcast_in_dim3A_21 = vector.broadcast %broadcast_in_dim3A_20 : f32 to vector<2x10xf32>
      %swap3A_22 = arith.constant 0 : index
      %swap3A_23 = arith.constant 0 : index
      %swap3A_24 = vector.load %arg2[%swap3A_22, %swap3A_23] : memref<2x10xf32, #tpu.memory_space<vmem>>, vector<2x10xf32>
      tpu.vector_store %arg2[%swap3A_22, %swap3A_23], %broadcast_in_dim3A_21 {strides = array<i32>} : memref<2x10xf32, #tpu.memory_space<vmem>>, vector<2x10xf32>,
    } else {
    }
    %get3A_4 = arith.constant 0 : index
    %get3A_5 = arith.constant 0 : index
    %get3A_6 = vector.load %arg2[%get3A_4, %get3A_5] : memref<2x10xf32, #tpu.memory_space<vmem>>, vector<1x10xf32>
    %reduce_sum3A = arith.constant dense<0.000000e+00> : vector<10xf32>
    %reduce_sum3A_7 = vector.multi_reduction <add>, %get3A_1, %reduce_sum3A [0] : vector<640x10xf32> to vector<10xf32>
    %broadcast_in_dim3A = vector.shape_cast %reduce_sum3A_7 : vector<10xf32> to vector<1x10xf32>
    %add3A = arith.addf %get3A_6, %broadcast_in_dim3A : vector<1x10xf32>
    %swap3A = arith.constant 0 : index
    %swap3A_8 = arith.constant 0 : index
    %swap3A_9 = vector.load %arg2[%swap3A, %swap3A_8] : memref<2x10xf32, #tpu.memory_space<vmem>>, vector<1x10xf32>
    tpu.vector_store %arg2[%swap3A, %swap3A_8], %add3A {strides = array<i32>} : memref<2x10xf32, #tpu.memory_space<vmem>>, vector<1x10xf32>,
    %get3A_10 = arith.constant 1 : index
    %get3A_11 = arith.constant 0 : index
    %get3A_12 = vector.load %arg2[%get3A_10, %get3A_11] : memref<2x10xf32, #tpu.memory_space<vmem>>, vector<1x10xf32>
    %mul3A = arith.mulf %get3A_1, %get3A_1 : vector<640x10xf32>
    %reduce_sum3A_13 = arith.constant dense<0.000000e+00> : vector<10xf32>
    %reduce_sum3A_14 = vector.multi_reduction <add>, %mul3A, %reduce_sum3A_13 [0] : vector<640x10xf32> to vector<10xf32>
    %broadcast_in_dim3A_15 = vector.shape_cast %reduce_sum3A_14 : vector<10xf32> to vector<1x10xf32>
    %add3A_16 = arith.addf %get3A_12, %broadcast_in_dim3A_15 : vector<1x10xf32>
    %swap3A_17 = arith.constant 1 : index
    %swap3A_18 = arith.constant 0 : index
    %swap3A_19 = vector.load %arg2[%swap3A_17, %swap3A_18] : memref<2x10xf32, #tpu.memory_space<vmem>>, vector<1x10xf32>
    tpu.vector_store %arg2[%swap3A_17, %swap3A_18], %add3A_16 {strides = array<i32>} : memref<2x10xf32, #tpu.memory_space<vmem>>, vector<1x10xf32>,
    return
  }
  func.func @transform_0(%arg0: i32) -> (i32, i32) {
    %c0_i32 = arith.constant 0 : i32
    %c0_i32_0 = arith.constant 0 : i32
    return %arg0, %c0_i32 : i32, i32
  }
  func.func @transform_1(%arg0: i32) -> (i32, i32) {
    %c0_i32 = arith.constant 0 : i32
    %c0_i32_0 = arith.constant 0 : i32
    %c0_i32_1 = arith.constant 0 : i32
    return %c0_i32, %c0_i32_0 : i32, i32
  }
}

module attributes {stable_mosaic.version = 14 : i64} {
  func.func @_passA_body(%arg0: i32, %arg1: memref<640x128xf32, #tpu.memory_space<vmem>>, %arg2: memref<640x128xf32, #tpu.memory_space<vmem>>, %arg3: memref<640x10xf32, #tpu.memory_space<vmem>>, %arg4: memref<2x10xf32, #tpu.memory_space<vmem>>, %arg5: memref<1x10xf32, #tpu.memory_space<vmem>>, %arg6: memref<1x10xf32, #tpu.memory_space<vmem>>, %arg7: memref<16x84xf32, #tpu.memory_space<vmem>>, %arg8: memref<16x84xf32, #tpu.memory_space<vmem>>, %arg9: memref<10x84xf32, #tpu.memory_space<vmem>>, %arg10: memref<1x84xf32, #tpu.memory_space<vmem>>, %arg11: memref<640x84xf32, #tpu.memory_space<vmem>>, %arg12: memref<2x84xf32, #tpu.memory_space<vmem>>) attributes {dimension_semantics = [#tpu.dimension_semantics<arbitrary>], iteration_bounds = array<i64: 250>, scalar_prefetch = 0 : i64, scratch_operands = 0 : i64, tpu.core_type = #tpu.core_type<tc>, window_params = [{transform_indices = @transform_0, window_bounds = array<i64: 640, 128>}, {transform_indices = @transform_1, window_bounds = array<i64: 640, 128>}, {transform_indices = @transform_2, window_bounds = array<i64: 640, 10>}, {pipeline_mode = #tpu.pipeline_mode<synchronous>, transform_indices = @transform_3, window_bounds = array<i64: 2, 10>}, {pipeline_mode = #tpu.pipeline_mode<synchronous>, transform_indices = @transform_4, window_bounds = array<i64: 1, 10>}, {pipeline_mode = #tpu.pipeline_mode<synchronous>, transform_indices = @transform_5, window_bounds = array<i64: 1, 10>}, {pipeline_mode = #tpu.pipeline_mode<synchronous>, transform_indices = @transform_6, window_bounds = array<i64: 16, 84>}, {pipeline_mode = #tpu.pipeline_mode<synchronous>, transform_indices = @transform_7, window_bounds = array<i64: 16, 84>}, {pipeline_mode = #tpu.pipeline_mode<synchronous>, transform_indices = @transform_8, window_bounds = array<i64: 10, 84>}, {pipeline_mode = #tpu.pipeline_mode<synchronous>, transform_indices = @transform_9, window_bounds = array<i64: 1, 84>}, {transform_indices = @transform_10, window_bounds = array<i64: 640, 84>}, {pipeline_mode = #tpu.pipeline_mode<synchronous>, transform_indices = @transform_11, window_bounds = array<i64: 2, 84>}]} {
    %get3A = arith.constant 0 : index
    %get3A_0 = arith.constant 0 : index
    %get3A_1 = vector.load %arg4[%get3A, %get3A_0] : memref<2x10xf32, #tpu.memory_space<vmem>>, vector<1x10xf32>
    %div3A = arith.constant 1.600000e+05 : f32
    %div3A_2 = vector.broadcast %div3A : f32 to vector<1x10xf32>
    %div3A_3 = arith.divf %get3A_1, %div3A_2 : vector<1x10xf32>
    %get3A_4 = arith.constant 1 : index
    %get3A_5 = arith.constant 0 : index
    %get3A_6 = vector.load %arg4[%get3A_4, %get3A_5] : memref<2x10xf32, #tpu.memory_space<vmem>>, vector<1x10xf32>
    %div3A_7 = arith.constant 1.600000e+05 : f32
    %div3A_8 = vector.broadcast %div3A_7 : f32 to vector<1x10xf32>
    %div3A_9 = arith.divf %get3A_6, %div3A_8 : vector<1x10xf32>
    %mul3A = arith.mulf %div3A_3, %div3A_3 : vector<1x10xf32>
    %sub3A = arith.subf %div3A_9, %mul3A : vector<1x10xf32>
    %get3A_10 = arith.constant 0 : index
    %get3A_11 = arith.constant 0 : index
    %get3A_12 = vector.load %arg5[%get3A_10, %get3A_11] : memref<1x10xf32, #tpu.memory_space<vmem>>, vector<1x10xf32>
    %add3A = arith.constant 9.99999974E-6 : f32
    %add3A_13 = vector.broadcast %add3A : f32 to vector<1x10xf32>
    %add3A_14 = arith.addf %sub3A, %add3A_13 : vector<1x10xf32>
    %rsqrt3A = math.rsqrt %add3A_14 : vector<1x10xf32>
    %mul3A_15 = arith.mulf %get3A_12, %rsqrt3A : vector<1x10xf32>
    %get3A_16 = arith.constant 0 : index
    %get3A_17 = arith.constant 0 : index
    %get3A_18 = vector.load %arg6[%get3A_16, %get3A_17] : memref<1x10xf32, #tpu.memory_space<vmem>>, vector<1x10xf32>
    %mul3A_19 = arith.mulf %div3A_3, %mul3A_15 : vector<1x10xf32>
    %sub3A_20 = arith.subf %get3A_18, %mul3A_19 : vector<1x10xf32>
    %get3A_21 = arith.constant 0 : index
    %get3A_22 = arith.constant 0 : index
    %get3A_23 = vector.load %arg3[%get3A_21, %get3A_22] : memref<640x10xf32, #tpu.memory_space<vmem>>, vector<640x10xf32>
    %mul3A_24 = vector.broadcast %mul3A_15 : vector<1x10xf32> to vector<640x10xf32>
    %mul3A_25 = arith.mulf %get3A_23, %mul3A_24 : vector<640x10xf32>
    %add3A_26 = vector.broadcast %sub3A_20 : vector<1x10xf32> to vector<640x10xf32>
    %add3A_27 = arith.addf %mul3A_25, %add3A_26 : vector<640x10xf32>
    %get3A_28 = arith.constant 0 : index
    %get3A_29 = arith.constant 0 : index
    %get3A_30 = vector.load %arg1[%get3A_28, %get3A_29] : memref<640x128xf32, #tpu.memory_space<vmem>>, vector<640x16xf32>
    %get3A_31 = arith.constant 0 : index
    %get3A_32 = arith.constant 0 : index
    %get3A_33 = vector.load %arg7[%get3A_31, %get3A_32] : memref<16x84xf32, #tpu.memory_space<vmem>>, vector<16x84xf32>
    %dot_general3A = arith.constant dense<0.000000e+00> : vector<640x84xf32>
    %dot_general3A_34 = tpu.matmul %get3A_30, %get3A_33, %dot_general3A {dimension_numbers = #tpu.dot_dimension_numbers<[1], [0], [0], [1], [0, 0, 1, 1], [], []>, transpose_lhs_hint = false} : vector<640x16xf32>, vector<16x84xf32>, vector<640x84xf32> -> vector<640x84xf32>
    %get3A_35 = arith.constant 0 : index
    %get3A_36 = arith.constant 0 : index
    %get3A_37 = vector.load %arg2[%get3A_35, %get3A_36] : memref<640x128xf32, #tpu.memory_space<vmem>>, vector<640x16xf32>
    %get3A_38 = arith.constant 0 : index
    %get3A_39 = arith.constant 0 : index
    %get3A_40 = vector.load %arg8[%get3A_38, %get3A_39] : memref<16x84xf32, #tpu.memory_space<vmem>>, vector<16x84xf32>
    %dot_general3A_41 = arith.constant dense<0.000000e+00> : vector<640x84xf32>
    %dot_general3A_42 = tpu.matmul %get3A_37, %get3A_40, %dot_general3A_41 {dimension_numbers = #tpu.dot_dimension_numbers<[1], [0], [0], [1], [0, 0, 1, 1], [], []>, transpose_lhs_hint = false} : vector<640x16xf32>, vector<16x84xf32>, vector<640x84xf32> -> vector<640x84xf32>
    %add3A_43 = arith.addf %dot_general3A_34, %dot_general3A_42 : vector<640x84xf32>
    %get3A_44 = arith.constant 0 : index
    %get3A_45 = arith.constant 0 : index
    %get3A_46 = vector.load %arg9[%get3A_44, %get3A_45] : memref<10x84xf32, #tpu.memory_space<vmem>>, vector<10x84xf32>
    %dot_general3A_47 = arith.constant dense<0.000000e+00> : vector<640x84xf32>
    %dot_general3A_48 = tpu.matmul %add3A_27, %get3A_46, %dot_general3A_47 {dimension_numbers = #tpu.dot_dimension_numbers<[1], [0], [0], [1], [0, 0, 1, 1], [], []>, transpose_lhs_hint = false} : vector<640x10xf32>, vector<10x84xf32>, vector<640x84xf32> -> vector<640x84xf32>
    %add3A_49 = arith.addf %add3A_43, %dot_general3A_48 : vector<640x84xf32>
    %get3A_50 = arith.constant 0 : index
    %get3A_51 = arith.constant 0 : index
    %get3A_52 = vector.load %arg10[%get3A_50, %get3A_51] : memref<1x84xf32, #tpu.memory_space<vmem>>, vector<1x84xf32>
    %add3A_53 = vector.broadcast %get3A_52 : vector<1x84xf32> to vector<640x84xf32>
    %add3A_54 = arith.addf %add3A_49, %add3A_53 : vector<640x84xf32>
    %ge3A = arith.constant 0.000000e+00 : f32
    %ge3A_55 = vector.broadcast %ge3A : f32 to vector<640x84xf32>
    %ge3A_56 = arith.cmpf oge, %add3A_54, %ge3A_55 : vector<640x84xf32>
    %mul3A_57 = arith.constant 1.000000e-01 : f32
    %mul3A_58 = vector.broadcast %mul3A_57 : f32 to vector<640x84xf32>
    %mul3A_59 = arith.mulf %mul3A_58, %add3A_54 : vector<640x84xf32>
    %select_n3A = arith.select %ge3A_56, %add3A_54, %mul3A_59 : vector<640x84xi1>, vector<640x84xf32>
    %swap3A = arith.constant 0 : index
    %swap3A_60 = arith.constant 0 : index
    %swap3A_61 = vector.load %arg11[%swap3A, %swap3A_60] : memref<640x84xf32, #tpu.memory_space<vmem>>, vector<640x84xf32>
    tpu.vector_store %arg11[%swap3A, %swap3A_60], %select_n3A {strides = array<i32>} : memref<640x84xf32, #tpu.memory_space<vmem>>, vector<640x84xf32>,
    %eq3A = arith.constant 0 : i32
    %eq3A_62 = arith.cmpi eq, %arg0, %eq3A : i32
    %convert_element_type3A = arith.extui %eq3A_62 : i1 to i32
    %cond3A = arith.constant 0 : i32
    %cond3A_63 = arith.cmpi ne, %convert_element_type3A, %cond3A : i32
    scf.if %cond3A_63 {
      %broadcast_in_dim3A_83 = arith.constant 0.000000e+00 : f32
      %broadcast_in_dim3A_84 = vector.broadcast %broadcast_in_dim3A_83 : f32 to vector<2x84xf32>
      %swap3A_85 = arith.constant 0 : index
      %swap3A_86 = arith.constant 0 : index
      %swap3A_87 = vector.load %arg12[%swap3A_85, %swap3A_86] : memref<2x84xf32, #tpu.memory_space<vmem>>, vector<2x84xf32>
      tpu.vector_store %arg12[%swap3A_85, %swap3A_86], %broadcast_in_dim3A_84 {strides = array<i32>} : memref<2x84xf32, #tpu.memory_space<vmem>>, vector<2x84xf32>,
    } else {
    }
    %get3A_64 = arith.constant 0 : index
    %get3A_65 = arith.constant 0 : index
    %get3A_66 = vector.load %arg12[%get3A_64, %get3A_65] : memref<2x84xf32, #tpu.memory_space<vmem>>, vector<1x84xf32>
    %reduce_sum3A = arith.constant dense<0.000000e+00> : vector<84xf32>
    %reduce_sum3A_67 = vector.multi_reduction <add>, %select_n3A, %reduce_sum3A [0] : vector<640x84xf32> to vector<84xf32>
    %broadcast_in_dim3A = vector.shape_cast %reduce_sum3A_67 : vector<84xf32> to vector<1x84xf32>
    %add3A_68 = arith.addf %get3A_66, %broadcast_in_dim3A : vector<1x84xf32>
    %swap3A_69 = arith.constant 0 : index
    %swap3A_70 = arith.constant 0 : index
    %swap3A_71 = vector.load %arg12[%swap3A_69, %swap3A_70] : memref<2x84xf32, #tpu.memory_space<vmem>>, vector<1x84xf32>
    tpu.vector_store %arg12[%swap3A_69, %swap3A_70], %add3A_68 {strides = array<i32>} : memref<2x84xf32, #tpu.memory_space<vmem>>, vector<1x84xf32>,
    %get3A_72 = arith.constant 1 : index
    %get3A_73 = arith.constant 0 : index
    %get3A_74 = vector.load %arg12[%get3A_72, %get3A_73] : memref<2x84xf32, #tpu.memory_space<vmem>>, vector<1x84xf32>
    %mul3A_75 = arith.mulf %select_n3A, %select_n3A : vector<640x84xf32>
    %reduce_sum3A_76 = arith.constant dense<0.000000e+00> : vector<84xf32>
    %reduce_sum3A_77 = vector.multi_reduction <add>, %mul3A_75, %reduce_sum3A_76 [0] : vector<640x84xf32> to vector<84xf32>
    %broadcast_in_dim3A_78 = vector.shape_cast %reduce_sum3A_77 : vector<84xf32> to vector<1x84xf32>
    %add3A_79 = arith.addf %get3A_74, %broadcast_in_dim3A_78 : vector<1x84xf32>
    %swap3A_80 = arith.constant 1 : index
    %swap3A_81 = arith.constant 0 : index
    %swap3A_82 = vector.load %arg12[%swap3A_80, %swap3A_81] : memref<2x84xf32, #tpu.memory_space<vmem>>, vector<1x84xf32>
    tpu.vector_store %arg12[%swap3A_80, %swap3A_81], %add3A_79 {strides = array<i32>} : memref<2x84xf32, #tpu.memory_space<vmem>>, vector<1x84xf32>,
    return
  }
  func.func @transform_0(%arg0: i32) -> (i32, i32) {
    %c0_i32 = arith.constant 0 : i32
    %c0_i32_0 = arith.constant 0 : i32
    return %arg0, %c0_i32 : i32, i32
  }
  func.func @transform_1(%arg0: i32) -> (i32, i32) {
    %c0_i32 = arith.constant 0 : i32
    %c0_i32_0 = arith.constant 0 : i32
    return %arg0, %c0_i32 : i32, i32
  }
  func.func @transform_2(%arg0: i32) -> (i32, i32) {
    %c0_i32 = arith.constant 0 : i32
    %c0_i32_0 = arith.constant 0 : i32
    return %arg0, %c0_i32 : i32, i32
  }
  func.func @transform_3(%arg0: i32) -> (i32, i32) {
    %c0_i32 = arith.constant 0 : i32
    %c0_i32_0 = arith.constant 0 : i32
    %c0_i32_1 = arith.constant 0 : i32
    return %c0_i32, %c0_i32_0 : i32, i32
  }
  func.func @transform_4(%arg0: i32) -> (i32, i32) {
    %c0_i32 = arith.constant 0 : i32
    %c0_i32_0 = arith.constant 0 : i32
    %c0_i32_1 = arith.constant 0 : i32
    return %c0_i32, %c0_i32_0 : i32, i32
  }
  func.func @transform_5(%arg0: i32) -> (i32, i32) {
    %c0_i32 = arith.constant 0 : i32
    %c0_i32_0 = arith.constant 0 : i32
    %c0_i32_1 = arith.constant 0 : i32
    return %c0_i32, %c0_i32_0 : i32, i32
  }
  func.func @transform_6(%arg0: i32) -> (i32, i32) {
    %c0_i32 = arith.constant 0 : i32
    %c0_i32_0 = arith.constant 0 : i32
    %c0_i32_1 = arith.constant 0 : i32
    return %c0_i32, %c0_i32_0 : i32, i32
  }
  func.func @transform_7(%arg0: i32) -> (i32, i32) {
    %c0_i32 = arith.constant 0 : i32
    %c0_i32_0 = arith.constant 0 : i32
    %c0_i32_1 = arith.constant 0 : i32
    return %c0_i32, %c0_i32_0 : i32, i32
  }
  func.func @transform_8(%arg0: i32) -> (i32, i32) {
    %c0_i32 = arith.constant 0 : i32
    %c0_i32_0 = arith.constant 0 : i32
    %c0_i32_1 = arith.constant 0 : i32
    return %c0_i32, %c0_i32_0 : i32, i32
  }
  func.func @transform_9(%arg0: i32) -> (i32, i32) {
    %c0_i32 = arith.constant 0 : i32
    %c0_i32_0 = arith.constant 0 : i32
    %c0_i32_1 = arith.constant 0 : i32
    return %c0_i32, %c0_i32_0 : i32, i32
  }
  func.func @transform_10(%arg0: i32) -> (i32, i32) {
    %c0_i32 = arith.constant 0 : i32
    %c0_i32_0 = arith.constant 0 : i32
    return %arg0, %c0_i32 : i32, i32
  }
  func.func @transform_11(%arg0: i32) -> (i32, i32) {
    %c0_i32 = arith.constant 0 : i32
    %c0_i32_0 = arith.constant 0 : i32
    %c0_i32_1 = arith.constant 0 : i32
    return %c0_i32, %c0_i32_0 : i32, i32
  }
}

module attributes {stable_mosaic.version = 14 : i64} {
  func.func @_passB_body(%arg0: i32, %arg1: memref<640x84xf32, #tpu.memory_space<vmem>>, %arg2: memref<640x10xf32, #tpu.memory_space<vmem>>, %arg3: memref<2x10xf32, #tpu.memory_space<vmem>>, %arg4: memref<1x10xf32, #tpu.memory_space<vmem>>, %arg5: memref<1x10xf32, #tpu.memory_space<vmem>>, %arg6: memref<2x84xf32, #tpu.memory_space<vmem>>, %arg7: memref<1x84xf32, #tpu.memory_space<vmem>>, %arg8: memref<1x84xf32, #tpu.memory_space<vmem>>, %arg9: memref<84x32xf32, #tpu.memory_space<vmem>>, %arg10: memref<1x32xf32, #tpu.memory_space<vmem>>, %arg11: memref<10x32xf32, #tpu.memory_space<vmem>>, %arg12: memref<1x32xf32, #tpu.memory_space<vmem>>, %arg13: memref<640x32xf32, #tpu.memory_space<vmem>>, %arg14: memref<2x32xf32, #tpu.memory_space<vmem>>) attributes {dimension_semantics = [#tpu.dimension_semantics<arbitrary>], iteration_bounds = array<i64: 250>, scalar_prefetch = 0 : i64, scratch_operands = 0 : i64, tpu.core_type = #tpu.core_type<tc>, window_params = [{transform_indices = @transform_0, window_bounds = array<i64: 640, 84>}, {transform_indices = @transform_1, window_bounds = array<i64: 640, 10>}, {pipeline_mode = #tpu.pipeline_mode<synchronous>, transform_indices = @transform_2, window_bounds = array<i64: 2, 10>}, {pipeline_mode = #tpu.pipeline_mode<synchronous>, transform_indices = @transform_3, window_bounds = array<i64: 1, 10>}, {pipeline_mode = #tpu.pipeline_mode<synchronous>, transform_indices = @transform_4, window_bounds = array<i64: 1, 10>}, {pipeline_mode = #tpu.pipeline_mode<synchronous>, transform_indices = @transform_5, window_bounds = array<i64: 2, 84>}, {pipeline_mode = #tpu.pipeline_mode<synchronous>, transform_indices = @transform_6, window_bounds = array<i64: 1, 84>}, {pipeline_mode = #tpu.pipeline_mode<synchronous>, transform_indices = @transform_7, window_bounds = array<i64: 1, 84>}, {pipeline_mode = #tpu.pipeline_mode<synchronous>, transform_indices = @transform_8, window_bounds = array<i64: 84, 32>}, {pipeline_mode = #tpu.pipeline_mode<synchronous>, transform_indices = @transform_9, window_bounds = array<i64: 1, 32>}, {pipeline_mode = #tpu.pipeline_mode<synchronous>, transform_indices = @transform_10, window_bounds = array<i64: 10, 32>}, {pipeline_mode = #tpu.pipeline_mode<synchronous>, transform_indices = @transform_11, window_bounds = array<i64: 1, 32>}, {transform_indices = @transform_12, window_bounds = array<i64: 640, 32>}, {pipeline_mode = #tpu.pipeline_mode<synchronous>, transform_indices = @transform_13, window_bounds = array<i64: 2, 32>}]} {
    %get3A = arith.constant 0 : index
    %get3A_0 = arith.constant 0 : index
    %get3A_1 = vector.load %arg3[%get3A, %get3A_0] : memref<2x10xf32, #tpu.memory_space<vmem>>, vector<1x10xf32>
    %div3A = arith.constant 1.600000e+05 : f32
    %div3A_2 = vector.broadcast %div3A : f32 to vector<1x10xf32>
    %div3A_3 = arith.divf %get3A_1, %div3A_2 : vector<1x10xf32>
    %get3A_4 = arith.constant 1 : index
    %get3A_5 = arith.constant 0 : index
    %get3A_6 = vector.load %arg3[%get3A_4, %get3A_5] : memref<2x10xf32, #tpu.memory_space<vmem>>, vector<1x10xf32>
    %div3A_7 = arith.constant 1.600000e+05 : f32
    %div3A_8 = vector.broadcast %div3A_7 : f32 to vector<1x10xf32>
    %div3A_9 = arith.divf %get3A_6, %div3A_8 : vector<1x10xf32>
    %mul3A = arith.mulf %div3A_3, %div3A_3 : vector<1x10xf32>
    %sub3A = arith.subf %div3A_9, %mul3A : vector<1x10xf32>
    %get3A_10 = arith.constant 0 : index
    %get3A_11 = arith.constant 0 : index
    %get3A_12 = vector.load %arg4[%get3A_10, %get3A_11] : memref<1x10xf32, #tpu.memory_space<vmem>>, vector<1x10xf32>
    %add3A = arith.constant 9.99999974E-6 : f32
    %add3A_13 = vector.broadcast %add3A : f32 to vector<1x10xf32>
    %add3A_14 = arith.addf %sub3A, %add3A_13 : vector<1x10xf32>
    %rsqrt3A = math.rsqrt %add3A_14 : vector<1x10xf32>
    %mul3A_15 = arith.mulf %get3A_12, %rsqrt3A : vector<1x10xf32>
    %get3A_16 = arith.constant 0 : index
    %get3A_17 = arith.constant 0 : index
    %get3A_18 = vector.load %arg5[%get3A_16, %get3A_17] : memref<1x10xf32, #tpu.memory_space<vmem>>, vector<1x10xf32>
    %mul3A_19 = arith.mulf %div3A_3, %mul3A_15 : vector<1x10xf32>
    %sub3A_20 = arith.subf %get3A_18, %mul3A_19 : vector<1x10xf32>
    %get3A_21 = arith.constant 0 : index
    %get3A_22 = arith.constant 0 : index
    %get3A_23 = vector.load %arg2[%get3A_21, %get3A_22] : memref<640x10xf32, #tpu.memory_space<vmem>>, vector<640x10xf32>
    %mul3A_24 = vector.broadcast %mul3A_15 : vector<1x10xf32> to vector<640x10xf32>
    %mul3A_25 = arith.mulf %get3A_23, %mul3A_24 : vector<640x10xf32>
    %add3A_26 = vector.broadcast %sub3A_20 : vector<1x10xf32> to vector<640x10xf32>
    %add3A_27 = arith.addf %mul3A_25, %add3A_26 : vector<640x10xf32>
    %get3A_28 = arith.constant 0 : index
    %get3A_29 = arith.constant 0 : index
    %get3A_30 = vector.load %arg6[%get3A_28, %get3A_29] : memref<2x84xf32, #tpu.memory_space<vmem>>, vector<1x84xf32>
    %div3A_31 = arith.constant 1.600000e+05 : f32
    %div3A_32 = vector.broadcast %div3A_31 : f32 to vector<1x84xf32>
    %div3A_33 = arith.divf %get3A_30, %div3A_32 : vector<1x84xf32>
    %get3A_34 = arith.constant 1 : index
    %get3A_35 = arith.constant 0 : index
    %get3A_36 = vector.load %arg6[%get3A_34, %get3A_35] : memref<2x84xf32, #tpu.memory_space<vmem>>, vector<1x84xf32>
    %div3A_37 = arith.constant 1.600000e+05 : f32
    %div3A_38 = vector.broadcast %div3A_37 : f32 to vector<1x84xf32>
    %div3A_39 = arith.divf %get3A_36, %div3A_38 : vector<1x84xf32>
    %mul3A_40 = arith.mulf %div3A_33, %div3A_33 : vector<1x84xf32>
    %sub3A_41 = arith.subf %div3A_39, %mul3A_40 : vector<1x84xf32>
    %get3A_42 = arith.constant 0 : index
    %get3A_43 = arith.constant 0 : index
    %get3A_44 = vector.load %arg7[%get3A_42, %get3A_43] : memref<1x84xf32, #tpu.memory_space<vmem>>, vector<1x84xf32>
    %add3A_45 = arith.constant 9.99999974E-6 : f32
    %add3A_46 = vector.broadcast %add3A_45 : f32 to vector<1x84xf32>
    %add3A_47 = arith.addf %sub3A_41, %add3A_46 : vector<1x84xf32>
    %rsqrt3A_48 = math.rsqrt %add3A_47 : vector<1x84xf32>
    %mul3A_49 = arith.mulf %get3A_44, %rsqrt3A_48 : vector<1x84xf32>
    %get3A_50 = arith.constant 0 : index
    %get3A_51 = arith.constant 0 : index
    %get3A_52 = vector.load %arg8[%get3A_50, %get3A_51] : memref<1x84xf32, #tpu.memory_space<vmem>>, vector<1x84xf32>
    %mul3A_53 = arith.mulf %div3A_33, %mul3A_49 : vector<1x84xf32>
    %sub3A_54 = arith.subf %get3A_52, %mul3A_53 : vector<1x84xf32>
    %get3A_55 = arith.constant 0 : index
    %get3A_56 = arith.constant 0 : index
    %get3A_57 = vector.load %arg1[%get3A_55, %get3A_56] : memref<640x84xf32, #tpu.memory_space<vmem>>, vector<640x84xf32>
    %mul3A_58 = vector.broadcast %mul3A_49 : vector<1x84xf32> to vector<640x84xf32>
    %mul3A_59 = arith.mulf %get3A_57, %mul3A_58 : vector<640x84xf32>
    %add3A_60 = vector.broadcast %sub3A_54 : vector<1x84xf32> to vector<640x84xf32>
    %add3A_61 = arith.addf %mul3A_59, %add3A_60 : vector<640x84xf32>
    %get3A_62 = arith.constant 0 : index
    %get3A_63 = arith.constant 0 : index
    %get3A_64 = vector.load %arg9[%get3A_62, %get3A_63] : memref<84x32xf32, #tpu.memory_space<vmem>>, vector<84x32xf32>
    %dot_general3A = arith.constant dense<0.000000e+00> : vector<640x32xf32>
    %dot_general3A_65 = tpu.matmul %add3A_61, %get3A_64, %dot_general3A {dimension_numbers = #tpu.dot_dimension_numbers<[1], [0], [0], [1], [0, 0, 1, 1], [], []>, transpose_lhs_hint = false} : vector<640x84xf32>, vector<84x32xf32>, vector<640x32xf32> -> vector<640x32xf32>
    %get3A_66 = arith.constant 0 : index
    %get3A_67 = arith.constant 0 : index
    %get3A_68 = vector.load %arg10[%get3A_66, %get3A_67] : memref<1x32xf32, #tpu.memory_space<vmem>>, vector<1x32xf32>
    %add3A_69 = vector.broadcast %get3A_68 : vector<1x32xf32> to vector<640x32xf32>
    %add3A_70 = arith.addf %dot_general3A_65, %add3A_69 : vector<640x32xf32>
    %ge3A = arith.constant 0.000000e+00 : f32
    %ge3A_71 = vector.broadcast %ge3A : f32 to vector<640x32xf32>
    %ge3A_72 = arith.cmpf oge, %add3A_70, %ge3A_71 : vector<640x32xf32>
    %mul3A_73 = arith.constant 1.000000e-01 : f32
    %mul3A_74 = vector.broadcast %mul3A_73 : f32 to vector<640x32xf32>
    %mul3A_75 = arith.mulf %mul3A_74, %add3A_70 : vector<640x32xf32>
    %select_n3A = arith.select %ge3A_72, %add3A_70, %mul3A_75 : vector<640x32xi1>, vector<640x32xf32>
    %get3A_76 = arith.constant 0 : index
    %get3A_77 = arith.constant 0 : index
    %get3A_78 = vector.load %arg11[%get3A_76, %get3A_77] : memref<10x32xf32, #tpu.memory_space<vmem>>, vector<10x32xf32>
    %dot_general3A_79 = arith.constant dense<0.000000e+00> : vector<640x32xf32>
    %dot_general3A_80 = tpu.matmul %add3A_27, %get3A_78, %dot_general3A_79 {dimension_numbers = #tpu.dot_dimension_numbers<[1], [0], [0], [1], [0, 0, 1, 1], [], []>, transpose_lhs_hint = false} : vector<640x10xf32>, vector<10x32xf32>, vector<640x32xf32> -> vector<640x32xf32>
    %add3A_81 = arith.addf %select_n3A, %dot_general3A_80 : vector<640x32xf32>
    %get3A_82 = arith.constant 0 : index
    %get3A_83 = arith.constant 0 : index
    %get3A_84 = vector.load %arg12[%get3A_82, %get3A_83] : memref<1x32xf32, #tpu.memory_space<vmem>>, vector<1x32xf32>
    %add3A_85 = vector.broadcast %get3A_84 : vector<1x32xf32> to vector<640x32xf32>
    %add3A_86 = arith.addf %add3A_81, %add3A_85 : vector<640x32xf32>
    %swap3A = arith.constant 0 : index
    %swap3A_87 = arith.constant 0 : index
    %swap3A_88 = vector.load %arg13[%swap3A, %swap3A_87] : memref<640x32xf32, #tpu.memory_space<vmem>>, vector<640x32xf32>
    tpu.vector_store %arg13[%swap3A, %swap3A_87], %add3A_86 {strides = array<i32>} : memref<640x32xf32, #tpu.memory_space<vmem>>, vector<640x32xf32>,
    %eq3A = arith.constant 0 : i32
    %eq3A_89 = arith.cmpi eq, %arg0, %eq3A : i32
    %convert_element_type3A = arith.extui %eq3A_89 : i1 to i32
    %cond3A = arith.constant 0 : i32
    %cond3A_90 = arith.cmpi ne, %convert_element_type3A, %cond3A : i32
    scf.if %cond3A_90 {
      %broadcast_in_dim3A_110 = arith.constant 0.000000e+00 : f32
      %broadcast_in_dim3A_111 = vector.broadcast %broadcast_in_dim3A_110 : f32 to vector<2x32xf32>
      %swap3A_112 = arith.constant 0 : index
      %swap3A_113 = arith.constant 0 : index
      %swap3A_114 = vector.load %arg14[%swap3A_112, %swap3A_113] : memref<2x32xf32, #tpu.memory_space<vmem>>, vector<2x32xf32>
      tpu.vector_store %arg14[%swap3A_112, %swap3A_113], %broadcast_in_dim3A_111 {strides = array<i32>} : memref<2x32xf32, #tpu.memory_space<vmem>>, vector<2x32xf32>,
    } else {
    }
    %get3A_91 = arith.constant 0 : index
    %get3A_92 = arith.constant 0 : index
    %get3A_93 = vector.load %arg14[%get3A_91, %get3A_92] : memref<2x32xf32, #tpu.memory_space<vmem>>, vector<1x32xf32>
    %reduce_sum3A = arith.constant dense<0.000000e+00> : vector<32xf32>
    %reduce_sum3A_94 = vector.multi_reduction <add>, %add3A_86, %reduce_sum3A [0] : vector<640x32xf32> to vector<32xf32>
    %broadcast_in_dim3A = vector.shape_cast %reduce_sum3A_94 : vector<32xf32> to vector<1x32xf32>
    %add3A_95 = arith.addf %get3A_93, %broadcast_in_dim3A : vector<1x32xf32>
    %swap3A_96 = arith.constant 0 : index
    %swap3A_97 = arith.constant 0 : index
    %swap3A_98 = vector.load %arg14[%swap3A_96, %swap3A_97] : memref<2x32xf32, #tpu.memory_space<vmem>>, vector<1x32xf32>
    tpu.vector_store %arg14[%swap3A_96, %swap3A_97], %add3A_95 {strides = array<i32>} : memref<2x32xf32, #tpu.memory_space<vmem>>, vector<1x32xf32>,
    %get3A_99 = arith.constant 1 : index
    %get3A_100 = arith.constant 0 : index
    %get3A_101 = vector.load %arg14[%get3A_99, %get3A_100] : memref<2x32xf32, #tpu.memory_space<vmem>>, vector<1x32xf32>
    %mul3A_102 = arith.mulf %add3A_86, %add3A_86 : vector<640x32xf32>
    %reduce_sum3A_103 = arith.constant dense<0.000000e+00> : vector<32xf32>
    %reduce_sum3A_104 = vector.multi_reduction <add>, %mul3A_102, %reduce_sum3A_103 [0] : vector<640x32xf32> to vector<32xf32>
    %broadcast_in_dim3A_105 = vector.shape_cast %reduce_sum3A_104 : vector<32xf32> to vector<1x32xf32>
    %add3A_106 = arith.addf %get3A_101, %broadcast_in_dim3A_105 : vector<1x32xf32>
    %swap3A_107 = arith.constant 1 : index
    %swap3A_108 = arith.constant 0 : index
    %swap3A_109 = vector.load %arg14[%swap3A_107, %swap3A_108] : memref<2x32xf32, #tpu.memory_space<vmem>>, vector<1x32xf32>
    tpu.vector_store %arg14[%swap3A_107, %swap3A_108], %add3A_106 {strides = array<i32>} : memref<2x32xf32, #tpu.memory_space<vmem>>, vector<1x32xf32>,
    return
  }
  func.func @transform_0(%arg0: i32) -> (i32, i32) {
    %c0_i32 = arith.constant 0 : i32
    %c0_i32_0 = arith.constant 0 : i32
    return %arg0, %c0_i32 : i32, i32
  }
  func.func @transform_1(%arg0: i32) -> (i32, i32) {
    %c0_i32 = arith.constant 0 : i32
    %c0_i32_0 = arith.constant 0 : i32
    return %arg0, %c0_i32 : i32, i32
  }
  func.func @transform_2(%arg0: i32) -> (i32, i32) {
    %c0_i32 = arith.constant 0 : i32
    %c0_i32_0 = arith.constant 0 : i32
    %c0_i32_1 = arith.constant 0 : i32
    return %c0_i32, %c0_i32_0 : i32, i32
  }
  func.func @transform_3(%arg0: i32) -> (i32, i32) {
    %c0_i32 = arith.constant 0 : i32
    %c0_i32_0 = arith.constant 0 : i32
    %c0_i32_1 = arith.constant 0 : i32
    return %c0_i32, %c0_i32_0 : i32, i32
  }
  func.func @transform_4(%arg0: i32) -> (i32, i32) {
    %c0_i32 = arith.constant 0 : i32
    %c0_i32_0 = arith.constant 0 : i32
    %c0_i32_1 = arith.constant 0 : i32
    return %c0_i32, %c0_i32_0 : i32, i32
  }
  func.func @transform_5(%arg0: i32) -> (i32, i32) {
    %c0_i32 = arith.constant 0 : i32
    %c0_i32_0 = arith.constant 0 : i32
    %c0_i32_1 = arith.constant 0 : i32
    return %c0_i32, %c0_i32_0 : i32, i32
  }
  func.func @transform_6(%arg0: i32) -> (i32, i32) {
    %c0_i32 = arith.constant 0 : i32
    %c0_i32_0 = arith.constant 0 : i32
    %c0_i32_1 = arith.constant 0 : i32
    return %c0_i32, %c0_i32_0 : i32, i32
  }
  func.func @transform_7(%arg0: i32) -> (i32, i32) {
    %c0_i32 = arith.constant 0 : i32
    %c0_i32_0 = arith.constant 0 : i32
    %c0_i32_1 = arith.constant 0 : i32
    return %c0_i32, %c0_i32_0 : i32, i32
  }
  func.func @transform_8(%arg0: i32) -> (i32, i32) {
    %c0_i32 = arith.constant 0 : i32
    %c0_i32_0 = arith.constant 0 : i32
    %c0_i32_1 = arith.constant 0 : i32
    return %c0_i32, %c0_i32_0 : i32, i32
  }
  func.func @transform_9(%arg0: i32) -> (i32, i32) {
    %c0_i32 = arith.constant 0 : i32
    %c0_i32_0 = arith.constant 0 : i32
    %c0_i32_1 = arith.constant 0 : i32
    return %c0_i32, %c0_i32_0 : i32, i32
  }
  func.func @transform_10(%arg0: i32) -> (i32, i32) {
    %c0_i32 = arith.constant 0 : i32
    %c0_i32_0 = arith.constant 0 : i32
    %c0_i32_1 = arith.constant 0 : i32
    return %c0_i32, %c0_i32_0 : i32, i32
  }
  func.func @transform_11(%arg0: i32) -> (i32, i32) {
    %c0_i32 = arith.constant 0 : i32
    %c0_i32_0 = arith.constant 0 : i32
    %c0_i32_1 = arith.constant 0 : i32
    return %c0_i32, %c0_i32_0 : i32, i32
  }
  func.func @transform_12(%arg0: i32) -> (i32, i32) {
    %c0_i32 = arith.constant 0 : i32
    %c0_i32_0 = arith.constant 0 : i32
    return %arg0, %c0_i32 : i32, i32
  }
  func.func @transform_13(%arg0: i32) -> (i32, i32) {
    %c0_i32 = arith.constant 0 : i32
    %c0_i32_0 = arith.constant 0 : i32
    %c0_i32_1 = arith.constant 0 : i32
    return %c0_i32, %c0_i32_0 : i32, i32
  }
}

module attributes {stable_mosaic.version = 14 : i64} {
  func.func @_passC_body(%arg0: i32, %arg1: memref<640x32xf32, #tpu.memory_space<vmem>>, %arg2: memref<2x32xf32, #tpu.memory_space<vmem>>, %arg3: memref<1x32xf32, #tpu.memory_space<vmem>>, %arg4: memref<1x32xf32, #tpu.memory_space<vmem>>, %arg5: memref<32x64xf32, #tpu.memory_space<vmem>>, %arg6: memref<1x64xf32, #tpu.memory_space<vmem>>, %arg7: memref<2x64xf32, #tpu.memory_space<vmem>>) attributes {dimension_semantics = [#tpu.dimension_semantics<arbitrary>], iteration_bounds = array<i64: 250>, scalar_prefetch = 0 : i64, scratch_operands = 0 : i64, tpu.core_type = #tpu.core_type<tc>, window_params = [{transform_indices = @transform_0, window_bounds = array<i64: 640, 32>}, {pipeline_mode = #tpu.pipeline_mode<synchronous>, transform_indices = @transform_1, window_bounds = array<i64: 2, 32>}, {pipeline_mode = #tpu.pipeline_mode<synchronous>, transform_indices = @transform_2, window_bounds = array<i64: 1, 32>}, {pipeline_mode = #tpu.pipeline_mode<synchronous>, transform_indices = @transform_3, window_bounds = array<i64: 1, 32>}, {pipeline_mode = #tpu.pipeline_mode<synchronous>, transform_indices = @transform_4, window_bounds = array<i64: 32, 64>}, {pipeline_mode = #tpu.pipeline_mode<synchronous>, transform_indices = @transform_5, window_bounds = array<i64: 1, 64>}, {pipeline_mode = #tpu.pipeline_mode<synchronous>, transform_indices = @transform_6, window_bounds = array<i64: 2, 64>}]} {
    %get3A = arith.constant 0 : index
    %get3A_0 = arith.constant 0 : index
    %get3A_1 = vector.load %arg2[%get3A, %get3A_0] : memref<2x32xf32, #tpu.memory_space<vmem>>, vector<1x32xf32>
    %div3A = arith.constant 1.600000e+05 : f32
    %div3A_2 = vector.broadcast %div3A : f32 to vector<1x32xf32>
    %div3A_3 = arith.divf %get3A_1, %div3A_2 : vector<1x32xf32>
    %get3A_4 = arith.constant 1 : index
    %get3A_5 = arith.constant 0 : index
    %get3A_6 = vector.load %arg2[%get3A_4, %get3A_5] : memref<2x32xf32, #tpu.memory_space<vmem>>, vector<1x32xf32>
    %div3A_7 = arith.constant 1.600000e+05 : f32
    %div3A_8 = vector.broadcast %div3A_7 : f32 to vector<1x32xf32>
    %div3A_9 = arith.divf %get3A_6, %div3A_8 : vector<1x32xf32>
    %mul3A = arith.mulf %div3A_3, %div3A_3 : vector<1x32xf32>
    %sub3A = arith.subf %div3A_9, %mul3A : vector<1x32xf32>
    %get3A_10 = arith.constant 0 : index
    %get3A_11 = arith.constant 0 : index
    %get3A_12 = vector.load %arg3[%get3A_10, %get3A_11] : memref<1x32xf32, #tpu.memory_space<vmem>>, vector<1x32xf32>
    %add3A = arith.constant 9.99999974E-6 : f32
    %add3A_13 = vector.broadcast %add3A : f32 to vector<1x32xf32>
    %add3A_14 = arith.addf %sub3A, %add3A_13 : vector<1x32xf32>
    %rsqrt3A = math.rsqrt %add3A_14 : vector<1x32xf32>
    %mul3A_15 = arith.mulf %get3A_12, %rsqrt3A : vector<1x32xf32>
    %get3A_16 = arith.constant 0 : index
    %get3A_17 = arith.constant 0 : index
    %get3A_18 = vector.load %arg4[%get3A_16, %get3A_17] : memref<1x32xf32, #tpu.memory_space<vmem>>, vector<1x32xf32>
    %mul3A_19 = arith.mulf %div3A_3, %mul3A_15 : vector<1x32xf32>
    %sub3A_20 = arith.subf %get3A_18, %mul3A_19 : vector<1x32xf32>
    %get3A_21 = arith.constant 0 : index
    %get3A_22 = arith.constant 0 : index
    %get3A_23 = vector.load %arg1[%get3A_21, %get3A_22] : memref<640x32xf32, #tpu.memory_space<vmem>>, vector<640x32xf32>
    %mul3A_24 = vector.broadcast %mul3A_15 : vector<1x32xf32> to vector<640x32xf32>
    %mul3A_25 = arith.mulf %get3A_23, %mul3A_24 : vector<640x32xf32>
    %add3A_26 = vector.broadcast %sub3A_20 : vector<1x32xf32> to vector<640x32xf32>
    %add3A_27 = arith.addf %mul3A_25, %add3A_26 : vector<640x32xf32>
    %get3A_28 = arith.constant 0 : index
    %get3A_29 = arith.constant 0 : index
    %get3A_30 = vector.load %arg5[%get3A_28, %get3A_29] : memref<32x64xf32, #tpu.memory_space<vmem>>, vector<32x64xf32>
    %dot_general3A = arith.constant dense<0.000000e+00> : vector<640x64xf32>
    %dot_general3A_31 = tpu.matmul %add3A_27, %get3A_30, %dot_general3A {dimension_numbers = #tpu.dot_dimension_numbers<[1], [0], [0], [1], [0, 0, 1, 1], [], []>, transpose_lhs_hint = false} : vector<640x32xf32>, vector<32x64xf32>, vector<640x64xf32> -> vector<640x64xf32>
    %get3A_32 = arith.constant 0 : index
    %get3A_33 = arith.constant 0 : index
    %get3A_34 = vector.load %arg6[%get3A_32, %get3A_33] : memref<1x64xf32, #tpu.memory_space<vmem>>, vector<1x64xf32>
    %add3A_35 = vector.broadcast %get3A_34 : vector<1x64xf32> to vector<640x64xf32>
    %add3A_36 = arith.addf %dot_general3A_31, %add3A_35 : vector<640x64xf32>
    %ge3A = arith.constant 0.000000e+00 : f32
    %ge3A_37 = vector.broadcast %ge3A : f32 to vector<640x64xf32>
    %ge3A_38 = arith.cmpf oge, %add3A_36, %ge3A_37 : vector<640x64xf32>
    %mul3A_39 = arith.constant 1.000000e-01 : f32
    %mul3A_40 = vector.broadcast %mul3A_39 : f32 to vector<640x64xf32>
    %mul3A_41 = arith.mulf %mul3A_40, %add3A_36 : vector<640x64xf32>
    %select_n3A = arith.select %ge3A_38, %add3A_36, %mul3A_41 : vector<640x64xi1>, vector<640x64xf32>
    %eq3A = arith.constant 0 : i32
    %eq3A_42 = arith.cmpi eq, %arg0, %eq3A : i32
    %convert_element_type3A = arith.extui %eq3A_42 : i1 to i32
    %cond3A = arith.constant 0 : i32
    %cond3A_43 = arith.cmpi ne, %convert_element_type3A, %cond3A : i32
    scf.if %cond3A_43 {
      %broadcast_in_dim3A_62 = arith.constant 0.000000e+00 : f32
      %broadcast_in_dim3A_63 = vector.broadcast %broadcast_in_dim3A_62 : f32 to vector<2x64xf32>
      %swap3A_64 = arith.constant 0 : index
      %swap3A_65 = arith.constant 0 : index
      %swap3A_66 = vector.load %arg7[%swap3A_64, %swap3A_65] : memref<2x64xf32, #tpu.memory_space<vmem>>, vector<2x64xf32>
      tpu.vector_store %arg7[%swap3A_64, %swap3A_65], %broadcast_in_dim3A_63 {strides = array<i32>} : memref<2x64xf32, #tpu.memory_space<vmem>>, vector<2x64xf32>,
    } else {
    }
    %get3A_44 = arith.constant 0 : index
    %get3A_45 = arith.constant 0 : index
    %get3A_46 = vector.load %arg7[%get3A_44, %get3A_45] : memref<2x64xf32, #tpu.memory_space<vmem>>, vector<1x64xf32>
    %reduce_sum3A = arith.constant dense<0.000000e+00> : vector<64xf32>
    %reduce_sum3A_47 = vector.multi_reduction <add>, %select_n3A, %reduce_sum3A [0] : vector<640x64xf32> to vector<64xf32>
    %broadcast_in_dim3A = vector.shape_cast %reduce_sum3A_47 : vector<64xf32> to vector<1x64xf32>
    %add3A_48 = arith.addf %get3A_46, %broadcast_in_dim3A : vector<1x64xf32>
    %swap3A = arith.constant 0 : index
    %swap3A_49 = arith.constant 0 : index
    %swap3A_50 = vector.load %arg7[%swap3A, %swap3A_49] : memref<2x64xf32, #tpu.memory_space<vmem>>, vector<1x64xf32>
    tpu.vector_store %arg7[%swap3A, %swap3A_49], %add3A_48 {strides = array<i32>} : memref<2x64xf32, #tpu.memory_space<vmem>>, vector<1x64xf32>,
    %get3A_51 = arith.constant 1 : index
    %get3A_52 = arith.constant 0 : index
    %get3A_53 = vector.load %arg7[%get3A_51, %get3A_52] : memref<2x64xf32, #tpu.memory_space<vmem>>, vector<1x64xf32>
    %mul3A_54 = arith.mulf %select_n3A, %select_n3A : vector<640x64xf32>
    %reduce_sum3A_55 = arith.constant dense<0.000000e+00> : vector<64xf32>
    %reduce_sum3A_56 = vector.multi_reduction <add>, %mul3A_54, %reduce_sum3A_55 [0] : vector<640x64xf32> to vector<64xf32>
    %broadcast_in_dim3A_57 = vector.shape_cast %reduce_sum3A_56 : vector<64xf32> to vector<1x64xf32>
    %add3A_58 = arith.addf %get3A_53, %broadcast_in_dim3A_57 : vector<1x64xf32>
    %swap3A_59 = arith.constant 1 : index
    %swap3A_60 = arith.constant 0 : index
    %swap3A_61 = vector.load %arg7[%swap3A_59, %swap3A_60] : memref<2x64xf32, #tpu.memory_space<vmem>>, vector<1x64xf32>
    tpu.vector_store %arg7[%swap3A_59, %swap3A_60], %add3A_58 {strides = array<i32>} : memref<2x64xf32, #tpu.memory_space<vmem>>, vector<1x64xf32>,
    return
  }
  func.func @transform_0(%arg0: i32) -> (i32, i32) {
    %c0_i32 = arith.constant 0 : i32
    %c0_i32_0 = arith.constant 0 : i32
    return %arg0, %c0_i32 : i32, i32
  }
  func.func @transform_1(%arg0: i32) -> (i32, i32) {
    %c0_i32 = arith.constant 0 : i32
    %c0_i32_0 = arith.constant 0 : i32
    %c0_i32_1 = arith.constant 0 : i32
    return %c0_i32, %c0_i32_0 : i32, i32
  }
  func.func @transform_2(%arg0: i32) -> (i32, i32) {
    %c0_i32 = arith.constant 0 : i32
    %c0_i32_0 = arith.constant 0 : i32
    %c0_i32_1 = arith.constant 0 : i32
    return %c0_i32, %c0_i32_0 : i32, i32
  }
  func.func @transform_3(%arg0: i32) -> (i32, i32) {
    %c0_i32 = arith.constant 0 : i32
    %c0_i32_0 = arith.constant 0 : i32
    %c0_i32_1 = arith.constant 0 : i32
    return %c0_i32, %c0_i32_0 : i32, i32
  }
  func.func @transform_4(%arg0: i32) -> (i32, i32) {
    %c0_i32 = arith.constant 0 : i32
    %c0_i32_0 = arith.constant 0 : i32
    %c0_i32_1 = arith.constant 0 : i32
    return %c0_i32, %c0_i32_0 : i32, i32
  }
  func.func @transform_5(%arg0: i32) -> (i32, i32) {
    %c0_i32 = arith.constant 0 : i32
    %c0_i32_0 = arith.constant 0 : i32
    %c0_i32_1 = arith.constant 0 : i32
    return %c0_i32, %c0_i32_0 : i32, i32
  }
  func.func @transform_6(%arg0: i32) -> (i32, i32) {
    %c0_i32 = arith.constant 0 : i32
    %c0_i32_0 = arith.constant 0 : i32
    %c0_i32_1 = arith.constant 0 : i32
    return %c0_i32, %c0_i32_0 : i32, i32
  }
}

module attributes {stable_mosaic.version = 14 : i64} {
  func.func @_passD_body(%arg0: i32, %arg1: memref<640x32xf32, #tpu.memory_space<vmem>>, %arg2: memref<640x128xf32, #tpu.memory_space<vmem>>, %arg3: memref<2x32xf32, #tpu.memory_space<vmem>>, %arg4: memref<1x32xf32, #tpu.memory_space<vmem>>, %arg5: memref<1x32xf32, #tpu.memory_space<vmem>>, %arg6: memref<2x64xf32, #tpu.memory_space<vmem>>, %arg7: memref<1x64xf32, #tpu.memory_space<vmem>>, %arg8: memref<1x64xf32, #tpu.memory_space<vmem>>, %arg9: memref<32x64xf32, #tpu.memory_space<vmem>>, %arg10: memref<1x64xf32, #tpu.memory_space<vmem>>, %arg11: memref<64x512xf32, #tpu.memory_space<vmem>>, %arg12: memref<1x512xf32, #tpu.memory_space<vmem>>, %arg13: memref<640x128xf32, #tpu.memory_space<vmem>>) attributes {dimension_semantics = [#tpu.dimension_semantics<arbitrary>], iteration_bounds = array<i64: 256>, scalar_prefetch = 0 : i64, scratch_operands = 0 : i64, tpu.core_type = #tpu.core_type<tc>, window_params = [{transform_indices = @transform_0, window_bounds = array<i64: 640, 32>}, {transform_indices = @transform_1, window_bounds = array<i64: 640, 128>}, {pipeline_mode = #tpu.pipeline_mode<synchronous>, transform_indices = @transform_2, window_bounds = array<i64: 2, 32>}, {pipeline_mode = #tpu.pipeline_mode<synchronous>, transform_indices = @transform_3, window_bounds = array<i64: 1, 32>}, {pipeline_mode = #tpu.pipeline_mode<synchronous>, transform_indices = @transform_4, window_bounds = array<i64: 1, 32>}, {pipeline_mode = #tpu.pipeline_mode<synchronous>, transform_indices = @transform_5, window_bounds = array<i64: 2, 64>}, {pipeline_mode = #tpu.pipeline_mode<synchronous>, transform_indices = @transform_6, window_bounds = array<i64: 1, 64>}, {pipeline_mode = #tpu.pipeline_mode<synchronous>, transform_indices = @transform_7, window_bounds = array<i64: 1, 64>}, {pipeline_mode = #tpu.pipeline_mode<synchronous>, transform_indices = @transform_8, window_bounds = array<i64: 32, 64>}, {pipeline_mode = #tpu.pipeline_mode<synchronous>, transform_indices = @transform_9, window_bounds = array<i64: 1, 64>}, {pipeline_mode = #tpu.pipeline_mode<synchronous>, transform_indices = @transform_10, window_bounds = array<i64: 64, 512>}, {pipeline_mode = #tpu.pipeline_mode<synchronous>, transform_indices = @transform_11, window_bounds = array<i64: 1, 512>}, {transform_indices = @transform_12, window_bounds = array<i64: 640, 128>}]} {
    %get3A = arith.constant 0 : index
    %get3A_0 = arith.constant 0 : index
    %get3A_1 = vector.load %arg3[%get3A, %get3A_0] : memref<2x32xf32, #tpu.memory_space<vmem>>, vector<1x32xf32>
    %div3A = arith.constant 1.600000e+05 : f32
    %div3A_2 = vector.broadcast %div3A : f32 to vector<1x32xf32>
    %div3A_3 = arith.divf %get3A_1, %div3A_2 : vector<1x32xf32>
    %get3A_4 = arith.constant 1 : index
    %get3A_5 = arith.constant 0 : index
    %get3A_6 = vector.load %arg3[%get3A_4, %get3A_5] : memref<2x32xf32, #tpu.memory_space<vmem>>, vector<1x32xf32>
    %div3A_7 = arith.constant 1.600000e+05 : f32
    %div3A_8 = vector.broadcast %div3A_7 : f32 to vector<1x32xf32>
    %div3A_9 = arith.divf %get3A_6, %div3A_8 : vector<1x32xf32>
    %mul3A = arith.mulf %div3A_3, %div3A_3 : vector<1x32xf32>
    %sub3A = arith.subf %div3A_9, %mul3A : vector<1x32xf32>
    %get3A_10 = arith.constant 0 : index
    %get3A_11 = arith.constant 0 : index
    %get3A_12 = vector.load %arg4[%get3A_10, %get3A_11] : memref<1x32xf32, #tpu.memory_space<vmem>>, vector<1x32xf32>
    %add3A = arith.constant 9.99999974E-6 : f32
    %add3A_13 = vector.broadcast %add3A : f32 to vector<1x32xf32>
    %add3A_14 = arith.addf %sub3A, %add3A_13 : vector<1x32xf32>
    %rsqrt3A = math.rsqrt %add3A_14 : vector<1x32xf32>
    %mul3A_15 = arith.mulf %get3A_12, %rsqrt3A : vector<1x32xf32>
    %get3A_16 = arith.constant 0 : index
    %get3A_17 = arith.constant 0 : index
    %get3A_18 = vector.load %arg5[%get3A_16, %get3A_17] : memref<1x32xf32, #tpu.memory_space<vmem>>, vector<1x32xf32>
    %mul3A_19 = arith.mulf %div3A_3, %mul3A_15 : vector<1x32xf32>
    %sub3A_20 = arith.subf %get3A_18, %mul3A_19 : vector<1x32xf32>
    %get3A_21 = arith.constant 0 : index
    %get3A_22 = arith.constant 0 : index
    %get3A_23 = vector.load %arg1[%get3A_21, %get3A_22] : memref<640x32xf32, #tpu.memory_space<vmem>>, vector<640x32xf32>
    %mul3A_24 = vector.broadcast %mul3A_15 : vector<1x32xf32> to vector<640x32xf32>
    %mul3A_25 = arith.mulf %get3A_23, %mul3A_24 : vector<640x32xf32>
    %add3A_26 = vector.broadcast %sub3A_20 : vector<1x32xf32> to vector<640x32xf32>
    %add3A_27 = arith.addf %mul3A_25, %add3A_26 : vector<640x32xf32>
    %get3A_28 = arith.constant 0 : index
    %get3A_29 = arith.constant 0 : index
    %get3A_30 = vector.load %arg9[%get3A_28, %get3A_29] : memref<32x64xf32, #tpu.memory_space<vmem>>, vector<32x64xf32>
    %dot_general3A = arith.constant dense<0.000000e+00> : vector<640x64xf32>
    %dot_general3A_31 = tpu.matmul %add3A_27, %get3A_30, %dot_general3A {dimension_numbers = #tpu.dot_dimension_numbers<[1], [0], [0], [1], [0, 0, 1, 1], [], []>, transpose_lhs_hint = false} : vector<640x32xf32>, vector<32x64xf32>, vector<640x64xf32> -> vector<640x64xf32>
    %get3A_32 = arith.constant 0 : index
    %get3A_33 = arith.constant 0 : index
    %get3A_34 = vector.load %arg10[%get3A_32, %get3A_33] : memref<1x64xf32, #tpu.memory_space<vmem>>, vector<1x64xf32>
    %add3A_35 = vector.broadcast %get3A_34 : vector<1x64xf32> to vector<640x64xf32>
    %add3A_36 = arith.addf %dot_general3A_31, %add3A_35 : vector<640x64xf32>
    %ge3A = arith.constant 0.000000e+00 : f32
    %ge3A_37 = vector.broadcast %ge3A : f32 to vector<640x64xf32>
    %ge3A_38 = arith.cmpf oge, %add3A_36, %ge3A_37 : vector<640x64xf32>
    %mul3A_39 = arith.constant 1.000000e-01 : f32
    %mul3A_40 = vector.broadcast %mul3A_39 : f32 to vector<640x64xf32>
    %mul3A_41 = arith.mulf %mul3A_40, %add3A_36 : vector<640x64xf32>
    %select_n3A = arith.select %ge3A_38, %add3A_36, %mul3A_41 : vector<640x64xi1>, vector<640x64xf32>
    %get3A_42 = arith.constant 0 : index
    %get3A_43 = arith.constant 0 : index
    %get3A_44 = vector.load %arg6[%get3A_42, %get3A_43] : memref<2x64xf32, #tpu.memory_space<vmem>>, vector<1x64xf32>
    %div3A_45 = arith.constant 1.600000e+05 : f32
    %div3A_46 = vector.broadcast %div3A_45 : f32 to vector<1x64xf32>
    %div3A_47 = arith.divf %get3A_44, %div3A_46 : vector<1x64xf32>
    %get3A_48 = arith.constant 1 : index
    %get3A_49 = arith.constant 0 : index
    %get3A_50 = vector.load %arg6[%get3A_48, %get3A_49] : memref<2x64xf32, #tpu.memory_space<vmem>>, vector<1x64xf32>
    %div3A_51 = arith.constant 1.600000e+05 : f32
    %div3A_52 = vector.broadcast %div3A_51 : f32 to vector<1x64xf32>
    %div3A_53 = arith.divf %get3A_50, %div3A_52 : vector<1x64xf32>
    %mul3A_54 = arith.mulf %div3A_47, %div3A_47 : vector<1x64xf32>
    %sub3A_55 = arith.subf %div3A_53, %mul3A_54 : vector<1x64xf32>
    %get3A_56 = arith.constant 0 : index
    %get3A_57 = arith.constant 0 : index
    %get3A_58 = vector.load %arg7[%get3A_56, %get3A_57] : memref<1x64xf32, #tpu.memory_space<vmem>>, vector<1x64xf32>
    %add3A_59 = arith.constant 9.99999974E-6 : f32
    %add3A_60 = vector.broadcast %add3A_59 : f32 to vector<1x64xf32>
    %add3A_61 = arith.addf %sub3A_55, %add3A_60 : vector<1x64xf32>
    %rsqrt3A_62 = math.rsqrt %add3A_61 : vector<1x64xf32>
    %mul3A_63 = arith.mulf %get3A_58, %rsqrt3A_62 : vector<1x64xf32>
    %get3A_64 = arith.constant 0 : index
    %get3A_65 = arith.constant 0 : index
    %get3A_66 = vector.load %arg8[%get3A_64, %get3A_65] : memref<1x64xf32, #tpu.memory_space<vmem>>, vector<1x64xf32>
    %mul3A_67 = arith.mulf %div3A_47, %mul3A_63 : vector<1x64xf32>
    %sub3A_68 = arith.subf %get3A_66, %mul3A_67 : vector<1x64xf32>
    %mul3A_69 = vector.broadcast %mul3A_63 : vector<1x64xf32> to vector<640x64xf32>
    %mul3A_70 = arith.mulf %select_n3A, %mul3A_69 : vector<640x64xf32>
    %add3A_71 = vector.broadcast %sub3A_68 : vector<1x64xf32> to vector<640x64xf32>
    %add3A_72 = arith.addf %mul3A_70, %add3A_71 : vector<640x64xf32>
    %get3A_73 = arith.constant 0 : index
    %get3A_74 = arith.constant 0 : index
    %get3A_75 = vector.load %arg11[%get3A_73, %get3A_74] : memref<64x512xf32, #tpu.memory_space<vmem>>, vector<64x512xf32>
    %dot_general3A_76 = arith.constant dense<0.000000e+00> : vector<640x512xf32>
    %dot_general3A_77 = tpu.matmul %add3A_72, %get3A_75, %dot_general3A_76 {dimension_numbers = #tpu.dot_dimension_numbers<[1], [0], [0], [1], [0, 0, 1, 1], [], []>, transpose_lhs_hint = false} : vector<640x64xf32>, vector<64x512xf32>, vector<640x512xf32> -> vector<640x512xf32>
    %get3A_78 = arith.constant 0 : index
    %get3A_79 = arith.constant 0 : index
    %get3A_80 = vector.load %arg12[%get3A_78, %get3A_79] : memref<1x512xf32, #tpu.memory_space<vmem>>, vector<1x512xf32>
    %add3A_81 = vector.broadcast %get3A_80 : vector<1x512xf32> to vector<640x512xf32>
    %add3A_82 = arith.addf %dot_general3A_77, %add3A_81 : vector<640x512xf32>
    %get3A_83 = arith.constant 0 : index
    %get3A_84 = arith.constant 0 : index
    %get3A_85 = vector.load %arg2[%get3A_83, %get3A_84] : memref<640x128xf32, #tpu.memory_space<vmem>>, vector<640x16xf32>
    %slice3A = vector.extract_strided_slice %get3A_85 {offsets = [0, 0], sizes = [640, 1], strides = [1, 1]} : vector<640x16xf32> to vector<640x1xf32>
    %slice3A_86 = vector.extract_strided_slice %add3A_82 {offsets = [0, 0], sizes = [640, 32], strides = [1, 1]} : vector<640x512xf32> to vector<640x32xf32>
    %mul3A_87 = vector.broadcast %slice3A : vector<640x1xf32> to vector<640x32xf32>
    %mul3A_88 = arith.mulf %mul3A_87, %slice3A_86 : vector<640x32xf32>
    %slice3A_89 = vector.extract_strided_slice %get3A_85 {offsets = [0, 1], sizes = [640, 1], strides = [1, 1]} : vector<640x16xf32> to vector<640x1xf32>
    %slice3A_90 = vector.extract_strided_slice %add3A_82 {offsets = [0, 32], sizes = [640, 32], strides = [1, 1]} : vector<640x512xf32> to vector<640x32xf32>
    %mul3A_91 = vector.broadcast %slice3A_89 : vector<640x1xf32> to vector<640x32xf32>
    %mul3A_92 = arith.mulf %mul3A_91, %slice3A_90 : vector<640x32xf32>
    %add3A_93 = arith.addf %mul3A_88, %mul3A_92 : vector<640x32xf32>
    %slice3A_94 = vector.extract_strided_slice %get3A_85 {offsets = [0, 2], sizes = [640, 1], strides = [1, 1]} : vector<640x16xf32> to vector<640x1xf32>
    %slice3A_95 = vector.extract_strided_slice %add3A_82 {offsets = [0, 64], sizes = [640, 32], strides = [1, 1]} : vector<640x512xf32> to vector<640x32xf32>
    %mul3A_96 = vector.broadcast %slice3A_94 : vector<640x1xf32> to vector<640x32xf32>
    %mul3A_97 = arith.mulf %mul3A_96, %slice3A_95 : vector<640x32xf32>
    %add3A_98 = arith.addf %add3A_93, %mul3A_97 : vector<640x32xf32>
    %slice3A_99 = vector.extract_strided_slice %get3A_85 {offsets = [0, 3], sizes = [640, 1], strides = [1, 1]} : vector<640x16xf32> to vector<640x1xf32>
    %slice3A_100 = vector.extract_strided_slice %add3A_82 {offsets = [0, 96], sizes = [640, 32], strides = [1, 1]} : vector<640x512xf32> to vector<640x32xf32>
    %mul3A_101 = vector.broadcast %slice3A_99 : vector<640x1xf32> to vector<640x32xf32>
    %mul3A_102 = arith.mulf %mul3A_101, %slice3A_100 : vector<640x32xf32>
    %add3A_103 = arith.addf %add3A_98, %mul3A_102 : vector<640x32xf32>
    %slice3A_104 = vector.extract_strided_slice %get3A_85 {offsets = [0, 4], sizes = [640, 1], strides = [1, 1]} : vector<640x16xf32> to vector<640x1xf32>
    %slice3A_105 = vector.extract_strided_slice %add3A_82 {offsets = [0, 128], sizes = [640, 32], strides = [1, 1]} : vector<640x512xf32> to vector<640x32xf32>
    %mul3A_106 = vector.broadcast %slice3A_104 : vector<640x1xf32> to vector<640x32xf32>
    %mul3A_107 = arith.mulf %mul3A_106, %slice3A_105 : vector<640x32xf32>
    %add3A_108 = arith.addf %add3A_103, %mul3A_107 : vector<640x32xf32>
    %slice3A_109 = vector.extract_strided_slice %get3A_85 {offsets = [0, 5], sizes = [640, 1], strides = [1, 1]} : vector<640x16xf32> to vector<640x1xf32>
    %slice3A_110 = vector.extract_strided_slice %add3A_82 {offsets = [0, 160], sizes = [640, 32], strides = [1, 1]} : vector<640x512xf32> to vector<640x32xf32>
    %mul3A_111 = vector.broadcast %slice3A_109 : vector<640x1xf32> to vector<640x32xf32>
    %mul3A_112 = arith.mulf %mul3A_111, %slice3A_110 : vector<640x32xf32>
    %add3A_113 = arith.addf %add3A_108, %mul3A_112 : vector<640x32xf32>
    %slice3A_114 = vector.extract_strided_slice %get3A_85 {offsets = [0, 6], sizes = [640, 1], strides = [1, 1]} : vector<640x16xf32> to vector<640x1xf32>
    %slice3A_115 = vector.extract_strided_slice %add3A_82 {offsets = [0, 192], sizes = [640, 32], strides = [1, 1]} : vector<640x512xf32> to vector<640x32xf32>
    %mul3A_116 = vector.broadcast %slice3A_114 : vector<640x1xf32> to vector<640x32xf32>
    %mul3A_117 = arith.mulf %mul3A_116, %slice3A_115 : vector<640x32xf32>
    %add3A_118 = arith.addf %add3A_113, %mul3A_117 : vector<640x32xf32>
    %slice3A_119 = vector.extract_strided_slice %get3A_85 {offsets = [0, 7], sizes = [640, 1], strides = [1, 1]} : vector<640x16xf32> to vector<640x1xf32>
    %slice3A_120 = vector.extract_strided_slice %add3A_82 {offsets = [0, 224], sizes = [640, 32], strides = [1, 1]} : vector<640x512xf32> to vector<640x32xf32>
    %mul3A_121 = vector.broadcast %slice3A_119 : vector<640x1xf32> to vector<640x32xf32>
    %mul3A_122 = arith.mulf %mul3A_121, %slice3A_120 : vector<640x32xf32>
    %add3A_123 = arith.addf %add3A_118, %mul3A_122 : vector<640x32xf32>
    %slice3A_124 = vector.extract_strided_slice %get3A_85 {offsets = [0, 8], sizes = [640, 1], strides = [1, 1]} : vector<640x16xf32> to vector<640x1xf32>
    %slice3A_125 = vector.extract_strided_slice %add3A_82 {offsets = [0, 256], sizes = [640, 32], strides = [1, 1]} : vector<640x512xf32> to vector<640x32xf32>
    %mul3A_126 = vector.broadcast %slice3A_124 : vector<640x1xf32> to vector<640x32xf32>
    %mul3A_127 = arith.mulf %mul3A_126, %slice3A_125 : vector<640x32xf32>
    %add3A_128 = arith.addf %add3A_123, %mul3A_127 : vector<640x32xf32>
    %slice3A_129 = vector.extract_strided_slice %get3A_85 {offsets = [0, 9], sizes = [640, 1], strides = [1, 1]} : vector<640x16xf32> to vector<640x1xf32>
    %slice3A_130 = vector.extract_strided_slice %add3A_82 {offsets = [0, 288], sizes = [640, 32], strides = [1, 1]} : vector<640x512xf32> to vector<640x32xf32>
    %mul3A_131 = vector.broadcast %slice3A_129 : vector<640x1xf32> to vector<640x32xf32>
    %mul3A_132 = arith.mulf %mul3A_131, %slice3A_130 : vector<640x32xf32>
    %add3A_133 = arith.addf %add3A_128, %mul3A_132 : vector<640x32xf32>
    %slice3A_134 = vector.extract_strided_slice %get3A_85 {offsets = [0, 10], sizes = [640, 1], strides = [1, 1]} : vector<640x16xf32> to vector<640x1xf32>
    %slice3A_135 = vector.extract_strided_slice %add3A_82 {offsets = [0, 320], sizes = [640, 32], strides = [1, 1]} : vector<640x512xf32> to vector<640x32xf32>
    %mul3A_136 = vector.broadcast %slice3A_134 : vector<640x1xf32> to vector<640x32xf32>
    %mul3A_137 = arith.mulf %mul3A_136, %slice3A_135 : vector<640x32xf32>
    %add3A_138 = arith.addf %add3A_133, %mul3A_137 : vector<640x32xf32>
    %slice3A_139 = vector.extract_strided_slice %get3A_85 {offsets = [0, 11], sizes = [640, 1], strides = [1, 1]} : vector<640x16xf32> to vector<640x1xf32>
    %slice3A_140 = vector.extract_strided_slice %add3A_82 {offsets = [0, 352], sizes = [640, 32], strides = [1, 1]} : vector<640x512xf32> to vector<640x32xf32>
    %mul3A_141 = vector.broadcast %slice3A_139 : vector<640x1xf32> to vector<640x32xf32>
    %mul3A_142 = arith.mulf %mul3A_141, %slice3A_140 : vector<640x32xf32>
    %add3A_143 = arith.addf %add3A_138, %mul3A_142 : vector<640x32xf32>
    %slice3A_144 = vector.extract_strided_slice %get3A_85 {offsets = [0, 12], sizes = [640, 1], strides = [1, 1]} : vector<640x16xf32> to vector<640x1xf32>
    %slice3A_145 = vector.extract_strided_slice %add3A_82 {offsets = [0, 384], sizes = [640, 32], strides = [1, 1]} : vector<640x512xf32> to vector<640x32xf32>
    %mul3A_146 = vector.broadcast %slice3A_144 : vector<640x1xf32> to vector<640x32xf32>
    %mul3A_147 = arith.mulf %mul3A_146, %slice3A_145 : vector<640x32xf32>
    %add3A_148 = arith.addf %add3A_143, %mul3A_147 : vector<640x32xf32>
    %slice3A_149 = vector.extract_strided_slice %get3A_85 {offsets = [0, 13], sizes = [640, 1], strides = [1, 1]} : vector<640x16xf32> to vector<640x1xf32>
    %slice3A_150 = vector.extract_strided_slice %add3A_82 {offsets = [0, 416], sizes = [640, 32], strides = [1, 1]} : vector<640x512xf32> to vector<640x32xf32>
    %mul3A_151 = vector.broadcast %slice3A_149 : vector<640x1xf32> to vector<640x32xf32>
    %mul3A_152 = arith.mulf %mul3A_151, %slice3A_150 : vector<640x32xf32>
    %add3A_153 = arith.addf %add3A_148, %mul3A_152 : vector<640x32xf32>
    %slice3A_154 = vector.extract_strided_slice %get3A_85 {offsets = [0, 14], sizes = [640, 1], strides = [1, 1]} : vector<640x16xf32> to vector<640x1xf32>
    %slice3A_155 = vector.extract_strided_slice %add3A_82 {offsets = [0, 448], sizes = [640, 32], strides = [1, 1]} : vector<640x512xf32> to vector<640x32xf32>
    %mul3A_156 = vector.broadcast %slice3A_154 : vector<640x1xf32> to vector<640x32xf32>
    %mul3A_157 = arith.mulf %mul3A_156, %slice3A_155 : vector<640x32xf32>
    %add3A_158 = arith.addf %add3A_153, %mul3A_157 : vector<640x32xf32>
    %slice3A_159 = vector.extract_strided_slice %get3A_85 {offsets = [0, 15], sizes = [640, 1], strides = [1, 1]} : vector<640x16xf32> to vector<640x1xf32>
    %slice3A_160 = vector.extract_strided_slice %add3A_82 {offsets = [0, 480], sizes = [640, 32], strides = [1, 1]} : vector<640x512xf32> to vector<640x32xf32>
    %mul3A_161 = vector.broadcast %slice3A_159 : vector<640x1xf32> to vector<640x32xf32>
    %mul3A_162 = arith.mulf %mul3A_161, %slice3A_160 : vector<640x32xf32>
    %add3A_163 = arith.addf %add3A_158, %mul3A_162 : vector<640x32xf32>
    %mul3A_164 = arith.constant 640 : i32
    %mul3A_165 = arith.muli %arg0, %mul3A_164 : i32
    %iota3A = tpu.iota {dimensions = array<i32: 0>} : vector<640x1xi32>
    %add3A_166 = vector.broadcast %mul3A_165 : i32 to vector<640x1xi32>
    %add3A_167 = arith.addi %add3A_166, %iota3A : vector<640x1xi32>
    %lt3A = arith.constant 160000 : i32
    %lt3A_168 = vector.broadcast %lt3A : i32 to vector<640x1xi32>
    %lt3A_169 = arith.cmpi slt, %add3A_167, %lt3A_168 : vector<640x1xi32>
    %jit3A = arith.constant 0.000000e+00 : f32
    %broadcast_in_dim3A = vector.shape_cast %lt3A_169 : vector<640x1xi1> to vector<640x1xi1>
    %broadcast_in_dim3A_170 = vector.broadcast %broadcast_in_dim3A : vector<640x1xi1> to vector<640x32xi1>
    %broadcast_in_dim3A_171 = vector.broadcast %jit3A : f32 to vector<640x32xf32>
    %select_n3A_172 = arith.select %broadcast_in_dim3A_170, %add3A_163, %broadcast_in_dim3A_171 : vector<640x32xi1>, vector<640x32xf32>
    %broadcast_in_dim3A_173 = arith.constant 0.000000e+00 : f32
    %broadcast_in_dim3A_174 = vector.broadcast %broadcast_in_dim3A_173 : f32 to vector<640x96xf32>
    %concatenate3A = tpu.concatenate %select_n3A_172, %broadcast_in_dim3A_174 in 1 : vector<640x32xf32>, vector<640x96xf32> -> vector<640x128xf32>
    %swap3A = arith.constant 0 : index
    %swap3A_175 = arith.constant 0 : index
    %swap3A_176 = vector.load %arg13[%swap3A, %swap3A_175] : memref<640x128xf32, #tpu.memory_space<vmem>>, vector<640x128xf32>
    tpu.vector_store %arg13[%swap3A, %swap3A_175], %concatenate3A {strides = array<i32>} : memref<640x128xf32, #tpu.memory_space<vmem>>, vector<640x128xf32>,
    return
  }
  func.func @transform_0(%arg0: i32) -> (i32, i32) {
    %min3A = arith.constant 249 : i32
    %min3A_0 = arith.minsi %arg0, %min3A : i32
    %c0_i32 = arith.constant 0 : i32
    %c0_i32_1 = arith.constant 0 : i32
    return %min3A_0, %c0_i32 : i32, i32
  }
  func.func @transform_1(%arg0: i32) -> (i32, i32) {
    %min3A = arith.constant 249 : i32
    %min3A_0 = arith.minsi %arg0, %min3A : i32
    %c0_i32 = arith.constant 0 : i32
    %c0_i32_1 = arith.constant 0 : i32
    return %min3A_0, %c0_i32 : i32, i32
  }
  func.func @transform_2(%arg0: i32) -> (i32, i32) {
    %c0_i32 = arith.constant 0 : i32
    %c0_i32_0 = arith.constant 0 : i32
    %c0_i32_1 = arith.constant 0 : i32
    return %c0_i32, %c0_i32_0 : i32, i32
  }
  func.func @transform_3(%arg0: i32) -> (i32, i32) {
    %c0_i32 = arith.constant 0 : i32
    %c0_i32_0 = arith.constant 0 : i32
    %c0_i32_1 = arith.constant 0 : i32
    return %c0_i32, %c0_i32_0 : i32, i32
  }
  func.func @transform_4(%arg0: i32) -> (i32, i32) {
    %c0_i32 = arith.constant 0 : i32
    %c0_i32_0 = arith.constant 0 : i32
    %c0_i32_1 = arith.constant 0 : i32
    return %c0_i32, %c0_i32_0 : i32, i32
  }
  func.func @transform_5(%arg0: i32) -> (i32, i32) {
    %c0_i32 = arith.constant 0 : i32
    %c0_i32_0 = arith.constant 0 : i32
    %c0_i32_1 = arith.constant 0 : i32
    return %c0_i32, %c0_i32_0 : i32, i32
  }
  func.func @transform_6(%arg0: i32) -> (i32, i32) {
    %c0_i32 = arith.constant 0 : i32
    %c0_i32_0 = arith.constant 0 : i32
    %c0_i32_1 = arith.constant 0 : i32
    return %c0_i32, %c0_i32_0 : i32, i32
  }
  func.func @transform_7(%arg0: i32) -> (i32, i32) {
    %c0_i32 = arith.constant 0 : i32
    %c0_i32_0 = arith.constant 0 : i32
    %c0_i32_1 = arith.constant 0 : i32
    return %c0_i32, %c0_i32_0 : i32, i32
  }
  func.func @transform_8(%arg0: i32) -> (i32, i32) {
    %c0_i32 = arith.constant 0 : i32
    %c0_i32_0 = arith.constant 0 : i32
    %c0_i32_1 = arith.constant 0 : i32
    return %c0_i32, %c0_i32_0 : i32, i32
  }
  func.func @transform_9(%arg0: i32) -> (i32, i32) {
    %c0_i32 = arith.constant 0 : i32
    %c0_i32_0 = arith.constant 0 : i32
    %c0_i32_1 = arith.constant 0 : i32
    return %c0_i32, %c0_i32_0 : i32, i32
  }
  func.func @transform_10(%arg0: i32) -> (i32, i32) {
    %c0_i32 = arith.constant 0 : i32
    %c0_i32_0 = arith.constant 0 : i32
    %c0_i32_1 = arith.constant 0 : i32
    return %c0_i32, %c0_i32_0 : i32, i32
  }
  func.func @transform_11(%arg0: i32) -> (i32, i32) {
    %c0_i32 = arith.constant 0 : i32
    %c0_i32_0 = arith.constant 0 : i32
    %c0_i32_1 = arith.constant 0 : i32
    return %c0_i32, %c0_i32_0 : i32, i32
  }
  func.func @transform_12(%arg0: i32) -> (i32, i32) {
    %c0_i32 = arith.constant 0 : i32
    %c0_i32_0 = arith.constant 0 : i32
    return %arg0, %c0_i32 : i32, i32
  }
}

module attributes {stable_mosaic.version = 14 : i64} {
  func.func @_passF_body(%arg0: i32, %arg1: memref<20480x128xf32, #tpu.memory_space<vmem>>, %arg2: memref<10000x16xf32, #tpu.memory_space<vmem>>, %arg3: memref<16x32xf32, #tpu.memory_space<vmem>>, %arg4: memref<1x32xf32, #tpu.memory_space<vmem>>, %arg5: memref<1x32xf32, #tpu.memory_space<vmem>>, %arg6: memref<1x32xf32, #tpu.memory_space<vmem>>, %arg7: memref<10000x32xf32, #tpu.memory_space<vmem>>) attributes {dimension_semantics = [#tpu.dimension_semantics<arbitrary>], iteration_bounds = array<i64: 1>, scalar_prefetch = 0 : i64, scratch_operands = 0 : i64, tpu.core_type = #tpu.core_type<tc>, window_params = [{pipeline_mode = #tpu.pipeline_mode<synchronous>, transform_indices = @transform_0, window_bounds = array<i64: 20480, 128>}, {pipeline_mode = #tpu.pipeline_mode<synchronous>, transform_indices = @transform_1, window_bounds = array<i64: 10000, 16>}, {pipeline_mode = #tpu.pipeline_mode<synchronous>, transform_indices = @transform_2, window_bounds = array<i64: 16, 32>}, {pipeline_mode = #tpu.pipeline_mode<synchronous>, transform_indices = @transform_3, window_bounds = array<i64: 1, 32>}, {pipeline_mode = #tpu.pipeline_mode<synchronous>, transform_indices = @transform_4, window_bounds = array<i64: 1, 32>}, {pipeline_mode = #tpu.pipeline_mode<synchronous>, transform_indices = @transform_5, window_bounds = array<i64: 1, 32>}, {pipeline_mode = #tpu.pipeline_mode<synchronous>, transform_indices = @transform_6, window_bounds = array<i64: 10000, 32>}]} {
    %get3A = arith.constant 0 : index
    %get3A_0 = arith.constant 0 : index
    %get3A_1 = vector.load %arg1[%get3A, %get3A_0] : memref<20480x128xf32, #tpu.memory_space<vmem>>, vector<10000x32xf32>
    %get3A_2 = arith.constant 10240 : index
    %get3A_3 = arith.constant 0 : index
    %get3A_4 = vector.load %arg1[%get3A_2, %get3A_3] : memref<20480x128xf32, #tpu.memory_space<vmem>>, vector<10000x32xf32>
    %add3A = arith.addf %get3A_1, %get3A_4 : vector<10000x32xf32>
    %get3A_5 = arith.constant 0 : index
    %get3A_6 = arith.constant 0 : index
    %get3A_7 = vector.load %arg2[%get3A_5, %get3A_6] : memref<10000x16xf32, #tpu.memory_space<vmem>>, vector<10000x16xf32>
    %get3A_8 = arith.constant 0 : index
    %get3A_9 = arith.constant 0 : index
    %get3A_10 = vector.load %arg3[%get3A_8, %get3A_9] : memref<16x32xf32, #tpu.memory_space<vmem>>, vector<16x32xf32>
    %dot_general3A = arith.constant dense<0.000000e+00> : vector<10000x32xf32>
    %dot_general3A_11 = tpu.matmul %get3A_7, %get3A_10, %dot_general3A {dimension_numbers = #tpu.dot_dimension_numbers<[1], [0], [0], [1], [0, 0, 1, 1], [], []>, transpose_lhs_hint = false} : vector<10000x16xf32>, vector<16x32xf32>, vector<10000x32xf32> -> vector<10000x32xf32>
    %add3A_12 = arith.addf %add3A, %dot_general3A_11 : vector<10000x32xf32>
    %get3A_13 = arith.constant 0 : index
    %get3A_14 = arith.constant 0 : index
    %get3A_15 = vector.load %arg4[%get3A_13, %get3A_14] : memref<1x32xf32, #tpu.memory_space<vmem>>, vector<1x32xf32>
    %add3A_16 = vector.broadcast %get3A_15 : vector<1x32xf32> to vector<10000x32xf32>
    %add3A_17 = arith.addf %add3A_12, %add3A_16 : vector<10000x32xf32>
    %reduce_sum3A = arith.constant dense<0.000000e+00> : vector<32xf32>
    %reduce_sum3A_18 = vector.multi_reduction <add>, %add3A_17, %reduce_sum3A [0] : vector<10000x32xf32> to vector<32xf32>
    %broadcast_in_dim3A = vector.shape_cast %reduce_sum3A_18 : vector<32xf32> to vector<1x32xf32>
    %div3A = arith.constant 1.000000e+04 : f32
    %div3A_19 = vector.broadcast %div3A : f32 to vector<1x32xf32>
    %div3A_20 = arith.divf %broadcast_in_dim3A, %div3A_19 : vector<1x32xf32>
    %mul3A = arith.mulf %add3A_17, %add3A_17 : vector<10000x32xf32>
    %reduce_sum3A_21 = arith.constant dense<0.000000e+00> : vector<32xf32>
    %reduce_sum3A_22 = vector.multi_reduction <add>, %mul3A, %reduce_sum3A_21 [0] : vector<10000x32xf32> to vector<32xf32>
    %broadcast_in_dim3A_23 = vector.shape_cast %reduce_sum3A_22 : vector<32xf32> to vector<1x32xf32>
    %div3A_24 = arith.constant 1.000000e+04 : f32
    %div3A_25 = vector.broadcast %div3A_24 : f32 to vector<1x32xf32>
    %div3A_26 = arith.divf %broadcast_in_dim3A_23, %div3A_25 : vector<1x32xf32>
    %mul3A_27 = arith.mulf %div3A_20, %div3A_20 : vector<1x32xf32>
    %sub3A = arith.subf %div3A_26, %mul3A_27 : vector<1x32xf32>
    %get3A_28 = arith.constant 0 : index
    %get3A_29 = arith.constant 0 : index
    %get3A_30 = vector.load %arg5[%get3A_28, %get3A_29] : memref<1x32xf32, #tpu.memory_space<vmem>>, vector<1x32xf32>
    %add3A_31 = arith.constant 9.99999974E-6 : f32
    %add3A_32 = vector.broadcast %add3A_31 : f32 to vector<1x32xf32>
    %add3A_33 = arith.addf %sub3A, %add3A_32 : vector<1x32xf32>
    %rsqrt3A = math.rsqrt %add3A_33 : vector<1x32xf32>
    %mul3A_34 = arith.mulf %get3A_30, %rsqrt3A : vector<1x32xf32>
    %mul3A_35 = vector.broadcast %mul3A_34 : vector<1x32xf32> to vector<10000x32xf32>
    %mul3A_36 = arith.mulf %add3A_17, %mul3A_35 : vector<10000x32xf32>
    %get3A_37 = arith.constant 0 : index
    %get3A_38 = arith.constant 0 : index
    %get3A_39 = vector.load %arg6[%get3A_37, %get3A_38] : memref<1x32xf32, #tpu.memory_space<vmem>>, vector<1x32xf32>
    %mul3A_40 = arith.mulf %div3A_20, %mul3A_34 : vector<1x32xf32>
    %sub3A_41 = arith.subf %get3A_39, %mul3A_40 : vector<1x32xf32>
    %add3A_42 = vector.broadcast %sub3A_41 : vector<1x32xf32> to vector<10000x32xf32>
    %add3A_43 = arith.addf %mul3A_36, %add3A_42 : vector<10000x32xf32>
    %swap3A = arith.constant 0 : index
    %swap3A_44 = arith.constant 0 : index
    %swap3A_45 = vector.load %arg7[%swap3A, %swap3A_44] : memref<10000x32xf32, #tpu.memory_space<vmem>>, vector<10000x32xf32>
    tpu.vector_store %arg7[%swap3A, %swap3A_44], %add3A_43 {strides = array<i32>} : memref<10000x32xf32, #tpu.memory_space<vmem>>, vector<10000x32xf32>,
    return
  }
  func.func @transform_0(%arg0: i32) -> (i32, i32) {
    %c0_i32 = arith.constant 0 : i32
    %c0_i32_0 = arith.constant 0 : i32
    %c0_i32_1 = arith.constant 0 : i32
    return %c0_i32, %c0_i32_0 : i32, i32
  }
  func.func @transform_1(%arg0: i32) -> (i32, i32) {
    %c0_i32 = arith.constant 0 : i32
    %c0_i32_0 = arith.constant 0 : i32
    %c0_i32_1 = arith.constant 0 : i32
    return %c0_i32, %c0_i32_0 : i32, i32
  }
  func.func @transform_2(%arg0: i32) -> (i32, i32) {
    %c0_i32 = arith.constant 0 : i32
    %c0_i32_0 = arith.constant 0 : i32
    %c0_i32_1 = arith.constant 0 : i32
    return %c0_i32, %c0_i32_0 : i32, i32
  }
  func.func @transform_3(%arg0: i32) -> (i32, i32) {
    %c0_i32 = arith.constant 0 : i32
    %c0_i32_0 = arith.constant 0 : i32
    %c0_i32_1 = arith.constant 0 : i32
    return %c0_i32, %c0_i32_0 : i32, i32
  }
  func.func @transform_4(%arg0: i32) -> (i32, i32) {
    %c0_i32 = arith.constant 0 : i32
    %c0_i32_0 = arith.constant 0 : i32
    %c0_i32_1 = arith.constant 0 : i32
    return %c0_i32, %c0_i32_0 : i32, i32
  }
  func.func @transform_5(%arg0: i32) -> (i32, i32) {
    %c0_i32 = arith.constant 0 : i32
    %c0_i32_0 = arith.constant 0 : i32
    %c0_i32_1 = arith.constant 0 : i32
    return %c0_i32, %c0_i32_0 : i32, i32
  }
  func.func @transform_6(%arg0: i32) -> (i32, i32) {
    %c0_i32 = arith.constant 0 : i32
    %c0_i32_0 = arith.constant 0 : i32
    %c0_i32_1 = arith.constant 0 : i32
    return %c0_i32, %c0_i32_0 : i32, i32
  }
}

module attributes {stable_mosaic.version = 14 : i64} {
  func.func @_passA_body(%arg0: i32, %arg1: memref<640x128xf32, #tpu.memory_space<vmem>>, %arg2: memref<640x128xf32, #tpu.memory_space<vmem>>, %arg3: memref<640x32xf32, #tpu.memory_space<vmem>>, %arg4: memref<2x32xf32, #tpu.memory_space<vmem>>, %arg5: memref<1x32xf32, #tpu.memory_space<vmem>>, %arg6: memref<1x32xf32, #tpu.memory_space<vmem>>, %arg7: memref<32x192xf32, #tpu.memory_space<vmem>>, %arg8: memref<32x192xf32, #tpu.memory_space<vmem>>, %arg9: memref<32x192xf32, #tpu.memory_space<vmem>>, %arg10: memref<1x192xf32, #tpu.memory_space<vmem>>, %arg11: memref<640x192xf32, #tpu.memory_space<vmem>>, %arg12: memref<2x192xf32, #tpu.memory_space<vmem>>) attributes {dimension_semantics = [#tpu.dimension_semantics<arbitrary>], iteration_bounds = array<i64: 250>, scalar_prefetch = 0 : i64, scratch_operands = 0 : i64, tpu.core_type = #tpu.core_type<tc>, window_params = [{transform_indices = @transform_0, window_bounds = array<i64: 640, 128>}, {transform_indices = @transform_1, window_bounds = array<i64: 640, 128>}, {transform_indices = @transform_2, window_bounds = array<i64: 640, 32>}, {pipeline_mode = #tpu.pipeline_mode<synchronous>, transform_indices = @transform_3, window_bounds = array<i64: 2, 32>}, {pipeline_mode = #tpu.pipeline_mode<synchronous>, transform_indices = @transform_4, window_bounds = array<i64: 1, 32>}, {pipeline_mode = #tpu.pipeline_mode<synchronous>, transform_indices = @transform_5, window_bounds = array<i64: 1, 32>}, {pipeline_mode = #tpu.pipeline_mode<synchronous>, transform_indices = @transform_6, window_bounds = array<i64: 32, 192>}, {pipeline_mode = #tpu.pipeline_mode<synchronous>, transform_indices = @transform_7, window_bounds = array<i64: 32, 192>}, {pipeline_mode = #tpu.pipeline_mode<synchronous>, transform_indices = @transform_8, window_bounds = array<i64: 32, 192>}, {pipeline_mode = #tpu.pipeline_mode<synchronous>, transform_indices = @transform_9, window_bounds = array<i64: 1, 192>}, {transform_indices = @transform_10, window_bounds = array<i64: 640, 192>}, {pipeline_mode = #tpu.pipeline_mode<synchronous>, transform_indices = @transform_11, window_bounds = array<i64: 2, 192>}]} {
    %get3A = arith.constant 0 : index
    %get3A_0 = arith.constant 0 : index
    %get3A_1 = vector.load %arg4[%get3A, %get3A_0] : memref<2x32xf32, #tpu.memory_space<vmem>>, vector<1x32xf32>
    %div3A = arith.constant 1.600000e+05 : f32
    %div3A_2 = vector.broadcast %div3A : f32 to vector<1x32xf32>
    %div3A_3 = arith.divf %get3A_1, %div3A_2 : vector<1x32xf32>
    %get3A_4 = arith.constant 1 : index
    %get3A_5 = arith.constant 0 : index
    %get3A_6 = vector.load %arg4[%get3A_4, %get3A_5] : memref<2x32xf32, #tpu.memory_space<vmem>>, vector<1x32xf32>
    %div3A_7 = arith.constant 1.600000e+05 : f32
    %div3A_8 = vector.broadcast %div3A_7 : f32 to vector<1x32xf32>
    %div3A_9 = arith.divf %get3A_6, %div3A_8 : vector<1x32xf32>
    %mul3A = arith.mulf %div3A_3, %div3A_3 : vector<1x32xf32>
    %sub3A = arith.subf %div3A_9, %mul3A : vector<1x32xf32>
    %get3A_10 = arith.constant 0 : index
    %get3A_11 = arith.constant 0 : index
    %get3A_12 = vector.load %arg5[%get3A_10, %get3A_11] : memref<1x32xf32, #tpu.memory_space<vmem>>, vector<1x32xf32>
    %add3A = arith.constant 9.99999974E-6 : f32
    %add3A_13 = vector.broadcast %add3A : f32 to vector<1x32xf32>
    %add3A_14 = arith.addf %sub3A, %add3A_13 : vector<1x32xf32>
    %rsqrt3A = math.rsqrt %add3A_14 : vector<1x32xf32>
    %mul3A_15 = arith.mulf %get3A_12, %rsqrt3A : vector<1x32xf32>
    %get3A_16 = arith.constant 0 : index
    %get3A_17 = arith.constant 0 : index
    %get3A_18 = vector.load %arg6[%get3A_16, %get3A_17] : memref<1x32xf32, #tpu.memory_space<vmem>>, vector<1x32xf32>
    %mul3A_19 = arith.mulf %div3A_3, %mul3A_15 : vector<1x32xf32>
    %sub3A_20 = arith.subf %get3A_18, %mul3A_19 : vector<1x32xf32>
    %get3A_21 = arith.constant 0 : index
    %get3A_22 = arith.constant 0 : index
    %get3A_23 = vector.load %arg3[%get3A_21, %get3A_22] : memref<640x32xf32, #tpu.memory_space<vmem>>, vector<640x32xf32>
    %mul3A_24 = vector.broadcast %mul3A_15 : vector<1x32xf32> to vector<640x32xf32>
    %mul3A_25 = arith.mulf %get3A_23, %mul3A_24 : vector<640x32xf32>
    %add3A_26 = vector.broadcast %sub3A_20 : vector<1x32xf32> to vector<640x32xf32>
    %add3A_27 = arith.addf %mul3A_25, %add3A_26 : vector<640x32xf32>
    %get3A_28 = arith.constant 0 : index
    %get3A_29 = arith.constant 0 : index
    %get3A_30 = vector.load %arg1[%get3A_28, %get3A_29] : memref<640x128xf32, #tpu.memory_space<vmem>>, vector<640x32xf32>
    %get3A_31 = arith.constant 0 : index
    %get3A_32 = arith.constant 0 : index
    %get3A_33 = vector.load %arg7[%get3A_31, %get3A_32] : memref<32x192xf32, #tpu.memory_space<vmem>>, vector<32x192xf32>
    %dot_general3A = arith.constant dense<0.000000e+00> : vector<640x192xf32>
    %dot_general3A_34 = tpu.matmul %get3A_30, %get3A_33, %dot_general3A {dimension_numbers = #tpu.dot_dimension_numbers<[1], [0], [0], [1], [0, 0, 1, 1], [], []>, transpose_lhs_hint = false} : vector<640x32xf32>, vector<32x192xf32>, vector<640x192xf32> -> vector<640x192xf32>
    %get3A_35 = arith.constant 0 : index
    %get3A_36 = arith.constant 0 : index
    %get3A_37 = vector.load %arg2[%get3A_35, %get3A_36] : memref<640x128xf32, #tpu.memory_space<vmem>>, vector<640x32xf32>
    %get3A_38 = arith.constant 0 : index
    %get3A_39 = arith.constant 0 : index
    %get3A_40 = vector.load %arg8[%get3A_38, %get3A_39] : memref<32x192xf32, #tpu.memory_space<vmem>>, vector<32x192xf32>
    %dot_general3A_41 = arith.constant dense<0.000000e+00> : vector<640x192xf32>
    %dot_general3A_42 = tpu.matmul %get3A_37, %get3A_40, %dot_general3A_41 {dimension_numbers = #tpu.dot_dimension_numbers<[1], [0], [0], [1], [0, 0, 1, 1], [], []>, transpose_lhs_hint = false} : vector<640x32xf32>, vector<32x192xf32>, vector<640x192xf32> -> vector<640x192xf32>
    %add3A_43 = arith.addf %dot_general3A_34, %dot_general3A_42 : vector<640x192xf32>
    %get3A_44 = arith.constant 0 : index
    %get3A_45 = arith.constant 0 : index
    %get3A_46 = vector.load %arg9[%get3A_44, %get3A_45] : memref<32x192xf32, #tpu.memory_space<vmem>>, vector<32x192xf32>
    %dot_general3A_47 = arith.constant dense<0.000000e+00> : vector<640x192xf32>
    %dot_general3A_48 = tpu.matmul %add3A_27, %get3A_46, %dot_general3A_47 {dimension_numbers = #tpu.dot_dimension_numbers<[1], [0], [0], [1], [0, 0, 1, 1], [], []>, transpose_lhs_hint = false} : vector<640x32xf32>, vector<32x192xf32>, vector<640x192xf32> -> vector<640x192xf32>
    %add3A_49 = arith.addf %add3A_43, %dot_general3A_48 : vector<640x192xf32>
    %get3A_50 = arith.constant 0 : index
    %get3A_51 = arith.constant 0 : index
    %get3A_52 = vector.load %arg10[%get3A_50, %get3A_51] : memref<1x192xf32, #tpu.memory_space<vmem>>, vector<1x192xf32>
    %add3A_53 = vector.broadcast %get3A_52 : vector<1x192xf32> to vector<640x192xf32>
    %add3A_54 = arith.addf %add3A_49, %add3A_53 : vector<640x192xf32>
    %ge3A = arith.constant 0.000000e+00 : f32
    %ge3A_55 = vector.broadcast %ge3A : f32 to vector<640x192xf32>
    %ge3A_56 = arith.cmpf oge, %add3A_54, %ge3A_55 : vector<640x192xf32>
    %mul3A_57 = arith.constant 1.000000e-01 : f32
    %mul3A_58 = vector.broadcast %mul3A_57 : f32 to vector<640x192xf32>
    %mul3A_59 = arith.mulf %mul3A_58, %add3A_54 : vector<640x192xf32>
    %select_n3A = arith.select %ge3A_56, %add3A_54, %mul3A_59 : vector<640x192xi1>, vector<640x192xf32>
    %swap3A = arith.constant 0 : index
    %swap3A_60 = arith.constant 0 : index
    %swap3A_61 = vector.load %arg11[%swap3A, %swap3A_60] : memref<640x192xf32, #tpu.memory_space<vmem>>, vector<640x192xf32>
    tpu.vector_store %arg11[%swap3A, %swap3A_60], %select_n3A {strides = array<i32>} : memref<640x192xf32, #tpu.memory_space<vmem>>, vector<640x192xf32>,
    %eq3A = arith.constant 0 : i32
    %eq3A_62 = arith.cmpi eq, %arg0, %eq3A : i32
    %convert_element_type3A = arith.extui %eq3A_62 : i1 to i32
    %cond3A = arith.constant 0 : i32
    %cond3A_63 = arith.cmpi ne, %convert_element_type3A, %cond3A : i32
    scf.if %cond3A_63 {
      %broadcast_in_dim3A_83 = arith.constant 0.000000e+00 : f32
      %broadcast_in_dim3A_84 = vector.broadcast %broadcast_in_dim3A_83 : f32 to vector<2x192xf32>
      %swap3A_85 = arith.constant 0 : index
      %swap3A_86 = arith.constant 0 : index
      %swap3A_87 = vector.load %arg12[%swap3A_85, %swap3A_86] : memref<2x192xf32, #tpu.memory_space<vmem>>, vector<2x192xf32>
      tpu.vector_store %arg12[%swap3A_85, %swap3A_86], %broadcast_in_dim3A_84 {strides = array<i32>} : memref<2x192xf32, #tpu.memory_space<vmem>>, vector<2x192xf32>,
    } else {
    }
    %get3A_64 = arith.constant 0 : index
    %get3A_65 = arith.constant 0 : index
    %get3A_66 = vector.load %arg12[%get3A_64, %get3A_65] : memref<2x192xf32, #tpu.memory_space<vmem>>, vector<1x192xf32>
    %reduce_sum3A = arith.constant dense<0.000000e+00> : vector<192xf32>
    %reduce_sum3A_67 = vector.multi_reduction <add>, %select_n3A, %reduce_sum3A [0] : vector<640x192xf32> to vector<192xf32>
    %broadcast_in_dim3A = vector.shape_cast %reduce_sum3A_67 : vector<192xf32> to vector<1x192xf32>
    %add3A_68 = arith.addf %get3A_66, %broadcast_in_dim3A : vector<1x192xf32>
    %swap3A_69 = arith.constant 0 : index
    %swap3A_70 = arith.constant 0 : index
    %swap3A_71 = vector.load %arg12[%swap3A_69, %swap3A_70] : memref<2x192xf32, #tpu.memory_space<vmem>>, vector<1x192xf32>
    tpu.vector_store %arg12[%swap3A_69, %swap3A_70], %add3A_68 {strides = array<i32>} : memref<2x192xf32, #tpu.memory_space<vmem>>, vector<1x192xf32>,
    %get3A_72 = arith.constant 1 : index
    %get3A_73 = arith.constant 0 : index
    %get3A_74 = vector.load %arg12[%get3A_72, %get3A_73] : memref<2x192xf32, #tpu.memory_space<vmem>>, vector<1x192xf32>
    %mul3A_75 = arith.mulf %select_n3A, %select_n3A : vector<640x192xf32>
    %reduce_sum3A_76 = arith.constant dense<0.000000e+00> : vector<192xf32>
    %reduce_sum3A_77 = vector.multi_reduction <add>, %mul3A_75, %reduce_sum3A_76 [0] : vector<640x192xf32> to vector<192xf32>
    %broadcast_in_dim3A_78 = vector.shape_cast %reduce_sum3A_77 : vector<192xf32> to vector<1x192xf32>
    %add3A_79 = arith.addf %get3A_74, %broadcast_in_dim3A_78 : vector<1x192xf32>
    %swap3A_80 = arith.constant 1 : index
    %swap3A_81 = arith.constant 0 : index
    %swap3A_82 = vector.load %arg12[%swap3A_80, %swap3A_81] : memref<2x192xf32, #tpu.memory_space<vmem>>, vector<1x192xf32>
    tpu.vector_store %arg12[%swap3A_80, %swap3A_81], %add3A_79 {strides = array<i32>} : memref<2x192xf32, #tpu.memory_space<vmem>>, vector<1x192xf32>,
    return
  }
  func.func @transform_0(%arg0: i32) -> (i32, i32) {
    %c0_i32 = arith.constant 0 : i32
    %c0_i32_0 = arith.constant 0 : i32
    return %arg0, %c0_i32 : i32, i32
  }
  func.func @transform_1(%arg0: i32) -> (i32, i32) {
    %c0_i32 = arith.constant 0 : i32
    %c0_i32_0 = arith.constant 0 : i32
    return %arg0, %c0_i32 : i32, i32
  }
  func.func @transform_2(%arg0: i32) -> (i32, i32) {
    %c0_i32 = arith.constant 0 : i32
    %c0_i32_0 = arith.constant 0 : i32
    return %arg0, %c0_i32 : i32, i32
  }
  func.func @transform_3(%arg0: i32) -> (i32, i32) {
    %c0_i32 = arith.constant 0 : i32
    %c0_i32_0 = arith.constant 0 : i32
    %c0_i32_1 = arith.constant 0 : i32
    return %c0_i32, %c0_i32_0 : i32, i32
  }
  func.func @transform_4(%arg0: i32) -> (i32, i32) {
    %c0_i32 = arith.constant 0 : i32
    %c0_i32_0 = arith.constant 0 : i32
    %c0_i32_1 = arith.constant 0 : i32
    return %c0_i32, %c0_i32_0 : i32, i32
  }
  func.func @transform_5(%arg0: i32) -> (i32, i32) {
    %c0_i32 = arith.constant 0 : i32
    %c0_i32_0 = arith.constant 0 : i32
    %c0_i32_1 = arith.constant 0 : i32
    return %c0_i32, %c0_i32_0 : i32, i32
  }
  func.func @transform_6(%arg0: i32) -> (i32, i32) {
    %c0_i32 = arith.constant 0 : i32
    %c0_i32_0 = arith.constant 0 : i32
    %c0_i32_1 = arith.constant 0 : i32
    return %c0_i32, %c0_i32_0 : i32, i32
  }
  func.func @transform_7(%arg0: i32) -> (i32, i32) {
    %c0_i32 = arith.constant 0 : i32
    %c0_i32_0 = arith.constant 0 : i32
    %c0_i32_1 = arith.constant 0 : i32
    return %c0_i32, %c0_i32_0 : i32, i32
  }
  func.func @transform_8(%arg0: i32) -> (i32, i32) {
    %c0_i32 = arith.constant 0 : i32
    %c0_i32_0 = arith.constant 0 : i32
    %c0_i32_1 = arith.constant 0 : i32
    return %c0_i32, %c0_i32_0 : i32, i32
  }
  func.func @transform_9(%arg0: i32) -> (i32, i32) {
    %c0_i32 = arith.constant 0 : i32
    %c0_i32_0 = arith.constant 0 : i32
    %c0_i32_1 = arith.constant 0 : i32
    return %c0_i32, %c0_i32_0 : i32, i32
  }
  func.func @transform_10(%arg0: i32) -> (i32, i32) {
    %c0_i32 = arith.constant 0 : i32
    %c0_i32_0 = arith.constant 0 : i32
    return %arg0, %c0_i32 : i32, i32
  }
  func.func @transform_11(%arg0: i32) -> (i32, i32) {
    %c0_i32 = arith.constant 0 : i32
    %c0_i32_0 = arith.constant 0 : i32
    %c0_i32_1 = arith.constant 0 : i32
    return %c0_i32, %c0_i32_0 : i32, i32
  }
}

module attributes {stable_mosaic.version = 14 : i64} {
  func.func @_passB_body(%arg0: i32, %arg1: memref<640x192xf32, #tpu.memory_space<vmem>>, %arg2: memref<640x32xf32, #tpu.memory_space<vmem>>, %arg3: memref<2x32xf32, #tpu.memory_space<vmem>>, %arg4: memref<1x32xf32, #tpu.memory_space<vmem>>, %arg5: memref<1x32xf32, #tpu.memory_space<vmem>>, %arg6: memref<2x192xf32, #tpu.memory_space<vmem>>, %arg7: memref<1x192xf32, #tpu.memory_space<vmem>>, %arg8: memref<1x192xf32, #tpu.memory_space<vmem>>, %arg9: memref<192x64xf32, #tpu.memory_space<vmem>>, %arg10: memref<1x64xf32, #tpu.memory_space<vmem>>, %arg11: memref<32x64xf32, #tpu.memory_space<vmem>>, %arg12: memref<1x64xf32, #tpu.memory_space<vmem>>, %arg13: memref<640x64xf32, #tpu.memory_space<vmem>>, %arg14: memref<2x64xf32, #tpu.memory_space<vmem>>) attributes {dimension_semantics = [#tpu.dimension_semantics<arbitrary>], iteration_bounds = array<i64: 250>, scalar_prefetch = 0 : i64, scratch_operands = 0 : i64, tpu.core_type = #tpu.core_type<tc>, window_params = [{transform_indices = @transform_0, window_bounds = array<i64: 640, 192>}, {transform_indices = @transform_1, window_bounds = array<i64: 640, 32>}, {pipeline_mode = #tpu.pipeline_mode<synchronous>, transform_indices = @transform_2, window_bounds = array<i64: 2, 32>}, {pipeline_mode = #tpu.pipeline_mode<synchronous>, transform_indices = @transform_3, window_bounds = array<i64: 1, 32>}, {pipeline_mode = #tpu.pipeline_mode<synchronous>, transform_indices = @transform_4, window_bounds = array<i64: 1, 32>}, {pipeline_mode = #tpu.pipeline_mode<synchronous>, transform_indices = @transform_5, window_bounds = array<i64: 2, 192>}, {pipeline_mode = #tpu.pipeline_mode<synchronous>, transform_indices = @transform_6, window_bounds = array<i64: 1, 192>}, {pipeline_mode = #tpu.pipeline_mode<synchronous>, transform_indices = @transform_7, window_bounds = array<i64: 1, 192>}, {pipeline_mode = #tpu.pipeline_mode<synchronous>, transform_indices = @transform_8, window_bounds = array<i64: 192, 64>}, {pipeline_mode = #tpu.pipeline_mode<synchronous>, transform_indices = @transform_9, window_bounds = array<i64: 1, 64>}, {pipeline_mode = #tpu.pipeline_mode<synchronous>, transform_indices = @transform_10, window_bounds = array<i64: 32, 64>}, {pipeline_mode = #tpu.pipeline_mode<synchronous>, transform_indices = @transform_11, window_bounds = array<i64: 1, 64>}, {transform_indices = @transform_12, window_bounds = array<i64: 640, 64>}, {pipeline_mode = #tpu.pipeline_mode<synchronous>, transform_indices = @transform_13, window_bounds = array<i64: 2, 64>}]} {
    %get3A = arith.constant 0 : index
    %get3A_0 = arith.constant 0 : index
    %get3A_1 = vector.load %arg3[%get3A, %get3A_0] : memref<2x32xf32, #tpu.memory_space<vmem>>, vector<1x32xf32>
    %div3A = arith.constant 1.600000e+05 : f32
    %div3A_2 = vector.broadcast %div3A : f32 to vector<1x32xf32>
    %div3A_3 = arith.divf %get3A_1, %div3A_2 : vector<1x32xf32>
    %get3A_4 = arith.constant 1 : index
    %get3A_5 = arith.constant 0 : index
    %get3A_6 = vector.load %arg3[%get3A_4, %get3A_5] : memref<2x32xf32, #tpu.memory_space<vmem>>, vector<1x32xf32>
    %div3A_7 = arith.constant 1.600000e+05 : f32
    %div3A_8 = vector.broadcast %div3A_7 : f32 to vector<1x32xf32>
    %div3A_9 = arith.divf %get3A_6, %div3A_8 : vector<1x32xf32>
    %mul3A = arith.mulf %div3A_3, %div3A_3 : vector<1x32xf32>
    %sub3A = arith.subf %div3A_9, %mul3A : vector<1x32xf32>
    %get3A_10 = arith.constant 0 : index
    %get3A_11 = arith.constant 0 : index
    %get3A_12 = vector.load %arg4[%get3A_10, %get3A_11] : memref<1x32xf32, #tpu.memory_space<vmem>>, vector<1x32xf32>
    %add3A = arith.constant 9.99999974E-6 : f32
    %add3A_13 = vector.broadcast %add3A : f32 to vector<1x32xf32>
    %add3A_14 = arith.addf %sub3A, %add3A_13 : vector<1x32xf32>
    %rsqrt3A = math.rsqrt %add3A_14 : vector<1x32xf32>
    %mul3A_15 = arith.mulf %get3A_12, %rsqrt3A : vector<1x32xf32>
    %get3A_16 = arith.constant 0 : index
    %get3A_17 = arith.constant 0 : index
    %get3A_18 = vector.load %arg5[%get3A_16, %get3A_17] : memref<1x32xf32, #tpu.memory_space<vmem>>, vector<1x32xf32>
    %mul3A_19 = arith.mulf %div3A_3, %mul3A_15 : vector<1x32xf32>
    %sub3A_20 = arith.subf %get3A_18, %mul3A_19 : vector<1x32xf32>
    %get3A_21 = arith.constant 0 : index
    %get3A_22 = arith.constant 0 : index
    %get3A_23 = vector.load %arg2[%get3A_21, %get3A_22] : memref<640x32xf32, #tpu.memory_space<vmem>>, vector<640x32xf32>
    %mul3A_24 = vector.broadcast %mul3A_15 : vector<1x32xf32> to vector<640x32xf32>
    %mul3A_25 = arith.mulf %get3A_23, %mul3A_24 : vector<640x32xf32>
    %add3A_26 = vector.broadcast %sub3A_20 : vector<1x32xf32> to vector<640x32xf32>
    %add3A_27 = arith.addf %mul3A_25, %add3A_26 : vector<640x32xf32>
    %get3A_28 = arith.constant 0 : index
    %get3A_29 = arith.constant 0 : index
    %get3A_30 = vector.load %arg6[%get3A_28, %get3A_29] : memref<2x192xf32, #tpu.memory_space<vmem>>, vector<1x192xf32>
    %div3A_31 = arith.constant 1.600000e+05 : f32
    %div3A_32 = vector.broadcast %div3A_31 : f32 to vector<1x192xf32>
    %div3A_33 = arith.divf %get3A_30, %div3A_32 : vector<1x192xf32>
    %get3A_34 = arith.constant 1 : index
    %get3A_35 = arith.constant 0 : index
    %get3A_36 = vector.load %arg6[%get3A_34, %get3A_35] : memref<2x192xf32, #tpu.memory_space<vmem>>, vector<1x192xf32>
    %div3A_37 = arith.constant 1.600000e+05 : f32
    %div3A_38 = vector.broadcast %div3A_37 : f32 to vector<1x192xf32>
    %div3A_39 = arith.divf %get3A_36, %div3A_38 : vector<1x192xf32>
    %mul3A_40 = arith.mulf %div3A_33, %div3A_33 : vector<1x192xf32>
    %sub3A_41 = arith.subf %div3A_39, %mul3A_40 : vector<1x192xf32>
    %get3A_42 = arith.constant 0 : index
    %get3A_43 = arith.constant 0 : index
    %get3A_44 = vector.load %arg7[%get3A_42, %get3A_43] : memref<1x192xf32, #tpu.memory_space<vmem>>, vector<1x192xf32>
    %add3A_45 = arith.constant 9.99999974E-6 : f32
    %add3A_46 = vector.broadcast %add3A_45 : f32 to vector<1x192xf32>
    %add3A_47 = arith.addf %sub3A_41, %add3A_46 : vector<1x192xf32>
    %rsqrt3A_48 = math.rsqrt %add3A_47 : vector<1x192xf32>
    %mul3A_49 = arith.mulf %get3A_44, %rsqrt3A_48 : vector<1x192xf32>
    %get3A_50 = arith.constant 0 : index
    %get3A_51 = arith.constant 0 : index
    %get3A_52 = vector.load %arg8[%get3A_50, %get3A_51] : memref<1x192xf32, #tpu.memory_space<vmem>>, vector<1x192xf32>
    %mul3A_53 = arith.mulf %div3A_33, %mul3A_49 : vector<1x192xf32>
    %sub3A_54 = arith.subf %get3A_52, %mul3A_53 : vector<1x192xf32>
    %get3A_55 = arith.constant 0 : index
    %get3A_56 = arith.constant 0 : index
    %get3A_57 = vector.load %arg1[%get3A_55, %get3A_56] : memref<640x192xf32, #tpu.memory_space<vmem>>, vector<640x192xf32>
    %mul3A_58 = vector.broadcast %mul3A_49 : vector<1x192xf32> to vector<640x192xf32>
    %mul3A_59 = arith.mulf %get3A_57, %mul3A_58 : vector<640x192xf32>
    %add3A_60 = vector.broadcast %sub3A_54 : vector<1x192xf32> to vector<640x192xf32>
    %add3A_61 = arith.addf %mul3A_59, %add3A_60 : vector<640x192xf32>
    %get3A_62 = arith.constant 0 : index
    %get3A_63 = arith.constant 0 : index
    %get3A_64 = vector.load %arg9[%get3A_62, %get3A_63] : memref<192x64xf32, #tpu.memory_space<vmem>>, vector<192x64xf32>
    %dot_general3A = arith.constant dense<0.000000e+00> : vector<640x64xf32>
    %dot_general3A_65 = tpu.matmul %add3A_61, %get3A_64, %dot_general3A {dimension_numbers = #tpu.dot_dimension_numbers<[1], [0], [0], [1], [0, 0, 1, 1], [], []>, transpose_lhs_hint = false} : vector<640x192xf32>, vector<192x64xf32>, vector<640x64xf32> -> vector<640x64xf32>
    %get3A_66 = arith.constant 0 : index
    %get3A_67 = arith.constant 0 : index
    %get3A_68 = vector.load %arg10[%get3A_66, %get3A_67] : memref<1x64xf32, #tpu.memory_space<vmem>>, vector<1x64xf32>
    %add3A_69 = vector.broadcast %get3A_68 : vector<1x64xf32> to vector<640x64xf32>
    %add3A_70 = arith.addf %dot_general3A_65, %add3A_69 : vector<640x64xf32>
    %ge3A = arith.constant 0.000000e+00 : f32
    %ge3A_71 = vector.broadcast %ge3A : f32 to vector<640x64xf32>
    %ge3A_72 = arith.cmpf oge, %add3A_70, %ge3A_71 : vector<640x64xf32>
    %mul3A_73 = arith.constant 1.000000e-01 : f32
    %mul3A_74 = vector.broadcast %mul3A_73 : f32 to vector<640x64xf32>
    %mul3A_75 = arith.mulf %mul3A_74, %add3A_70 : vector<640x64xf32>
    %select_n3A = arith.select %ge3A_72, %add3A_70, %mul3A_75 : vector<640x64xi1>, vector<640x64xf32>
    %get3A_76 = arith.constant 0 : index
    %get3A_77 = arith.constant 0 : index
    %get3A_78 = vector.load %arg11[%get3A_76, %get3A_77] : memref<32x64xf32, #tpu.memory_space<vmem>>, vector<32x64xf32>
    %dot_general3A_79 = arith.constant dense<0.000000e+00> : vector<640x64xf32>
    %dot_general3A_80 = tpu.matmul %add3A_27, %get3A_78, %dot_general3A_79 {dimension_numbers = #tpu.dot_dimension_numbers<[1], [0], [0], [1], [0, 0, 1, 1], [], []>, transpose_lhs_hint = false} : vector<640x32xf32>, vector<32x64xf32>, vector<640x64xf32> -> vector<640x64xf32>
    %add3A_81 = arith.addf %select_n3A, %dot_general3A_80 : vector<640x64xf32>
    %get3A_82 = arith.constant 0 : index
    %get3A_83 = arith.constant 0 : index
    %get3A_84 = vector.load %arg12[%get3A_82, %get3A_83] : memref<1x64xf32, #tpu.memory_space<vmem>>, vector<1x64xf32>
    %add3A_85 = vector.broadcast %get3A_84 : vector<1x64xf32> to vector<640x64xf32>
    %add3A_86 = arith.addf %add3A_81, %add3A_85 : vector<640x64xf32>
    %swap3A = arith.constant 0 : index
    %swap3A_87 = arith.constant 0 : index
    %swap3A_88 = vector.load %arg13[%swap3A, %swap3A_87] : memref<640x64xf32, #tpu.memory_space<vmem>>, vector<640x64xf32>
    tpu.vector_store %arg13[%swap3A, %swap3A_87], %add3A_86 {strides = array<i32>} : memref<640x64xf32, #tpu.memory_space<vmem>>, vector<640x64xf32>,
    %eq3A = arith.constant 0 : i32
    %eq3A_89 = arith.cmpi eq, %arg0, %eq3A : i32
    %convert_element_type3A = arith.extui %eq3A_89 : i1 to i32
    %cond3A = arith.constant 0 : i32
    %cond3A_90 = arith.cmpi ne, %convert_element_type3A, %cond3A : i32
    scf.if %cond3A_90 {
      %broadcast_in_dim3A_110 = arith.constant 0.000000e+00 : f32
      %broadcast_in_dim3A_111 = vector.broadcast %broadcast_in_dim3A_110 : f32 to vector<2x64xf32>
      %swap3A_112 = arith.constant 0 : index
      %swap3A_113 = arith.constant 0 : index
      %swap3A_114 = vector.load %arg14[%swap3A_112, %swap3A_113] : memref<2x64xf32, #tpu.memory_space<vmem>>, vector<2x64xf32>
      tpu.vector_store %arg14[%swap3A_112, %swap3A_113], %broadcast_in_dim3A_111 {strides = array<i32>} : memref<2x64xf32, #tpu.memory_space<vmem>>, vector<2x64xf32>,
    } else {
    }
    %get3A_91 = arith.constant 0 : index
    %get3A_92 = arith.constant 0 : index
    %get3A_93 = vector.load %arg14[%get3A_91, %get3A_92] : memref<2x64xf32, #tpu.memory_space<vmem>>, vector<1x64xf32>
    %reduce_sum3A = arith.constant dense<0.000000e+00> : vector<64xf32>
    %reduce_sum3A_94 = vector.multi_reduction <add>, %add3A_86, %reduce_sum3A [0] : vector<640x64xf32> to vector<64xf32>
    %broadcast_in_dim3A = vector.shape_cast %reduce_sum3A_94 : vector<64xf32> to vector<1x64xf32>
    %add3A_95 = arith.addf %get3A_93, %broadcast_in_dim3A : vector<1x64xf32>
    %swap3A_96 = arith.constant 0 : index
    %swap3A_97 = arith.constant 0 : index
    %swap3A_98 = vector.load %arg14[%swap3A_96, %swap3A_97] : memref<2x64xf32, #tpu.memory_space<vmem>>, vector<1x64xf32>
    tpu.vector_store %arg14[%swap3A_96, %swap3A_97], %add3A_95 {strides = array<i32>} : memref<2x64xf32, #tpu.memory_space<vmem>>, vector<1x64xf32>,
    %get3A_99 = arith.constant 1 : index
    %get3A_100 = arith.constant 0 : index
    %get3A_101 = vector.load %arg14[%get3A_99, %get3A_100] : memref<2x64xf32, #tpu.memory_space<vmem>>, vector<1x64xf32>
    %mul3A_102 = arith.mulf %add3A_86, %add3A_86 : vector<640x64xf32>
    %reduce_sum3A_103 = arith.constant dense<0.000000e+00> : vector<64xf32>
    %reduce_sum3A_104 = vector.multi_reduction <add>, %mul3A_102, %reduce_sum3A_103 [0] : vector<640x64xf32> to vector<64xf32>
    %broadcast_in_dim3A_105 = vector.shape_cast %reduce_sum3A_104 : vector<64xf32> to vector<1x64xf32>
    %add3A_106 = arith.addf %get3A_101, %broadcast_in_dim3A_105 : vector<1x64xf32>
    %swap3A_107 = arith.constant 1 : index
    %swap3A_108 = arith.constant 0 : index
    %swap3A_109 = vector.load %arg14[%swap3A_107, %swap3A_108] : memref<2x64xf32, #tpu.memory_space<vmem>>, vector<1x64xf32>
    tpu.vector_store %arg14[%swap3A_107, %swap3A_108], %add3A_106 {strides = array<i32>} : memref<2x64xf32, #tpu.memory_space<vmem>>, vector<1x64xf32>,
    return
  }
  func.func @transform_0(%arg0: i32) -> (i32, i32) {
    %c0_i32 = arith.constant 0 : i32
    %c0_i32_0 = arith.constant 0 : i32
    return %arg0, %c0_i32 : i32, i32
  }
  func.func @transform_1(%arg0: i32) -> (i32, i32) {
    %c0_i32 = arith.constant 0 : i32
    %c0_i32_0 = arith.constant 0 : i32
    return %arg0, %c0_i32 : i32, i32
  }
  func.func @transform_2(%arg0: i32) -> (i32, i32) {
    %c0_i32 = arith.constant 0 : i32
    %c0_i32_0 = arith.constant 0 : i32
    %c0_i32_1 = arith.constant 0 : i32
    return %c0_i32, %c0_i32_0 : i32, i32
  }
  func.func @transform_3(%arg0: i32) -> (i32, i32) {
    %c0_i32 = arith.constant 0 : i32
    %c0_i32_0 = arith.constant 0 : i32
    %c0_i32_1 = arith.constant 0 : i32
    return %c0_i32, %c0_i32_0 : i32, i32
  }
  func.func @transform_4(%arg0: i32) -> (i32, i32) {
    %c0_i32 = arith.constant 0 : i32
    %c0_i32_0 = arith.constant 0 : i32
    %c0_i32_1 = arith.constant 0 : i32
    return %c0_i32, %c0_i32_0 : i32, i32
  }
  func.func @transform_5(%arg0: i32) -> (i32, i32) {
    %c0_i32 = arith.constant 0 : i32
    %c0_i32_0 = arith.constant 0 : i32
    %c0_i32_1 = arith.constant 0 : i32
    return %c0_i32, %c0_i32_0 : i32, i32
  }
  func.func @transform_6(%arg0: i32) -> (i32, i32) {
    %c0_i32 = arith.constant 0 : i32
    %c0_i32_0 = arith.constant 0 : i32
    %c0_i32_1 = arith.constant 0 : i32
    return %c0_i32, %c0_i32_0 : i32, i32
  }
  func.func @transform_7(%arg0: i32) -> (i32, i32) {
    %c0_i32 = arith.constant 0 : i32
    %c0_i32_0 = arith.constant 0 : i32
    %c0_i32_1 = arith.constant 0 : i32
    return %c0_i32, %c0_i32_0 : i32, i32
  }
  func.func @transform_8(%arg0: i32) -> (i32, i32) {
    %c0_i32 = arith.constant 0 : i32
    %c0_i32_0 = arith.constant 0 : i32
    %c0_i32_1 = arith.constant 0 : i32
    return %c0_i32, %c0_i32_0 : i32, i32
  }
  func.func @transform_9(%arg0: i32) -> (i32, i32) {
    %c0_i32 = arith.constant 0 : i32
    %c0_i32_0 = arith.constant 0 : i32
    %c0_i32_1 = arith.constant 0 : i32
    return %c0_i32, %c0_i32_0 : i32, i32
  }
  func.func @transform_10(%arg0: i32) -> (i32, i32) {
    %c0_i32 = arith.constant 0 : i32
    %c0_i32_0 = arith.constant 0 : i32
    %c0_i32_1 = arith.constant 0 : i32
    return %c0_i32, %c0_i32_0 : i32, i32
  }
  func.func @transform_11(%arg0: i32) -> (i32, i32) {
    %c0_i32 = arith.constant 0 : i32
    %c0_i32_0 = arith.constant 0 : i32
    %c0_i32_1 = arith.constant 0 : i32
    return %c0_i32, %c0_i32_0 : i32, i32
  }
  func.func @transform_12(%arg0: i32) -> (i32, i32) {
    %c0_i32 = arith.constant 0 : i32
    %c0_i32_0 = arith.constant 0 : i32
    return %arg0, %c0_i32 : i32, i32
  }
  func.func @transform_13(%arg0: i32) -> (i32, i32) {
    %c0_i32 = arith.constant 0 : i32
    %c0_i32_0 = arith.constant 0 : i32
    %c0_i32_1 = arith.constant 0 : i32
    return %c0_i32, %c0_i32_0 : i32, i32
  }
}

module attributes {stable_mosaic.version = 14 : i64} {
  func.func @_passC_body(%arg0: i32, %arg1: memref<640x64xf32, #tpu.memory_space<vmem>>, %arg2: memref<2x64xf32, #tpu.memory_space<vmem>>, %arg3: memref<1x64xf32, #tpu.memory_space<vmem>>, %arg4: memref<1x64xf32, #tpu.memory_space<vmem>>, %arg5: memref<64x128xf32, #tpu.memory_space<vmem>>, %arg6: memref<1x128xf32, #tpu.memory_space<vmem>>, %arg7: memref<2x128xf32, #tpu.memory_space<vmem>>) attributes {dimension_semantics = [#tpu.dimension_semantics<arbitrary>], iteration_bounds = array<i64: 250>, scalar_prefetch = 0 : i64, scratch_operands = 0 : i64, tpu.core_type = #tpu.core_type<tc>, window_params = [{transform_indices = @transform_0, window_bounds = array<i64: 640, 64>}, {pipeline_mode = #tpu.pipeline_mode<synchronous>, transform_indices = @transform_1, window_bounds = array<i64: 2, 64>}, {pipeline_mode = #tpu.pipeline_mode<synchronous>, transform_indices = @transform_2, window_bounds = array<i64: 1, 64>}, {pipeline_mode = #tpu.pipeline_mode<synchronous>, transform_indices = @transform_3, window_bounds = array<i64: 1, 64>}, {pipeline_mode = #tpu.pipeline_mode<synchronous>, transform_indices = @transform_4, window_bounds = array<i64: 64, 128>}, {pipeline_mode = #tpu.pipeline_mode<synchronous>, transform_indices = @transform_5, window_bounds = array<i64: 1, 128>}, {pipeline_mode = #tpu.pipeline_mode<synchronous>, transform_indices = @transform_6, window_bounds = array<i64: 2, 128>}]} {
    %get3A = arith.constant 0 : index
    %get3A_0 = arith.constant 0 : index
    %get3A_1 = vector.load %arg2[%get3A, %get3A_0] : memref<2x64xf32, #tpu.memory_space<vmem>>, vector<1x64xf32>
    %div3A = arith.constant 1.600000e+05 : f32
    %div3A_2 = vector.broadcast %div3A : f32 to vector<1x64xf32>
    %div3A_3 = arith.divf %get3A_1, %div3A_2 : vector<1x64xf32>
    %get3A_4 = arith.constant 1 : index
    %get3A_5 = arith.constant 0 : index
    %get3A_6 = vector.load %arg2[%get3A_4, %get3A_5] : memref<2x64xf32, #tpu.memory_space<vmem>>, vector<1x64xf32>
    %div3A_7 = arith.constant 1.600000e+05 : f32
    %div3A_8 = vector.broadcast %div3A_7 : f32 to vector<1x64xf32>
    %div3A_9 = arith.divf %get3A_6, %div3A_8 : vector<1x64xf32>
    %mul3A = arith.mulf %div3A_3, %div3A_3 : vector<1x64xf32>
    %sub3A = arith.subf %div3A_9, %mul3A : vector<1x64xf32>
    %get3A_10 = arith.constant 0 : index
    %get3A_11 = arith.constant 0 : index
    %get3A_12 = vector.load %arg3[%get3A_10, %get3A_11] : memref<1x64xf32, #tpu.memory_space<vmem>>, vector<1x64xf32>
    %add3A = arith.constant 9.99999974E-6 : f32
    %add3A_13 = vector.broadcast %add3A : f32 to vector<1x64xf32>
    %add3A_14 = arith.addf %sub3A, %add3A_13 : vector<1x64xf32>
    %rsqrt3A = math.rsqrt %add3A_14 : vector<1x64xf32>
    %mul3A_15 = arith.mulf %get3A_12, %rsqrt3A : vector<1x64xf32>
    %get3A_16 = arith.constant 0 : index
    %get3A_17 = arith.constant 0 : index
    %get3A_18 = vector.load %arg4[%get3A_16, %get3A_17] : memref<1x64xf32, #tpu.memory_space<vmem>>, vector<1x64xf32>
    %mul3A_19 = arith.mulf %div3A_3, %mul3A_15 : vector<1x64xf32>
    %sub3A_20 = arith.subf %get3A_18, %mul3A_19 : vector<1x64xf32>
    %get3A_21 = arith.constant 0 : index
    %get3A_22 = arith.constant 0 : index
    %get3A_23 = vector.load %arg1[%get3A_21, %get3A_22] : memref<640x64xf32, #tpu.memory_space<vmem>>, vector<640x64xf32>
    %mul3A_24 = vector.broadcast %mul3A_15 : vector<1x64xf32> to vector<640x64xf32>
    %mul3A_25 = arith.mulf %get3A_23, %mul3A_24 : vector<640x64xf32>
    %add3A_26 = vector.broadcast %sub3A_20 : vector<1x64xf32> to vector<640x64xf32>
    %add3A_27 = arith.addf %mul3A_25, %add3A_26 : vector<640x64xf32>
    %get3A_28 = arith.constant 0 : index
    %get3A_29 = arith.constant 0 : index
    %get3A_30 = vector.load %arg5[%get3A_28, %get3A_29] : memref<64x128xf32, #tpu.memory_space<vmem>>, vector<64x128xf32>
    %dot_general3A = arith.constant dense<0.000000e+00> : vector<640x128xf32>
    %dot_general3A_31 = tpu.matmul %add3A_27, %get3A_30, %dot_general3A {dimension_numbers = #tpu.dot_dimension_numbers<[1], [0], [0], [1], [0, 0, 1, 1], [], []>, transpose_lhs_hint = false} : vector<640x64xf32>, vector<64x128xf32>, vector<640x128xf32> -> vector<640x128xf32>
    %get3A_32 = arith.constant 0 : index
    %get3A_33 = arith.constant 0 : index
    %get3A_34 = vector.load %arg6[%get3A_32, %get3A_33] : memref<1x128xf32, #tpu.memory_space<vmem>>, vector<1x128xf32>
    %add3A_35 = vector.broadcast %get3A_34 : vector<1x128xf32> to vector<640x128xf32>
    %add3A_36 = arith.addf %dot_general3A_31, %add3A_35 : vector<640x128xf32>
    %ge3A = arith.constant 0.000000e+00 : f32
    %ge3A_37 = vector.broadcast %ge3A : f32 to vector<640x128xf32>
    %ge3A_38 = arith.cmpf oge, %add3A_36, %ge3A_37 : vector<640x128xf32>
    %mul3A_39 = arith.constant 1.000000e-01 : f32
    %mul3A_40 = vector.broadcast %mul3A_39 : f32 to vector<640x128xf32>
    %mul3A_41 = arith.mulf %mul3A_40, %add3A_36 : vector<640x128xf32>
    %select_n3A = arith.select %ge3A_38, %add3A_36, %mul3A_41 : vector<640x128xi1>, vector<640x128xf32>
    %eq3A = arith.constant 0 : i32
    %eq3A_42 = arith.cmpi eq, %arg0, %eq3A : i32
    %convert_element_type3A = arith.extui %eq3A_42 : i1 to i32
    %cond3A = arith.constant 0 : i32
    %cond3A_43 = arith.cmpi ne, %convert_element_type3A, %cond3A : i32
    scf.if %cond3A_43 {
      %broadcast_in_dim3A_62 = arith.constant 0.000000e+00 : f32
      %broadcast_in_dim3A_63 = vector.broadcast %broadcast_in_dim3A_62 : f32 to vector<2x128xf32>
      %swap3A_64 = arith.constant 0 : index
      %swap3A_65 = arith.constant 0 : index
      %swap3A_66 = vector.load %arg7[%swap3A_64, %swap3A_65] : memref<2x128xf32, #tpu.memory_space<vmem>>, vector<2x128xf32>
      tpu.vector_store %arg7[%swap3A_64, %swap3A_65], %broadcast_in_dim3A_63 {strides = array<i32>} : memref<2x128xf32, #tpu.memory_space<vmem>>, vector<2x128xf32>,
    } else {
    }
    %get3A_44 = arith.constant 0 : index
    %get3A_45 = arith.constant 0 : index
    %get3A_46 = vector.load %arg7[%get3A_44, %get3A_45] : memref<2x128xf32, #tpu.memory_space<vmem>>, vector<1x128xf32>
    %reduce_sum3A = arith.constant dense<0.000000e+00> : vector<128xf32>
    %reduce_sum3A_47 = vector.multi_reduction <add>, %select_n3A, %reduce_sum3A [0] : vector<640x128xf32> to vector<128xf32>
    %broadcast_in_dim3A = vector.shape_cast %reduce_sum3A_47 : vector<128xf32> to vector<1x128xf32>
    %add3A_48 = arith.addf %get3A_46, %broadcast_in_dim3A : vector<1x128xf32>
    %swap3A = arith.constant 0 : index
    %swap3A_49 = arith.constant 0 : index
    %swap3A_50 = vector.load %arg7[%swap3A, %swap3A_49] : memref<2x128xf32, #tpu.memory_space<vmem>>, vector<1x128xf32>
    tpu.vector_store %arg7[%swap3A, %swap3A_49], %add3A_48 {strides = array<i32>} : memref<2x128xf32, #tpu.memory_space<vmem>>, vector<1x128xf32>,
    %get3A_51 = arith.constant 1 : index
    %get3A_52 = arith.constant 0 : index
    %get3A_53 = vector.load %arg7[%get3A_51, %get3A_52] : memref<2x128xf32, #tpu.memory_space<vmem>>, vector<1x128xf32>
    %mul3A_54 = arith.mulf %select_n3A, %select_n3A : vector<640x128xf32>
    %reduce_sum3A_55 = arith.constant dense<0.000000e+00> : vector<128xf32>
    %reduce_sum3A_56 = vector.multi_reduction <add>, %mul3A_54, %reduce_sum3A_55 [0] : vector<640x128xf32> to vector<128xf32>
    %broadcast_in_dim3A_57 = vector.shape_cast %reduce_sum3A_56 : vector<128xf32> to vector<1x128xf32>
    %add3A_58 = arith.addf %get3A_53, %broadcast_in_dim3A_57 : vector<1x128xf32>
    %swap3A_59 = arith.constant 1 : index
    %swap3A_60 = arith.constant 0 : index
    %swap3A_61 = vector.load %arg7[%swap3A_59, %swap3A_60] : memref<2x128xf32, #tpu.memory_space<vmem>>, vector<1x128xf32>
    tpu.vector_store %arg7[%swap3A_59, %swap3A_60], %add3A_58 {strides = array<i32>} : memref<2x128xf32, #tpu.memory_space<vmem>>, vector<1x128xf32>,
    return
  }
  func.func @transform_0(%arg0: i32) -> (i32, i32) {
    %c0_i32 = arith.constant 0 : i32
    %c0_i32_0 = arith.constant 0 : i32
    return %arg0, %c0_i32 : i32, i32
  }
  func.func @transform_1(%arg0: i32) -> (i32, i32) {
    %c0_i32 = arith.constant 0 : i32
    %c0_i32_0 = arith.constant 0 : i32
    %c0_i32_1 = arith.constant 0 : i32
    return %c0_i32, %c0_i32_0 : i32, i32
  }
  func.func @transform_2(%arg0: i32) -> (i32, i32) {
    %c0_i32 = arith.constant 0 : i32
    %c0_i32_0 = arith.constant 0 : i32
    %c0_i32_1 = arith.constant 0 : i32
    return %c0_i32, %c0_i32_0 : i32, i32
  }
  func.func @transform_3(%arg0: i32) -> (i32, i32) {
    %c0_i32 = arith.constant 0 : i32
    %c0_i32_0 = arith.constant 0 : i32
    %c0_i32_1 = arith.constant 0 : i32
    return %c0_i32, %c0_i32_0 : i32, i32
  }
  func.func @transform_4(%arg0: i32) -> (i32, i32) {
    %c0_i32 = arith.constant 0 : i32
    %c0_i32_0 = arith.constant 0 : i32
    %c0_i32_1 = arith.constant 0 : i32
    return %c0_i32, %c0_i32_0 : i32, i32
  }
  func.func @transform_5(%arg0: i32) -> (i32, i32) {
    %c0_i32 = arith.constant 0 : i32
    %c0_i32_0 = arith.constant 0 : i32
    %c0_i32_1 = arith.constant 0 : i32
    return %c0_i32, %c0_i32_0 : i32, i32
  }
  func.func @transform_6(%arg0: i32) -> (i32, i32) {
    %c0_i32 = arith.constant 0 : i32
    %c0_i32_0 = arith.constant 0 : i32
    %c0_i32_1 = arith.constant 0 : i32
    return %c0_i32, %c0_i32_0 : i32, i32
  }
}

module attributes {stable_mosaic.version = 14 : i64} {
  func.func @_passD_body(%arg0: i32, %arg1: memref<640x64xf32, #tpu.memory_space<vmem>>, %arg2: memref<640x128xf32, #tpu.memory_space<vmem>>, %arg3: memref<2x64xf32, #tpu.memory_space<vmem>>, %arg4: memref<1x64xf32, #tpu.memory_space<vmem>>, %arg5: memref<1x64xf32, #tpu.memory_space<vmem>>, %arg6: memref<2x128xf32, #tpu.memory_space<vmem>>, %arg7: memref<1x128xf32, #tpu.memory_space<vmem>>, %arg8: memref<1x128xf32, #tpu.memory_space<vmem>>, %arg9: memref<64x128xf32, #tpu.memory_space<vmem>>, %arg10: memref<1x128xf32, #tpu.memory_space<vmem>>, %arg11: memref<128x2048xf32, #tpu.memory_space<vmem>>, %arg12: memref<1x2048xf32, #tpu.memory_space<vmem>>, %arg13: memref<640x128xf32, #tpu.memory_space<vmem>>) attributes {dimension_semantics = [#tpu.dimension_semantics<arbitrary>], iteration_bounds = array<i64: 256>, scalar_prefetch = 0 : i64, scratch_operands = 0 : i64, tpu.core_type = #tpu.core_type<tc>, window_params = [{transform_indices = @transform_0, window_bounds = array<i64: 640, 64>}, {transform_indices = @transform_1, window_bounds = array<i64: 640, 128>}, {pipeline_mode = #tpu.pipeline_mode<synchronous>, transform_indices = @transform_2, window_bounds = array<i64: 2, 64>}, {pipeline_mode = #tpu.pipeline_mode<synchronous>, transform_indices = @transform_3, window_bounds = array<i64: 1, 64>}, {pipeline_mode = #tpu.pipeline_mode<synchronous>, transform_indices = @transform_4, window_bounds = array<i64: 1, 64>}, {pipeline_mode = #tpu.pipeline_mode<synchronous>, transform_indices = @transform_5, window_bounds = array<i64: 2, 128>}, {pipeline_mode = #tpu.pipeline_mode<synchronous>, transform_indices = @transform_6, window_bounds = array<i64: 1, 128>}, {pipeline_mode = #tpu.pipeline_mode<synchronous>, transform_indices = @transform_7, window_bounds = array<i64: 1, 128>}, {pipeline_mode = #tpu.pipeline_mode<synchronous>, transform_indices = @transform_8, window_bounds = array<i64: 64, 128>}, {pipeline_mode = #tpu.pipeline_mode<synchronous>, transform_indices = @transform_9, window_bounds = array<i64: 1, 128>}, {pipeline_mode = #tpu.pipeline_mode<synchronous>, transform_indices = @transform_10, window_bounds = array<i64: 128, 2048>}, {pipeline_mode = #tpu.pipeline_mode<synchronous>, transform_indices = @transform_11, window_bounds = array<i64: 1, 2048>}, {transform_indices = @transform_12, window_bounds = array<i64: 640, 128>}]} {
    %get3A = arith.constant 0 : index
    %get3A_0 = arith.constant 0 : index
    %get3A_1 = vector.load %arg3[%get3A, %get3A_0] : memref<2x64xf32, #tpu.memory_space<vmem>>, vector<1x64xf32>
    %div3A = arith.constant 1.600000e+05 : f32
    %div3A_2 = vector.broadcast %div3A : f32 to vector<1x64xf32>
    %div3A_3 = arith.divf %get3A_1, %div3A_2 : vector<1x64xf32>
    %get3A_4 = arith.constant 1 : index
    %get3A_5 = arith.constant 0 : index
    %get3A_6 = vector.load %arg3[%get3A_4, %get3A_5] : memref<2x64xf32, #tpu.memory_space<vmem>>, vector<1x64xf32>
    %div3A_7 = arith.constant 1.600000e+05 : f32
    %div3A_8 = vector.broadcast %div3A_7 : f32 to vector<1x64xf32>
    %div3A_9 = arith.divf %get3A_6, %div3A_8 : vector<1x64xf32>
    %mul3A = arith.mulf %div3A_3, %div3A_3 : vector<1x64xf32>
    %sub3A = arith.subf %div3A_9, %mul3A : vector<1x64xf32>
    %get3A_10 = arith.constant 0 : index
    %get3A_11 = arith.constant 0 : index
    %get3A_12 = vector.load %arg4[%get3A_10, %get3A_11] : memref<1x64xf32, #tpu.memory_space<vmem>>, vector<1x64xf32>
    %add3A = arith.constant 9.99999974E-6 : f32
    %add3A_13 = vector.broadcast %add3A : f32 to vector<1x64xf32>
    %add3A_14 = arith.addf %sub3A, %add3A_13 : vector<1x64xf32>
    %rsqrt3A = math.rsqrt %add3A_14 : vector<1x64xf32>
    %mul3A_15 = arith.mulf %get3A_12, %rsqrt3A : vector<1x64xf32>
    %get3A_16 = arith.constant 0 : index
    %get3A_17 = arith.constant 0 : index
    %get3A_18 = vector.load %arg5[%get3A_16, %get3A_17] : memref<1x64xf32, #tpu.memory_space<vmem>>, vector<1x64xf32>
    %mul3A_19 = arith.mulf %div3A_3, %mul3A_15 : vector<1x64xf32>
    %sub3A_20 = arith.subf %get3A_18, %mul3A_19 : vector<1x64xf32>
    %get3A_21 = arith.constant 0 : index
    %get3A_22 = arith.constant 0 : index
    %get3A_23 = vector.load %arg1[%get3A_21, %get3A_22] : memref<640x64xf32, #tpu.memory_space<vmem>>, vector<640x64xf32>
    %mul3A_24 = vector.broadcast %mul3A_15 : vector<1x64xf32> to vector<640x64xf32>
    %mul3A_25 = arith.mulf %get3A_23, %mul3A_24 : vector<640x64xf32>
    %add3A_26 = vector.broadcast %sub3A_20 : vector<1x64xf32> to vector<640x64xf32>
    %add3A_27 = arith.addf %mul3A_25, %add3A_26 : vector<640x64xf32>
    %get3A_28 = arith.constant 0 : index
    %get3A_29 = arith.constant 0 : index
    %get3A_30 = vector.load %arg9[%get3A_28, %get3A_29] : memref<64x128xf32, #tpu.memory_space<vmem>>, vector<64x128xf32>
    %dot_general3A = arith.constant dense<0.000000e+00> : vector<640x128xf32>
    %dot_general3A_31 = tpu.matmul %add3A_27, %get3A_30, %dot_general3A {dimension_numbers = #tpu.dot_dimension_numbers<[1], [0], [0], [1], [0, 0, 1, 1], [], []>, transpose_lhs_hint = false} : vector<640x64xf32>, vector<64x128xf32>, vector<640x128xf32> -> vector<640x128xf32>
    %get3A_32 = arith.constant 0 : index
    %get3A_33 = arith.constant 0 : index
    %get3A_34 = vector.load %arg10[%get3A_32, %get3A_33] : memref<1x128xf32, #tpu.memory_space<vmem>>, vector<1x128xf32>
    %add3A_35 = vector.broadcast %get3A_34 : vector<1x128xf32> to vector<640x128xf32>
    %add3A_36 = arith.addf %dot_general3A_31, %add3A_35 : vector<640x128xf32>
    %ge3A = arith.constant 0.000000e+00 : f32
    %ge3A_37 = vector.broadcast %ge3A : f32 to vector<640x128xf32>
    %ge3A_38 = arith.cmpf oge, %add3A_36, %ge3A_37 : vector<640x128xf32>
    %mul3A_39 = arith.constant 1.000000e-01 : f32
    %mul3A_40 = vector.broadcast %mul3A_39 : f32 to vector<640x128xf32>
    %mul3A_41 = arith.mulf %mul3A_40, %add3A_36 : vector<640x128xf32>
    %select_n3A = arith.select %ge3A_38, %add3A_36, %mul3A_41 : vector<640x128xi1>, vector<640x128xf32>
    %get3A_42 = arith.constant 0 : index
    %get3A_43 = arith.constant 0 : index
    %get3A_44 = vector.load %arg6[%get3A_42, %get3A_43] : memref<2x128xf32, #tpu.memory_space<vmem>>, vector<1x128xf32>
    %div3A_45 = arith.constant 1.600000e+05 : f32
    %div3A_46 = vector.broadcast %div3A_45 : f32 to vector<1x128xf32>
    %div3A_47 = arith.divf %get3A_44, %div3A_46 : vector<1x128xf32>
    %get3A_48 = arith.constant 1 : index
    %get3A_49 = arith.constant 0 : index
    %get3A_50 = vector.load %arg6[%get3A_48, %get3A_49] : memref<2x128xf32, #tpu.memory_space<vmem>>, vector<1x128xf32>
    %div3A_51 = arith.constant 1.600000e+05 : f32
    %div3A_52 = vector.broadcast %div3A_51 : f32 to vector<1x128xf32>
    %div3A_53 = arith.divf %get3A_50, %div3A_52 : vector<1x128xf32>
    %mul3A_54 = arith.mulf %div3A_47, %div3A_47 : vector<1x128xf32>
    %sub3A_55 = arith.subf %div3A_53, %mul3A_54 : vector<1x128xf32>
    %get3A_56 = arith.constant 0 : index
    %get3A_57 = arith.constant 0 : index
    %get3A_58 = vector.load %arg7[%get3A_56, %get3A_57] : memref<1x128xf32, #tpu.memory_space<vmem>>, vector<1x128xf32>
    %add3A_59 = arith.constant 9.99999974E-6 : f32
    %add3A_60 = vector.broadcast %add3A_59 : f32 to vector<1x128xf32>
    %add3A_61 = arith.addf %sub3A_55, %add3A_60 : vector<1x128xf32>
    %rsqrt3A_62 = math.rsqrt %add3A_61 : vector<1x128xf32>
    %mul3A_63 = arith.mulf %get3A_58, %rsqrt3A_62 : vector<1x128xf32>
    %get3A_64 = arith.constant 0 : index
    %get3A_65 = arith.constant 0 : index
    %get3A_66 = vector.load %arg8[%get3A_64, %get3A_65] : memref<1x128xf32, #tpu.memory_space<vmem>>, vector<1x128xf32>
    %mul3A_67 = arith.mulf %div3A_47, %mul3A_63 : vector<1x128xf32>
    %sub3A_68 = arith.subf %get3A_66, %mul3A_67 : vector<1x128xf32>
    %mul3A_69 = vector.broadcast %mul3A_63 : vector<1x128xf32> to vector<640x128xf32>
    %mul3A_70 = arith.mulf %select_n3A, %mul3A_69 : vector<640x128xf32>
    %add3A_71 = vector.broadcast %sub3A_68 : vector<1x128xf32> to vector<640x128xf32>
    %add3A_72 = arith.addf %mul3A_70, %add3A_71 : vector<640x128xf32>
    %get3A_73 = arith.constant 0 : index
    %get3A_74 = arith.constant 0 : index
    %get3A_75 = vector.load %arg11[%get3A_73, %get3A_74] : memref<128x2048xf32, #tpu.memory_space<vmem>>, vector<128x2048xf32>
    %dot_general3A_76 = arith.constant dense<0.000000e+00> : vector<640x2048xf32>
    %dot_general3A_77 = tpu.matmul %add3A_72, %get3A_75, %dot_general3A_76 {dimension_numbers = #tpu.dot_dimension_numbers<[1], [0], [0], [1], [0, 0, 1, 1], [], []>, transpose_lhs_hint = false} : vector<640x128xf32>, vector<128x2048xf32>, vector<640x2048xf32> -> vector<640x2048xf32>
    %get3A_78 = arith.constant 0 : index
    %get3A_79 = arith.constant 0 : index
    %get3A_80 = vector.load %arg12[%get3A_78, %get3A_79] : memref<1x2048xf32, #tpu.memory_space<vmem>>, vector<1x2048xf32>
    %add3A_81 = vector.broadcast %get3A_80 : vector<1x2048xf32> to vector<640x2048xf32>
    %add3A_82 = arith.addf %dot_general3A_77, %add3A_81 : vector<640x2048xf32>
    %get3A_83 = arith.constant 0 : index
    %get3A_84 = arith.constant 0 : index
    %get3A_85 = vector.load %arg2[%get3A_83, %get3A_84] : memref<640x128xf32, #tpu.memory_space<vmem>>, vector<640x32xf32>
    %slice3A = vector.extract_strided_slice %get3A_85 {offsets = [0, 0], sizes = [640, 1], strides = [1, 1]} : vector<640x32xf32> to vector<640x1xf32>
    %slice3A_86 = vector.extract_strided_slice %add3A_82 {offsets = [0, 0], sizes = [640, 64], strides = [1, 1]} : vector<640x2048xf32> to vector<640x64xf32>
    %mul3A_87 = vector.broadcast %slice3A : vector<640x1xf32> to vector<640x64xf32>
    %mul3A_88 = arith.mulf %mul3A_87, %slice3A_86 : vector<640x64xf32>
    %slice3A_89 = vector.extract_strided_slice %get3A_85 {offsets = [0, 1], sizes = [640, 1], strides = [1, 1]} : vector<640x32xf32> to vector<640x1xf32>
    %slice3A_90 = vector.extract_strided_slice %add3A_82 {offsets = [0, 64], sizes = [640, 64], strides = [1, 1]} : vector<640x2048xf32> to vector<640x64xf32>
    %mul3A_91 = vector.broadcast %slice3A_89 : vector<640x1xf32> to vector<640x64xf32>
    %mul3A_92 = arith.mulf %mul3A_91, %slice3A_90 : vector<640x64xf32>
    %add3A_93 = arith.addf %mul3A_88, %mul3A_92 : vector<640x64xf32>
    %slice3A_94 = vector.extract_strided_slice %get3A_85 {offsets = [0, 2], sizes = [640, 1], strides = [1, 1]} : vector<640x32xf32> to vector<640x1xf32>
    %slice3A_95 = vector.extract_strided_slice %add3A_82 {offsets = [0, 128], sizes = [640, 64], strides = [1, 1]} : vector<640x2048xf32> to vector<640x64xf32>
    %mul3A_96 = vector.broadcast %slice3A_94 : vector<640x1xf32> to vector<640x64xf32>
    %mul3A_97 = arith.mulf %mul3A_96, %slice3A_95 : vector<640x64xf32>
    %add3A_98 = arith.addf %add3A_93, %mul3A_97 : vector<640x64xf32>
    %slice3A_99 = vector.extract_strided_slice %get3A_85 {offsets = [0, 3], sizes = [640, 1], strides = [1, 1]} : vector<640x32xf32> to vector<640x1xf32>
    %slice3A_100 = vector.extract_strided_slice %add3A_82 {offsets = [0, 192], sizes = [640, 64], strides = [1, 1]} : vector<640x2048xf32> to vector<640x64xf32>
    %mul3A_101 = vector.broadcast %slice3A_99 : vector<640x1xf32> to vector<640x64xf32>
    %mul3A_102 = arith.mulf %mul3A_101, %slice3A_100 : vector<640x64xf32>
    %add3A_103 = arith.addf %add3A_98, %mul3A_102 : vector<640x64xf32>
    %slice3A_104 = vector.extract_strided_slice %get3A_85 {offsets = [0, 4], sizes = [640, 1], strides = [1, 1]} : vector<640x32xf32> to vector<640x1xf32>
    %slice3A_105 = vector.extract_strided_slice %add3A_82 {offsets = [0, 256], sizes = [640, 64], strides = [1, 1]} : vector<640x2048xf32> to vector<640x64xf32>
    %mul3A_106 = vector.broadcast %slice3A_104 : vector<640x1xf32> to vector<640x64xf32>
    %mul3A_107 = arith.mulf %mul3A_106, %slice3A_105 : vector<640x64xf32>
    %add3A_108 = arith.addf %add3A_103, %mul3A_107 : vector<640x64xf32>
    %slice3A_109 = vector.extract_strided_slice %get3A_85 {offsets = [0, 5], sizes = [640, 1], strides = [1, 1]} : vector<640x32xf32> to vector<640x1xf32>
    %slice3A_110 = vector.extract_strided_slice %add3A_82 {offsets = [0, 320], sizes = [640, 64], strides = [1, 1]} : vector<640x2048xf32> to vector<640x64xf32>
    %mul3A_111 = vector.broadcast %slice3A_109 : vector<640x1xf32> to vector<640x64xf32>
    %mul3A_112 = arith.mulf %mul3A_111, %slice3A_110 : vector<640x64xf32>
    %add3A_113 = arith.addf %add3A_108, %mul3A_112 : vector<640x64xf32>
    %slice3A_114 = vector.extract_strided_slice %get3A_85 {offsets = [0, 6], sizes = [640, 1], strides = [1, 1]} : vector<640x32xf32> to vector<640x1xf32>
    %slice3A_115 = vector.extract_strided_slice %add3A_82 {offsets = [0, 384], sizes = [640, 64], strides = [1, 1]} : vector<640x2048xf32> to vector<640x64xf32>
    %mul3A_116 = vector.broadcast %slice3A_114 : vector<640x1xf32> to vector<640x64xf32>
    %mul3A_117 = arith.mulf %mul3A_116, %slice3A_115 : vector<640x64xf32>
    %add3A_118 = arith.addf %add3A_113, %mul3A_117 : vector<640x64xf32>
    %slice3A_119 = vector.extract_strided_slice %get3A_85 {offsets = [0, 7], sizes = [640, 1], strides = [1, 1]} : vector<640x32xf32> to vector<640x1xf32>
    %slice3A_120 = vector.extract_strided_slice %add3A_82 {offsets = [0, 448], sizes = [640, 64], strides = [1, 1]} : vector<640x2048xf32> to vector<640x64xf32>
    %mul3A_121 = vector.broadcast %slice3A_119 : vector<640x1xf32> to vector<640x64xf32>
    %mul3A_122 = arith.mulf %mul3A_121, %slice3A_120 : vector<640x64xf32>
    %add3A_123 = arith.addf %add3A_118, %mul3A_122 : vector<640x64xf32>
    %slice3A_124 = vector.extract_strided_slice %get3A_85 {offsets = [0, 8], sizes = [640, 1], strides = [1, 1]} : vector<640x32xf32> to vector<640x1xf32>
    %slice3A_125 = vector.extract_strided_slice %add3A_82 {offsets = [0, 512], sizes = [640, 64], strides = [1, 1]} : vector<640x2048xf32> to vector<640x64xf32>
    %mul3A_126 = vector.broadcast %slice3A_124 : vector<640x1xf32> to vector<640x64xf32>
    %mul3A_127 = arith.mulf %mul3A_126, %slice3A_125 : vector<640x64xf32>
    %add3A_128 = arith.addf %add3A_123, %mul3A_127 : vector<640x64xf32>
    %slice3A_129 = vector.extract_strided_slice %get3A_85 {offsets = [0, 9], sizes = [640, 1], strides = [1, 1]} : vector<640x32xf32> to vector<640x1xf32>
    %slice3A_130 = vector.extract_strided_slice %add3A_82 {offsets = [0, 576], sizes = [640, 64], strides = [1, 1]} : vector<640x2048xf32> to vector<640x64xf32>
    %mul3A_131 = vector.broadcast %slice3A_129 : vector<640x1xf32> to vector<640x64xf32>
    %mul3A_132 = arith.mulf %mul3A_131, %slice3A_130 : vector<640x64xf32>
    %add3A_133 = arith.addf %add3A_128, %mul3A_132 : vector<640x64xf32>
    %slice3A_134 = vector.extract_strided_slice %get3A_85 {offsets = [0, 10], sizes = [640, 1], strides = [1, 1]} : vector<640x32xf32> to vector<640x1xf32>
    %slice3A_135 = vector.extract_strided_slice %add3A_82 {offsets = [0, 640], sizes = [640, 64], strides = [1, 1]} : vector<640x2048xf32> to vector<640x64xf32>
    %mul3A_136 = vector.broadcast %slice3A_134 : vector<640x1xf32> to vector<640x64xf32>
    %mul3A_137 = arith.mulf %mul3A_136, %slice3A_135 : vector<640x64xf32>
    %add3A_138 = arith.addf %add3A_133, %mul3A_137 : vector<640x64xf32>
    %slice3A_139 = vector.extract_strided_slice %get3A_85 {offsets = [0, 11], sizes = [640, 1], strides = [1, 1]} : vector<640x32xf32> to vector<640x1xf32>
    %slice3A_140 = vector.extract_strided_slice %add3A_82 {offsets = [0, 704], sizes = [640, 64], strides = [1, 1]} : vector<640x2048xf32> to vector<640x64xf32>
    %mul3A_141 = vector.broadcast %slice3A_139 : vector<640x1xf32> to vector<640x64xf32>
    %mul3A_142 = arith.mulf %mul3A_141, %slice3A_140 : vector<640x64xf32>
    %add3A_143 = arith.addf %add3A_138, %mul3A_142 : vector<640x64xf32>
    %slice3A_144 = vector.extract_strided_slice %get3A_85 {offsets = [0, 12], sizes = [640, 1], strides = [1, 1]} : vector<640x32xf32> to vector<640x1xf32>
    %slice3A_145 = vector.extract_strided_slice %add3A_82 {offsets = [0, 768], sizes = [640, 64], strides = [1, 1]} : vector<640x2048xf32> to vector<640x64xf32>
    %mul3A_146 = vector.broadcast %slice3A_144 : vector<640x1xf32> to vector<640x64xf32>
    %mul3A_147 = arith.mulf %mul3A_146, %slice3A_145 : vector<640x64xf32>
    %add3A_148 = arith.addf %add3A_143, %mul3A_147 : vector<640x64xf32>
    %slice3A_149 = vector.extract_strided_slice %get3A_85 {offsets = [0, 13], sizes = [640, 1], strides = [1, 1]} : vector<640x32xf32> to vector<640x1xf32>
    %slice3A_150 = vector.extract_strided_slice %add3A_82 {offsets = [0, 832], sizes = [640, 64], strides = [1, 1]} : vector<640x2048xf32> to vector<640x64xf32>
    %mul3A_151 = vector.broadcast %slice3A_149 : vector<640x1xf32> to vector<640x64xf32>
    %mul3A_152 = arith.mulf %mul3A_151, %slice3A_150 : vector<640x64xf32>
    %add3A_153 = arith.addf %add3A_148, %mul3A_152 : vector<640x64xf32>
    %slice3A_154 = vector.extract_strided_slice %get3A_85 {offsets = [0, 14], sizes = [640, 1], strides = [1, 1]} : vector<640x32xf32> to vector<640x1xf32>
    %slice3A_155 = vector.extract_strided_slice %add3A_82 {offsets = [0, 896], sizes = [640, 64], strides = [1, 1]} : vector<640x2048xf32> to vector<640x64xf32>
    %mul3A_156 = vector.broadcast %slice3A_154 : vector<640x1xf32> to vector<640x64xf32>
    %mul3A_157 = arith.mulf %mul3A_156, %slice3A_155 : vector<640x64xf32>
    %add3A_158 = arith.addf %add3A_153, %mul3A_157 : vector<640x64xf32>
    %slice3A_159 = vector.extract_strided_slice %get3A_85 {offsets = [0, 15], sizes = [640, 1], strides = [1, 1]} : vector<640x32xf32> to vector<640x1xf32>
    %slice3A_160 = vector.extract_strided_slice %add3A_82 {offsets = [0, 960], sizes = [640, 64], strides = [1, 1]} : vector<640x2048xf32> to vector<640x64xf32>
    %mul3A_161 = vector.broadcast %slice3A_159 : vector<640x1xf32> to vector<640x64xf32>
    %mul3A_162 = arith.mulf %mul3A_161, %slice3A_160 : vector<640x64xf32>
    %add3A_163 = arith.addf %add3A_158, %mul3A_162 : vector<640x64xf32>
    %slice3A_164 = vector.extract_strided_slice %get3A_85 {offsets = [0, 16], sizes = [640, 1], strides = [1, 1]} : vector<640x32xf32> to vector<640x1xf32>
    %slice3A_165 = vector.extract_strided_slice %add3A_82 {offsets = [0, 1024], sizes = [640, 64], strides = [1, 1]} : vector<640x2048xf32> to vector<640x64xf32>
    %mul3A_166 = vector.broadcast %slice3A_164 : vector<640x1xf32> to vector<640x64xf32>
    %mul3A_167 = arith.mulf %mul3A_166, %slice3A_165 : vector<640x64xf32>
    %add3A_168 = arith.addf %add3A_163, %mul3A_167 : vector<640x64xf32>
    %slice3A_169 = vector.extract_strided_slice %get3A_85 {offsets = [0, 17], sizes = [640, 1], strides = [1, 1]} : vector<640x32xf32> to vector<640x1xf32>
    %slice3A_170 = vector.extract_strided_slice %add3A_82 {offsets = [0, 1088], sizes = [640, 64], strides = [1, 1]} : vector<640x2048xf32> to vector<640x64xf32>
    %mul3A_171 = vector.broadcast %slice3A_169 : vector<640x1xf32> to vector<640x64xf32>
    %mul3A_172 = arith.mulf %mul3A_171, %slice3A_170 : vector<640x64xf32>
    %add3A_173 = arith.addf %add3A_168, %mul3A_172 : vector<640x64xf32>
    %slice3A_174 = vector.extract_strided_slice %get3A_85 {offsets = [0, 18], sizes = [640, 1], strides = [1, 1]} : vector<640x32xf32> to vector<640x1xf32>
    %slice3A_175 = vector.extract_strided_slice %add3A_82 {offsets = [0, 1152], sizes = [640, 64], strides = [1, 1]} : vector<640x2048xf32> to vector<640x64xf32>
    %mul3A_176 = vector.broadcast %slice3A_174 : vector<640x1xf32> to vector<640x64xf32>
    %mul3A_177 = arith.mulf %mul3A_176, %slice3A_175 : vector<640x64xf32>
    %add3A_178 = arith.addf %add3A_173, %mul3A_177 : vector<640x64xf32>
    %slice3A_179 = vector.extract_strided_slice %get3A_85 {offsets = [0, 19], sizes = [640, 1], strides = [1, 1]} : vector<640x32xf32> to vector<640x1xf32>
    %slice3A_180 = vector.extract_strided_slice %add3A_82 {offsets = [0, 1216], sizes = [640, 64], strides = [1, 1]} : vector<640x2048xf32> to vector<640x64xf32>
    %mul3A_181 = vector.broadcast %slice3A_179 : vector<640x1xf32> to vector<640x64xf32>
    %mul3A_182 = arith.mulf %mul3A_181, %slice3A_180 : vector<640x64xf32>
    %add3A_183 = arith.addf %add3A_178, %mul3A_182 : vector<640x64xf32>
    %slice3A_184 = vector.extract_strided_slice %get3A_85 {offsets = [0, 20], sizes = [640, 1], strides = [1, 1]} : vector<640x32xf32> to vector<640x1xf32>
    %slice3A_185 = vector.extract_strided_slice %add3A_82 {offsets = [0, 1280], sizes = [640, 64], strides = [1, 1]} : vector<640x2048xf32> to vector<640x64xf32>
    %mul3A_186 = vector.broadcast %slice3A_184 : vector<640x1xf32> to vector<640x64xf32>
    %mul3A_187 = arith.mulf %mul3A_186, %slice3A_185 : vector<640x64xf32>
    %add3A_188 = arith.addf %add3A_183, %mul3A_187 : vector<640x64xf32>
    %slice3A_189 = vector.extract_strided_slice %get3A_85 {offsets = [0, 21], sizes = [640, 1], strides = [1, 1]} : vector<640x32xf32> to vector<640x1xf32>
    %slice3A_190 = vector.extract_strided_slice %add3A_82 {offsets = [0, 1344], sizes = [640, 64], strides = [1, 1]} : vector<640x2048xf32> to vector<640x64xf32>
    %mul3A_191 = vector.broadcast %slice3A_189 : vector<640x1xf32> to vector<640x64xf32>
    %mul3A_192 = arith.mulf %mul3A_191, %slice3A_190 : vector<640x64xf32>
    %add3A_193 = arith.addf %add3A_188, %mul3A_192 : vector<640x64xf32>
    %slice3A_194 = vector.extract_strided_slice %get3A_85 {offsets = [0, 22], sizes = [640, 1], strides = [1, 1]} : vector<640x32xf32> to vector<640x1xf32>
    %slice3A_195 = vector.extract_strided_slice %add3A_82 {offsets = [0, 1408], sizes = [640, 64], strides = [1, 1]} : vector<640x2048xf32> to vector<640x64xf32>
    %mul3A_196 = vector.broadcast %slice3A_194 : vector<640x1xf32> to vector<640x64xf32>
    %mul3A_197 = arith.mulf %mul3A_196, %slice3A_195 : vector<640x64xf32>
    %add3A_198 = arith.addf %add3A_193, %mul3A_197 : vector<640x64xf32>
    %slice3A_199 = vector.extract_strided_slice %get3A_85 {offsets = [0, 23], sizes = [640, 1], strides = [1, 1]} : vector<640x32xf32> to vector<640x1xf32>
    %slice3A_200 = vector.extract_strided_slice %add3A_82 {offsets = [0, 1472], sizes = [640, 64], strides = [1, 1]} : vector<640x2048xf32> to vector<640x64xf32>
    %mul3A_201 = vector.broadcast %slice3A_199 : vector<640x1xf32> to vector<640x64xf32>
    %mul3A_202 = arith.mulf %mul3A_201, %slice3A_200 : vector<640x64xf32>
    %add3A_203 = arith.addf %add3A_198, %mul3A_202 : vector<640x64xf32>
    %slice3A_204 = vector.extract_strided_slice %get3A_85 {offsets = [0, 24], sizes = [640, 1], strides = [1, 1]} : vector<640x32xf32> to vector<640x1xf32>
    %slice3A_205 = vector.extract_strided_slice %add3A_82 {offsets = [0, 1536], sizes = [640, 64], strides = [1, 1]} : vector<640x2048xf32> to vector<640x64xf32>
    %mul3A_206 = vector.broadcast %slice3A_204 : vector<640x1xf32> to vector<640x64xf32>
    %mul3A_207 = arith.mulf %mul3A_206, %slice3A_205 : vector<640x64xf32>
    %add3A_208 = arith.addf %add3A_203, %mul3A_207 : vector<640x64xf32>
    %slice3A_209 = vector.extract_strided_slice %get3A_85 {offsets = [0, 25], sizes = [640, 1], strides = [1, 1]} : vector<640x32xf32> to vector<640x1xf32>
    %slice3A_210 = vector.extract_strided_slice %add3A_82 {offsets = [0, 1600], sizes = [640, 64], strides = [1, 1]} : vector<640x2048xf32> to vector<640x64xf32>
    %mul3A_211 = vector.broadcast %slice3A_209 : vector<640x1xf32> to vector<640x64xf32>
    %mul3A_212 = arith.mulf %mul3A_211, %slice3A_210 : vector<640x64xf32>
    %add3A_213 = arith.addf %add3A_208, %mul3A_212 : vector<640x64xf32>
    %slice3A_214 = vector.extract_strided_slice %get3A_85 {offsets = [0, 26], sizes = [640, 1], strides = [1, 1]} : vector<640x32xf32> to vector<640x1xf32>
    %slice3A_215 = vector.extract_strided_slice %add3A_82 {offsets = [0, 1664], sizes = [640, 64], strides = [1, 1]} : vector<640x2048xf32> to vector<640x64xf32>
    %mul3A_216 = vector.broadcast %slice3A_214 : vector<640x1xf32> to vector<640x64xf32>
    %mul3A_217 = arith.mulf %mul3A_216, %slice3A_215 : vector<640x64xf32>
    %add3A_218 = arith.addf %add3A_213, %mul3A_217 : vector<640x64xf32>
    %slice3A_219 = vector.extract_strided_slice %get3A_85 {offsets = [0, 27], sizes = [640, 1], strides = [1, 1]} : vector<640x32xf32> to vector<640x1xf32>
    %slice3A_220 = vector.extract_strided_slice %add3A_82 {offsets = [0, 1728], sizes = [640, 64], strides = [1, 1]} : vector<640x2048xf32> to vector<640x64xf32>
    %mul3A_221 = vector.broadcast %slice3A_219 : vector<640x1xf32> to vector<640x64xf32>
    %mul3A_222 = arith.mulf %mul3A_221, %slice3A_220 : vector<640x64xf32>
    %add3A_223 = arith.addf %add3A_218, %mul3A_222 : vector<640x64xf32>
    %slice3A_224 = vector.extract_strided_slice %get3A_85 {offsets = [0, 28], sizes = [640, 1], strides = [1, 1]} : vector<640x32xf32> to vector<640x1xf32>
    %slice3A_225 = vector.extract_strided_slice %add3A_82 {offsets = [0, 1792], sizes = [640, 64], strides = [1, 1]} : vector<640x2048xf32> to vector<640x64xf32>
    %mul3A_226 = vector.broadcast %slice3A_224 : vector<640x1xf32> to vector<640x64xf32>
    %mul3A_227 = arith.mulf %mul3A_226, %slice3A_225 : vector<640x64xf32>
    %add3A_228 = arith.addf %add3A_223, %mul3A_227 : vector<640x64xf32>
    %slice3A_229 = vector.extract_strided_slice %get3A_85 {offsets = [0, 29], sizes = [640, 1], strides = [1, 1]} : vector<640x32xf32> to vector<640x1xf32>
    %slice3A_230 = vector.extract_strided_slice %add3A_82 {offsets = [0, 1856], sizes = [640, 64], strides = [1, 1]} : vector<640x2048xf32> to vector<640x64xf32>
    %mul3A_231 = vector.broadcast %slice3A_229 : vector<640x1xf32> to vector<640x64xf32>
    %mul3A_232 = arith.mulf %mul3A_231, %slice3A_230 : vector<640x64xf32>
    %add3A_233 = arith.addf %add3A_228, %mul3A_232 : vector<640x64xf32>
    %slice3A_234 = vector.extract_strided_slice %get3A_85 {offsets = [0, 30], sizes = [640, 1], strides = [1, 1]} : vector<640x32xf32> to vector<640x1xf32>
    %slice3A_235 = vector.extract_strided_slice %add3A_82 {offsets = [0, 1920], sizes = [640, 64], strides = [1, 1]} : vector<640x2048xf32> to vector<640x64xf32>
    %mul3A_236 = vector.broadcast %slice3A_234 : vector<640x1xf32> to vector<640x64xf32>
    %mul3A_237 = arith.mulf %mul3A_236, %slice3A_235 : vector<640x64xf32>
    %add3A_238 = arith.addf %add3A_233, %mul3A_237 : vector<640x64xf32>
    %slice3A_239 = vector.extract_strided_slice %get3A_85 {offsets = [0, 31], sizes = [640, 1], strides = [1, 1]} : vector<640x32xf32> to vector<640x1xf32>
    %slice3A_240 = vector.extract_strided_slice %add3A_82 {offsets = [0, 1984], sizes = [640, 64], strides = [1, 1]} : vector<640x2048xf32> to vector<640x64xf32>
    %mul3A_241 = vector.broadcast %slice3A_239 : vector<640x1xf32> to vector<640x64xf32>
    %mul3A_242 = arith.mulf %mul3A_241, %slice3A_240 : vector<640x64xf32>
    %add3A_243 = arith.addf %add3A_238, %mul3A_242 : vector<640x64xf32>
    %mul3A_244 = arith.constant 640 : i32
    %mul3A_245 = arith.muli %arg0, %mul3A_244 : i32
    %iota3A = tpu.iota {dimensions = array<i32: 0>} : vector<640x1xi32>
    %add3A_246 = vector.broadcast %mul3A_245 : i32 to vector<640x1xi32>
    %add3A_247 = arith.addi %add3A_246, %iota3A : vector<640x1xi32>
    %lt3A = arith.constant 160000 : i32
    %lt3A_248 = vector.broadcast %lt3A : i32 to vector<640x1xi32>
    %lt3A_249 = arith.cmpi slt, %add3A_247, %lt3A_248 : vector<640x1xi32>
    %jit3A = arith.constant 0.000000e+00 : f32
    %broadcast_in_dim3A = vector.shape_cast %lt3A_249 : vector<640x1xi1> to vector<640x1xi1>
    %broadcast_in_dim3A_250 = vector.broadcast %broadcast_in_dim3A : vector<640x1xi1> to vector<640x64xi1>
    %broadcast_in_dim3A_251 = vector.broadcast %jit3A : f32 to vector<640x64xf32>
    %select_n3A_252 = arith.select %broadcast_in_dim3A_250, %add3A_243, %broadcast_in_dim3A_251 : vector<640x64xi1>, vector<640x64xf32>
    %broadcast_in_dim3A_253 = arith.constant 0.000000e+00 : f32
    %broadcast_in_dim3A_254 = vector.broadcast %broadcast_in_dim3A_253 : f32 to vector<640x64xf32>
    %concatenate3A = tpu.concatenate %select_n3A_252, %broadcast_in_dim3A_254 in 1 : vector<640x64xf32>, vector<640x64xf32> -> vector<640x128xf32>
    %swap3A = arith.constant 0 : index
    %swap3A_255 = arith.constant 0 : index
    %swap3A_256 = vector.load %arg13[%swap3A, %swap3A_255] : memref<640x128xf32, #tpu.memory_space<vmem>>, vector<640x128xf32>
    tpu.vector_store %arg13[%swap3A, %swap3A_255], %concatenate3A {strides = array<i32>} : memref<640x128xf32, #tpu.memory_space<vmem>>, vector<640x128xf32>,
    return
  }
  func.func @transform_0(%arg0: i32) -> (i32, i32) {
    %min3A = arith.constant 249 : i32
    %min3A_0 = arith.minsi %arg0, %min3A : i32
    %c0_i32 = arith.constant 0 : i32
    %c0_i32_1 = arith.constant 0 : i32
    return %min3A_0, %c0_i32 : i32, i32
  }
  func.func @transform_1(%arg0: i32) -> (i32, i32) {
    %min3A = arith.constant 249 : i32
    %min3A_0 = arith.minsi %arg0, %min3A : i32
    %c0_i32 = arith.constant 0 : i32
    %c0_i32_1 = arith.constant 0 : i32
    return %min3A_0, %c0_i32 : i32, i32
  }
  func.func @transform_2(%arg0: i32) -> (i32, i32) {
    %c0_i32 = arith.constant 0 : i32
    %c0_i32_0 = arith.constant 0 : i32
    %c0_i32_1 = arith.constant 0 : i32
    return %c0_i32, %c0_i32_0 : i32, i32
  }
  func.func @transform_3(%arg0: i32) -> (i32, i32) {
    %c0_i32 = arith.constant 0 : i32
    %c0_i32_0 = arith.constant 0 : i32
    %c0_i32_1 = arith.constant 0 : i32
    return %c0_i32, %c0_i32_0 : i32, i32
  }
  func.func @transform_4(%arg0: i32) -> (i32, i32) {
    %c0_i32 = arith.constant 0 : i32
    %c0_i32_0 = arith.constant 0 : i32
    %c0_i32_1 = arith.constant 0 : i32
    return %c0_i32, %c0_i32_0 : i32, i32
  }
  func.func @transform_5(%arg0: i32) -> (i32, i32) {
    %c0_i32 = arith.constant 0 : i32
    %c0_i32_0 = arith.constant 0 : i32
    %c0_i32_1 = arith.constant 0 : i32
    return %c0_i32, %c0_i32_0 : i32, i32
  }
  func.func @transform_6(%arg0: i32) -> (i32, i32) {
    %c0_i32 = arith.constant 0 : i32
    %c0_i32_0 = arith.constant 0 : i32
    %c0_i32_1 = arith.constant 0 : i32
    return %c0_i32, %c0_i32_0 : i32, i32
  }
  func.func @transform_7(%arg0: i32) -> (i32, i32) {
    %c0_i32 = arith.constant 0 : i32
    %c0_i32_0 = arith.constant 0 : i32
    %c0_i32_1 = arith.constant 0 : i32
    return %c0_i32, %c0_i32_0 : i32, i32
  }
  func.func @transform_8(%arg0: i32) -> (i32, i32) {
    %c0_i32 = arith.constant 0 : i32
    %c0_i32_0 = arith.constant 0 : i32
    %c0_i32_1 = arith.constant 0 : i32
    return %c0_i32, %c0_i32_0 : i32, i32
  }
  func.func @transform_9(%arg0: i32) -> (i32, i32) {
    %c0_i32 = arith.constant 0 : i32
    %c0_i32_0 = arith.constant 0 : i32
    %c0_i32_1 = arith.constant 0 : i32
    return %c0_i32, %c0_i32_0 : i32, i32
  }
  func.func @transform_10(%arg0: i32) -> (i32, i32) {
    %c0_i32 = arith.constant 0 : i32
    %c0_i32_0 = arith.constant 0 : i32
    %c0_i32_1 = arith.constant 0 : i32
    return %c0_i32, %c0_i32_0 : i32, i32
  }
  func.func @transform_11(%arg0: i32) -> (i32, i32) {
    %c0_i32 = arith.constant 0 : i32
    %c0_i32_0 = arith.constant 0 : i32
    %c0_i32_1 = arith.constant 0 : i32
    return %c0_i32, %c0_i32_0 : i32, i32
  }
  func.func @transform_12(%arg0: i32) -> (i32, i32) {
    %c0_i32 = arith.constant 0 : i32
    %c0_i32_0 = arith.constant 0 : i32
    return %arg0, %c0_i32 : i32, i32
  }
}

module attributes {stable_mosaic.version = 14 : i64} {
  func.func @_passF_body(%arg0: i32, %arg1: memref<20480x128xf32, #tpu.memory_space<vmem>>, %arg2: memref<10000x32xf32, #tpu.memory_space<vmem>>, %arg3: memref<32x64xf32, #tpu.memory_space<vmem>>, %arg4: memref<1x64xf32, #tpu.memory_space<vmem>>, %arg5: memref<1x64xf32, #tpu.memory_space<vmem>>, %arg6: memref<1x64xf32, #tpu.memory_space<vmem>>, %arg7: memref<10000x64xf32, #tpu.memory_space<vmem>>) attributes {dimension_semantics = [#tpu.dimension_semantics<arbitrary>], iteration_bounds = array<i64: 1>, scalar_prefetch = 0 : i64, scratch_operands = 0 : i64, tpu.core_type = #tpu.core_type<tc>, window_params = [{pipeline_mode = #tpu.pipeline_mode<synchronous>, transform_indices = @transform_0, window_bounds = array<i64: 20480, 128>}, {pipeline_mode = #tpu.pipeline_mode<synchronous>, transform_indices = @transform_1, window_bounds = array<i64: 10000, 32>}, {pipeline_mode = #tpu.pipeline_mode<synchronous>, transform_indices = @transform_2, window_bounds = array<i64: 32, 64>}, {pipeline_mode = #tpu.pipeline_mode<synchronous>, transform_indices = @transform_3, window_bounds = array<i64: 1, 64>}, {pipeline_mode = #tpu.pipeline_mode<synchronous>, transform_indices = @transform_4, window_bounds = array<i64: 1, 64>}, {pipeline_mode = #tpu.pipeline_mode<synchronous>, transform_indices = @transform_5, window_bounds = array<i64: 1, 64>}, {pipeline_mode = #tpu.pipeline_mode<synchronous>, transform_indices = @transform_6, window_bounds = array<i64: 10000, 64>}]} {
    %get3A = arith.constant 0 : index
    %get3A_0 = arith.constant 0 : index
    %get3A_1 = vector.load %arg1[%get3A, %get3A_0] : memref<20480x128xf32, #tpu.memory_space<vmem>>, vector<10000x64xf32>
    %get3A_2 = arith.constant 10240 : index
    %get3A_3 = arith.constant 0 : index
    %get3A_4 = vector.load %arg1[%get3A_2, %get3A_3] : memref<20480x128xf32, #tpu.memory_space<vmem>>, vector<10000x64xf32>
    %add3A = arith.addf %get3A_1, %get3A_4 : vector<10000x64xf32>
    %get3A_5 = arith.constant 0 : index
    %get3A_6 = arith.constant 0 : index
    %get3A_7 = vector.load %arg2[%get3A_5, %get3A_6] : memref<10000x32xf32, #tpu.memory_space<vmem>>, vector<10000x32xf32>
    %get3A_8 = arith.constant 0 : index
    %get3A_9 = arith.constant 0 : index
    %get3A_10 = vector.load %arg3[%get3A_8, %get3A_9] : memref<32x64xf32, #tpu.memory_space<vmem>>, vector<32x64xf32>
    %dot_general3A = arith.constant dense<0.000000e+00> : vector<10000x64xf32>
    %dot_general3A_11 = tpu.matmul %get3A_7, %get3A_10, %dot_general3A {dimension_numbers = #tpu.dot_dimension_numbers<[1], [0], [0], [1], [0, 0, 1, 1], [], []>, transpose_lhs_hint = false} : vector<10000x32xf32>, vector<32x64xf32>, vector<10000x64xf32> -> vector<10000x64xf32>
    %add3A_12 = arith.addf %add3A, %dot_general3A_11 : vector<10000x64xf32>
    %get3A_13 = arith.constant 0 : index
    %get3A_14 = arith.constant 0 : index
    %get3A_15 = vector.load %arg4[%get3A_13, %get3A_14] : memref<1x64xf32, #tpu.memory_space<vmem>>, vector<1x64xf32>
    %add3A_16 = vector.broadcast %get3A_15 : vector<1x64xf32> to vector<10000x64xf32>
    %add3A_17 = arith.addf %add3A_12, %add3A_16 : vector<10000x64xf32>
    %reduce_sum3A = arith.constant dense<0.000000e+00> : vector<64xf32>
    %reduce_sum3A_18 = vector.multi_reduction <add>, %add3A_17, %reduce_sum3A [0] : vector<10000x64xf32> to vector<64xf32>
    %broadcast_in_dim3A = vector.shape_cast %reduce_sum3A_18 : vector<64xf32> to vector<1x64xf32>
    %div3A = arith.constant 1.000000e+04 : f32
    %div3A_19 = vector.broadcast %div3A : f32 to vector<1x64xf32>
    %div3A_20 = arith.divf %broadcast_in_dim3A, %div3A_19 : vector<1x64xf32>
    %mul3A = arith.mulf %add3A_17, %add3A_17 : vector<10000x64xf32>
    %reduce_sum3A_21 = arith.constant dense<0.000000e+00> : vector<64xf32>
    %reduce_sum3A_22 = vector.multi_reduction <add>, %mul3A, %reduce_sum3A_21 [0] : vector<10000x64xf32> to vector<64xf32>
    %broadcast_in_dim3A_23 = vector.shape_cast %reduce_sum3A_22 : vector<64xf32> to vector<1x64xf32>
    %div3A_24 = arith.constant 1.000000e+04 : f32
    %div3A_25 = vector.broadcast %div3A_24 : f32 to vector<1x64xf32>
    %div3A_26 = arith.divf %broadcast_in_dim3A_23, %div3A_25 : vector<1x64xf32>
    %mul3A_27 = arith.mulf %div3A_20, %div3A_20 : vector<1x64xf32>
    %sub3A = arith.subf %div3A_26, %mul3A_27 : vector<1x64xf32>
    %get3A_28 = arith.constant 0 : index
    %get3A_29 = arith.constant 0 : index
    %get3A_30 = vector.load %arg5[%get3A_28, %get3A_29] : memref<1x64xf32, #tpu.memory_space<vmem>>, vector<1x64xf32>
    %add3A_31 = arith.constant 9.99999974E-6 : f32
    %add3A_32 = vector.broadcast %add3A_31 : f32 to vector<1x64xf32>
    %add3A_33 = arith.addf %sub3A, %add3A_32 : vector<1x64xf32>
    %rsqrt3A = math.rsqrt %add3A_33 : vector<1x64xf32>
    %mul3A_34 = arith.mulf %get3A_30, %rsqrt3A : vector<1x64xf32>
    %mul3A_35 = vector.broadcast %mul3A_34 : vector<1x64xf32> to vector<10000x64xf32>
    %mul3A_36 = arith.mulf %add3A_17, %mul3A_35 : vector<10000x64xf32>
    %get3A_37 = arith.constant 0 : index
    %get3A_38 = arith.constant 0 : index
    %get3A_39 = vector.load %arg6[%get3A_37, %get3A_38] : memref<1x64xf32, #tpu.memory_space<vmem>>, vector<1x64xf32>
    %mul3A_40 = arith.mulf %div3A_20, %mul3A_34 : vector<1x64xf32>
    %sub3A_41 = arith.subf %get3A_39, %mul3A_40 : vector<1x64xf32>
    %add3A_42 = vector.broadcast %sub3A_41 : vector<1x64xf32> to vector<10000x64xf32>
    %add3A_43 = arith.addf %mul3A_36, %add3A_42 : vector<10000x64xf32>
    %swap3A = arith.constant 0 : index
    %swap3A_44 = arith.constant 0 : index
    %swap3A_45 = vector.load %arg7[%swap3A, %swap3A_44] : memref<10000x64xf32, #tpu.memory_space<vmem>>, vector<10000x64xf32>
    tpu.vector_store %arg7[%swap3A, %swap3A_44], %add3A_43 {strides = array<i32>} : memref<10000x64xf32, #tpu.memory_space<vmem>>, vector<10000x64xf32>,
    return
  }
  func.func @transform_0(%arg0: i32) -> (i32, i32) {
    %c0_i32 = arith.constant 0 : i32
    %c0_i32_0 = arith.constant 0 : i32
    %c0_i32_1 = arith.constant 0 : i32
    return %c0_i32, %c0_i32_0 : i32, i32
  }
  func.func @transform_1(%arg0: i32) -> (i32, i32) {
    %c0_i32 = arith.constant 0 : i32
    %c0_i32_0 = arith.constant 0 : i32
    %c0_i32_1 = arith.constant 0 : i32
    return %c0_i32, %c0_i32_0 : i32, i32
  }
  func.func @transform_2(%arg0: i32) -> (i32, i32) {
    %c0_i32 = arith.constant 0 : i32
    %c0_i32_0 = arith.constant 0 : i32
    %c0_i32_1 = arith.constant 0 : i32
    return %c0_i32, %c0_i32_0 : i32, i32
  }
  func.func @transform_3(%arg0: i32) -> (i32, i32) {
    %c0_i32 = arith.constant 0 : i32
    %c0_i32_0 = arith.constant 0 : i32
    %c0_i32_1 = arith.constant 0 : i32
    return %c0_i32, %c0_i32_0 : i32, i32
  }
  func.func @transform_4(%arg0: i32) -> (i32, i32) {
    %c0_i32 = arith.constant 0 : i32
    %c0_i32_0 = arith.constant 0 : i32
    %c0_i32_1 = arith.constant 0 : i32
    return %c0_i32, %c0_i32_0 : i32, i32
  }
  func.func @transform_5(%arg0: i32) -> (i32, i32) {
    %c0_i32 = arith.constant 0 : i32
    %c0_i32_0 = arith.constant 0 : i32
    %c0_i32_1 = arith.constant 0 : i32
    return %c0_i32, %c0_i32_0 : i32, i32
  }
  func.func @transform_6(%arg0: i32) -> (i32, i32) {
    %c0_i32 = arith.constant 0 : i32
    %c0_i32_0 = arith.constant 0 : i32
    %c0_i32_1 = arith.constant 0 : i32
    return %c0_i32, %c0_i32_0 : i32, i32
  }
}

module attributes {stable_mosaic.version = 14 : i64} {
  func.func @_node_mlp_body(%arg0: i32, %arg1: memref<10000x64xf32, #tpu.memory_space<vmem>>, %arg2: memref<64x64xf32, #tpu.memory_space<vmem>>, %arg3: memref<1x64xf32, #tpu.memory_space<vmem>>, %arg4: memref<64x32xf32, #tpu.memory_space<vmem>>, %arg5: memref<1x32xf32, #tpu.memory_space<vmem>>, %arg6: memref<32x16xf32, #tpu.memory_space<vmem>>, %arg7: memref<1x16xf32, #tpu.memory_space<vmem>>, %arg8: memref<16x8xf32, #tpu.memory_space<vmem>>, %arg9: memref<1x8xf32, #tpu.memory_space<vmem>>, %arg10: memref<8x2xf32, #tpu.memory_space<vmem>>, %arg11: memref<1x2xf32, #tpu.memory_space<vmem>>, %arg12: memref<10000x2xf32, #tpu.memory_space<vmem>>) attributes {dimension_semantics = [#tpu.dimension_semantics<arbitrary>], iteration_bounds = array<i64: 1>, scalar_prefetch = 0 : i64, scratch_operands = 0 : i64, tpu.core_type = #tpu.core_type<tc>, window_params = [{pipeline_mode = #tpu.pipeline_mode<synchronous>, transform_indices = @transform_0, window_bounds = array<i64: 10000, 64>}, {pipeline_mode = #tpu.pipeline_mode<synchronous>, transform_indices = @transform_1, window_bounds = array<i64: 64, 64>}, {pipeline_mode = #tpu.pipeline_mode<synchronous>, transform_indices = @transform_2, window_bounds = array<i64: 1, 64>}, {pipeline_mode = #tpu.pipeline_mode<synchronous>, transform_indices = @transform_3, window_bounds = array<i64: 64, 32>}, {pipeline_mode = #tpu.pipeline_mode<synchronous>, transform_indices = @transform_4, window_bounds = array<i64: 1, 32>}, {pipeline_mode = #tpu.pipeline_mode<synchronous>, transform_indices = @transform_5, window_bounds = array<i64: 32, 16>}, {pipeline_mode = #tpu.pipeline_mode<synchronous>, transform_indices = @transform_6, window_bounds = array<i64: 1, 16>}, {pipeline_mode = #tpu.pipeline_mode<synchronous>, transform_indices = @transform_7, window_bounds = array<i64: 16, 8>}, {pipeline_mode = #tpu.pipeline_mode<synchronous>, transform_indices = @transform_8, window_bounds = array<i64: 1, 8>}, {pipeline_mode = #tpu.pipeline_mode<synchronous>, transform_indices = @transform_9, window_bounds = array<i64: 8, 2>}, {pipeline_mode = #tpu.pipeline_mode<synchronous>, transform_indices = @transform_10, window_bounds = array<i64: 1, 2>}, {pipeline_mode = #tpu.pipeline_mode<synchronous>, transform_indices = @transform_11, window_bounds = array<i64: 10000, 2>}]} {
    %get3A = arith.constant 0 : index
    %get3A_0 = arith.constant 0 : index
    %get3A_1 = vector.load %arg1[%get3A, %get3A_0] : memref<10000x64xf32, #tpu.memory_space<vmem>>, vector<10000x64xf32>
    %get3A_2 = arith.constant 0 : index
    %get3A_3 = arith.constant 0 : index
    %get3A_4 = vector.load %arg2[%get3A_2, %get3A_3] : memref<64x64xf32, #tpu.memory_space<vmem>>, vector<64x64xf32>
    %dot_general3A = arith.constant dense<0.000000e+00> : vector<10000x64xf32>
    %dot_general3A_5 = tpu.matmul %get3A_1, %get3A_4, %dot_general3A {dimension_numbers = #tpu.dot_dimension_numbers<[1], [0], [0], [1], [0, 0, 1, 1], [], []>, transpose_lhs_hint = false} : vector<10000x64xf32>, vector<64x64xf32>, vector<10000x64xf32> -> vector<10000x64xf32>
    %get3A_6 = arith.constant 0 : index
    %get3A_7 = arith.constant 0 : index
    %get3A_8 = vector.load %arg3[%get3A_6, %get3A_7] : memref<1x64xf32, #tpu.memory_space<vmem>>, vector<1x64xf32>
    %add3A = vector.broadcast %get3A_8 : vector<1x64xf32> to vector<10000x64xf32>
    %add3A_9 = arith.addf %dot_general3A_5, %add3A : vector<10000x64xf32>
    %ge3A = arith.constant 0.000000e+00 : f32
    %ge3A_10 = vector.broadcast %ge3A : f32 to vector<10000x64xf32>
    %ge3A_11 = arith.cmpf oge, %add3A_9, %ge3A_10 : vector<10000x64xf32>
    %mul3A = arith.constant 1.000000e-01 : f32
    %mul3A_12 = vector.broadcast %mul3A : f32 to vector<10000x64xf32>
    %mul3A_13 = arith.mulf %mul3A_12, %add3A_9 : vector<10000x64xf32>
    %select_n3A = arith.select %ge3A_11, %add3A_9, %mul3A_13 : vector<10000x64xi1>, vector<10000x64xf32>
    %get3A_14 = arith.constant 0 : index
    %get3A_15 = arith.constant 0 : index
    %get3A_16 = vector.load %arg4[%get3A_14, %get3A_15] : memref<64x32xf32, #tpu.memory_space<vmem>>, vector<64x32xf32>
    %dot_general3A_17 = arith.constant dense<0.000000e+00> : vector<10000x32xf32>
    %dot_general3A_18 = tpu.matmul %select_n3A, %get3A_16, %dot_general3A_17 {dimension_numbers = #tpu.dot_dimension_numbers<[1], [0], [0], [1], [0, 0, 1, 1], [], []>, transpose_lhs_hint = false} : vector<10000x64xf32>, vector<64x32xf32>, vector<10000x32xf32> -> vector<10000x32xf32>
    %get3A_19 = arith.constant 0 : index
    %get3A_20 = arith.constant 0 : index
    %get3A_21 = vector.load %arg5[%get3A_19, %get3A_20] : memref<1x32xf32, #tpu.memory_space<vmem>>, vector<1x32xf32>
    %add3A_22 = vector.broadcast %get3A_21 : vector<1x32xf32> to vector<10000x32xf32>
    %add3A_23 = arith.addf %dot_general3A_18, %add3A_22 : vector<10000x32xf32>
    %ge3A_24 = arith.constant 0.000000e+00 : f32
    %ge3A_25 = vector.broadcast %ge3A_24 : f32 to vector<10000x32xf32>
    %ge3A_26 = arith.cmpf oge, %add3A_23, %ge3A_25 : vector<10000x32xf32>
    %mul3A_27 = arith.constant 1.000000e-01 : f32
    %mul3A_28 = vector.broadcast %mul3A_27 : f32 to vector<10000x32xf32>
    %mul3A_29 = arith.mulf %mul3A_28, %add3A_23 : vector<10000x32xf32>
    %select_n3A_30 = arith.select %ge3A_26, %add3A_23, %mul3A_29 : vector<10000x32xi1>, vector<10000x32xf32>
    %get3A_31 = arith.constant 0 : index
    %get3A_32 = arith.constant 0 : index
    %get3A_33 = vector.load %arg6[%get3A_31, %get3A_32] : memref<32x16xf32, #tpu.memory_space<vmem>>, vector<32x16xf32>
    %dot_general3A_34 = arith.constant dense<0.000000e+00> : vector<10000x16xf32>
    %dot_general3A_35 = tpu.matmul %select_n3A_30, %get3A_33, %dot_general3A_34 {dimension_numbers = #tpu.dot_dimension_numbers<[1], [0], [0], [1], [0, 0, 1, 1], [], []>, transpose_lhs_hint = false} : vector<10000x32xf32>, vector<32x16xf32>, vector<10000x16xf32> -> vector<10000x16xf32>
    %get3A_36 = arith.constant 0 : index
    %get3A_37 = arith.constant 0 : index
    %get3A_38 = vector.load %arg7[%get3A_36, %get3A_37] : memref<1x16xf32, #tpu.memory_space<vmem>>, vector<1x16xf32>
    %add3A_39 = vector.broadcast %get3A_38 : vector<1x16xf32> to vector<10000x16xf32>
    %add3A_40 = arith.addf %dot_general3A_35, %add3A_39 : vector<10000x16xf32>
    %ge3A_41 = arith.constant 0.000000e+00 : f32
    %ge3A_42 = vector.broadcast %ge3A_41 : f32 to vector<10000x16xf32>
    %ge3A_43 = arith.cmpf oge, %add3A_40, %ge3A_42 : vector<10000x16xf32>
    %mul3A_44 = arith.constant 1.000000e-01 : f32
    %mul3A_45 = vector.broadcast %mul3A_44 : f32 to vector<10000x16xf32>
    %mul3A_46 = arith.mulf %mul3A_45, %add3A_40 : vector<10000x16xf32>
    %select_n3A_47 = arith.select %ge3A_43, %add3A_40, %mul3A_46 : vector<10000x16xi1>, vector<10000x16xf32>
    %get3A_48 = arith.constant 0 : index
    %get3A_49 = arith.constant 0 : index
    %get3A_50 = vector.load %arg8[%get3A_48, %get3A_49] : memref<16x8xf32, #tpu.memory_space<vmem>>, vector<16x8xf32>
    %dot_general3A_51 = arith.constant dense<0.000000e+00> : vector<10000x8xf32>
    %dot_general3A_52 = tpu.matmul %select_n3A_47, %get3A_50, %dot_general3A_51 {dimension_numbers = #tpu.dot_dimension_numbers<[1], [0], [0], [1], [0, 0, 1, 1], [], []>, transpose_lhs_hint = false} : vector<10000x16xf32>, vector<16x8xf32>, vector<10000x8xf32> -> vector<10000x8xf32>
    %get3A_53 = arith.constant 0 : index
    %get3A_54 = arith.constant 0 : index
    %get3A_55 = vector.load %arg9[%get3A_53, %get3A_54] : memref<1x8xf32, #tpu.memory_space<vmem>>, vector<1x8xf32>
    %add3A_56 = vector.broadcast %get3A_55 : vector<1x8xf32> to vector<10000x8xf32>
    %add3A_57 = arith.addf %dot_general3A_52, %add3A_56 : vector<10000x8xf32>
    %ge3A_58 = arith.constant 0.000000e+00 : f32
    %ge3A_59 = vector.broadcast %ge3A_58 : f32 to vector<10000x8xf32>
    %ge3A_60 = arith.cmpf oge, %add3A_57, %ge3A_59 : vector<10000x8xf32>
    %mul3A_61 = arith.constant 1.000000e-01 : f32
    %mul3A_62 = vector.broadcast %mul3A_61 : f32 to vector<10000x8xf32>
    %mul3A_63 = arith.mulf %mul3A_62, %add3A_57 : vector<10000x8xf32>
    %select_n3A_64 = arith.select %ge3A_60, %add3A_57, %mul3A_63 : vector<10000x8xi1>, vector<10000x8xf32>
    %get3A_65 = arith.constant 0 : index
    %get3A_66 = arith.constant 0 : index
    %get3A_67 = vector.load %arg10[%get3A_65, %get3A_66] : memref<8x2xf32, #tpu.memory_space<vmem>>, vector<8x2xf32>
    %dot_general3A_68 = arith.constant dense<0.000000e+00> : vector<10000x2xf32>
    %dot_general3A_69 = tpu.matmul %select_n3A_64, %get3A_67, %dot_general3A_68 {dimension_numbers = #tpu.dot_dimension_numbers<[1], [0], [0], [1], [0, 0, 1, 1], [], []>, transpose_lhs_hint = false} : vector<10000x8xf32>, vector<8x2xf32>, vector<10000x2xf32> -> vector<10000x2xf32>
    %get3A_70 = arith.constant 0 : index
    %get3A_71 = arith.constant 0 : index
    %get3A_72 = vector.load %arg11[%get3A_70, %get3A_71] : memref<1x2xf32, #tpu.memory_space<vmem>>, vector<1x2xf32>
    %add3A_73 = vector.broadcast %get3A_72 : vector<1x2xf32> to vector<10000x2xf32>
    %add3A_74 = arith.addf %dot_general3A_69, %add3A_73 : vector<10000x2xf32>
    %swap3A = arith.constant 0 : index
    %swap3A_75 = arith.constant 0 : index
    %swap3A_76 = vector.load %arg12[%swap3A, %swap3A_75] : memref<10000x2xf32, #tpu.memory_space<vmem>>, vector<10000x2xf32>
    tpu.vector_store %arg12[%swap3A, %swap3A_75], %add3A_74 {strides = array<i32>} : memref<10000x2xf32, #tpu.memory_space<vmem>>, vector<10000x2xf32>,
    return
  }
  func.func @transform_0(%arg0: i32) -> (i32, i32) {
    %c0_i32 = arith.constant 0 : i32
    %c0_i32_0 = arith.constant 0 : i32
    %c0_i32_1 = arith.constant 0 : i32
    return %c0_i32, %c0_i32_0 : i32, i32
  }
  func.func @transform_1(%arg0: i32) -> (i32, i32) {
    %c0_i32 = arith.constant 0 : i32
    %c0_i32_0 = arith.constant 0 : i32
    %c0_i32_1 = arith.constant 0 : i32
    return %c0_i32, %c0_i32_0 : i32, i32
  }
  func.func @transform_2(%arg0: i32) -> (i32, i32) {
    %c0_i32 = arith.constant 0 : i32
    %c0_i32_0 = arith.constant 0 : i32
    %c0_i32_1 = arith.constant 0 : i32
    return %c0_i32, %c0_i32_0 : i32, i32
  }
  func.func @transform_3(%arg0: i32) -> (i32, i32) {
    %c0_i32 = arith.constant 0 : i32
    %c0_i32_0 = arith.constant 0 : i32
    %c0_i32_1 = arith.constant 0 : i32
    return %c0_i32, %c0_i32_0 : i32, i32
  }
  func.func @transform_4(%arg0: i32) -> (i32, i32) {
    %c0_i32 = arith.constant 0 : i32
    %c0_i32_0 = arith.constant 0 : i32
    %c0_i32_1 = arith.constant 0 : i32
    return %c0_i32, %c0_i32_0 : i32, i32
  }
  func.func @transform_5(%arg0: i32) -> (i32, i32) {
    %c0_i32 = arith.constant 0 : i32
    %c0_i32_0 = arith.constant 0 : i32
    %c0_i32_1 = arith.constant 0 : i32
    return %c0_i32, %c0_i32_0 : i32, i32
  }
  func.func @transform_6(%arg0: i32) -> (i32, i32) {
    %c0_i32 = arith.constant 0 : i32
    %c0_i32_0 = arith.constant 0 : i32
    %c0_i32_1 = arith.constant 0 : i32
    return %c0_i32, %c0_i32_0 : i32, i32
  }
  func.func @transform_7(%arg0: i32) -> (i32, i32) {
    %c0_i32 = arith.constant 0 : i32
    %c0_i32_0 = arith.constant 0 : i32
    %c0_i32_1 = arith.constant 0 : i32
    return %c0_i32, %c0_i32_0 : i32, i32
  }
  func.func @transform_8(%arg0: i32) -> (i32, i32) {
    %c0_i32 = arith.constant 0 : i32
    %c0_i32_0 = arith.constant 0 : i32
    %c0_i32_1 = arith.constant 0 : i32
    return %c0_i32, %c0_i32_0 : i32, i32
  }
  func.func @transform_9(%arg0: i32) -> (i32, i32) {
    %c0_i32 = arith.constant 0 : i32
    %c0_i32_0 = arith.constant 0 : i32
    %c0_i32_1 = arith.constant 0 : i32
    return %c0_i32, %c0_i32_0 : i32, i32
  }
  func.func @transform_10(%arg0: i32) -> (i32, i32) {
    %c0_i32 = arith.constant 0 : i32
    %c0_i32_0 = arith.constant 0 : i32
    %c0_i32_1 = arith.constant 0 : i32
    return %c0_i32, %c0_i32_0 : i32, i32
  }
  func.func @transform_11(%arg0: i32) -> (i32, i32) {
    %c0_i32 = arith.constant 0 : i32
    %c0_i32_0 = arith.constant 0 : i32
    %c0_i32_1 = arith.constant 0 : i32
    return %c0_i32, %c0_i32_0 : i32, i32
  }
}

module attributes {stable_mosaic.version = 14 : i64} {
  func.func @_edge_mlp_body(%arg0: i32, %arg1: memref<640x128xf32, #tpu.memory_space<vmem>>, %arg2: memref<640x128xf32, #tpu.memory_space<vmem>>, %arg3: memref<640x64xf32, #tpu.memory_space<vmem>>, %arg4: memref<2x64xf32, #tpu.memory_space<vmem>>, %arg5: memref<1x64xf32, #tpu.memory_space<vmem>>, %arg6: memref<1x64xf32, #tpu.memory_space<vmem>>, %arg7: memref<64x64xf32, #tpu.memory_space<vmem>>, %arg8: memref<64x64xf32, #tpu.memory_space<vmem>>, %arg9: memref<64x64xf32, #tpu.memory_space<vmem>>, %arg10: memref<1x64xf32, #tpu.memory_space<vmem>>, %arg11: memref<64x32xf32, #tpu.memory_space<vmem>>, %arg12: memref<1x32xf32, #tpu.memory_space<vmem>>, %arg13: memref<32x16xf32, #tpu.memory_space<vmem>>, %arg14: memref<1x16xf32, #tpu.memory_space<vmem>>, %arg15: memref<16x8xf32, #tpu.memory_space<vmem>>, %arg16: memref<1x8xf32, #tpu.memory_space<vmem>>, %arg17: memref<8x2xf32, #tpu.memory_space<vmem>>, %arg18: memref<1x2xf32, #tpu.memory_space<vmem>>, %arg19: memref<640x2xf32, #tpu.memory_space<vmem>>) attributes {dimension_semantics = [#tpu.dimension_semantics<arbitrary>], iteration_bounds = array<i64: 250>, scalar_prefetch = 0 : i64, scratch_operands = 0 : i64, tpu.core_type = #tpu.core_type<tc>, window_params = [{transform_indices = @transform_0, window_bounds = array<i64: 640, 128>}, {transform_indices = @transform_1, window_bounds = array<i64: 640, 128>}, {transform_indices = @transform_2, window_bounds = array<i64: 640, 64>}, {pipeline_mode = #tpu.pipeline_mode<synchronous>, transform_indices = @transform_3, window_bounds = array<i64: 2, 64>}, {pipeline_mode = #tpu.pipeline_mode<synchronous>, transform_indices = @transform_4, window_bounds = array<i64: 1, 64>}, {pipeline_mode = #tpu.pipeline_mode<synchronous>, transform_indices = @transform_5, window_bounds = array<i64: 1, 64>}, {pipeline_mode = #tpu.pipeline_mode<synchronous>, transform_indices = @transform_6, window_bounds = array<i64: 64, 64>}, {pipeline_mode = #tpu.pipeline_mode<synchronous>, transform_indices = @transform_7, window_bounds = array<i64: 64, 64>}, {pipeline_mode = #tpu.pipeline_mode<synchronous>, transform_indices = @transform_8, window_bounds = array<i64: 64, 64>}, {pipeline_mode = #tpu.pipeline_mode<synchronous>, transform_indices = @transform_9, window_bounds = array<i64: 1, 64>}, {pipeline_mode = #tpu.pipeline_mode<synchronous>, transform_indices = @transform_10, window_bounds = array<i64: 64, 32>}, {pipeline_mode = #tpu.pipeline_mode<synchronous>, transform_indices = @transform_11, window_bounds = array<i64: 1, 32>}, {pipeline_mode = #tpu.pipeline_mode<synchronous>, transform_indices = @transform_12, window_bounds = array<i64: 32, 16>}, {pipeline_mode = #tpu.pipeline_mode<synchronous>, transform_indices = @transform_13, window_bounds = array<i64: 1, 16>}, {pipeline_mode = #tpu.pipeline_mode<synchronous>, transform_indices = @transform_14, window_bounds = array<i64: 16, 8>}, {pipeline_mode = #tpu.pipeline_mode<synchronous>, transform_indices = @transform_15, window_bounds = array<i64: 1, 8>}, {pipeline_mode = #tpu.pipeline_mode<synchronous>, transform_indices = @transform_16, window_bounds = array<i64: 8, 2>}, {pipeline_mode = #tpu.pipeline_mode<synchronous>, transform_indices = @transform_17, window_bounds = array<i64: 1, 2>}, {transform_indices = @transform_18, window_bounds = array<i64: 640, 2>}]} {
    %get3A = arith.constant 0 : index
    %get3A_0 = arith.constant 0 : index
    %get3A_1 = vector.load %arg4[%get3A, %get3A_0] : memref<2x64xf32, #tpu.memory_space<vmem>>, vector<1x64xf32>
    %div3A = arith.constant 1.600000e+05 : f32
    %div3A_2 = vector.broadcast %div3A : f32 to vector<1x64xf32>
    %div3A_3 = arith.divf %get3A_1, %div3A_2 : vector<1x64xf32>
    %get3A_4 = arith.constant 1 : index
    %get3A_5 = arith.constant 0 : index
    %get3A_6 = vector.load %arg4[%get3A_4, %get3A_5] : memref<2x64xf32, #tpu.memory_space<vmem>>, vector<1x64xf32>
    %div3A_7 = arith.constant 1.600000e+05 : f32
    %div3A_8 = vector.broadcast %div3A_7 : f32 to vector<1x64xf32>
    %div3A_9 = arith.divf %get3A_6, %div3A_8 : vector<1x64xf32>
    %mul3A = arith.mulf %div3A_3, %div3A_3 : vector<1x64xf32>
    %sub3A = arith.subf %div3A_9, %mul3A : vector<1x64xf32>
    %get3A_10 = arith.constant 0 : index
    %get3A_11 = arith.constant 0 : index
    %get3A_12 = vector.load %arg5[%get3A_10, %get3A_11] : memref<1x64xf32, #tpu.memory_space<vmem>>, vector<1x64xf32>
    %add3A = arith.constant 9.99999974E-6 : f32
    %add3A_13 = vector.broadcast %add3A : f32 to vector<1x64xf32>
    %add3A_14 = arith.addf %sub3A, %add3A_13 : vector<1x64xf32>
    %rsqrt3A = math.rsqrt %add3A_14 : vector<1x64xf32>
    %mul3A_15 = arith.mulf %get3A_12, %rsqrt3A : vector<1x64xf32>
    %get3A_16 = arith.constant 0 : index
    %get3A_17 = arith.constant 0 : index
    %get3A_18 = vector.load %arg6[%get3A_16, %get3A_17] : memref<1x64xf32, #tpu.memory_space<vmem>>, vector<1x64xf32>
    %mul3A_19 = arith.mulf %div3A_3, %mul3A_15 : vector<1x64xf32>
    %sub3A_20 = arith.subf %get3A_18, %mul3A_19 : vector<1x64xf32>
    %get3A_21 = arith.constant 0 : index
    %get3A_22 = arith.constant 0 : index
    %get3A_23 = vector.load %arg3[%get3A_21, %get3A_22] : memref<640x64xf32, #tpu.memory_space<vmem>>, vector<640x64xf32>
    %mul3A_24 = vector.broadcast %mul3A_15 : vector<1x64xf32> to vector<640x64xf32>
    %mul3A_25 = arith.mulf %get3A_23, %mul3A_24 : vector<640x64xf32>
    %add3A_26 = vector.broadcast %sub3A_20 : vector<1x64xf32> to vector<640x64xf32>
    %add3A_27 = arith.addf %mul3A_25, %add3A_26 : vector<640x64xf32>
    %get3A_28 = arith.constant 0 : index
    %get3A_29 = arith.constant 0 : index
    %get3A_30 = vector.load %arg1[%get3A_28, %get3A_29] : memref<640x128xf32, #tpu.memory_space<vmem>>, vector<640x64xf32>
    %get3A_31 = arith.constant 0 : index
    %get3A_32 = arith.constant 0 : index
    %get3A_33 = vector.load %arg7[%get3A_31, %get3A_32] : memref<64x64xf32, #tpu.memory_space<vmem>>, vector<64x64xf32>
    %dot_general3A = arith.constant dense<0.000000e+00> : vector<640x64xf32>
    %dot_general3A_34 = tpu.matmul %get3A_30, %get3A_33, %dot_general3A {dimension_numbers = #tpu.dot_dimension_numbers<[1], [0], [0], [1], [0, 0, 1, 1], [], []>, transpose_lhs_hint = false} : vector<640x64xf32>, vector<64x64xf32>, vector<640x64xf32> -> vector<640x64xf32>
    %get3A_35 = arith.constant 0 : index
    %get3A_36 = arith.constant 0 : index
    %get3A_37 = vector.load %arg2[%get3A_35, %get3A_36] : memref<640x128xf32, #tpu.memory_space<vmem>>, vector<640x64xf32>
    %get3A_38 = arith.constant 0 : index
    %get3A_39 = arith.constant 0 : index
    %get3A_40 = vector.load %arg8[%get3A_38, %get3A_39] : memref<64x64xf32, #tpu.memory_space<vmem>>, vector<64x64xf32>
    %dot_general3A_41 = arith.constant dense<0.000000e+00> : vector<640x64xf32>
    %dot_general3A_42 = tpu.matmul %get3A_37, %get3A_40, %dot_general3A_41 {dimension_numbers = #tpu.dot_dimension_numbers<[1], [0], [0], [1], [0, 0, 1, 1], [], []>, transpose_lhs_hint = false} : vector<640x64xf32>, vector<64x64xf32>, vector<640x64xf32> -> vector<640x64xf32>
    %add3A_43 = arith.addf %dot_general3A_34, %dot_general3A_42 : vector<640x64xf32>
    %get3A_44 = arith.constant 0 : index
    %get3A_45 = arith.constant 0 : index
    %get3A_46 = vector.load %arg9[%get3A_44, %get3A_45] : memref<64x64xf32, #tpu.memory_space<vmem>>, vector<64x64xf32>
    %dot_general3A_47 = arith.constant dense<0.000000e+00> : vector<640x64xf32>
    %dot_general3A_48 = tpu.matmul %add3A_27, %get3A_46, %dot_general3A_47 {dimension_numbers = #tpu.dot_dimension_numbers<[1], [0], [0], [1], [0, 0, 1, 1], [], []>, transpose_lhs_hint = false} : vector<640x64xf32>, vector<64x64xf32>, vector<640x64xf32> -> vector<640x64xf32>
    %add3A_49 = arith.addf %add3A_43, %dot_general3A_48 : vector<640x64xf32>
    %get3A_50 = arith.constant 0 : index
    %get3A_51 = arith.constant 0 : index
    %get3A_52 = vector.load %arg10[%get3A_50, %get3A_51] : memref<1x64xf32, #tpu.memory_space<vmem>>, vector<1x64xf32>
    %add3A_53 = vector.broadcast %get3A_52 : vector<1x64xf32> to vector<640x64xf32>
    %add3A_54 = arith.addf %add3A_49, %add3A_53 : vector<640x64xf32>
    %ge3A = arith.constant 0.000000e+00 : f32
    %ge3A_55 = vector.broadcast %ge3A : f32 to vector<640x64xf32>
    %ge3A_56 = arith.cmpf oge, %add3A_54, %ge3A_55 : vector<640x64xf32>
    %mul3A_57 = arith.constant 1.000000e-01 : f32
    %mul3A_58 = vector.broadcast %mul3A_57 : f32 to vector<640x64xf32>
    %mul3A_59 = arith.mulf %mul3A_58, %add3A_54 : vector<640x64xf32>
    %select_n3A = arith.select %ge3A_56, %add3A_54, %mul3A_59 : vector<640x64xi1>, vector<640x64xf32>
    %get3A_60 = arith.constant 0 : index
    %get3A_61 = arith.constant 0 : index
    %get3A_62 = vector.load %arg11[%get3A_60, %get3A_61] : memref<64x32xf32, #tpu.memory_space<vmem>>, vector<64x32xf32>
    %dot_general3A_63 = arith.constant dense<0.000000e+00> : vector<640x32xf32>
    %dot_general3A_64 = tpu.matmul %select_n3A, %get3A_62, %dot_general3A_63 {dimension_numbers = #tpu.dot_dimension_numbers<[1], [0], [0], [1], [0, 0, 1, 1], [], []>, transpose_lhs_hint = false} : vector<640x64xf32>, vector<64x32xf32>, vector<640x32xf32> -> vector<640x32xf32>
    %get3A_65 = arith.constant 0 : index
    %get3A_66 = arith.constant 0 : index
    %get3A_67 = vector.load %arg12[%get3A_65, %get3A_66] : memref<1x32xf32, #tpu.memory_space<vmem>>, vector<1x32xf32>
    %add3A_68 = vector.broadcast %get3A_67 : vector<1x32xf32> to vector<640x32xf32>
    %add3A_69 = arith.addf %dot_general3A_64, %add3A_68 : vector<640x32xf32>
    %ge3A_70 = arith.constant 0.000000e+00 : f32
    %ge3A_71 = vector.broadcast %ge3A_70 : f32 to vector<640x32xf32>
    %ge3A_72 = arith.cmpf oge, %add3A_69, %ge3A_71 : vector<640x32xf32>
    %mul3A_73 = arith.constant 1.000000e-01 : f32
    %mul3A_74 = vector.broadcast %mul3A_73 : f32 to vector<640x32xf32>
    %mul3A_75 = arith.mulf %mul3A_74, %add3A_69 : vector<640x32xf32>
    %select_n3A_76 = arith.select %ge3A_72, %add3A_69, %mul3A_75 : vector<640x32xi1>, vector<640x32xf32>
    %get3A_77 = arith.constant 0 : index
    %get3A_78 = arith.constant 0 : index
    %get3A_79 = vector.load %arg13[%get3A_77, %get3A_78] : memref<32x16xf32, #tpu.memory_space<vmem>>, vector<32x16xf32>
    %dot_general3A_80 = arith.constant dense<0.000000e+00> : vector<640x16xf32>
    %dot_general3A_81 = tpu.matmul %select_n3A_76, %get3A_79, %dot_general3A_80 {dimension_numbers = #tpu.dot_dimension_numbers<[1], [0], [0], [1], [0, 0, 1, 1], [], []>, transpose_lhs_hint = false} : vector<640x32xf32>, vector<32x16xf32>, vector<640x16xf32> -> vector<640x16xf32>
    %get3A_82 = arith.constant 0 : index
    %get3A_83 = arith.constant 0 : index
    %get3A_84 = vector.load %arg14[%get3A_82, %get3A_83] : memref<1x16xf32, #tpu.memory_space<vmem>>, vector<1x16xf32>
    %add3A_85 = vector.broadcast %get3A_84 : vector<1x16xf32> to vector<640x16xf32>
    %add3A_86 = arith.addf %dot_general3A_81, %add3A_85 : vector<640x16xf32>
    %ge3A_87 = arith.constant 0.000000e+00 : f32
    %ge3A_88 = vector.broadcast %ge3A_87 : f32 to vector<640x16xf32>
    %ge3A_89 = arith.cmpf oge, %add3A_86, %ge3A_88 : vector<640x16xf32>
    %mul3A_90 = arith.constant 1.000000e-01 : f32
    %mul3A_91 = vector.broadcast %mul3A_90 : f32 to vector<640x16xf32>
    %mul3A_92 = arith.mulf %mul3A_91, %add3A_86 : vector<640x16xf32>
    %select_n3A_93 = arith.select %ge3A_89, %add3A_86, %mul3A_92 : vector<640x16xi1>, vector<640x16xf32>
    %get3A_94 = arith.constant 0 : index
    %get3A_95 = arith.constant 0 : index
    %get3A_96 = vector.load %arg15[%get3A_94, %get3A_95] : memref<16x8xf32, #tpu.memory_space<vmem>>, vector<16x8xf32>
    %dot_general3A_97 = arith.constant dense<0.000000e+00> : vector<640x8xf32>
    %dot_general3A_98 = tpu.matmul %select_n3A_93, %get3A_96, %dot_general3A_97 {dimension_numbers = #tpu.dot_dimension_numbers<[1], [0], [0], [1], [0, 0, 1, 1], [], []>, transpose_lhs_hint = false} : vector<640x16xf32>, vector<16x8xf32>, vector<640x8xf32> -> vector<640x8xf32>
    %get3A_99 = arith.constant 0 : index
    %get3A_100 = arith.constant 0 : index
    %get3A_101 = vector.load %arg16[%get3A_99, %get3A_100] : memref<1x8xf32, #tpu.memory_space<vmem>>, vector<1x8xf32>
    %add3A_102 = vector.broadcast %get3A_101 : vector<1x8xf32> to vector<640x8xf32>
    %add3A_103 = arith.addf %dot_general3A_98, %add3A_102 : vector<640x8xf32>
    %ge3A_104 = arith.constant 0.000000e+00 : f32
    %ge3A_105 = vector.broadcast %ge3A_104 : f32 to vector<640x8xf32>
    %ge3A_106 = arith.cmpf oge, %add3A_103, %ge3A_105 : vector<640x8xf32>
    %mul3A_107 = arith.constant 1.000000e-01 : f32
    %mul3A_108 = vector.broadcast %mul3A_107 : f32 to vector<640x8xf32>
    %mul3A_109 = arith.mulf %mul3A_108, %add3A_103 : vector<640x8xf32>
    %select_n3A_110 = arith.select %ge3A_106, %add3A_103, %mul3A_109 : vector<640x8xi1>, vector<640x8xf32>
    %get3A_111 = arith.constant 0 : index
    %get3A_112 = arith.constant 0 : index
    %get3A_113 = vector.load %arg17[%get3A_111, %get3A_112] : memref<8x2xf32, #tpu.memory_space<vmem>>, vector<8x2xf32>
    %dot_general3A_114 = arith.constant dense<0.000000e+00> : vector<640x2xf32>
    %dot_general3A_115 = tpu.matmul %select_n3A_110, %get3A_113, %dot_general3A_114 {dimension_numbers = #tpu.dot_dimension_numbers<[1], [0], [0], [1], [0, 0, 1, 1], [], []>, transpose_lhs_hint = false} : vector<640x8xf32>, vector<8x2xf32>, vector<640x2xf32> -> vector<640x2xf32>
    %get3A_116 = arith.constant 0 : index
    %get3A_117 = arith.constant 0 : index
    %get3A_118 = vector.load %arg18[%get3A_116, %get3A_117] : memref<1x2xf32, #tpu.memory_space<vmem>>, vector<1x2xf32>
    %add3A_119 = vector.broadcast %get3A_118 : vector<1x2xf32> to vector<640x2xf32>
    %add3A_120 = arith.addf %dot_general3A_115, %add3A_119 : vector<640x2xf32>
    %swap3A = arith.constant 0 : index
    %swap3A_121 = arith.constant 0 : index
    %swap3A_122 = vector.load %arg19[%swap3A, %swap3A_121] : memref<640x2xf32, #tpu.memory_space<vmem>>, vector<640x2xf32>
    tpu.vector_store %arg19[%swap3A, %swap3A_121], %add3A_120 {strides = array<i32>} : memref<640x2xf32, #tpu.memory_space<vmem>>, vector<640x2xf32>,
    return
  }
  func.func @transform_0(%arg0: i32) -> (i32, i32) {
    %c0_i32 = arith.constant 0 : i32
    %c0_i32_0 = arith.constant 0 : i32
    return %arg0, %c0_i32 : i32, i32
  }
  func.func @transform_1(%arg0: i32) -> (i32, i32) {
    %c0_i32 = arith.constant 0 : i32
    %c0_i32_0 = arith.constant 0 : i32
    return %arg0, %c0_i32 : i32, i32
  }
  func.func @transform_2(%arg0: i32) -> (i32, i32) {
    %c0_i32 = arith.constant 0 : i32
    %c0_i32_0 = arith.constant 0 : i32
    return %arg0, %c0_i32 : i32, i32
  }
  func.func @transform_3(%arg0: i32) -> (i32, i32) {
    %c0_i32 = arith.constant 0 : i32
    %c0_i32_0 = arith.constant 0 : i32
    %c0_i32_1 = arith.constant 0 : i32
    return %c0_i32, %c0_i32_0 : i32, i32
  }
  func.func @transform_4(%arg0: i32) -> (i32, i32) {
    %c0_i32 = arith.constant 0 : i32
    %c0_i32_0 = arith.constant 0 : i32
    %c0_i32_1 = arith.constant 0 : i32
    return %c0_i32, %c0_i32_0 : i32, i32
  }
  func.func @transform_5(%arg0: i32) -> (i32, i32) {
    %c0_i32 = arith.constant 0 : i32
    %c0_i32_0 = arith.constant 0 : i32
    %c0_i32_1 = arith.constant 0 : i32
    return %c0_i32, %c0_i32_0 : i32, i32
  }
  func.func @transform_6(%arg0: i32) -> (i32, i32) {
    %c0_i32 = arith.constant 0 : i32
    %c0_i32_0 = arith.constant 0 : i32
    %c0_i32_1 = arith.constant 0 : i32
    return %c0_i32, %c0_i32_0 : i32, i32
  }
  func.func @transform_7(%arg0: i32) -> (i32, i32) {
    %c0_i32 = arith.constant 0 : i32
    %c0_i32_0 = arith.constant 0 : i32
    %c0_i32_1 = arith.constant 0 : i32
    return %c0_i32, %c0_i32_0 : i32, i32
  }
  func.func @transform_8(%arg0: i32) -> (i32, i32) {
    %c0_i32 = arith.constant 0 : i32
    %c0_i32_0 = arith.constant 0 : i32
    %c0_i32_1 = arith.constant 0 : i32
    return %c0_i32, %c0_i32_0 : i32, i32
  }
  func.func @transform_9(%arg0: i32) -> (i32, i32) {
    %c0_i32 = arith.constant 0 : i32
    %c0_i32_0 = arith.constant 0 : i32
    %c0_i32_1 = arith.constant 0 : i32
    return %c0_i32, %c0_i32_0 : i32, i32
  }
  func.func @transform_10(%arg0: i32) -> (i32, i32) {
    %c0_i32 = arith.constant 0 : i32
    %c0_i32_0 = arith.constant 0 : i32
    %c0_i32_1 = arith.constant 0 : i32
    return %c0_i32, %c0_i32_0 : i32, i32
  }
  func.func @transform_11(%arg0: i32) -> (i32, i32) {
    %c0_i32 = arith.constant 0 : i32
    %c0_i32_0 = arith.constant 0 : i32
    %c0_i32_1 = arith.constant 0 : i32
    return %c0_i32, %c0_i32_0 : i32, i32
  }
  func.func @transform_12(%arg0: i32) -> (i32, i32) {
    %c0_i32 = arith.constant 0 : i32
    %c0_i32_0 = arith.constant 0 : i32
    %c0_i32_1 = arith.constant 0 : i32
    return %c0_i32, %c0_i32_0 : i32, i32
  }
  func.func @transform_13(%arg0: i32) -> (i32, i32) {
    %c0_i32 = arith.constant 0 : i32
    %c0_i32_0 = arith.constant 0 : i32
    %c0_i32_1 = arith.constant 0 : i32
    return %c0_i32, %c0_i32_0 : i32, i32
  }
  func.func @transform_14(%arg0: i32) -> (i32, i32) {
    %c0_i32 = arith.constant 0 : i32
    %c0_i32_0 = arith.constant 0 : i32
    %c0_i32_1 = arith.constant 0 : i32
    return %c0_i32, %c0_i32_0 : i32, i32
  }
  func.func @transform_15(%arg0: i32) -> (i32, i32) {
    %c0_i32 = arith.constant 0 : i32
    %c0_i32_0 = arith.constant 0 : i32
    %c0_i32_1 = arith.constant 0 : i32
    return %c0_i32, %c0_i32_0 : i32, i32
  }
  func.func @transform_16(%arg0: i32) -> (i32, i32) {
    %c0_i32 = arith.constant 0 : i32
    %c0_i32_0 = arith.constant 0 : i32
    %c0_i32_1 = arith.constant 0 : i32
    return %c0_i32, %c0_i32_0 : i32, i32
  }
  func.func @transform_17(%arg0: i32) -> (i32, i32) {
    %c0_i32 = arith.constant 0 : i32
    %c0_i32_0 = arith.constant 0 : i32
    %c0_i32_1 = arith.constant 0 : i32
    return %c0_i32, %c0_i32_0 : i32, i32
  }
  func.func @transform_18(%arg0: i32) -> (i32, i32) {
    %c0_i32 = arith.constant 0 : i32
    %c0_i32_0 = arith.constant 0 : i32
    return %arg0, %c0_i32 : i32, i32
  }
}

</mosaic_0001>

<sc_bundles>
// kernel: kernel.21.cloned.1.call-start
scs
__scs_entry_jumppad:
0x0: {  	(pc) =	sbr.rel $0x88, $3  }
0x1: {  	(tag) =	ssettag $0x0;
	lr =	simm.s32 $0x1  }
0x2: {  	[smem:$0x3F5E] =	sst lr;
	_ =	strace $0xD0000000  }
0x3: {  	_ = 	snop  }
0x4: {  	_ = 	snop  }
0x5: {  	_ = 	snop  }
0x6: {  	_ = 	snop  }
0x7: {  	_ = 	snop  }
__scs_overlays_trampoline_lowered:
0x8: {  	[smem:$0x3F6D] =	sst s0  }
0x9: {  	[smem:$0x3F6E] =	sst s1  }
0xa: {  	[smem:$0x3F6F] =	sst s2  }
0xb: {  	[smem:$0x3F70] =	sst s3  }
0xc: {  	[smem:$0x3F71] =	sst s4  }
0xd: {  	[smem:$0x3F72] =	sst s5  }
0xe: {  	[smem:$0x3F73] =	sst s6  }
0xf: {  	[smem:$0x3F74] =	sst s7  }
0x10: {  	[smem:$0x3F75] =	sst s8  }
0x11: {  	[smem:$0x3F76] =	sst s9;
	s0 =	simm.s32 @!p0 $0x0  }
0x12: {  	s1 =	sld [smem:$0x3F5C];
	s0 =	simm.s32 @p0 $0x1  }
0x13: {  	[smem:$0x3F77] =	sst s0;
	s0 =	simm.s32 @!p1 $0x0  }
0x14: {  	s2 =	sld [smem:$0x3F5B];
	s0 =	simm.s32 @p1 $0x1  }
0x15: {  	[smem:$0x3F78] =	sst s0;
	s0 =	simm.s32 @!p2 $0x0  }
0x16: {  	s3 =	sld [smem:$0x3FDB];
	s0 =	simm.s32 @p2 $0x1  }
0x17: {  	s4 =	simm.s32 $0x1BF5;
	[smem:$0x3F7A] =	sst s0  }
0x18: {  	s0 =	sld [smem:$0x3F5D];
	_ =	swait.ge [sflag:s4], $0x0  }
0x19: {  	s7 =	sld [smem:$0x3F5E]  }
0x1a: {  	s8 =	sadd.s32 $0xFFFFE003, lr  }
0x1b: {  	s9 =	sadd.s32 $0xFFFFFEF7, lr;
	s5 =	simm.s32 $0xFFFFFFFF;
	p2 =	slt.u32 s8, $0xFFFFF086  }
0x1c: {  	p1 =	slt.u32 s9, $0xF7A;
	s5 =	simm.s32 @!p2 $0x0  }
0x1d: {  	s5 =	simm.s32 @p1 $0x1;
	p0 =	seq.s32 s7, s2  }
0x1e: {  	s7 =	smul.u32 @!p0 $0xF7A, s2;
	p2 =	seq.s32 @!p0 s5, $0x0  }
0x1f: {  	s9 =	smul.u32 $0xF7A, s1;
	s8 =	simm.s32 @!p0 $0x1BF5;
	p2 =	por !p2, p0  }
0x20: {  	[sflag:s8] =	ssyncset.s32 @!p0 $0xFFFFF086;
	s6 =	sadd.s32 @!p0 s3, s7;
	s7 =	simm.s32 @!p0 $0x108  }
0x21: {  	s3 =	sadd.s32 s3, s9;
	s6 =	sadd.s32 @!p0 $0x88, s6;
	s7 =	simm.s32 @p2 $0x1082  }
0x22: {  	[simem:s7], [sflag:s8] =	dma.local @!p0 [hbm:s6], $0xF7A  }
0x23: {  	s9 =	sor.u32 $0xD0000000, s2;
	s6 =	simm.s32 $0x108;
	_ =	swait.ge @!p0 [sflag:s8], $0x0  }
0x24: {  	s3 =	sadd.s32 $0x88, s3;
	s6 =	simm.s32 @!p1 $0x1082;
	[sflag:s4] =	ssyncset.s32 $0xFFFFF086  }
0x25: {  	[simem:s6], [sflag:s4] =	dma.local [hbm:s3], $0xF7A  }
0x26: {  	[smem:$0x3F5E] =	sst s1;
	(tag) =	ssettag s2;
	_ =	strace s9  }
0x27: {  	s1 =	sld [smem:$0x3F6E]  }
0x28: {  	s2 =	sld [smem:$0x3F6F]  }
0x29: {  	s4 =	sld [smem:$0x3F71]  }
0x2a: {  	p0 =	seq.s32 s5, $0x0;
	s5 =	sld [smem:$0x3F72]  }
0x2b: {  	s6 =	sld [smem:$0x3F73]  }
0x2c: {  	s7 =	sld [smem:$0x3F74]  }
0x2d: {  	s3 =	simm.s32 $0x108;
	s8 =	sld [smem:$0x3F75]  }
0x2e: {  	s3 =	simm.s32 @!p0 $0x1082;
	s9 =	sld [smem:$0x3F76]  }
0x2f: {  	lr =	sadd.s32 s0, s3;
	s0 =	sld [smem:$0x3F6D]  }
0x30: {  	s3 =	sld [smem:$0x3F70]  }
0x31: {  	[smem:$0x3F79] =	sst s10  }
0x32: {  	s10 =	sld [smem:$0x3F77];
	_ =	sdelay $0x3  }
0x33: {  	p0 =	seq.s32 s10, $0x1;
	s10 =	sld [smem:$0x3F79];
	_ =	sdelay $0x3  }
0x34: {  	[smem:$0x3F79] =	sst s10  }
0x35: {  	s10 =	sld [smem:$0x3F78];
	_ =	sdelay $0x3  }
0x36: {  	p1 =	seq.s32 s10, $0x1;
	s10 =	sld [smem:$0x3F79];
	_ =	sdelay $0x3  }
0x37: {  	[smem:$0x3F79] =	sst s10  }
0x38: {  	s10 =	sld [smem:$0x3F7A]  }
0x39: {  	_ = 	snop;
	(pc) =	sbr.ind lr, $3  }
0x3a: {  	_ = 	snop  }
0x3b: {  	_ = 	snop  }
0x3c: {  	p2 =	seq.s32 s10, $0x1;
	s10 =	sld [smem:$0x3F79]  }
0x3d: {  	_ =	shalt  }
0x3e: {  	_ =	shalt  }
0x3f: {  	_ =	shalt  }
0x40: {  	_ =	shalt  }
0x41: {  	_ =	shalt  }
0x42: {  	_ =	shalt  }
0x43: {  	_ =	shalt  }
0x44: {  	_ =	shalt  }
0x45: {  	_ =	shalt  }
0x46: {  	_ =	shalt  }
0x47: {  	_ =	shalt  }
0x48: {  	_ =	shalt  }
0x49: {  	_ =	shalt  }
0x4a: {  	_ =	shalt  }
0x4b: {  	_ =	shalt  }
0x4c: {  	_ =	shalt  }
0x4d: {  	_ =	shalt  }
0x4e: {  	_ =	shalt  }
0x4f: {  	_ =	shalt  }
0x50: {  	_ =	shalt  }
0x51: {  	_ =	shalt  }
0x52: {  	_ =	shalt  }
0x53: {  	_ =	shalt  }
0x54: {  	_ =	shalt  }
0x55: {  	_ =	shalt  }
0x56: {  	_ =	shalt  }
0x57: {  	_ =	shalt  }
0x58: {  	_ =	shalt  }
0x59: {  	_ =	shalt  }
0x5a: {  	_ =	shalt  }
0x5b: {  	_ =	shalt  }
0x5c: {  	_ =	shalt  }
0x5d: {  	_ =	shalt  }
0x5e: {  	_ =	shalt  }
0x5f: {  	_ =	shalt  }
0x60: {  	_ =	shalt  }
0x61: {  	_ =	shalt  }
0x62: {  	_ =	shalt  }
0x63: {  	_ =	shalt  }
0x64: {  	_ =	shalt  }
0x65: {  	_ =	shalt  }
0x66: {  	_ =	shalt  }
0x67: {  	_ =	shalt  }
0x68: {  	_ =	shalt  }
0x69: {  	_ =	shalt  }
0x6a: {  	_ =	shalt  }
0x6b: {  	_ =	shalt  }
0x6c: {  	_ =	shalt  }
0x6d: {  	_ =	shalt  }
0x6e: {  	_ =	shalt  }
0x6f: {  	_ =	shalt  }
0x70: {  	_ =	shalt  }
0x71: {  	_ =	shalt  }
0x72: {  	_ =	shalt  }
0x73: {  	_ =	shalt  }
0x74: {  	_ =	shalt  }
0x75: {  	_ =	shalt  }
0x76: {  	_ =	shalt  }
0x77: {  	_ =	shalt  }
0x78: {  	_ =	shalt  }
0x79: {  	_ =	shalt  }
0x7a: {  	_ =	shalt  }
0x7b: {  	_ =	shalt  }
0x7c: {  	_ =	shalt  }
0x7d: {  	_ =	shalt  }
0x7e: {  	_ =	shalt  }
0x7f: {  	_ =	shalt  }
0x80: {  	_ =	shalt  }
0x81: {  	_ =	shalt  }
0x82: {  	_ =	shalt  }
0x83: {  	_ =	shalt  }
0x84: {  	_ =	shalt  }
0x85: {  	_ =	shalt  }
0x86: {  	_ =	shalt  }
0x87: {  	_ =	shalt  }
.Lfunc_end0:
.L_simem_size_0:
called_computation_lowered:
.L_overlay_start_0:
0x88: {  	s2 =	sld [smem:$0x3FD9]  }
0x89: {  	s3 =	sld [smem:$0x3FFE];
	_ =	sdelay $0x1  }
0x8a: {  	s1 =	srdreg.scid  }
0x8b: {  	s0 =	sand.u32 $0x1, s1  }
0x8c: {  	s14 =	sshll.u32 s0, $0xA;
	s2 =	sadd.s32 s3, s2  }
0x8d: {  	s2 =	sadd.s32 s2, s14  }
0x8e: {  	[smem:$0x3F85] =	sst s2  }
0x8f: {  	_ = 	snop  }
0x90: {  	s2 =	sld [smem:$0x3FD0];
	_ =	sdelay $0x2  }
0x91: {  	s15 =	simm.s32 $0xA;
	s4 =	simm.s32 $0x10  }
0x92: {  	[smem:s4], [sflag:s15] =	dma.local [hbm:s2], $0x1  }
0x93: {  	_ =	swait.eq [sflag:s15], $0x1  }
0x94: {  	[sflag:s15] =	ssyncset.done $0x0  }
0x95: {  	[sflag:s15] =	ssyncadd.s32 $0xFFFFFFFF  }
0x96: {  	s16 =	sld [smem:$0x11];
	(tm) =	ssettm $0x1  }
0x97: {  	s17 =	sld [smem:$0x3FFB];
	_ =	sdelay $0x3  }
0x98: {  	_ =	strace s17  }
0x99: {  	s3 =	sld [smem:$0x3FFC];
	_ =	sdelay $0x3  }
0x9a: {  	_ =	strace s3  }
0x9b: {  	s3 =	sld [smem:$0x3FFD];
	_ =	sdelay $0x3  }
0x9c: {  	_ =	strace s3  }
0x9d: {  	_ =	strace $0x8FFFFFFF  }
0x9e: {  	s18 =	sld [smem:$0x3FDB];
	_ =	sdelay $0x1  }
0x9f: {  	s19 =	simm.s32 $_scs_section_size  }
0xa0: {  	s5 =	simm.s32 $_size__tile_overlayer_lowered;
	s6 =	simm.s32 $_tile_overlayer_lowered  }
0xa1: {  	s22 =	simm.s32 $0x1BFF;
	s21 =	sshll.u32 s6, $0x1;
	s3 =	sadd.s32 s19, s18  }
0xa2: {  	s7 =	simm.s32 $0x0;
	s20 =	sshll.u32 s5, $0x1;
	s5 =	sadd.s32 s21, s3  }
0xa3: {  	[timem:s7], [sflag:s22] =	dma.local [hbm:s5], s20  }
0xa4: {  	_ =	swait.ge [sflag:s22], s20  }
0xa5: {  	s4 =	ssub.s32 $0x0, s20;
	[sflag:s22] =	ssyncset.done $0x0  }
0xa6: {  	[sflag:s22] =	ssyncadd.s32 s4;
	_ =	sdelay $0x1  }
0xa7: {  	s23 =	simm.s32 $0x1B8B  }
0xa8: {  	_ =	swait.ge [sflag:s23], $0x1  }
0xa9: {  	[sflag:s23] =	ssyncset.done $0x0  }
0xaa: {  	s25 =	simm.s32 $0x1B8E;
	s24 =	sld [smem:$0x3FFE];
	[sflag:s23] =	ssyncadd.s32 $0xFFFFFFFF  }
0xab: {  	s26 =	simm.s32 $execute0_lowered;
	[smem:$0x3FD2] =	sst s25  }
0xac: {  	s5 =	sshll.u32 s26, $0x1;
	_ =	strace $0x80000046;
	[dreg:$0x1] =	wrdreg $0xFFFFFFFF  }
0xad: {  	s28 =	simm.s32 $_size_execute0_lowered;
	s3 =	sadd.s32 s3, s5;
	[dreg:$0x0] =	wrdreg $0x0  }
0xae: {  	s5 =	sshll.u32 s28, $0x1;
	[dreg:$0x2] =	wrdreg s3  }
0xaf: {  	[dreg:$0x3] =	wrdreg s5  }
0xb0: {  	[dreg:$0x4] =	wrdreg $0xC0  }
0xb1: {  	_ =	task [dreg:s7], $0x5FFFF  }
0xb2: {  	[dreg:$0x1] =	wrdreg $0xFFFFFFFF  }
0xb3: {  	[dreg:$0x0] =	wrdreg $0x60  }
0xb4: {  	[dreg:$0x2] =	wrdreg s24  }
0xb5: {  	[dreg:$0x3] =	wrdreg s16  }
0xb6: {  	[dreg:$0x4] =	wrdreg $0x9  }
0xb7: {  	_ =	task.clear_ibuf [dreg:s7], $0x5FFFF;
	_ =	strace $0x90000046  }
0xb8: {  	s29 =	simm.s32 $0x9;
	_ =	strace $0x80000048  }
0xb9: {  	_ =	swait.ge [sflag:s29], $0x1  }
0xba: {  	[sflag:s29] =	ssyncadd.s32 $0xFFFFFFFF  }
0xbb: {  	_ =	strace $0x90000048  }
0xbc: {  	_ =	sfence  }
0xbd: {  	s30 =	sld [smem:$0x0];
	_ =	sdelay $0x2  }
0xbe: {  	s31 =	sshll.u32 s1, $0xD;
	s1 =	sshrl.u32 s1, $0x2  }
0xbf: {  	s3 =	sand.u32 $0x4000, s31;
	s1 =	sadd.s32 s1, s30  }
0xc0: {  	s0 =	sor.u32 s3, s0;
	s1 =	sshll.u32 s1, $0x11  }
0xc1: {  	s0 =	sor.u32 s1, s0  }
0xc2: {  	s0 =	sadd.s32 $0x8F2B, s0  }
0xc3: {  	[sflag:s0] =	ssyncadd.remote.s32 $0x1  }
0xc4: {  	_ =	sfence.sel $0xFFFF  }
0xc5: {  	[dreg:$0x0] =	wrdreg $0xFFFFFFFF;
	(pc) =	sbr.abs _section_cstart, $3  }
0xc6: {  	[dreg:$0x1] =	wrdreg $0xFFFFFFFF  }
0xc7: {  	_ =	task.clear_ibuf [dreg:s7], $0x2FFFF;
	_ =	strace $0x9FFFFFFF  }
0xc8: {  	(tm) =	ssettm $0x7FFFFFFF  }
0xc9: {  	_ =	shalt  }
tec
execute0_lowered:
.L_overlay_start_1:
0x0: {  	(tag) =	ssettag $0x1  }
0x1: {  	s0 =	rddreg [dreg:$0x0];
	s1 =	srdreg.scid  }
0x2: {  	s12 =	stileid.u32;
	s4 =	rddreg [dreg:$0x1];
	s2 =	simm.s32 $0x0  }
0x3: {  	s28 =	simm.s32 $0x1;
	s29 =	simm.s32 $0x3;
	s18 =	smul.u32 $0x140000, s12  }
0x4: {  	s30 =	simm.s32 $0x5;
	s1 =	sand.u32 $0x1, s1;
	s23 =	smul.u32 $0x28000, s12  }
0x5: {  	s31 =	simm.s32 $0x7;
	s3 =	sshll.u32 s12, $0x1;
	s19 =	smul.u32 $0xA0000, s1  }
0x6: {  	s5 =	sor.u32 s1, s3;
	s8 =	ssub.s32 $0x2, s1;
	s1 =	smul.u32 $0x14000, s1  }
0x7: {  	[smem:$0x7FF] =	sst s2;
	s9 =	sadd.s32 $0x2DFA00, s0;
	s6 =	smul.u32 $0x280, s5  }
0x8: {  	_ =	strace $0x80000047;
	s3 =	sadd.s32 $0x38800, s0;
	s11 =	smul.u32 $0xA0000, s5  }
0x9: {  	s10 =	sshrl.u32 s8, $0x1;
	s5 =	smul.u32 $0x14000, s5;
	s25 =	sadd.s32 s23, s9  }
0xa: {  	s8 =	ssub.s32 s8, s10;
	s22 =	sadd.s32 s19, s18;
	s26 =	sadd.s32 s1, s25  }
0xb: {  	s19 =	simm.s32 $0x9;
	s25 =	simm.s32 $0x2;
	s7 =	sadd.s32 s6, s0  }
0xc: {  	s0 =	sadd.s32 $0x5FA00, s0;
	s4 =	sadd.s32 s4, s6;
	s11 =	sshrl.u32 s11, $0x3  }
0xd: {  	s13 =	smax.u32 s8, $0x1;
	s15 =	sor.u32 $0x800, s5;
	[dreg:$0x4] =	wrdreg s4  }
0xe: {  	s21 =	sadd.s32 $0x13800, s5;
	s7 =	sadd.s32 $0xC600, s7;
	[dreg:$0x5] =	wrdreg s13  }
0xf: {  	s24 =	sor.u32 $0x8000, s22;
	s14 =	sadd.s32 s9, s11;
	[dreg:$0x3] =	wrdreg s7  }
0x10: {  	s22 =	simm.s32 $0x2800;
	s16 =	sadd.s32 s0, s11;
	[dreg:$0x6] =	wrdreg s14  }
0x11: {  	s5 =	simm.s32 $0x1380;
	s17 =	sadd.s32 s9, s15;
	[dreg:$0x7] =	wrdreg s16  }
0x12: {  	s6 =	sadd.s32 s0, s15;
	s4 =	sadd.s32 $0x13000, s11;
	[dreg:$0x8] =	wrdreg s17  }
0x13: {  	s13 =	sadd.s32 s9, s21;
	[dreg:$0x9] =	wrdreg s6;
	s20 =	sadd.s32 s9, s4  }
0x14: {  	s4 =	sadd.s32 s0, s4;
	s14 =	sadd.s32 s0, s21;
	s6 =	sadd.s32 s23, s0  }
0x15: {  	s17 =	sadd.s32 $0x1800, s26;
	s21 =	simm.s32 $0x80;
	s23 =	simm.s32 $0xA800  }
0x16: {  	s26 =	simm.s32 $0xE800;
	s7 =	simm.s32 $0x0;
	[dreg:$0xa] =	wrdreg s20  }
0x17: {  	[dreg:$0xb] =	wrdreg s4;
	s4 =	sshrl.u32 s24, $0x3;
	s1 =	sadd.s32 s1, s6  }
0x18: {  	s20 =	simm.s32 $0x1400;
	s24 =	simm.s32 $0x6800;
	s6 =	simm.s32 $0x2780  }
0x19: {  	s15 =	sadd.s32 s4, s0;
	s16 =	sadd.s32 s4, s9;
	s18 =	sadd.s32 $0x1800, s1  }
0x1a: {  	s1 =	simm.s32 $0x4;
	s0 =	simm.s32 $0x6;
	s4 =	simm.s32 $0x8  }
.LBB2_1:
0x1b: {  	s8 =	rddreg [dreg:$0x3]  }
0x1c: {  	[tilespmem:s2], [sflag:$0x9] =	stream.linear.gather [hbm4b:s8+s2], $0x1400, $0x38;
	[tilespmem:$0x12800] =	vst v63  }
0x1d: {  	_ =	swait.ge [sflag:s19], $0x1400  }
0x1e: {  	[sflag:s19] =	ssyncset.done $0x0  }
0x1f: {  	s10 =	rddreg [dreg:$0x4];
	[sflag:s19] =	ssyncadd.s32 $0xFFFFEC00  }
0x20: {  	[tilespmem:s20], [sflag:$0x9] =	stream.linear.gather [hbm4b:s10+s2], $0x1400, $0x38;
	[tilespmem:$0x12800] =	vst v63  }
0x21: {  	_ =	swait.ge [sflag:s19], $0x1400  }
0x22: {  	[sflag:s19] =	ssyncset.done $0x0  }
0x23: {  	[sflag:s19] =	ssyncadd.s32 $0xFFFFEC00  }
0x24: {  	[tilespmem:s22], [sflag:$0x1] =	stream.indirect.gather [hbm4b:s3+s21], $0x80, s2, s21, $0xb8;
	[tilespmem:$0x12800] =	vst v63  }
0x25: {  	_ = 	snop  }
0x26: {  	[tilespmem:s23], [sflag:$0x3] =	stream.indirect.gather [hbm4b:s3+s21], $0x80, s20, s21, $0xb8;
	[tilespmem:$0x12800] =	vst v63  }
0x27: {  	_ = 	snop  }
0x28: {  	[tilespmem:s24], [sflag:$0x2] =	stream.indirect.gather [hbm4b:s3+s21], $0x80, s21, s21, $0xb8;
	[tilespmem:$0x12800] =	vst v63  }
0x29: {  	s11 =	simm.s32 $0x1480  }
0x2a: {  	[tilespmem:s26], [sflag:$0x4] =	stream.indirect.gather [hbm4b:s3+s21], $0x80, s11, s21, $0xb8;
	[tilespmem:$0x12800] =	vst v63  }
0x2b: {  	_ =	swait.ge [sflag:s28], $0x4000  }
0x2c: {  	[sflag:s28] =	ssyncset.done $0x0  }
0x2d: {  	[sflag:s28] =	ssyncadd.s32 $0xFFFFC000  }
0x2e: {  	_ =	swait.ge [sflag:s29], $0x4000  }
0x2f: {  	[sflag:s29] =	ssyncset.done $0x0  }
0x30: {  	s12 =	rddreg [dreg:$0x6];
	[sflag:s29] =	ssyncadd.s32 $0xFFFFC000  }
0x31: {  	[hbm4b:s12+s2] =	stream.linear.scatter [tilespmem:s22], [sflag:$0x5], $0x4000, $0x38;
	[tilespmem:$0x12800] =	vst v63  }
0x32: {  	s9 =	rddreg [dreg:$0x7]  }
0x33: {  	[hbm4b:s9+s2] =	stream.linear.scatter [tilespmem:s23], [sflag:$0x7], $0x4000, $0x38;
	[tilespmem:$0x12800] =	vst v63  }
0x34: {  	_ =	swait.ge [sflag:s30], $0x4000  }
0x35: {  	[sflag:s30] =	ssyncset.done $0x0  }
0x36: {  	[sflag:s30] =	ssyncadd.s32 $0xFFFFC000  }
0x37: {  	_ =	swait.ge [sflag:s31], $0x4000  }
0x38: {  	[sflag:s31] =	ssyncset.done $0x0  }
0x39: {  	s10 =	simm.s32 $0x100;
	[sflag:s31] =	ssyncadd.s32 $0xFFFFC000  }
0x3a: {  	[tilespmem:s22], [sflag:$0x1] =	stream.indirect.gather [hbm4b:s3+s21], $0x80, s10, s21, $0xb8;
	[tilespmem:$0x12800] =	vst v63  }
0x3b: {  	s11 =	simm.s32 $0x1500  }
0x3c: {  	[tilespmem:s23], [sflag:$0x3] =	stream.indirect.gather [hbm4b:s3+s21], $0x80, s11, s21, $0xb8;
	[tilespmem:$0x12800] =	vst v63  }
0x3d: {  	_ =	swait.ge [sflag:s25], $0x4000  }
0x3e: {  	[sflag:s25] =	ssyncset.done $0x0  }
0x3f: {  	[sflag:s25] =	ssyncadd.s32 $0xFFFFC000  }
0x40: {  	_ =	swait.ge [sflag:s1], $0x4000  }
0x41: {  	[sflag:s1] =	ssyncset.done $0x0  }
0x42: {  	s12 =	rddreg [dreg:$0x8];
	[sflag:s1] =	ssyncadd.s32 $0xFFFFC000  }
0x43: {  	[hbm4b:s12+s2] =	stream.linear.scatter [tilespmem:s24], [sflag:$0x6], $0x4000, $0x38;
	[tilespmem:$0x12800] =	vst v63  }
0x44: {  	s9 =	rddreg [dreg:$0x9]  }
0x45: {  	[hbm4b:s9+s2] =	stream.linear.scatter [tilespmem:s26], [sflag:$0x8], $0x4000, $0x38;
	[tilespmem:$0x12800] =	vst v63  }
0x46: {  	_ =	swait.ge [sflag:s0], $0x4000  }
0x47: {  	[sflag:s0] =	ssyncset.done $0x0  }
0x48: {  	[sflag:s0] =	ssyncadd.s32 $0xFFFFC000  }
0x49: {  	_ =	swait.ge [sflag:s4], $0x4000  }
0x4a: {  	[sflag:s4] =	ssyncset.done $0x0  }
0x4b: {  	s10 =	simm.s32 $0x180;
	[sflag:s4] =	ssyncadd.s32 $0xFFFFC000  }
0x4c: {  	[tilespmem:s24], [sflag:$0x2] =	stream.indirect.gather [hbm4b:s3+s21], $0x80, s10, s21, $0xb8;
	[tilespmem:$0x12800] =	vst v63  }
0x4d: {  	s11 =	simm.s32 $0x1580  }
0x4e: {  	[tilespmem:s26], [sflag:$0x4] =	stream.indirect.gather [hbm4b:s3+s21], $0x80, s11, s21, $0xb8;
	[tilespmem:$0x12800] =	vst v63  }
0x4f: {  	_ =	swait.ge [sflag:s28], $0x4000  }
0x50: {  	[sflag:s28] =	ssyncset.done $0x0  }
0x51: {  	[sflag:s28] =	ssyncadd.s32 $0xFFFFC000  }
0x52: {  	_ =	swait.ge [sflag:s29], $0x4000  }
0x53: {  	[sflag:s29] =	ssyncset.done $0x0  }
0x54: {  	s12 =	sadd.s32 $0x0, s16;
	[sflag:s29] =	ssyncadd.s32 $0xFFFFC000  }
0x55: {  	[hbm4b:s12+s2] =	stream.linear.scatter [tilespmem:s22], [sflag:$0x5], $0x4000, $0x38;
	[tilespmem:$0x12800] =	vst v63  }
0x56: {  	s9 =	sadd.s32 $0x0, s15  }
0x57: {  	[hbm4b:s9+s2] =	stream.linear.scatter [tilespmem:s23], [sflag:$0x7], $0x4000, $0x38;
	[tilespmem:$0x12800] =	vst v63  }
0x58: {  	_ =	swait.ge [sflag:s30], $0x4000  }
0x59: {  	[sflag:s30] =	ssyncset.done $0x0  }
0x5a: {  	[sflag:s30] =	ssyncadd.s32 $0xFFFFC000  }
0x5b: {  	_ =	swait.ge [sflag:s31], $0x4000  }
0x5c: {  	[sflag:s31] =	ssyncset.done $0x0  }
0x5d: {  	s10 =	simm.s32 $0x200;
	[sflag:s31] =	ssyncadd.s32 $0xFFFFC000  }
0x5e: {  	[tilespmem:s22], [sflag:$0x1] =	stream.indirect.gather [hbm4b:s3+s21], $0x80, s10, s21, $0xb8;
	[tilespmem:$0x12800] =	vst v63  }
0x5f: {  	s11 =	simm.s32 $0x1600  }
0x60: {  	[tilespmem:s23], [sflag:$0x3] =	stream.indirect.gather [hbm4b:s3+s21], $0x80, s11, s21, $0xb8;
	[tilespmem:$0x12800] =	vst v63  }
0x61: {  	_ =	swait.ge [sflag:s25], $0x4000  }
0x62: {  	[sflag:s25] =	ssyncset.done $0x0  }
0x63: {  	[sflag:s25] =	ssyncadd.s32 $0xFFFFC000  }
0x64: {  	s8 =	simm.s32 $0x1000;
	_ =	swait.ge [sflag:s1], $0x4000  }
0x65: {  	s12 =	sadd.s32 $0x0, s17;
	s9 =	simm.s32 $0x1680;
	[sflag:s1] =	ssyncset.done $0x0  }
0x66: {  	s10 =	simm.s32 $0x280;
	s11 =	sadd.s32 $0x0, s18;
	[sflag:s1] =	ssyncadd.s32 $0xFFFFC000  }
0x67: {  	[hbm4b:s12+s2] =	stream.linear.scatter [tilespmem:s24], [sflag:$0x6], $0x4000, $0x38;
	[tilespmem:$0x12800] =	vst v63  }
.LBB2_2:
0x68: {  	[hbm4b:s11+s2] =	stream.linear.scatter [tilespmem:s26], [sflag:$0x8], $0x4000, $0x38;
	[tilespmem:$0x12800] =	vst v63  }
0x69: {  	s11 =	smov.u32 s8  }
0x6a: {  	p0 =	sne.s32 s8, $0x11000;
	s8 =	sadd.s32 $0x1000, s8;
	_ =	swait.ge [sflag:s0], $0x4000  }
0x6b: {  	[sflag:s0] =	ssyncset.done $0x0  }
0x6c: {  	[sflag:s0] =	ssyncadd.s32 $0xFFFFC000  }
0x6d: {  	_ =	swait.ge [sflag:s4], $0x4000  }
0x6e: {  	[sflag:s4] =	ssyncset.done $0x0  }
0x6f: {  	[sflag:s4] =	ssyncadd.s32 $0xFFFFC000  }
0x70: {  	[tilespmem:s24], [sflag:$0x2] =	stream.indirect.gather [hbm4b:s3+s21], $0x80, s10, s21, $0xb8;
	[tilespmem:$0x12800] =	vst v63  }
0x71: {  	_ = 	snop  }
0x72: {  	[tilespmem:s26], [sflag:$0x4] =	stream.indirect.gather [hbm4b:s3+s21], $0x80, s9, s21, $0xb8;
	[tilespmem:$0x12800] =	vst v63  }
0x73: {  	_ =	swait.ge [sflag:s28], $0x4000  }
0x74: {  	[sflag:s28] =	ssyncset.done $0x0  }
0x75: {  	[sflag:s28] =	ssyncadd.s32 $0xFFFFC000  }
0x76: {  	_ =	swait.ge [sflag:s29], $0x4000  }
0x77: {  	[sflag:s29] =	ssyncset.done $0x0  }
0x78: {  	s12 =	sadd.s32 s11, s16;
	[sflag:s29] =	ssyncadd.s32 $0xFFFFC000  }
0x79: {  	[hbm4b:s12+s2] =	stream.linear.scatter [tilespmem:s22], [sflag:$0x5], $0x4000, $0x38;
	[tilespmem:$0x12800] =	vst v63  }
0x7a: {  	s12 =	sadd.s32 s11, s15  }
0x7b: {  	[hbm4b:s12+s2] =	stream.linear.scatter [tilespmem:s23], [sflag:$0x7], $0x4000, $0x38;
	[tilespmem:$0x12800] =	vst v63  }
0x7c: {  	_ =	swait.ge [sflag:s30], $0x4000  }
0x7d: {  	[sflag:s30] =	ssyncset.done $0x0  }
0x7e: {  	[sflag:s30] =	ssyncadd.s32 $0xFFFFC000  }
0x7f: {  	_ =	swait.ge [sflag:s31], $0x4000  }
0x80: {  	[sflag:s31] =	ssyncset.done $0x0  }
0x81: {  	s12 =	sadd.s32 $0x80, s10;
	[sflag:s31] =	ssyncadd.s32 $0xFFFFC000  }
0x82: {  	[tilespmem:s22], [sflag:$0x1] =	stream.indirect.gather [hbm4b:s3+s21], $0x80, s12, s21, $0xb8;
	[tilespmem:$0x12800] =	vst v63  }
0x83: {  	s12 =	sadd.s32 $0x80, s9  }
0x84: {  	[tilespmem:s23], [sflag:$0x3] =	stream.indirect.gather [hbm4b:s3+s21], $0x80, s12, s21, $0xb8;
	[tilespmem:$0x12800] =	vst v63  }
0x85: {  	_ =	swait.ge [sflag:s25], $0x4000  }
0x86: {  	[sflag:s25] =	ssyncset.done $0x0  }
0x87: {  	[sflag:s25] =	ssyncadd.s32 $0xFFFFC000  }
.Ltmp0:
0x88: {  	_ =	swait.ge [sflag:s1], $0x4000;
	(pc) =	sbr.rel @p0 .LBB2_2-.Ltmp0, $4  }
0x89: {  	[sflag:s1] =	ssyncset.done $0x0  }
0x8a: {  	s12 =	sadd.s32 s11, s17;
	[sflag:s1] =	ssyncadd.s32 $0xFFFFC000  }
0x8b: {  	[hbm4b:s12+s2] =	stream.linear.scatter [tilespmem:s24], [sflag:$0x6], $0x4000, $0x38;
	[tilespmem:$0x12800] =	vst v63  }
0x8c: {  	s10 =	sadd.s32 $0x100, s10;
	s9 =	sadd.s32 $0x100, s9;
	s11 =	sadd.s32 s11, s18  }
0x8d: {  	[hbm4b:s11+s2] =	stream.linear.scatter [tilespmem:s26], [sflag:$0x8], $0x4000, $0x38;
	[tilespmem:$0x12800] =	vst v63  }
0x8e: {  	_ =	swait.ge [sflag:s0], $0x4000  }
0x8f: {  	[sflag:s0] =	ssyncset.done $0x0  }
0x90: {  	[sflag:s0] =	ssyncadd.s32 $0xFFFFC000  }
0x91: {  	_ =	swait.ge [sflag:s4], $0x4000  }
0x92: {  	[sflag:s4] =	ssyncset.done $0x0  }
0x93: {  	[sflag:s4] =	ssyncadd.s32 $0xFFFFC000  }
0x94: {  	[tilespmem:s24], [sflag:$0x2] =	stream.indirect.gather [hbm4b:s3+s21], $0x80, s5, s21, $0xb8;
	[tilespmem:$0x12800] =	vst v63  }
0x95: {  	_ = 	snop  }
0x96: {  	[tilespmem:s26], [sflag:$0x4] =	stream.indirect.gather [hbm4b:s3+s21], $0x80, s6, s21, $0xb8;
	[tilespmem:$0x12800] =	vst v63  }
0x97: {  	_ =	swait.ge [sflag:s28], $0x4000  }
0x98: {  	[sflag:s28] =	ssyncset.done $0x0  }
0x99: {  	[sflag:s28] =	ssyncadd.s32 $0xFFFFC000  }
0x9a: {  	_ =	swait.ge [sflag:s29], $0x4000  }
0x9b: {  	[sflag:s29] =	ssyncset.done $0x0  }
0x9c: {  	s8 =	rddreg [dreg:$0xa];
	[sflag:s29] =	ssyncadd.s32 $0xFFFFC000  }
0x9d: {  	[hbm4b:s8+s2] =	stream.linear.scatter [tilespmem:s22], [sflag:$0x5], $0x4000, $0x38;
	[tilespmem:$0x12800] =	vst v63  }
0x9e: {  	s11 =	rddreg [dreg:$0xb]  }
0x9f: {  	[hbm4b:s11+s2] =	stream.linear.scatter [tilespmem:s23], [sflag:$0x7], $0x4000, $0x38;
	[tilespmem:$0x12800] =	vst v63  }
0xa0: {  	_ =	swait.ge [sflag:s30], $0x4000  }
0xa1: {  	[sflag:s30] =	ssyncset.done $0x0  }
0xa2: {  	[sflag:s30] =	ssyncadd.s32 $0xFFFFC000  }
0xa3: {  	_ =	swait.ge [sflag:s31], $0x4000  }
0xa4: {  	[sflag:s31] =	ssyncset.done $0x0  }
0xa5: {  	[sflag:s31] =	ssyncadd.s32 $0xFFFFC000  }
0xa6: {  	[tilespmem:s22], [sflag:$0x1] =	stream.indirect.gather [hbm4b:s3+s21], $0x80, s5, s21, $0xb8;
	[tilespmem:$0x12800] =	vst v63  }
0xa7: {  	_ = 	snop  }
0xa8: {  	[tilespmem:s23], [sflag:$0x3] =	stream.indirect.gather [hbm4b:s3+s21], $0x80, s6, s21, $0xb8;
	[tilespmem:$0x12800] =	vst v63  }
0xa9: {  	_ =	swait.ge [sflag:s25], $0x4000  }
0xaa: {  	[sflag:s25] =	ssyncset.done $0x0  }
0xab: {  	[sflag:s25] =	ssyncadd.s32 $0xFFFFC000  }
0xac: {  	_ =	swait.ge [sflag:s1], $0x4000  }
0xad: {  	[sflag:s1] =	ssyncset.done $0x0  }
0xae: {  	[sflag:s1] =	ssyncadd.s32 $0xFFFFC000  }
0xaf: {  	[hbm4b:s13+s2] =	stream.linear.scatter [tilespmem:s24], [sflag:$0x6], $0x4000, $0x38;
	[tilespmem:$0x12800] =	vst v63  }
0xb0: {  	_ = 	snop  }
0xb1: {  	[hbm4b:s14+s2] =	stream.linear.scatter [tilespmem:s26], [sflag:$0x8], $0x4000, $0x38;
	[tilespmem:$0x12800] =	vst v63  }
0xb2: {  	_ =	swait.ge [sflag:s28], $0x4000  }
0xb3: {  	[sflag:s28] =	ssyncset.done $0x0  }
0xb4: {  	[sflag:s28] =	ssyncadd.s32 $0xFFFFC000  }
0xb5: {  	_ =	swait.ge [sflag:s29], $0x4000  }
0xb6: {  	[sflag:s29] =	ssyncset.done $0x0  }
0xb7: {  	[sflag:s29] =	ssyncadd.s32 $0xFFFFC000  }
0xb8: {  	_ =	swait.ge [sflag:s0], $0x4000  }
0xb9: {  	[sflag:s0] =	ssyncset.done $0x0  }
0xba: {  	[sflag:s0] =	ssyncadd.s32 $0xFFFFC000  }
0xbb: {  	_ =	swait.ge [sflag:s4], $0x4000  }
0xbc: {  	s7 =	sadd.s32 $0x1, s7;
	s12 =	rddreg [dreg:$0x5]  }
0xbd: {  	p0 =	sne.s32 s7, s12  }
.Ltmp1:
0xbe: {  	_ = 	snop;
	(pc) =	sbr.rel @p0 .LBB2_1-.Ltmp1, $3  }
0xbf: {  	_ =	sdelay $0x1  }
0xc0: {  	[sflag:s4] =	ssyncset.done $0x0  }
0xc1: {  	[sflag:s4] =	ssyncadd.s32 $0xFFFFC000  }
0xc2: {  	_ =	sfence.sel $0x180000  }
0xc3: {  	[bflag:$0x0] =	sbarrier.arrive $0xFFFF  }
0xc4: {  	_ =	strace $0x90000047  }
0xc5: {  	s0 =	stileid.u32;
	[bflag:$0x2] =	sbarrier.arrive $0xFFFF  }
0xc6: {  	p0 =	sne.s32 s0, $0x0;
	s0 =	rddreg [dreg:$0x2]  }
0xc7: {  	s0 =	sadd.s32 @!p0 $0x100000, s0  }
0xc8: {  	[sflag:s0] =	ssyncadd.tile.s32 @!p0 $0x1;
	_ =	shalt  }
.Lfunc_end2:
_tile_overlayer_lowered:
.L_overlay_start_2:
0xc9: {  	(tag) =	ssettag $0x2  }
0xca: {  	s0 =	rddreg [dreg:$0x0];
	s2 =	stileid.u32  }
0xcb: {  	s1 =	rddreg [dreg:$0x1];
	p0 =	sne.s32 s2, $0x0  }
0xcc: {  	s3 =	rddreg [dreg:$0x2];
	[bflag:$0x3] =	sbarrier.arrive $0xFFFF;
	s2 =	simm.s32 @!p0 $0x1C09  }
0xcd: {  	[timem:s3], [sflag:s2] =	dma.local @!p0 [hbm:s0], s1  }
0xce: {  	s0 =	simm.s32 @!p0 $0x9  }
0xcf: {  	_ =	swait.ge @!p0 [sflag:s0], s1  }
0xd0: {  	s1 =	ssub.s32 @!p0 $0x0, s1;
	[sflag:s0] =	ssyncset.done @!p0 $0x0  }
0xd1: {  	[sflag:s0] =	ssyncadd.s32 @!p0 s1  }
0xd2: {  	[bflag:$0x3] =	sbarrier.arrive $0xFFFF  }
0xd3: {  	_ =	shalt  }

// kernel: kernel.24.cloned.1.call-start
scs
__scs_entry_jumppad:
0x0: {  	(pc) =	sbr.rel $0x88, $3  }
0x1: {  	(tag) =	ssettag $0x0;
	lr =	simm.s32 $0x1  }
0x2: {  	[smem:$0x3F5E] =	sst lr;
	_ =	strace $0xD0000000  }
0x3: {  	_ = 	snop  }
0x4: {  	_ = 	snop  }
0x5: {  	_ = 	snop  }
0x6: {  	_ = 	snop  }
0x7: {  	_ = 	snop  }
__scs_overlays_trampoline_lowered:
0x8: {  	[smem:$0x3F6D] =	sst s0  }
0x9: {  	[smem:$0x3F6E] =	sst s1  }
0xa: {  	[smem:$0x3F6F] =	sst s2  }
0xb: {  	[smem:$0x3F70] =	sst s3  }
0xc: {  	[smem:$0x3F71] =	sst s4  }
0xd: {  	[smem:$0x3F72] =	sst s5  }
0xe: {  	[smem:$0x3F73] =	sst s6  }
0xf: {  	[smem:$0x3F74] =	sst s7  }
0x10: {  	[smem:$0x3F75] =	sst s8  }
0x11: {  	[smem:$0x3F76] =	sst s9;
	s0 =	simm.s32 @!p0 $0x0  }
0x12: {  	s1 =	sld [smem:$0x3F5C];
	s0 =	simm.s32 @p0 $0x1  }
0x13: {  	[smem:$0x3F77] =	sst s0;
	s0 =	simm.s32 @!p1 $0x0  }
0x14: {  	s2 =	sld [smem:$0x3F5B];
	s0 =	simm.s32 @p1 $0x1  }
0x15: {  	[smem:$0x3F78] =	sst s0;
	s0 =	simm.s32 @!p2 $0x0  }
0x16: {  	s3 =	sld [smem:$0x3FDB];
	s0 =	simm.s32 @p2 $0x1  }
0x17: {  	s4 =	simm.s32 $0x1BF5;
	[smem:$0x3F7A] =	sst s0  }
0x18: {  	s0 =	sld [smem:$0x3F5D];
	_ =	swait.ge [sflag:s4], $0x0  }
0x19: {  	s7 =	sld [smem:$0x3F5E]  }
0x1a: {  	s8 =	sadd.s32 $0xFFFFE003, lr  }
0x1b: {  	s9 =	sadd.s32 $0xFFFFFEF7, lr;
	s5 =	simm.s32 $0xFFFFFFFF;
	p2 =	slt.u32 s8, $0xFFFFF086  }
0x1c: {  	p1 =	slt.u32 s9, $0xF7A;
	s5 =	simm.s32 @!p2 $0x0  }
0x1d: {  	s5 =	simm.s32 @p1 $0x1;
	p0 =	seq.s32 s7, s2  }
0x1e: {  	s7 =	smul.u32 @!p0 $0xF7A, s2;
	p2 =	seq.s32 @!p0 s5, $0x0  }
0x1f: {  	s9 =	smul.u32 $0xF7A, s1;
	s8 =	simm.s32 @!p0 $0x1BF5;
	p2 =	por !p2, p0  }
0x20: {  	[sflag:s8] =	ssyncset.s32 @!p0 $0xFFFFF086;
	s6 =	sadd.s32 @!p0 s3, s7;
	s7 =	simm.s32 @!p0 $0x108  }
0x21: {  	s3 =	sadd.s32 s3, s9;
	s6 =	sadd.s32 @!p0 $0x88, s6;
	s7 =	simm.s32 @p2 $0x1082  }
0x22: {  	[simem:s7], [sflag:s8] =	dma.local @!p0 [hbm:s6], $0xF7A  }
0x23: {  	s9 =	sor.u32 $0xD0000000, s2;
	s6 =	simm.s32 $0x108;
	_ =	swait.ge @!p0 [sflag:s8], $0x0  }
0x24: {  	s3 =	sadd.s32 $0x88, s3;
	s6 =	simm.s32 @!p1 $0x1082;
	[sflag:s4] =	ssyncset.s32 $0xFFFFF086  }
0x25: {  	[simem:s6], [sflag:s4] =	dma.local [hbm:s3], $0xF7A  }
0x26: {  	[smem:$0x3F5E] =	sst s1;
	(tag) =	ssettag s2;
	_ =	strace s9  }
0x27: {  	s1 =	sld [smem:$0x3F6E]  }
0x28: {  	s2 =	sld [smem:$0x3F6F]  }
0x29: {  	s4 =	sld [smem:$0x3F71]  }
0x2a: {  	p0 =	seq.s32 s5, $0x0;
	s5 =	sld [smem:$0x3F72]  }
0x2b: {  	s6 =	sld [smem:$0x3F73]  }
0x2c: {  	s7 =	sld [smem:$0x3F74]  }
0x2d: {  	s3 =	simm.s32 $0x108;
	s8 =	sld [smem:$0x3F75]  }
0x2e: {  	s3 =	simm.s32 @!p0 $0x1082;
	s9 =	sld [smem:$0x3F76]  }
0x2f: {  	lr =	sadd.s32 s0, s3;
	s0 =	sld [smem:$0x3F6D]  }
0x30: {  	s3 =	sld [smem:$0x3F70]  }
0x31: {  	[smem:$0x3F79] =	sst s10  }
0x32: {  	s10 =	sld [smem:$0x3F77];
	_ =	sdelay $0x3  }
0x33: {  	p0 =	seq.s32 s10, $0x1;
	s10 =	sld [smem:$0x3F79];
	_ =	sdelay $0x3  }
0x34: {  	[smem:$0x3F79] =	sst s10  }
0x35: {  	s10 =	sld [smem:$0x3F78];
	_ =	sdelay $0x3  }
0x36: {  	p1 =	seq.s32 s10, $0x1;
	s10 =	sld [smem:$0x3F79];
	_ =	sdelay $0x3  }
0x37: {  	[smem:$0x3F79] =	sst s10  }
0x38: {  	s10 =	sld [smem:$0x3F7A]  }
0x39: {  	_ = 	snop;
	(pc) =	sbr.ind lr, $3  }
0x3a: {  	_ = 	snop  }
0x3b: {  	_ = 	snop  }
0x3c: {  	p2 =	seq.s32 s10, $0x1;
	s10 =	sld [smem:$0x3F79]  }
0x3d: {  	_ =	shalt  }
0x3e: {  	_ =	shalt  }
0x3f: {  	_ =	shalt  }
0x40: {  	_ =	shalt  }
0x41: {  	_ =	shalt  }
0x42: {  	_ =	shalt  }
0x43: {  	_ =	shalt  }
0x44: {  	_ =	shalt  }
0x45: {  	_ =	shalt  }
0x46: {  	_ =	shalt  }
0x47: {  	_ =	shalt  }
0x48: {  	_ =	shalt  }
0x49: {  	_ =	shalt  }
0x4a: {  	_ =	shalt  }
0x4b: {  	_ =	shalt  }
0x4c: {  	_ =	shalt  }
0x4d: {  	_ =	shalt  }
0x4e: {  	_ =	shalt  }
0x4f: {  	_ =	shalt  }
0x50: {  	_ =	shalt  }
0x51: {  	_ =	shalt  }
0x52: {  	_ =	shalt  }
0x53: {  	_ =	shalt  }
0x54: {  	_ =	shalt  }
0x55: {  	_ =	shalt  }
0x56: {  	_ =	shalt  }
0x57: {  	_ =	shalt  }
0x58: {  	_ =	shalt  }
0x59: {  	_ =	shalt  }
0x5a: {  	_ =	shalt  }
0x5b: {  	_ =	shalt  }
0x5c: {  	_ =	shalt  }
0x5d: {  	_ =	shalt  }
0x5e: {  	_ =	shalt  }
0x5f: {  	_ =	shalt  }
0x60: {  	_ =	shalt  }
0x61: {  	_ =	shalt  }
0x62: {  	_ =	shalt  }
0x63: {  	_ =	shalt  }
0x64: {  	_ =	shalt  }
0x65: {  	_ =	shalt  }
0x66: {  	_ =	shalt  }
0x67: {  	_ =	shalt  }
0x68: {  	_ =	shalt  }
0x69: {  	_ =	shalt  }
0x6a: {  	_ =	shalt  }
0x6b: {  	_ =	shalt  }
0x6c: {  	_ =	shalt  }
0x6d: {  	_ =	shalt  }
0x6e: {  	_ =	shalt  }
0x6f: {  	_ =	shalt  }
0x70: {  	_ =	shalt  }
0x71: {  	_ =	shalt  }
0x72: {  	_ =	shalt  }
0x73: {  	_ =	shalt  }
0x74: {  	_ =	shalt  }
0x75: {  	_ =	shalt  }
0x76: {  	_ =	shalt  }
0x77: {  	_ =	shalt  }
0x78: {  	_ =	shalt  }
0x79: {  	_ =	shalt  }
0x7a: {  	_ =	shalt  }
0x7b: {  	_ =	shalt  }
0x7c: {  	_ =	shalt  }
0x7d: {  	_ =	shalt  }
0x7e: {  	_ =	shalt  }
0x7f: {  	_ =	shalt  }
0x80: {  	_ =	shalt  }
0x81: {  	_ =	shalt  }
0x82: {  	_ =	shalt  }
0x83: {  	_ =	shalt  }
0x84: {  	_ =	shalt  }
0x85: {  	_ =	shalt  }
0x86: {  	_ =	shalt  }
0x87: {  	_ =	shalt  }
.Lfunc_end0:
.L_simem_size_0:
called_computation.1_lowered:
.L_overlay_start_0:
0x88: {  	s2 =	sld [smem:$0x3FD9]  }
0x89: {  	s3 =	sld [smem:$0x3FFE];
	_ =	sdelay $0x1  }
0x8a: {  	s1 =	srdreg.scid  }
0x8b: {  	s0 =	sand.u32 $0x1, s1  }
0x8c: {  	s14 =	sshll.u32 s0, $0xA;
	s2 =	sadd.s32 s3, s2  }
0x8d: {  	s2 =	sadd.s32 s2, s14  }
0x8e: {  	[smem:$0x3F85] =	sst s2  }
0x8f: {  	_ = 	snop  }
0x90: {  	s2 =	sld [smem:$0x3FD0];
	_ =	sdelay $0x2  }
0x91: {  	s15 =	simm.s32 $0xA;
	s4 =	simm.s32 $0x10  }
0x92: {  	[smem:s4], [sflag:s15] =	dma.local [hbm:s2], $0x1  }
0x93: {  	_ =	swait.eq [sflag:s15], $0x1  }
0x94: {  	[sflag:s15] =	ssyncset.done $0x0  }
0x95: {  	[sflag:s15] =	ssyncadd.s32 $0xFFFFFFFF  }
0x96: {  	s16 =	sld [smem:$0x11];
	(tm) =	ssettm $0x1  }
0x97: {  	s17 =	sld [smem:$0x3FFB];
	_ =	sdelay $0x3  }
0x98: {  	_ =	strace s17  }
0x99: {  	s3 =	sld [smem:$0x3FFC];
	_ =	sdelay $0x3  }
0x9a: {  	_ =	strace s3  }
0x9b: {  	s3 =	sld [smem:$0x3FFD];
	_ =	sdelay $0x3  }
0x9c: {  	_ =	strace s3  }
0x9d: {  	_ =	strace $0x8FFFFFFF  }
0x9e: {  	s18 =	sld [smem:$0x3FDB];
	_ =	sdelay $0x1  }
0x9f: {  	s19 =	simm.s32 $_scs_section_size  }
0xa0: {  	s5 =	simm.s32 $_size__tile_overlayer_lowered;
	s6 =	simm.s32 $_tile_overlayer_lowered  }
0xa1: {  	s22 =	simm.s32 $0x1BFF;
	s21 =	sshll.u32 s6, $0x1;
	s3 =	sadd.s32 s19, s18  }
0xa2: {  	s7 =	simm.s32 $0x0;
	s20 =	sshll.u32 s5, $0x1;
	s5 =	sadd.s32 s21, s3  }
0xa3: {  	[timem:s7], [sflag:s22] =	dma.local [hbm:s5], s20  }
0xa4: {  	_ =	swait.ge [sflag:s22], s20  }
0xa5: {  	s4 =	ssub.s32 $0x0, s20;
	[sflag:s22] =	ssyncset.done $0x0  }
0xa6: {  	[sflag:s22] =	ssyncadd.s32 s4;
	_ =	sdelay $0x1  }
0xa7: {  	s23 =	simm.s32 $0x1B8B  }
0xa8: {  	_ =	swait.ge [sflag:s23], $0x1  }
0xa9: {  	[sflag:s23] =	ssyncset.done $0x0  }
0xaa: {  	s25 =	simm.s32 $0x1B8E;
	s24 =	sld [smem:$0x3FFE];
	[sflag:s23] =	ssyncadd.s32 $0xFFFFFFFF  }
0xab: {  	s26 =	simm.s32 $execute0_lowered;
	[smem:$0x3FD2] =	sst s25  }
0xac: {  	s5 =	sshll.u32 s26, $0x1;
	_ =	strace $0x80000049;
	[dreg:$0x1] =	wrdreg $0xFFFFFFFF  }
0xad: {  	s28 =	simm.s32 $_size_execute0_lowered;
	s3 =	sadd.s32 s3, s5;
	[dreg:$0x0] =	wrdreg $0x0  }
0xae: {  	s5 =	sshll.u32 s28, $0x1;
	[dreg:$0x2] =	wrdreg s3  }
0xaf: {  	[dreg:$0x3] =	wrdreg s5  }
0xb0: {  	[dreg:$0x4] =	wrdreg $0xC0  }
0xb1: {  	_ =	task [dreg:s7], $0x5FFFF  }
0xb2: {  	[dreg:$0x1] =	wrdreg $0xFFFFFFFF  }
0xb3: {  	[dreg:$0x0] =	wrdreg $0x60  }
0xb4: {  	[dreg:$0x2] =	wrdreg s24  }
0xb5: {  	[dreg:$0x3] =	wrdreg s16  }
0xb6: {  	[dreg:$0x4] =	wrdreg $0x94000  }
0xb7: {  	[dreg:$0x5] =	wrdreg $0x9  }
0xb8: {  	_ =	task.clear_ibuf [dreg:s7], $0x6FFFF;
	_ =	strace $0x90000049  }
0xb9: {  	s29 =	simm.s32 $0x9;
	_ =	strace $0x8000004B  }
0xba: {  	_ =	swait.ge [sflag:s29], $0x1  }
0xbb: {  	[sflag:s29] =	ssyncadd.s32 $0xFFFFFFFF  }
0xbc: {  	_ =	strace $0x9000004B  }
0xbd: {  	_ =	sfence  }
0xbe: {  	s30 =	sld [smem:$0x0];
	_ =	sdelay $0x2  }
0xbf: {  	s31 =	sshll.u32 s1, $0xD;
	s1 =	sshrl.u32 s1, $0x2  }
0xc0: {  	s3 =	sand.u32 $0x4000, s31;
	s1 =	sadd.s32 s1, s30  }
0xc1: {  	s0 =	sor.u32 s3, s0;
	s1 =	sshll.u32 s1, $0x11  }
0xc2: {  	s0 =	sor.u32 s1, s0  }
0xc3: {  	s0 =	sadd.s32 $0x8F2B, s0  }
0xc4: {  	[sflag:s0] =	ssyncadd.remote.s32 $0x1  }
0xc5: {  	_ =	sfence.sel $0xFFFF  }
0xc6: {  	[dreg:$0x0] =	wrdreg $0xFFFFFFFF;
	(pc) =	sbr.abs _section_cstart, $3  }
0xc7: {  	[dreg:$0x1] =	wrdreg $0xFFFFFFFF  }
0xc8: {  	_ =	task.clear_ibuf [dreg:s7], $0x2FFFF;
	_ =	strace $0x9FFFFFFF  }
0xc9: {  	(tm) =	ssettm $0x7FFFFFFF  }
tec
execute0_lowered:
.L_overlay_start_1:
0x0: {  	(tag) =	ssettag $0x1  }
0x1: {  	s5 =	rddreg [dreg:$0x0];
	s3 =	stileid.u32  }
0x2: {  	s6 =	rddreg [dreg:$0x1];
	s8 =	smul.u32 $0x2800, s3  }
0x3: {  	s1 =	rddreg [dreg:$0x2];
	s15 =	smul.u32 $0x50000, s3  }
0x4: {  	s4 =	srdreg.scid;
	s2 =	simm.s32 $0x0;
	s26 =	smul.u32 $0x140000, s3  }
0x5: {  	s19 =	simm.s32 $0x1;
	s12 =	sand.u32 $0x1, s4;
	s17 =	smul.u32 $0x28000, s3  }
0x6: {  	s20 =	simm.s32 $0x80;
	s28 =	simm.s32 $0x0;
	s7 =	smul.u32 $0x28000, s12  }
0x7: {  	[smem:$0x7FF] =	sst s2;
	s21 =	sshll.u32 s3, $0x1;
	s29 =	smul.u32 $0xA0000, s12  }
0x8: {  	s14 =	sadd.s32 $0x55FA00, s5;
	s9 =	sor.u32 s12, s21;
	s18 =	smul.u32 $0x14000, s12  }
0x9: {  	s4 =	sadd.s32 $0x2A9800, s5;
	p0 =	sne.s32 s3, $0x0;
	s10 =	smul.u32 $0x280, s9  }
0xa: {  	_ =	strace $0x8000004A;
	s11 =	ssub.s32 $0x2, s12;
	s13 =	smul.u32 $0x14000, s9  }
0xb: {  	s21 =	simm.s32 $0x3;
	s22 =	sshrl.u32 s11, $0x1;
	s16 =	smul.u32 $0xA0000, s9  }
0xc: {  	s23 =	sshrl.u32 s15, $0x2;
	s30 =	sadd.s32 s17, s14;
	s17 =	simm.s32 $0x1400  }
0xd: {  	s7 =	sadd.s32 s8, s7;
	s8 =	ssub.s32 s11, s22;
	s25 =	sadd.s32 s23, s1  }
0xe: {  	s15 =	sadd.s32 s18, s30;
	s18 =	simm.s32 $0x5400;
	s22 =	simm.s32 $0x2  }
0xf: {  	s23 =	simm.s32 $0x4;
	s7 =	sadd.s32 s7, s5;
	s5 =	sadd.s32 s6, s10  }
0x10: {  	s6 =	sadd.s32 s14, s13;
	s24 =	sor.u32 $0x8000, s16;
	s8 =	smax.u32 s8, $0x1  }
0x11: {  	s16 =	sshrl.u32 s16, $0x3;
	s13 =	sadd.s32 s29, s26;
	s25 =	sshrl.u32 s25, $0x3  }
0x12: {  	s26 =	simm.s32 $0x1380;
	s7 =	sadd.s32 $0x2D1800, s7;
	s10 =	sshrl.u32 s24, $0x3  }
0x13: {  	s9 =	sadd.s32 $0x800, s6;
	s11 =	sadd.s32 $0x13800, s6;
	s16 =	sadd.s32 s14, s16  }
0x14: {  	s13 =	sor.u32 $0x10000, s13;
	s24 =	simm.s32 $0x1300;
	s10 =	sadd.s32 s14, s10  }
0x15: {  	s12 =	sadd.s32 $0x13800, s16;
	s31 =	sshrl.u32 s13, $0x3;
	s13 =	sadd.s32 $0x1800, s15  }
0x16: {  	s15 =	sshrl.u32 @!p0 s1, $0x3;
	s16 =	simm.s32 $0x5;
	s14 =	sadd.s32 s31, s14  }
.LBB2_1:
0x17: {  	s29 =	simm.s32 @!p0 $0x1C05  }
0x18: {  	[spmem:s15], [sflag:s29] =	dma.local @!p0 [hbm:s4], $0x28000  }
0x19: {  	s29 =	simm.s32 @!p0 $0x5  }
0x1a: {  	_ =	swait.ge @!p0 [sflag:s29], $0x28000  }
0x1b: {  	[sflag:s29] =	ssyncset.done @!p0 $0x0  }
0x1c: {  	[sflag:s29] =	ssyncadd.s32 @!p0 $0xFFFD8000  }
0x1d: {  	[bflag:$0x0] =	sbarrier.arrive $0xFFFF  }
0x1e: {  	[tilespmem:s2], [sflag:$0x5] =	stream.linear.gather [hbm4b:s5+s2], $0x1400, $0x38;
	[tilespmem:$0x1D400] =	vst v63  }
0x1f: {  	_ =	swait.ge [sflag:s16], $0x1400  }
0x20: {  	[sflag:s16] =	ssyncset.done $0x0  }
0x21: {  	[sflag:s16] =	ssyncadd.s32 $0xFFFFEC00  }
0x22: {  	[tilespmem:s17], [sflag:$0x1] =	stream.linear.gather [hbm4b:s6+s2], $0x4000, $0x38;
	[tilespmem:$0x1D400] =	vst v63  }
0x23: {  	_ = 	snop  }
0x24: {  	[tilespmem:s18], [sflag:$0x2] =	stream.linear.gather [hbm4b:s9+s2], $0x4000, $0x38;
	[tilespmem:$0x1D400] =	vst v63  }
0x25: {  	_ =	swait.ge [sflag:s19], $0x4000  }
0x26: {  	[sflag:s19] =	ssyncset.done $0x0  }
0x27: {  	[sflag:s19] =	ssyncadd.s32 $0xFFFFC000  }
0x28: {  	[spmem:s1] =	stream.indirect.scatter.add.f32 [tilespmem:s17], [sflag:$0x3], $0x80, s2, s20, $0xb8;
	[tilespmem:$0x1D400] =	vst v63  }
0x29: {  	_ =	swait.ge [sflag:s21], $0x4000  }
0x2a: {  	[sflag:s21] =	ssyncset.done $0x0  }
0x2b: {  	[sflag:s21] =	ssyncadd.s32 $0xFFFFC000  }
0x2c: {  	[tilespmem:s17], [sflag:$0x1] =	stream.linear.gather [hbm4b:s10+s2], $0x4000, $0x38;
	[tilespmem:$0x1D400] =	vst v63  }
0x2d: {  	_ =	swait.ge [sflag:s22], $0x4000  }
0x2e: {  	[sflag:s22] =	ssyncset.done $0x0  }
0x2f: {  	[sflag:s22] =	ssyncadd.s32 $0xFFFFC000  }
0x30: {  	[spmem:s1] =	stream.indirect.scatter.add.f32 [tilespmem:s18], [sflag:$0x4], $0x80, s20, s20, $0xb8;
	[tilespmem:$0x1D400] =	vst v63  }
0x31: {  	_ =	swait.ge [sflag:s23], $0x4000  }
0x32: {  	[sflag:s23] =	ssyncset.done $0x0  }
0x33: {  	s29 =	sadd.s32 $0x0, s13;
	[sflag:s23] =	ssyncadd.s32 $0xFFFFC000  }
0x34: {  	[tilespmem:s18], [sflag:$0x2] =	stream.linear.gather [hbm4b:s29+s2], $0x4000, $0x38;
	[tilespmem:$0x1D400] =	vst v63  }
0x35: {  	_ =	swait.ge [sflag:s19], $0x4000  }
0x36: {  	[sflag:s19] =	ssyncset.done $0x0  }
0x37: {  	s29 =	simm.s32 $0x100;
	[sflag:s19] =	ssyncadd.s32 $0xFFFFC000  }
0x38: {  	[spmem:s1] =	stream.indirect.scatter.add.f32 [tilespmem:s17], [sflag:$0x3], $0x80, s29, s20, $0xb8;
	[tilespmem:$0x1D400] =	vst v63  }
0x39: {  	_ =	swait.ge [sflag:s21], $0x4000  }
0x3a: {  	[sflag:s21] =	ssyncset.done $0x0  }
0x3b: {  	s29 =	sadd.s32 $0x0, s14;
	[sflag:s21] =	ssyncadd.s32 $0xFFFFC000  }
0x3c: {  	[tilespmem:s17], [sflag:$0x1] =	stream.linear.gather [hbm4b:s29+s2], $0x4000, $0x38;
	[tilespmem:$0x1D400] =	vst v63  }
0x3d: {  	_ =	swait.ge [sflag:s22], $0x4000  }
0x3e: {  	s31 =	simm.s32 $0x180;
	[sflag:s22] =	ssyncset.done $0x0  }
0x3f: {  	s30 =	simm.s32 $0x200;
	s29 =	simm.s32 $0x1000;
	[sflag:s22] =	ssyncadd.s32 $0xFFFFC000  }
.LBB2_2:
0x40: {  	[spmem:s1] =	stream.indirect.scatter.add.f32 [tilespmem:s18], [sflag:$0x4], $0x80, s31, s20, $0xb8;
	[tilespmem:$0x1D400] =	vst v63  }
0x41: {  	s31 =	smov.u32 s29  }
0x42: {  	p1 =	sne.s32 s29, $0x11000;
	s29 =	sadd.s32 $0x1000, s29;
	_ =	swait.ge [sflag:s23], $0x4000  }
0x43: {  	[sflag:s23] =	ssyncset.done $0x0  }
0x44: {  	s0 =	sadd.s32 s31, s13;
	[sflag:s23] =	ssyncadd.s32 $0xFFFFC000  }
0x45: {  	[tilespmem:s18], [sflag:$0x2] =	stream.linear.gather [hbm4b:s0+s2], $0x4000, $0x38;
	[tilespmem:$0x1D400] =	vst v63  }
0x46: {  	_ =	swait.ge [sflag:s19], $0x4000  }
0x47: {  	[sflag:s19] =	ssyncset.done $0x0  }
0x48: {  	[sflag:s19] =	ssyncadd.s32 $0xFFFFC000  }
0x49: {  	[spmem:s1] =	stream.indirect.scatter.add.f32 [tilespmem:s17], [sflag:$0x3], $0x80, s30, s20, $0xb8;
	[tilespmem:$0x1D400] =	vst v63  }
0x4a: {  	_ =	swait.ge [sflag:s21], $0x4000  }
0x4b: {  	[sflag:s21] =	ssyncset.done $0x0  }
.Ltmp0:
0x4c: {  	s0 =	sadd.s32 s31, s14;
	[sflag:s21] =	ssyncadd.s32 $0xFFFFC000;
	(pc) =	sbr.rel @p1 .LBB2_2-.Ltmp0, $4  }
0x4d: {  	[tilespmem:s17], [sflag:$0x1] =	stream.linear.gather [hbm4b:s0+s2], $0x4000, $0x38;
	[tilespmem:$0x1D400] =	vst v63  }
0x4e: {  	_ =	swait.ge [sflag:s22], $0x4000  }
0x4f: {  	[sflag:s22] =	ssyncset.done $0x0  }
0x50: {  	s31 =	sadd.s32 $0x80, s30;
	s30 =	sadd.s32 $0x100, s30;
	[sflag:s22] =	ssyncadd.s32 $0xFFFFC000  }
0x51: {  	[spmem:s1] =	stream.indirect.scatter.add.f32 [tilespmem:s18], [sflag:$0x4], $0x80, s31, s20, $0xb8;
	[tilespmem:$0x1D400] =	vst v63  }
0x52: {  	_ =	swait.ge [sflag:s23], $0x4000  }
0x53: {  	[sflag:s23] =	ssyncset.done $0x0  }
0x54: {  	[sflag:s23] =	ssyncadd.s32 $0xFFFFC000  }
0x55: {  	[tilespmem:s18], [sflag:$0x2] =	stream.linear.gather [hbm4b:s11+s2], $0x4000, $0x38;
	[tilespmem:$0x1D400] =	vst v63  }
0x56: {  	_ =	swait.ge [sflag:s19], $0x4000  }
0x57: {  	[sflag:s19] =	ssyncset.done $0x0  }
0x58: {  	[sflag:s19] =	ssyncadd.s32 $0xFFFFC000  }
0x59: {  	[spmem:s1] =	stream.indirect.scatter.add.f32 [tilespmem:s17], [sflag:$0x3], $0x80, s24, s20, $0xb8;
	[tilespmem:$0x1D400] =	vst v63  }
0x5a: {  	_ =	swait.ge [sflag:s21], $0x4000  }
0x5b: {  	[sflag:s21] =	ssyncset.done $0x0  }
0x5c: {  	[sflag:s21] =	ssyncadd.s32 $0xFFFFC000  }
0x5d: {  	[tilespmem:s17], [sflag:$0x1] =	stream.linear.gather [hbm4b:s12+s2], $0x4000, $0x38;
	[tilespmem:$0x1D400] =	vst v63  }
0x5e: {  	_ =	swait.ge [sflag:s22], $0x4000  }
0x5f: {  	[sflag:s22] =	ssyncset.done $0x0  }
0x60: {  	[sflag:s22] =	ssyncadd.s32 $0xFFFFC000  }
0x61: {  	[spmem:s1] =	stream.indirect.scatter.add.f32 [tilespmem:s18], [sflag:$0x4], $0x80, s26, s20, $0xb8;
	[tilespmem:$0x1D400] =	vst v63  }
0x62: {  	_ =	swait.ge [sflag:s19], $0x4000  }
0x63: {  	[sflag:s19] =	ssyncset.done $0x0  }
0x64: {  	[sflag:s19] =	ssyncadd.s32 $0xFFFFC000  }
0x65: {  	_ =	swait.ge [sflag:s23], $0x4000  }
0x66: {  	s28 =	sadd.s32 $0x1, s28;
	[sflag:s23] =	ssyncset.done $0x0  }
0x67: {  	s0 =	sshll.u32 s3, $0x6;
	p1 =	sne.s32 s28, s8;
	[sflag:s23] =	ssyncadd.s32 $0xFFFFC000  }
.Ltmp1:
0x68: {  	s0 =	sor.u32 $0x1C05, s0;
	[bflag:$0x0] =	sbarrier.arrive $0xFFFF;
	(pc) =	sbr.rel @p1 .LBB2_1-.Ltmp1, $4  }
0x69: {  	[hbm:s7], [sflag:s0] =	dma.local [spmem:s25], $0x2800  }
0x6a: {  	_ =	swait.ge [sflag:s16], $0x2800  }
0x6b: {  	[sflag:s16] =	ssyncset.done $0x0  }
0x6c: {  	[sflag:s16] =	ssyncadd.s32 $0xFFFFD800  }
0x6d: {  	_ =	sfence.sel $0x180000  }
0x6e: {  	[bflag:$0x0] =	sbarrier.arrive $0xFFFF  }
0x6f: {  	_ =	strace $0x9000004A  }
0x70: {  	[bflag:$0x2] =	sbarrier.arrive $0xFFFF  }
0x71: {  	s0 =	rddreg [dreg:$0x3]  }
0x72: {  	s0 =	sadd.s32 @!p0 $0x100000, s0  }
0x73: {  	[sflag:s0] =	ssyncadd.tile.s32 @!p0 $0x1;
	_ =	shalt  }
.Lfunc_end2:
_tile_overlayer_lowered:
.L_overlay_start_2:
0x74: {  	(tag) =	ssettag $0x2  }
0x75: {  	s0 =	rddreg [dreg:$0x0];
	s2 =	stileid.u32  }
0x76: {  	s1 =	rddreg [dreg:$0x1];
	p0 =	sne.s32 s2, $0x0  }
0x77: {  	s3 =	rddreg [dreg:$0x2];
	[bflag:$0x3] =	sbarrier.arrive $0xFFFF;
	s2 =	simm.s32 @!p0 $0x1C05  }
0x78: {  	[timem:s3], [sflag:s2] =	dma.local @!p0 [hbm:s0], s1  }
0x79: {  	s0 =	simm.s32 @!p0 $0x5  }
0x7a: {  	_ =	swait.ge @!p0 [sflag:s0], s1  }
0x7b: {  	s1 =	ssub.s32 @!p0 $0x0, s1;
	[sflag:s0] =	ssyncset.done @!p0 $0x0  }
0x7c: {  	[sflag:s0] =	ssyncadd.s32 @!p0 s1  }
0x7d: {  	[bflag:$0x3] =	sbarrier.arrive $0xFFFF  }
0x7e: {  	_ =	shalt  }

// kernel: kernel.27.cloned.1.call-start
scs
__scs_entry_jumppad:
0x0: {  	(pc) =	sbr.rel $0x88, $3  }
0x1: {  	(tag) =	ssettag $0x0;
	lr =	simm.s32 $0x1  }
0x2: {  	[smem:$0x3F5E] =	sst lr;
	_ =	strace $0xD0000000  }
0x3: {  	_ = 	snop  }
0x4: {  	_ = 	snop  }
0x5: {  	_ = 	snop  }
0x6: {  	_ = 	snop  }
0x7: {  	_ = 	snop  }
__scs_overlays_trampoline_lowered:
0x8: {  	[smem:$0x3F6D] =	sst s0  }
0x9: {  	[smem:$0x3F6E] =	sst s1  }
0xa: {  	[smem:$0x3F6F] =	sst s2  }
0xb: {  	[smem:$0x3F70] =	sst s3  }
0xc: {  	[smem:$0x3F71] =	sst s4  }
0xd: {  	[smem:$0x3F72] =	sst s5  }
0xe: {  	[smem:$0x3F73] =	sst s6  }
0xf: {  	[smem:$0x3F74] =	sst s7  }
0x10: {  	[smem:$0x3F75] =	sst s8  }
0x11: {  	[smem:$0x3F76] =	sst s9;
	s0 =	simm.s32 @!p0 $0x0  }
0x12: {  	s1 =	sld [smem:$0x3F5C];
	s0 =	simm.s32 @p0 $0x1  }
0x13: {  	[smem:$0x3F77] =	sst s0;
	s0 =	simm.s32 @!p1 $0x0  }
0x14: {  	s2 =	sld [smem:$0x3F5B];
	s0 =	simm.s32 @p1 $0x1  }
0x15: {  	[smem:$0x3F78] =	sst s0;
	s0 =	simm.s32 @!p2 $0x0  }
0x16: {  	s3 =	sld [smem:$0x3FDB];
	s0 =	simm.s32 @p2 $0x1  }
0x17: {  	s4 =	simm.s32 $0x1BF5;
	[smem:$0x3F7A] =	sst s0  }
0x18: {  	s0 =	sld [smem:$0x3F5D];
	_ =	swait.ge [sflag:s4], $0x0  }
0x19: {  	s7 =	sld [smem:$0x3F5E]  }
0x1a: {  	s8 =	sadd.s32 $0xFFFFE003, lr  }
0x1b: {  	s9 =	sadd.s32 $0xFFFFFEF7, lr;
	s5 =	simm.s32 $0xFFFFFFFF;
	p2 =	slt.u32 s8, $0xFFFFF086  }
0x1c: {  	p1 =	slt.u32 s9, $0xF7A;
	s5 =	simm.s32 @!p2 $0x0  }
0x1d: {  	s5 =	simm.s32 @p1 $0x1;
	p0 =	seq.s32 s7, s2  }
0x1e: {  	s7 =	smul.u32 @!p0 $0xF7A, s2;
	p2 =	seq.s32 @!p0 s5, $0x0  }
0x1f: {  	s9 =	smul.u32 $0xF7A, s1;
	s8 =	simm.s32 @!p0 $0x1BF5;
	p2 =	por !p2, p0  }
0x20: {  	[sflag:s8] =	ssyncset.s32 @!p0 $0xFFFFF086;
	s6 =	sadd.s32 @!p0 s3, s7;
	s7 =	simm.s32 @!p0 $0x108  }
0x21: {  	s3 =	sadd.s32 s3, s9;
	s6 =	sadd.s32 @!p0 $0x88, s6;
	s7 =	simm.s32 @p2 $0x1082  }
0x22: {  	[simem:s7], [sflag:s8] =	dma.local @!p0 [hbm:s6], $0xF7A  }
0x23: {  	s9 =	sor.u32 $0xD0000000, s2;
	s6 =	simm.s32 $0x108;
	_ =	swait.ge @!p0 [sflag:s8], $0x0  }
0x24: {  	s3 =	sadd.s32 $0x88, s3;
	s6 =	simm.s32 @!p1 $0x1082;
	[sflag:s4] =	ssyncset.s32 $0xFFFFF086  }
0x25: {  	[simem:s6], [sflag:s4] =	dma.local [hbm:s3], $0xF7A  }
0x26: {  	[smem:$0x3F5E] =	sst s1;
	(tag) =	ssettag s2;
	_ =	strace s9  }
0x27: {  	s1 =	sld [smem:$0x3F6E]  }
0x28: {  	s2 =	sld [smem:$0x3F6F]  }
0x29: {  	s4 =	sld [smem:$0x3F71]  }
0x2a: {  	p0 =	seq.s32 s5, $0x0;
	s5 =	sld [smem:$0x3F72]  }
0x2b: {  	s6 =	sld [smem:$0x3F73]  }
0x2c: {  	s7 =	sld [smem:$0x3F74]  }
0x2d: {  	s3 =	simm.s32 $0x108;
	s8 =	sld [smem:$0x3F75]  }
0x2e: {  	s3 =	simm.s32 @!p0 $0x1082;
	s9 =	sld [smem:$0x3F76]  }
0x2f: {  	lr =	sadd.s32 s0, s3;
	s0 =	sld [smem:$0x3F6D]  }
0x30: {  	s3 =	sld [smem:$0x3F70]  }
0x31: {  	[smem:$0x3F79] =	sst s10  }
0x32: {  	s10 =	sld [smem:$0x3F77];
	_ =	sdelay $0x3  }
0x33: {  	p0 =	seq.s32 s10, $0x1;
	s10 =	sld [smem:$0x3F79];
	_ =	sdelay $0x3  }
0x34: {  	[smem:$0x3F79] =	sst s10  }
0x35: {  	s10 =	sld [smem:$0x3F78];
	_ =	sdelay $0x3  }
0x36: {  	p1 =	seq.s32 s10, $0x1;
	s10 =	sld [smem:$0x3F79];
	_ =	sdelay $0x3  }
0x37: {  	[smem:$0x3F79] =	sst s10  }
0x38: {  	s10 =	sld [smem:$0x3F7A]  }
0x39: {  	_ = 	snop;
	(pc) =	sbr.ind lr, $3  }
0x3a: {  	_ = 	snop  }
0x3b: {  	_ = 	snop  }
0x3c: {  	p2 =	seq.s32 s10, $0x1;
	s10 =	sld [smem:$0x3F79]  }
0x3d: {  	_ =	shalt  }
0x3e: {  	_ =	shalt  }
0x3f: {  	_ =	shalt  }
0x40: {  	_ =	shalt  }
0x41: {  	_ =	shalt  }
0x42: {  	_ =	shalt  }
0x43: {  	_ =	shalt  }
0x44: {  	_ =	shalt  }
0x45: {  	_ =	shalt  }
0x46: {  	_ =	shalt  }
0x47: {  	_ =	shalt  }
0x48: {  	_ =	shalt  }
0x49: {  	_ =	shalt  }
0x4a: {  	_ =	shalt  }
0x4b: {  	_ =	shalt  }
0x4c: {  	_ =	shalt  }
0x4d: {  	_ =	shalt  }
0x4e: {  	_ =	shalt  }
0x4f: {  	_ =	shalt  }
0x50: {  	_ =	shalt  }
0x51: {  	_ =	shalt  }
0x52: {  	_ =	shalt  }
0x53: {  	_ =	shalt  }
0x54: {  	_ =	shalt  }
0x55: {  	_ =	shalt  }
0x56: {  	_ =	shalt  }
0x57: {  	_ =	shalt  }
0x58: {  	_ =	shalt  }
0x59: {  	_ =	shalt  }
0x5a: {  	_ =	shalt  }
0x5b: {  	_ =	shalt  }
0x5c: {  	_ =	shalt  }
0x5d: {  	_ =	shalt  }
0x5e: {  	_ =	shalt  }
0x5f: {  	_ =	shalt  }
0x60: {  	_ =	shalt  }
0x61: {  	_ =	shalt  }
0x62: {  	_ =	shalt  }
0x63: {  	_ =	shalt  }
0x64: {  	_ =	shalt  }
0x65: {  	_ =	shalt  }
0x66: {  	_ =	shalt  }
0x67: {  	_ =	shalt  }
0x68: {  	_ =	shalt  }
0x69: {  	_ =	shalt  }
0x6a: {  	_ =	shalt  }
0x6b: {  	_ =	shalt  }
0x6c: {  	_ =	shalt  }
0x6d: {  	_ =	shalt  }
0x6e: {  	_ =	shalt  }
0x6f: {  	_ =	shalt  }
0x70: {  	_ =	shalt  }
0x71: {  	_ =	shalt  }
0x72: {  	_ =	shalt  }
0x73: {  	_ =	shalt  }
0x74: {  	_ =	shalt  }
0x75: {  	_ =	shalt  }
0x76: {  	_ =	shalt  }
0x77: {  	_ =	shalt  }
0x78: {  	_ =	shalt  }
0x79: {  	_ =	shalt  }
0x7a: {  	_ =	shalt  }
0x7b: {  	_ =	shalt  }
0x7c: {  	_ =	shalt  }
0x7d: {  	_ =	shalt  }
0x7e: {  	_ =	shalt  }
0x7f: {  	_ =	shalt  }
0x80: {  	_ =	shalt  }
0x81: {  	_ =	shalt  }
0x82: {  	_ =	shalt  }
0x83: {  	_ =	shalt  }
0x84: {  	_ =	shalt  }
0x85: {  	_ =	shalt  }
0x86: {  	_ =	shalt  }
0x87: {  	_ =	shalt  }
.Lfunc_end0:
.L_simem_size_0:
called_computation.2_lowered:
.L_overlay_start_0:
0x88: {  	s2 =	sld [smem:$0x3FD9]  }
0x89: {  	s3 =	sld [smem:$0x3FFE];
	_ =	sdelay $0x1  }
0x8a: {  	s1 =	srdreg.scid  }
0x8b: {  	s0 =	sand.u32 $0x1, s1  }
0x8c: {  	s14 =	sshll.u32 s0, $0xA;
	s2 =	sadd.s32 s3, s2  }
0x8d: {  	s2 =	sadd.s32 s2, s14  }
0x8e: {  	[smem:$0x3F85] =	sst s2  }
0x8f: {  	_ = 	snop  }
0x90: {  	s2 =	sld [smem:$0x3FD0];
	_ =	sdelay $0x2  }
0x91: {  	s15 =	simm.s32 $0xA;
	s4 =	simm.s32 $0x10  }
0x92: {  	[smem:s4], [sflag:s15] =	dma.local [hbm:s2], $0x1  }
0x93: {  	_ =	swait.eq [sflag:s15], $0x1  }
0x94: {  	[sflag:s15] =	ssyncset.done $0x0  }
0x95: {  	[sflag:s15] =	ssyncadd.s32 $0xFFFFFFFF  }
0x96: {  	s16 =	sld [smem:$0x11];
	(tm) =	ssettm $0x1  }
0x97: {  	s17 =	sld [smem:$0x3FFB];
	_ =	sdelay $0x3  }
0x98: {  	_ =	strace s17  }
0x99: {  	s3 =	sld [smem:$0x3FFC];
	_ =	sdelay $0x3  }
0x9a: {  	_ =	strace s3  }
0x9b: {  	s3 =	sld [smem:$0x3FFD];
	_ =	sdelay $0x3  }
0x9c: {  	_ =	strace s3  }
0x9d: {  	_ =	strace $0x8FFFFFFF  }
0x9e: {  	s18 =	sld [smem:$0x3FDB];
	_ =	sdelay $0x1  }
0x9f: {  	s19 =	simm.s32 $_scs_section_size  }
0xa0: {  	s5 =	simm.s32 $_size__tile_overlayer_lowered;
	s6 =	simm.s32 $_tile_overlayer_lowered  }
0xa1: {  	s22 =	simm.s32 $0x1BFF;
	s21 =	sshll.u32 s6, $0x1;
	s3 =	sadd.s32 s19, s18  }
0xa2: {  	s7 =	simm.s32 $0x0;
	s20 =	sshll.u32 s5, $0x1;
	s5 =	sadd.s32 s21, s3  }
0xa3: {  	[timem:s7], [sflag:s22] =	dma.local [hbm:s5], s20  }
0xa4: {  	_ =	swait.ge [sflag:s22], s20  }
0xa5: {  	s4 =	ssub.s32 $0x0, s20;
	[sflag:s22] =	ssyncset.done $0x0  }
0xa6: {  	[sflag:s22] =	ssyncadd.s32 s4;
	_ =	sdelay $0x1  }
0xa7: {  	s23 =	simm.s32 $0x1B8B  }
0xa8: {  	_ =	swait.ge [sflag:s23], $0x1  }
0xa9: {  	[sflag:s23] =	ssyncset.done $0x0  }
0xaa: {  	s25 =	simm.s32 $0x1B8E;
	s24 =	sld [smem:$0x3FFE];
	[sflag:s23] =	ssyncadd.s32 $0xFFFFFFFF  }
0xab: {  	s26 =	simm.s32 $execute0_lowered;
	[smem:$0x3FD2] =	sst s25  }
0xac: {  	s5 =	sshll.u32 s26, $0x1;
	_ =	strace $0x8000004C;
	[dreg:$0x1] =	wrdreg $0xFFFFFFFF  }
0xad: {  	s28 =	simm.s32 $_size_execute0_lowered;
	s3 =	sadd.s32 s3, s5;
	[dreg:$0x0] =	wrdreg $0x0  }
0xae: {  	s5 =	sshll.u32 s28, $0x1;
	[dreg:$0x2] =	wrdreg s3  }
0xaf: {  	[dreg:$0x3] =	wrdreg s5  }
0xb0: {  	[dreg:$0x4] =	wrdreg $0xC0  }
0xb1: {  	_ =	task [dreg:s7], $0x5FFFF  }
0xb2: {  	[dreg:$0x1] =	wrdreg $0xFFFFFFFF  }
0xb3: {  	[dreg:$0x0] =	wrdreg $0x60  }
0xb4: {  	[dreg:$0x2] =	wrdreg s24  }
0xb5: {  	[dreg:$0x3] =	wrdreg s16  }
0xb6: {  	[dreg:$0x4] =	wrdreg $0x9  }
0xb7: {  	_ =	task.clear_ibuf [dreg:s7], $0x5FFFF;
	_ =	strace $0x9000004C  }
0xb8: {  	s29 =	simm.s32 $0x9;
	_ =	strace $0x8000004E  }
0xb9: {  	_ =	swait.ge [sflag:s29], $0x1  }
0xba: {  	[sflag:s29] =	ssyncadd.s32 $0xFFFFFFFF  }
0xbb: {  	_ =	strace $0x9000004E  }
0xbc: {  	_ =	sfence  }
0xbd: {  	s30 =	sld [smem:$0x0];
	_ =	sdelay $0x2  }
0xbe: {  	s31 =	sshll.u32 s1, $0xD;
	s1 =	sshrl.u32 s1, $0x2  }
0xbf: {  	s3 =	sand.u32 $0x4000, s31;
	s1 =	sadd.s32 s1, s30  }
0xc0: {  	s0 =	sor.u32 s3, s0;
	s1 =	sshll.u32 s1, $0x11  }
0xc1: {  	s0 =	sor.u32 s1, s0  }
0xc2: {  	s0 =	sadd.s32 $0x8F2B, s0  }
0xc3: {  	[sflag:s0] =	ssyncadd.remote.s32 $0x1  }
0xc4: {  	_ =	sfence.sel $0xFFFF  }
0xc5: {  	[dreg:$0x0] =	wrdreg $0xFFFFFFFF;
	(pc) =	sbr.abs _section_cstart, $3  }
0xc6: {  	[dreg:$0x1] =	wrdreg $0xFFFFFFFF  }
0xc7: {  	_ =	task.clear_ibuf [dreg:s7], $0x2FFFF;
	_ =	strace $0x9FFFFFFF  }
0xc8: {  	(tm) =	ssettm $0x7FFFFFFF  }
0xc9: {  	_ =	shalt  }
tec
execute0_lowered:
.L_overlay_start_1:
0x0: {  	(tag) =	ssettag $0x1  }
0x1: {  	s0 =	rddreg [dreg:$0x0];
	s1 =	srdreg.scid  }
0x2: {  	s12 =	stileid.u32;
	s4 =	rddreg [dreg:$0x1];
	s2 =	simm.s32 $0x0  }
0x3: {  	s28 =	simm.s32 $0x1;
	s29 =	simm.s32 $0x3;
	s18 =	smul.u32 $0x140000, s12  }
0x4: {  	s1 =	sand.u32 $0x1, s1;
	s3 =	sshll.u32 s12, $0x1;
	s23 =	smul.u32 $0x28000, s12  }
0x5: {  	[smem:$0x7FF] =	sst s2;
	s9 =	sadd.s32 $0x578A00, s0;
	s19 =	smul.u32 $0xA0000, s1  }
0x6: {  	s5 =	sor.u32 s1, s3;
	s8 =	ssub.s32 $0x2, s1;
	s1 =	smul.u32 $0x14000, s1  }
0x7: {  	s30 =	simm.s32 $0x5;
	_ =	strace $0x8000004D;
	s6 =	smul.u32 $0x280, s5  }
0x8: {  	s31 =	simm.s32 $0x7;
	s3 =	sadd.s32 $0x2D1800, s0;
	s11 =	smul.u32 $0xA0000, s5  }
0x9: {  	s10 =	sshrl.u32 s8, $0x1;
	s5 =	smul.u32 $0x14000, s5;
	s25 =	sadd.s32 s23, s9  }
0xa: {  	s8 =	ssub.s32 s8, s10;
	s22 =	sadd.s32 s19, s18;
	s26 =	sadd.s32 s1, s25  }
0xb: {  	s19 =	simm.s32 $0x9;
	s25 =	simm.s32 $0x2;
	s7 =	sadd.s32 s6, s0  }
0xc: {  	s0 =	sadd.s32 $0x2F8A00, s0;
	s4 =	sadd.s32 s4, s6;
	s11 =	sshrl.u32 s11, $0x3  }
0xd: {  	s13 =	smax.u32 s8, $0x1;
	s15 =	sor.u32 $0x800, s5;
	[dreg:$0x4] =	wrdreg s4  }
0xe: {  	s21 =	sadd.s32 $0x13800, s5;
	s7 =	sadd.s32 $0xC600, s7;
	[dreg:$0x5] =	wrdreg s13  }
0xf: {  	s24 =	sor.u32 $0x8000, s22;
	s14 =	sadd.s32 s9, s11;
	[dreg:$0x3] =	wrdreg s7  }
0x10: {  	s22 =	simm.s32 $0x2800;
	s16 =	sadd.s32 s0, s11;
	[dreg:$0x6] =	wrdreg s14  }
0x11: {  	s5 =	simm.s32 $0x1380;
	s17 =	sadd.s32 s9, s15;
	[dreg:$0x7] =	wrdreg s16  }
0x12: {  	s6 =	sadd.s32 s0, s15;
	s4 =	sadd.s32 $0x13000, s11;
	[dreg:$0x8] =	wrdreg s17  }
0x13: {  	s13 =	sadd.s32 s9, s21;
	[dreg:$0x9] =	wrdreg s6;
	s20 =	sadd.s32 s9, s4  }
0x14: {  	s4 =	sadd.s32 s0, s4;
	s14 =	sadd.s32 s0, s21;
	s6 =	sadd.s32 s23, s0  }
0x15: {  	s17 =	sadd.s32 $0x1800, s26;
	s21 =	simm.s32 $0x80;
	s23 =	simm.s32 $0xA800  }
0x16: {  	s26 =	simm.s32 $0xE800;
	s7 =	simm.s32 $0x0;
	[dreg:$0xa] =	wrdreg s20  }
0x17: {  	[dreg:$0xb] =	wrdreg s4;
	s4 =	sshrl.u32 s24, $0x3;
	s1 =	sadd.s32 s1, s6  }
0x18: {  	s20 =	simm.s32 $0x1400;
	s24 =	simm.s32 $0x6800;
	s6 =	simm.s32 $0x2780  }
0x19: {  	s15 =	sadd.s32 s4, s0;
	s16 =	sadd.s32 s4, s9;
	s18 =	sadd.s32 $0x1800, s1  }
0x1a: {  	s1 =	simm.s32 $0x4;
	s0 =	simm.s32 $0x6;
	s4 =	simm.s32 $0x8  }
.LBB2_1:
0x1b: {  	s8 =	rddreg [dreg:$0x3]  }
0x1c: {  	[tilespmem:s2], [sflag:$0x9] =	stream.linear.gather [hbm4b:s8+s2], $0x1400, $0x38;
	[tilespmem:$0x12800] =	vst v63  }
0x1d: {  	_ =	swait.ge [sflag:s19], $0x1400  }
0x1e: {  	[sflag:s19] =	ssyncset.done $0x0  }
0x1f: {  	s10 =	rddreg [dreg:$0x4];
	[sflag:s19] =	ssyncadd.s32 $0xFFFFEC00  }
0x20: {  	[tilespmem:s20], [sflag:$0x9] =	stream.linear.gather [hbm4b:s10+s2], $0x1400, $0x38;
	[tilespmem:$0x12800] =	vst v63  }
0x21: {  	_ =	swait.ge [sflag:s19], $0x1400  }
0x22: {  	[sflag:s19] =	ssyncset.done $0x0  }
0x23: {  	[sflag:s19] =	ssyncadd.s32 $0xFFFFEC00  }
0x24: {  	[tilespmem:s22], [sflag:$0x1] =	stream.indirect.gather [hbm4b:s3+s21], $0x80, s2, s21, $0xb8;
	[tilespmem:$0x12800] =	vst v63  }
0x25: {  	_ = 	snop  }
0x26: {  	[tilespmem:s23], [sflag:$0x3] =	stream.indirect.gather [hbm4b:s3+s21], $0x80, s20, s21, $0xb8;
	[tilespmem:$0x12800] =	vst v63  }
0x27: {  	_ = 	snop  }
0x28: {  	[tilespmem:s24], [sflag:$0x2] =	stream.indirect.gather [hbm4b:s3+s21], $0x80, s21, s21, $0xb8;
	[tilespmem:$0x12800] =	vst v63  }
0x29: {  	s11 =	simm.s32 $0x1480  }
0x2a: {  	[tilespmem:s26], [sflag:$0x4] =	stream.indirect.gather [hbm4b:s3+s21], $0x80, s11, s21, $0xb8;
	[tilespmem:$0x12800] =	vst v63  }
0x2b: {  	_ =	swait.ge [sflag:s28], $0x4000  }
0x2c: {  	[sflag:s28] =	ssyncset.done $0x0  }
0x2d: {  	[sflag:s28] =	ssyncadd.s32 $0xFFFFC000  }
0x2e: {  	_ =	swait.ge [sflag:s29], $0x4000  }
0x2f: {  	[sflag:s29] =	ssyncset.done $0x0  }
0x30: {  	s12 =	rddreg [dreg:$0x6];
	[sflag:s29] =	ssyncadd.s32 $0xFFFFC000  }
0x31: {  	[hbm4b:s12+s2] =	stream.linear.scatter [tilespmem:s22], [sflag:$0x5], $0x4000, $0x38;
	[tilespmem:$0x12800] =	vst v63  }
0x32: {  	s9 =	rddreg [dreg:$0x7]  }
0x33: {  	[hbm4b:s9+s2] =	stream.linear.scatter [tilespmem:s23], [sflag:$0x7], $0x4000, $0x38;
	[tilespmem:$0x12800] =	vst v63  }
0x34: {  	_ =	swait.ge [sflag:s30], $0x4000  }
0x35: {  	[sflag:s30] =	ssyncset.done $0x0  }
0x36: {  	[sflag:s30] =	ssyncadd.s32 $0xFFFFC000  }
0x37: {  	_ =	swait.ge [sflag:s31], $0x4000  }
0x38: {  	[sflag:s31] =	ssyncset.done $0x0  }
0x39: {  	s10 =	simm.s32 $0x100;
	[sflag:s31] =	ssyncadd.s32 $0xFFFFC000  }
0x3a: {  	[tilespmem:s22], [sflag:$0x1] =	stream.indirect.gather [hbm4b:s3+s21], $0x80, s10, s21, $0xb8;
	[tilespmem:$0x12800] =	vst v63  }
0x3b: {  	s11 =	simm.s32 $0x1500  }
0x3c: {  	[tilespmem:s23], [sflag:$0x3] =	stream.indirect.gather [hbm4b:s3+s21], $0x80, s11, s21, $0xb8;
	[tilespmem:$0x12800] =	vst v63  }
0x3d: {  	_ =	swait.ge [sflag:s25], $0x4000  }
0x3e: {  	[sflag:s25] =	ssyncset.done $0x0  }
0x3f: {  	[sflag:s25] =	ssyncadd.s32 $0xFFFFC000  }
0x40: {  	_ =	swait.ge [sflag:s1], $0x4000  }
0x41: {  	[sflag:s1] =	ssyncset.done $0x0  }
0x42: {  	s12 =	rddreg [dreg:$0x8];
	[sflag:s1] =	ssyncadd.s32 $0xFFFFC000  }
0x43: {  	[hbm4b:s12+s2] =	stream.linear.scatter [tilespmem:s24], [sflag:$0x6], $0x4000, $0x38;
	[tilespmem:$0x12800] =	vst v63  }
0x44: {  	s9 =	rddreg [dreg:$0x9]  }
0x45: {  	[hbm4b:s9+s2] =	stream.linear.scatter [tilespmem:s26], [sflag:$0x8], $0x4000, $0x38;
	[tilespmem:$0x12800] =	vst v63  }
0x46: {  	_ =	swait.ge [sflag:s0], $0x4000  }
0x47: {  	[sflag:s0] =	ssyncset.done $0x0  }
0x48: {  	[sflag:s0] =	ssyncadd.s32 $0xFFFFC000  }
0x49: {  	_ =	swait.ge [sflag:s4], $0x4000  }
0x4a: {  	[sflag:s4] =	ssyncset.done $0x0  }
0x4b: {  	s10 =	simm.s32 $0x180;
	[sflag:s4] =	ssyncadd.s32 $0xFFFFC000  }
0x4c: {  	[tilespmem:s24], [sflag:$0x2] =	stream.indirect.gather [hbm4b:s3+s21], $0x80, s10, s21, $0xb8;
	[tilespmem:$0x12800] =	vst v63  }
0x4d: {  	s11 =	simm.s32 $0x1580  }
0x4e: {  	[tilespmem:s26], [sflag:$0x4] =	stream.indirect.gather [hbm4b:s3+s21], $0x80, s11, s21, $0xb8;
	[tilespmem:$0x12800] =	vst v63  }
0x4f: {  	_ =	swait.ge [sflag:s28], $0x4000  }
0x50: {  	[sflag:s28] =	ssyncset.done $0x0  }
0x51: {  	[sflag:s28] =	ssyncadd.s32 $0xFFFFC000  }
0x52: {  	_ =	swait.ge [sflag:s29], $0x4000  }
0x53: {  	[sflag:s29] =	ssyncset.done $0x0  }
0x54: {  	s12 =	sadd.s32 $0x0, s16;
	[sflag:s29] =	ssyncadd.s32 $0xFFFFC000  }
0x55: {  	[hbm4b:s12+s2] =	stream.linear.scatter [tilespmem:s22], [sflag:$0x5], $0x4000, $0x38;
	[tilespmem:$0x12800] =	vst v63  }
0x56: {  	s9 =	sadd.s32 $0x0, s15  }
0x57: {  	[hbm4b:s9+s2] =	stream.linear.scatter [tilespmem:s23], [sflag:$0x7], $0x4000, $0x38;
	[tilespmem:$0x12800] =	vst v63  }
0x58: {  	_ =	swait.ge [sflag:s30], $0x4000  }
0x59: {  	[sflag:s30] =	ssyncset.done $0x0  }
0x5a: {  	[sflag:s30] =	ssyncadd.s32 $0xFFFFC000  }
0x5b: {  	_ =	swait.ge [sflag:s31], $0x4000  }
0x5c: {  	[sflag:s31] =	ssyncset.done $0x0  }
0x5d: {  	s10 =	simm.s32 $0x200;
	[sflag:s31] =	ssyncadd.s32 $0xFFFFC000  }
0x5e: {  	[tilespmem:s22], [sflag:$0x1] =	stream.indirect.gather [hbm4b:s3+s21], $0x80, s10, s21, $0xb8;
	[tilespmem:$0x12800] =	vst v63  }
0x5f: {  	s11 =	simm.s32 $0x1600  }
0x60: {  	[tilespmem:s23], [sflag:$0x3] =	stream.indirect.gather [hbm4b:s3+s21], $0x80, s11, s21, $0xb8;
	[tilespmem:$0x12800] =	vst v63  }
0x61: {  	_ =	swait.ge [sflag:s25], $0x4000  }
0x62: {  	[sflag:s25] =	ssyncset.done $0x0  }
0x63: {  	[sflag:s25] =	ssyncadd.s32 $0xFFFFC000  }
0x64: {  	s8 =	simm.s32 $0x1000;
	_ =	swait.ge [sflag:s1], $0x4000  }
0x65: {  	s12 =	sadd.s32 $0x0, s17;
	s9 =	simm.s32 $0x1680;
	[sflag:s1] =	ssyncset.done $0x0  }
0x66: {  	s10 =	simm.s32 $0x280;
	s11 =	sadd.s32 $0x0, s18;
	[sflag:s1] =	ssyncadd.s32 $0xFFFFC000  }
0x67: {  	[hbm4b:s12+s2] =	stream.linear.scatter [tilespmem:s24], [sflag:$0x6], $0x4000, $0x38;
	[tilespmem:$0x12800] =	vst v63  }
.LBB2_2:
0x68: {  	[hbm4b:s11+s2] =	stream.linear.scatter [tilespmem:s26], [sflag:$0x8], $0x4000, $0x38;
	[tilespmem:$0x12800] =	vst v63  }
0x69: {  	s11 =	smov.u32 s8  }
0x6a: {  	p0 =	sne.s32 s8, $0x11000;
	s8 =	sadd.s32 $0x1000, s8;
	_ =	swait.ge [sflag:s0], $0x4000  }
0x6b: {  	[sflag:s0] =	ssyncset.done $0x0  }
0x6c: {  	[sflag:s0] =	ssyncadd.s32 $0xFFFFC000  }
0x6d: {  	_ =	swait.ge [sflag:s4], $0x4000  }
0x6e: {  	[sflag:s4] =	ssyncset.done $0x0  }
0x6f: {  	[sflag:s4] =	ssyncadd.s32 $0xFFFFC000  }
0x70: {  	[tilespmem:s24], [sflag:$0x2] =	stream.indirect.gather [hbm4b:s3+s21], $0x80, s10, s21, $0xb8;
	[tilespmem:$0x12800] =	vst v63  }
0x71: {  	_ = 	snop  }
0x72: {  	[tilespmem:s26], [sflag:$0x4] =	stream.indirect.gather [hbm4b:s3+s21], $0x80, s9, s21, $0xb8;
	[tilespmem:$0x12800] =	vst v63  }
0x73: {  	_ =	swait.ge [sflag:s28], $0x4000  }
0x74: {  	[sflag:s28] =	ssyncset.done $0x0  }
0x75: {  	[sflag:s28] =	ssyncadd.s32 $0xFFFFC000  }
0x76: {  	_ =	swait.ge [sflag:s29], $0x4000  }
0x77: {  	[sflag:s29] =	ssyncset.done $0x0  }
0x78: {  	s12 =	sadd.s32 s11, s16;
	[sflag:s29] =	ssyncadd.s32 $0xFFFFC000  }
0x79: {  	[hbm4b:s12+s2] =	stream.linear.scatter [tilespmem:s22], [sflag:$0x5], $0x4000, $0x38;
	[tilespmem:$0x12800] =	vst v63  }
0x7a: {  	s12 =	sadd.s32 s11, s15  }
0x7b: {  	[hbm4b:s12+s2] =	stream.linear.scatter [tilespmem:s23], [sflag:$0x7], $0x4000, $0x38;
	[tilespmem:$0x12800] =	vst v63  }
0x7c: {  	_ =	swait.ge [sflag:s30], $0x4000  }
0x7d: {  	[sflag:s30] =	ssyncset.done $0x0  }
0x7e: {  	[sflag:s30] =	ssyncadd.s32 $0xFFFFC000  }
0x7f: {  	_ =	swait.ge [sflag:s31], $0x4000  }
0x80: {  	[sflag:s31] =	ssyncset.done $0x0  }
0x81: {  	s12 =	sadd.s32 $0x80, s10;
	[sflag:s31] =	ssyncadd.s32 $0xFFFFC000  }
0x82: {  	[tilespmem:s22], [sflag:$0x1] =	stream.indirect.gather [hbm4b:s3+s21], $0x80, s12, s21, $0xb8;
	[tilespmem:$0x12800] =	vst v63  }
0x83: {  	s12 =	sadd.s32 $0x80, s9  }
0x84: {  	[tilespmem:s23], [sflag:$0x3] =	stream.indirect.gather [hbm4b:s3+s21], $0x80, s12, s21, $0xb8;
	[tilespmem:$0x12800] =	vst v63  }
0x85: {  	_ =	swait.ge [sflag:s25], $0x4000  }
0x86: {  	[sflag:s25] =	ssyncset.done $0x0  }
0x87: {  	[sflag:s25] =	ssyncadd.s32 $0xFFFFC000  }
.Ltmp0:
0x88: {  	_ =	swait.ge [sflag:s1], $0x4000;
	(pc) =	sbr.rel @p0 .LBB2_2-.Ltmp0, $4  }
0x89: {  	[sflag:s1] =	ssyncset.done $0x0  }
0x8a: {  	s12 =	sadd.s32 s11, s17;
	[sflag:s1] =	ssyncadd.s32 $0xFFFFC000  }
0x8b: {  	[hbm4b:s12+s2] =	stream.linear.scatter [tilespmem:s24], [sflag:$0x6], $0x4000, $0x38;
	[tilespmem:$0x12800] =	vst v63  }
0x8c: {  	s10 =	sadd.s32 $0x100, s10;
	s9 =	sadd.s32 $0x100, s9;
	s11 =	sadd.s32 s11, s18  }
0x8d: {  	[hbm4b:s11+s2] =	stream.linear.scatter [tilespmem:s26], [sflag:$0x8], $0x4000, $0x38;
	[tilespmem:$0x12800] =	vst v63  }
0x8e: {  	_ =	swait.ge [sflag:s0], $0x4000  }
0x8f: {  	[sflag:s0] =	ssyncset.done $0x0  }
0x90: {  	[sflag:s0] =	ssyncadd.s32 $0xFFFFC000  }
0x91: {  	_ =	swait.ge [sflag:s4], $0x4000  }
0x92: {  	[sflag:s4] =	ssyncset.done $0x0  }
0x93: {  	[sflag:s4] =	ssyncadd.s32 $0xFFFFC000  }
0x94: {  	[tilespmem:s24], [sflag:$0x2] =	stream.indirect.gather [hbm4b:s3+s21], $0x80, s5, s21, $0xb8;
	[tilespmem:$0x12800] =	vst v63  }
0x95: {  	_ = 	snop  }
0x96: {  	[tilespmem:s26], [sflag:$0x4] =	stream.indirect.gather [hbm4b:s3+s21], $0x80, s6, s21, $0xb8;
	[tilespmem:$0x12800] =	vst v63  }
0x97: {  	_ =	swait.ge [sflag:s28], $0x4000  }
0x98: {  	[sflag:s28] =	ssyncset.done $0x0  }
0x99: {  	[sflag:s28] =	ssyncadd.s32 $0xFFFFC000  }
0x9a: {  	_ =	swait.ge [sflag:s29], $0x4000  }
0x9b: {  	[sflag:s29] =	ssyncset.done $0x0  }
0x9c: {  	s8 =	rddreg [dreg:$0xa];
	[sflag:s29] =	ssyncadd.s32 $0xFFFFC000  }
0x9d: {  	[hbm4b:s8+s2] =	stream.linear.scatter [tilespmem:s22], [sflag:$0x5], $0x4000, $0x38;
	[tilespmem:$0x12800] =	vst v63  }
0x9e: {  	s11 =	rddreg [dreg:$0xb]  }
0x9f: {  	[hbm4b:s11+s2] =	stream.linear.scatter [tilespmem:s23], [sflag:$0x7], $0x4000, $0x38;
	[tilespmem:$0x12800] =	vst v63  }
0xa0: {  	_ =	swait.ge [sflag:s30], $0x4000  }
0xa1: {  	[sflag:s30] =	ssyncset.done $0x0  }
0xa2: {  	[sflag:s30] =	ssyncadd.s32 $0xFFFFC000  }
0xa3: {  	_ =	swait.ge [sflag:s31], $0x4000  }
0xa4: {  	[sflag:s31] =	ssyncset.done $0x0  }
0xa5: {  	[sflag:s31] =	ssyncadd.s32 $0xFFFFC000  }
0xa6: {  	[tilespmem:s22], [sflag:$0x1] =	stream.indirect.gather [hbm4b:s3+s21], $0x80, s5, s21, $0xb8;
	[tilespmem:$0x12800] =	vst v63  }
0xa7: {  	_ = 	snop  }
0xa8: {  	[tilespmem:s23], [sflag:$0x3] =	stream.indirect.gather [hbm4b:s3+s21], $0x80, s6, s21, $0xb8;
	[tilespmem:$0x12800] =	vst v63  }
0xa9: {  	_ =	swait.ge [sflag:s25], $0x4000  }
0xaa: {  	[sflag:s25] =	ssyncset.done $0x0  }
0xab: {  	[sflag:s25] =	ssyncadd.s32 $0xFFFFC000  }
0xac: {  	_ =	swait.ge [sflag:s1], $0x4000  }
0xad: {  	[sflag:s1] =	ssyncset.done $0x0  }
0xae: {  	[sflag:s1] =	ssyncadd.s32 $0xFFFFC000  }
0xaf: {  	[hbm4b:s13+s2] =	stream.linear.scatter [tilespmem:s24], [sflag:$0x6], $0x4000, $0x38;
	[tilespmem:$0x12800] =	vst v63  }
0xb0: {  	_ = 	snop  }
0xb1: {  	[hbm4b:s14+s2] =	stream.linear.scatter [tilespmem:s26], [sflag:$0x8], $0x4000, $0x38;
	[tilespmem:$0x12800] =	vst v63  }
0xb2: {  	_ =	swait.ge [sflag:s28], $0x4000  }
0xb3: {  	[sflag:s28] =	ssyncset.done $0x0  }
0xb4: {  	[sflag:s28] =	ssyncadd.s32 $0xFFFFC000  }
0xb5: {  	_ =	swait.ge [sflag:s29], $0x4000  }
0xb6: {  	[sflag:s29] =	ssyncset.done $0x0  }
0xb7: {  	[sflag:s29] =	ssyncadd.s32 $0xFFFFC000  }
0xb8: {  	_ =	swait.ge [sflag:s0], $0x4000  }
0xb9: {  	[sflag:s0] =	ssyncset.done $0x0  }
0xba: {  	[sflag:s0] =	ssyncadd.s32 $0xFFFFC000  }
0xbb: {  	_ =	swait.ge [sflag:s4], $0x4000  }
0xbc: {  	s7 =	sadd.s32 $0x1, s7;
	s12 =	rddreg [dreg:$0x5]  }
0xbd: {  	p0 =	sne.s32 s7, s12  }
.Ltmp1:
0xbe: {  	_ = 	snop;
	(pc) =	sbr.rel @p0 .LBB2_1-.Ltmp1, $3  }
0xbf: {  	_ =	sdelay $0x1  }
0xc0: {  	[sflag:s4] =	ssyncset.done $0x0  }
0xc1: {  	[sflag:s4] =	ssyncadd.s32 $0xFFFFC000  }
0xc2: {  	_ =	sfence.sel $0x180000  }
0xc3: {  	[bflag:$0x0] =	sbarrier.arrive $0xFFFF  }
0xc4: {  	_ =	strace $0x9000004D  }
0xc5: {  	s0 =	stileid.u32;
	[bflag:$0x2] =	sbarrier.arrive $0xFFFF  }
0xc6: {  	p0 =	sne.s32 s0, $0x0;
	s0 =	rddreg [dreg:$0x2]  }
0xc7: {  	s0 =	sadd.s32 @!p0 $0x100000, s0  }
0xc8: {  	[sflag:s0] =	ssyncadd.tile.s32 @!p0 $0x1;
	_ =	shalt  }
.Lfunc_end2:
_tile_overlayer_lowered:
.L_overlay_start_2:
0xc9: {  	(tag) =	ssettag $0x2  }
0xca: {  	s0 =	rddreg [dreg:$0x0];
	s2 =	stileid.u32  }
0xcb: {  	s1 =	rddreg [dreg:$0x1];
	p0 =	sne.s32 s2, $0x0  }
0xcc: {  	s3 =	rddreg [dreg:$0x2];
	[bflag:$0x3] =	sbarrier.arrive $0xFFFF;
	s2 =	simm.s32 @!p0 $0x1C09  }
0xcd: {  	[timem:s3], [sflag:s2] =	dma.local @!p0 [hbm:s0], s1  }
0xce: {  	s0 =	simm.s32 @!p0 $0x9  }
0xcf: {  	_ =	swait.ge @!p0 [sflag:s0], s1  }
0xd0: {  	s1 =	ssub.s32 @!p0 $0x0, s1;
	[sflag:s0] =	ssyncset.done @!p0 $0x0  }
0xd1: {  	[sflag:s0] =	ssyncadd.s32 @!p0 s1  }
0xd2: {  	[bflag:$0x3] =	sbarrier.arrive $0xFFFF  }
0xd3: {  	_ =	shalt  }

// kernel: kernel.30.cloned.1.call-start
scs
__scs_entry_jumppad:
0x0: {  	(pc) =	sbr.rel $0x88, $3  }
0x1: {  	(tag) =	ssettag $0x0;
	lr =	simm.s32 $0x1  }
0x2: {  	[smem:$0x3F5E] =	sst lr;
	_ =	strace $0xD0000000  }
0x3: {  	_ = 	snop  }
0x4: {  	_ = 	snop  }
0x5: {  	_ = 	snop  }
0x6: {  	_ = 	snop  }
0x7: {  	_ = 	snop  }
__scs_overlays_trampoline_lowered:
0x8: {  	[smem:$0x3F6D] =	sst s0  }
0x9: {  	[smem:$0x3F6E] =	sst s1  }
0xa: {  	[smem:$0x3F6F] =	sst s2  }
0xb: {  	[smem:$0x3F70] =	sst s3  }
0xc: {  	[smem:$0x3F71] =	sst s4  }
0xd: {  	[smem:$0x3F72] =	sst s5  }
0xe: {  	[smem:$0x3F73] =	sst s6  }
0xf: {  	[smem:$0x3F74] =	sst s7  }
0x10: {  	[smem:$0x3F75] =	sst s8  }
0x11: {  	[smem:$0x3F76] =	sst s9;
	s0 =	simm.s32 @!p0 $0x0  }
0x12: {  	s1 =	sld [smem:$0x3F5C];
	s0 =	simm.s32 @p0 $0x1  }
0x13: {  	[smem:$0x3F77] =	sst s0;
	s0 =	simm.s32 @!p1 $0x0  }
0x14: {  	s2 =	sld [smem:$0x3F5B];
	s0 =	simm.s32 @p1 $0x1  }
0x15: {  	[smem:$0x3F78] =	sst s0;
	s0 =	simm.s32 @!p2 $0x0  }
0x16: {  	s3 =	sld [smem:$0x3FDB];
	s0 =	simm.s32 @p2 $0x1  }
0x17: {  	s4 =	simm.s32 $0x1BF5;
	[smem:$0x3F7A] =	sst s0  }
0x18: {  	s0 =	sld [smem:$0x3F5D];
	_ =	swait.ge [sflag:s4], $0x0  }
0x19: {  	s7 =	sld [smem:$0x3F5E]  }
0x1a: {  	s8 =	sadd.s32 $0xFFFFE003, lr  }
0x1b: {  	s9 =	sadd.s32 $0xFFFFFEF7, lr;
	s5 =	simm.s32 $0xFFFFFFFF;
	p2 =	slt.u32 s8, $0xFFFFF086  }
0x1c: {  	p1 =	slt.u32 s9, $0xF7A;
	s5 =	simm.s32 @!p2 $0x0  }
0x1d: {  	s5 =	simm.s32 @p1 $0x1;
	p0 =	seq.s32 s7, s2  }
0x1e: {  	s7 =	smul.u32 @!p0 $0xF7A, s2;
	p2 =	seq.s32 @!p0 s5, $0x0  }
0x1f: {  	s9 =	smul.u32 $0xF7A, s1;
	s8 =	simm.s32 @!p0 $0x1BF5;
	p2 =	por !p2, p0  }
0x20: {  	[sflag:s8] =	ssyncset.s32 @!p0 $0xFFFFF086;
	s6 =	sadd.s32 @!p0 s3, s7;
	s7 =	simm.s32 @!p0 $0x108  }
0x21: {  	s3 =	sadd.s32 s3, s9;
	s6 =	sadd.s32 @!p0 $0x88, s6;
	s7 =	simm.s32 @p2 $0x1082  }
0x22: {  	[simem:s7], [sflag:s8] =	dma.local @!p0 [hbm:s6], $0xF7A  }
0x23: {  	s9 =	sor.u32 $0xD0000000, s2;
	s6 =	simm.s32 $0x108;
	_ =	swait.ge @!p0 [sflag:s8], $0x0  }
0x24: {  	s3 =	sadd.s32 $0x88, s3;
	s6 =	simm.s32 @!p1 $0x1082;
	[sflag:s4] =	ssyncset.s32 $0xFFFFF086  }
0x25: {  	[simem:s6], [sflag:s4] =	dma.local [hbm:s3], $0xF7A  }
0x26: {  	[smem:$0x3F5E] =	sst s1;
	(tag) =	ssettag s2;
	_ =	strace s9  }
0x27: {  	s1 =	sld [smem:$0x3F6E]  }
0x28: {  	s2 =	sld [smem:$0x3F6F]  }
0x29: {  	s4 =	sld [smem:$0x3F71]  }
0x2a: {  	p0 =	seq.s32 s5, $0x0;
	s5 =	sld [smem:$0x3F72]  }
0x2b: {  	s6 =	sld [smem:$0x3F73]  }
0x2c: {  	s7 =	sld [smem:$0x3F74]  }
0x2d: {  	s3 =	simm.s32 $0x108;
	s8 =	sld [smem:$0x3F75]  }
0x2e: {  	s3 =	simm.s32 @!p0 $0x1082;
	s9 =	sld [smem:$0x3F76]  }
0x2f: {  	lr =	sadd.s32 s0, s3;
	s0 =	sld [smem:$0x3F6D]  }
0x30: {  	s3 =	sld [smem:$0x3F70]  }
0x31: {  	[smem:$0x3F79] =	sst s10  }
0x32: {  	s10 =	sld [smem:$0x3F77];
	_ =	sdelay $0x3  }
0x33: {  	p0 =	seq.s32 s10, $0x1;
	s10 =	sld [smem:$0x3F79];
	_ =	sdelay $0x3  }
0x34: {  	[smem:$0x3F79] =	sst s10  }
0x35: {  	s10 =	sld [smem:$0x3F78];
	_ =	sdelay $0x3  }
0x36: {  	p1 =	seq.s32 s10, $0x1;
	s10 =	sld [smem:$0x3F79];
	_ =	sdelay $0x3  }
0x37: {  	[smem:$0x3F79] =	sst s10  }
0x38: {  	s10 =	sld [smem:$0x3F7A]  }
0x39: {  	_ = 	snop;
	(pc) =	sbr.ind lr, $3  }
0x3a: {  	_ = 	snop  }
0x3b: {  	_ = 	snop  }
0x3c: {  	p2 =	seq.s32 s10, $0x1;
	s10 =	sld [smem:$0x3F79]  }
0x3d: {  	_ =	shalt  }
0x3e: {  	_ =	shalt  }
0x3f: {  	_ =	shalt  }
0x40: {  	_ =	shalt  }
0x41: {  	_ =	shalt  }
0x42: {  	_ =	shalt  }
0x43: {  	_ =	shalt  }
0x44: {  	_ =	shalt  }
0x45: {  	_ =	shalt  }
0x46: {  	_ =	shalt  }
0x47: {  	_ =	shalt  }
0x48: {  	_ =	shalt  }
0x49: {  	_ =	shalt  }
0x4a: {  	_ =	shalt  }
0x4b: {  	_ =	shalt  }
0x4c: {  	_ =	shalt  }
0x4d: {  	_ =	shalt  }
0x4e: {  	_ =	shalt  }
0x4f: {  	_ =	shalt  }
0x50: {  	_ =	shalt  }
0x51: {  	_ =	shalt  }
0x52: {  	_ =	shalt  }
0x53: {  	_ =	shalt  }
0x54: {  	_ =	shalt  }
0x55: {  	_ =	shalt  }
0x56: {  	_ =	shalt  }
0x57: {  	_ =	shalt  }
0x58: {  	_ =	shalt  }
0x59: {  	_ =	shalt  }
0x5a: {  	_ =	shalt  }
0x5b: {  	_ =	shalt  }
0x5c: {  	_ =	shalt  }
0x5d: {  	_ =	shalt  }
0x5e: {  	_ =	shalt  }
0x5f: {  	_ =	shalt  }
0x60: {  	_ =	shalt  }
0x61: {  	_ =	shalt  }
0x62: {  	_ =	shalt  }
0x63: {  	_ =	shalt  }
0x64: {  	_ =	shalt  }
0x65: {  	_ =	shalt  }
0x66: {  	_ =	shalt  }
0x67: {  	_ =	shalt  }
0x68: {  	_ =	shalt  }
0x69: {  	_ =	shalt  }
0x6a: {  	_ =	shalt  }
0x6b: {  	_ =	shalt  }
0x6c: {  	_ =	shalt  }
0x6d: {  	_ =	shalt  }
0x6e: {  	_ =	shalt  }
0x6f: {  	_ =	shalt  }
0x70: {  	_ =	shalt  }
0x71: {  	_ =	shalt  }
0x72: {  	_ =	shalt  }
0x73: {  	_ =	shalt  }
0x74: {  	_ =	shalt  }
0x75: {  	_ =	shalt  }
0x76: {  	_ =	shalt  }
0x77: {  	_ =	shalt  }
0x78: {  	_ =	shalt  }
0x79: {  	_ =	shalt  }
0x7a: {  	_ =	shalt  }
0x7b: {  	_ =	shalt  }
0x7c: {  	_ =	shalt  }
0x7d: {  	_ =	shalt  }
0x7e: {  	_ =	shalt  }
0x7f: {  	_ =	shalt  }
0x80: {  	_ =	shalt  }
0x81: {  	_ =	shalt  }
0x82: {  	_ =	shalt  }
0x83: {  	_ =	shalt  }
0x84: {  	_ =	shalt  }
0x85: {  	_ =	shalt  }
0x86: {  	_ =	shalt  }
0x87: {  	_ =	shalt  }
.Lfunc_end0:
.L_simem_size_0:
called_computation.3_lowered:
.L_overlay_start_0:
0x88: {  	s2 =	sld [smem:$0x3FD9]  }
0x89: {  	s3 =	sld [smem:$0x3FFE];
	_ =	sdelay $0x1  }
0x8a: {  	s1 =	srdreg.scid  }
0x8b: {  	s0 =	sand.u32 $0x1, s1  }
0x8c: {  	s14 =	sshll.u32 s0, $0xA;
	s2 =	sadd.s32 s3, s2  }
0x8d: {  	s2 =	sadd.s32 s2, s14  }
0x8e: {  	[smem:$0x3F85] =	sst s2  }
0x8f: {  	_ = 	snop  }
0x90: {  	s2 =	sld [smem:$0x3FD0];
	_ =	sdelay $0x2  }
0x91: {  	s15 =	simm.s32 $0xA;
	s4 =	simm.s32 $0x10  }
0x92: {  	[smem:s4], [sflag:s15] =	dma.local [hbm:s2], $0x1  }
0x93: {  	_ =	swait.eq [sflag:s15], $0x1  }
0x94: {  	[sflag:s15] =	ssyncset.done $0x0  }
0x95: {  	[sflag:s15] =	ssyncadd.s32 $0xFFFFFFFF  }
0x96: {  	s16 =	sld [smem:$0x11];
	(tm) =	ssettm $0x1  }
0x97: {  	s17 =	sld [smem:$0x3FFB];
	_ =	sdelay $0x3  }
0x98: {  	_ =	strace s17  }
0x99: {  	s3 =	sld [smem:$0x3FFC];
	_ =	sdelay $0x3  }
0x9a: {  	_ =	strace s3  }
0x9b: {  	s3 =	sld [smem:$0x3FFD];
	_ =	sdelay $0x3  }
0x9c: {  	_ =	strace s3  }
0x9d: {  	_ =	strace $0x8FFFFFFF  }
0x9e: {  	s18 =	sld [smem:$0x3FDB];
	_ =	sdelay $0x1  }
0x9f: {  	s19 =	simm.s32 $_scs_section_size  }
0xa0: {  	s5 =	simm.s32 $_size__tile_overlayer_lowered;
	s6 =	simm.s32 $_tile_overlayer_lowered  }
0xa1: {  	s22 =	simm.s32 $0x1BFF;
	s21 =	sshll.u32 s6, $0x1;
	s3 =	sadd.s32 s19, s18  }
0xa2: {  	s7 =	simm.s32 $0x0;
	s20 =	sshll.u32 s5, $0x1;
	s5 =	sadd.s32 s21, s3  }
0xa3: {  	[timem:s7], [sflag:s22] =	dma.local [hbm:s5], s20  }
0xa4: {  	_ =	swait.ge [sflag:s22], s20  }
0xa5: {  	s4 =	ssub.s32 $0x0, s20;
	[sflag:s22] =	ssyncset.done $0x0  }
0xa6: {  	[sflag:s22] =	ssyncadd.s32 s4;
	_ =	sdelay $0x1  }
0xa7: {  	s23 =	simm.s32 $0x1B8B  }
0xa8: {  	_ =	swait.ge [sflag:s23], $0x1  }
0xa9: {  	[sflag:s23] =	ssyncset.done $0x0  }
0xaa: {  	s25 =	simm.s32 $0x1B8E;
	s24 =	sld [smem:$0x3FFE];
	[sflag:s23] =	ssyncadd.s32 $0xFFFFFFFF  }
0xab: {  	s26 =	simm.s32 $execute0_lowered;
	[smem:$0x3FD2] =	sst s25  }
0xac: {  	s5 =	sshll.u32 s26, $0x1;
	_ =	strace $0x8000004F;
	[dreg:$0x1] =	wrdreg $0xFFFFFFFF  }
0xad: {  	s28 =	simm.s32 $_size_execute0_lowered;
	s3 =	sadd.s32 s3, s5;
	[dreg:$0x0] =	wrdreg $0x0  }
0xae: {  	s5 =	sshll.u32 s28, $0x1;
	[dreg:$0x2] =	wrdreg s3  }
0xaf: {  	[dreg:$0x3] =	wrdreg s5  }
0xb0: {  	[dreg:$0x4] =	wrdreg $0xC0  }
0xb1: {  	_ =	task [dreg:s7], $0x5FFFF  }
0xb2: {  	[dreg:$0x1] =	wrdreg $0xFFFFFFFF  }
0xb3: {  	[dreg:$0x0] =	wrdreg $0x60  }
0xb4: {  	[dreg:$0x2] =	wrdreg s24  }
0xb5: {  	[dreg:$0x3] =	wrdreg s16  }
0xb6: {  	[dreg:$0x4] =	wrdreg $0x94000  }
0xb7: {  	[dreg:$0x5] =	wrdreg $0x9  }
0xb8: {  	_ =	task.clear_ibuf [dreg:s7], $0x6FFFF;
	_ =	strace $0x9000004F  }
0xb9: {  	s29 =	simm.s32 $0x9;
	_ =	strace $0x80000051  }
0xba: {  	_ =	swait.ge [sflag:s29], $0x1  }
0xbb: {  	[sflag:s29] =	ssyncadd.s32 $0xFFFFFFFF  }
0xbc: {  	_ =	strace $0x90000051  }
0xbd: {  	_ =	sfence  }
0xbe: {  	s30 =	sld [smem:$0x0];
	_ =	sdelay $0x2  }
0xbf: {  	s31 =	sshll.u32 s1, $0xD;
	s1 =	sshrl.u32 s1, $0x2  }
0xc0: {  	s3 =	sand.u32 $0x4000, s31;
	s1 =	sadd.s32 s1, s30  }
0xc1: {  	s0 =	sor.u32 s3, s0;
	s1 =	sshll.u32 s1, $0x11  }
0xc2: {  	s0 =	sor.u32 s1, s0  }
0xc3: {  	s0 =	sadd.s32 $0x8F2B, s0  }
0xc4: {  	[sflag:s0] =	ssyncadd.remote.s32 $0x1  }
0xc5: {  	_ =	sfence.sel $0xFFFF  }
0xc6: {  	[dreg:$0x0] =	wrdreg $0xFFFFFFFF;
	(pc) =	sbr.abs _section_cstart, $3  }
0xc7: {  	[dreg:$0x1] =	wrdreg $0xFFFFFFFF  }
0xc8: {  	_ =	task.clear_ibuf [dreg:s7], $0x2FFFF;
	_ =	strace $0x9FFFFFFF  }
0xc9: {  	(tm) =	ssettm $0x7FFFFFFF  }
tec
execute0_lowered:
.L_overlay_start_1:
0x0: {  	(tag) =	ssettag $0x1  }
0x1: {  	s5 =	rddreg [dreg:$0x0];
	s3 =	stileid.u32  }
0x2: {  	s6 =	rddreg [dreg:$0x1];
	s8 =	smul.u32 $0x2800, s3  }
0x3: {  	s1 =	rddreg [dreg:$0x2];
	s15 =	smul.u32 $0x50000, s3  }
0x4: {  	s4 =	srdreg.scid;
	s2 =	simm.s32 $0x0;
	s26 =	smul.u32 $0x140000, s3  }
0x5: {  	s19 =	simm.s32 $0x1;
	s12 =	sand.u32 $0x1, s4;
	s17 =	smul.u32 $0x28000, s3  }
0x6: {  	s20 =	simm.s32 $0x80;
	s28 =	simm.s32 $0x0;
	s7 =	smul.u32 $0x28000, s12  }
0x7: {  	[smem:$0x7FF] =	sst s2;
	s21 =	sshll.u32 s3, $0x1;
	s29 =	smul.u32 $0xA0000, s12  }
0x8: {  	s14 =	sadd.s32 $0x7F8A00, s5;
	s9 =	sor.u32 s12, s21;
	s18 =	smul.u32 $0x14000, s12  }
0x9: {  	s4 =	sadd.s32 $0x2A9800, s5;
	p0 =	sne.s32 s3, $0x0;
	s10 =	smul.u32 $0x280, s9  }
0xa: {  	_ =	strace $0x80000050;
	s11 =	ssub.s32 $0x2, s12;
	s13 =	smul.u32 $0x14000, s9  }
0xb: {  	s21 =	simm.s32 $0x3;
	s22 =	sshrl.u32 s11, $0x1;
	s16 =	smul.u32 $0xA0000, s9  }
0xc: {  	s23 =	sshrl.u32 s15, $0x2;
	s30 =	sadd.s32 s17, s14;
	s17 =	simm.s32 $0x1400  }
0xd: {  	s7 =	sadd.s32 s8, s7;
	s8 =	ssub.s32 s11, s22;
	s25 =	sadd.s32 s23, s1  }
0xe: {  	s15 =	sadd.s32 s18, s30;
	s18 =	simm.s32 $0x5400;
	s22 =	simm.s32 $0x2  }
0xf: {  	s23 =	simm.s32 $0x4;
	s7 =	sadd.s32 s7, s5;
	s5 =	sadd.s32 s6, s10  }
0x10: {  	s6 =	sadd.s32 s14, s13;
	s24 =	sor.u32 $0x8000, s16;
	s8 =	smax.u32 s8, $0x1  }
0x11: {  	s16 =	sshrl.u32 s16, $0x3;
	s13 =	sadd.s32 s29, s26;
	s25 =	sshrl.u32 s25, $0x3  }
0x12: {  	s26 =	simm.s32 $0x1380;
	s7 =	sadd.s32 $0x38800, s7;
	s10 =	sshrl.u32 s24, $0x3  }
0x13: {  	s9 =	sadd.s32 $0x800, s6;
	s11 =	sadd.s32 $0x13800, s6;
	s16 =	sadd.s32 s14, s16  }
0x14: {  	s13 =	sor.u32 $0x10000, s13;
	s24 =	simm.s32 $0x1300;
	s10 =	sadd.s32 s14, s10  }
0x15: {  	s12 =	sadd.s32 $0x13800, s16;
	s31 =	sshrl.u32 s13, $0x3;
	s13 =	sadd.s32 $0x1800, s15  }
0x16: {  	s15 =	sshrl.u32 @!p0 s1, $0x3;
	s16 =	simm.s32 $0x5;
	s14 =	sadd.s32 s31, s14  }
.LBB2_1:
0x17: {  	s29 =	simm.s32 @!p0 $0x1C05  }
0x18: {  	[spmem:s15], [sflag:s29] =	dma.local @!p0 [hbm:s4], $0x28000  }
0x19: {  	s29 =	simm.s32 @!p0 $0x5  }
0x1a: {  	_ =	swait.ge @!p0 [sflag:s29], $0x28000  }
0x1b: {  	[sflag:s29] =	ssyncset.done @!p0 $0x0  }
0x1c: {  	[sflag:s29] =	ssyncadd.s32 @!p0 $0xFFFD8000  }
0x1d: {  	[bflag:$0x0] =	sbarrier.arrive $0xFFFF  }
0x1e: {  	[tilespmem:s2], [sflag:$0x5] =	stream.linear.gather [hbm4b:s5+s2], $0x1400, $0x38;
	[tilespmem:$0x1D400] =	vst v63  }
0x1f: {  	_ =	swait.ge [sflag:s16], $0x1400  }
0x20: {  	[sflag:s16] =	ssyncset.done $0x0  }
0x21: {  	[sflag:s16] =	ssyncadd.s32 $0xFFFFEC00  }
0x22: {  	[tilespmem:s17], [sflag:$0x1] =	stream.linear.gather [hbm4b:s6+s2], $0x4000, $0x38;
	[tilespmem:$0x1D400] =	vst v63  }
0x23: {  	_ = 	snop  }
0x24: {  	[tilespmem:s18], [sflag:$0x2] =	stream.linear.gather [hbm4b:s9+s2], $0x4000, $0x38;
	[tilespmem:$0x1D400] =	vst v63  }
0x25: {  	_ =	swait.ge [sflag:s19], $0x4000  }
0x26: {  	[sflag:s19] =	ssyncset.done $0x0  }
0x27: {  	[sflag:s19] =	ssyncadd.s32 $0xFFFFC000  }
0x28: {  	[spmem:s1] =	stream.indirect.scatter.add.f32 [tilespmem:s17], [sflag:$0x3], $0x80, s2, s20, $0xb8;
	[tilespmem:$0x1D400] =	vst v63  }
0x29: {  	_ =	swait.ge [sflag:s21], $0x4000  }
0x2a: {  	[sflag:s21] =	ssyncset.done $0x0  }
0x2b: {  	[sflag:s21] =	ssyncadd.s32 $0xFFFFC000  }
0x2c: {  	[tilespmem:s17], [sflag:$0x1] =	stream.linear.gather [hbm4b:s10+s2], $0x4000, $0x38;
	[tilespmem:$0x1D400] =	vst v63  }
0x2d: {  	_ =	swait.ge [sflag:s22], $0x4000  }
0x2e: {  	[sflag:s22] =	ssyncset.done $0x0  }
0x2f: {  	[sflag:s22] =	ssyncadd.s32 $0xFFFFC000  }
0x30: {  	[spmem:s1] =	stream.indirect.scatter.add.f32 [tilespmem:s18], [sflag:$0x4], $0x80, s20, s20, $0xb8;
	[tilespmem:$0x1D400] =	vst v63  }
0x31: {  	_ =	swait.ge [sflag:s23], $0x4000  }
0x32: {  	[sflag:s23] =	ssyncset.done $0x0  }
0x33: {  	s29 =	sadd.s32 $0x0, s13;
	[sflag:s23] =	ssyncadd.s32 $0xFFFFC000  }
0x34: {  	[tilespmem:s18], [sflag:$0x2] =	stream.linear.gather [hbm4b:s29+s2], $0x4000, $0x38;
	[tilespmem:$0x1D400] =	vst v63  }
0x35: {  	_ =	swait.ge [sflag:s19], $0x4000  }
0x36: {  	[sflag:s19] =	ssyncset.done $0x0  }
0x37: {  	s29 =	simm.s32 $0x100;
	[sflag:s19] =	ssyncadd.s32 $0xFFFFC000  }
0x38: {  	[spmem:s1] =	stream.indirect.scatter.add.f32 [tilespmem:s17], [sflag:$0x3], $0x80, s29, s20, $0xb8;
	[tilespmem:$0x1D400] =	vst v63  }
0x39: {  	_ =	swait.ge [sflag:s21], $0x4000  }
0x3a: {  	[sflag:s21] =	ssyncset.done $0x0  }
0x3b: {  	s29 =	sadd.s32 $0x0, s14;
	[sflag:s21] =	ssyncadd.s32 $0xFFFFC000  }
0x3c: {  	[tilespmem:s17], [sflag:$0x1] =	stream.linear.gather [hbm4b:s29+s2], $0x4000, $0x38;
	[tilespmem:$0x1D400] =	vst v63  }
0x3d: {  	_ =	swait.ge [sflag:s22], $0x4000  }
0x3e: {  	s31 =	simm.s32 $0x180;
	[sflag:s22] =	ssyncset.done $0x0  }
0x3f: {  	s30 =	simm.s32 $0x200;
	s29 =	simm.s32 $0x1000;
	[sflag:s22] =	ssyncadd.s32 $0xFFFFC000  }
.LBB2_2:
0x40: {  	[spmem:s1] =	stream.indirect.scatter.add.f32 [tilespmem:s18], [sflag:$0x4], $0x80, s31, s20, $0xb8;
	[tilespmem:$0x1D400] =	vst v63  }
0x41: {  	s31 =	smov.u32 s29  }
0x42: {  	p1 =	sne.s32 s29, $0x11000;
	s29 =	sadd.s32 $0x1000, s29;
	_ =	swait.ge [sflag:s23], $0x4000  }
0x43: {  	[sflag:s23] =	ssyncset.done $0x0  }
0x44: {  	s0 =	sadd.s32 s31, s13;
	[sflag:s23] =	ssyncadd.s32 $0xFFFFC000  }
0x45: {  	[tilespmem:s18], [sflag:$0x2] =	stream.linear.gather [hbm4b:s0+s2], $0x4000, $0x38;
	[tilespmem:$0x1D400] =	vst v63  }
0x46: {  	_ =	swait.ge [sflag:s19], $0x4000  }
0x47: {  	[sflag:s19] =	ssyncset.done $0x0  }
0x48: {  	[sflag:s19] =	ssyncadd.s32 $0xFFFFC000  }
0x49: {  	[spmem:s1] =	stream.indirect.scatter.add.f32 [tilespmem:s17], [sflag:$0x3], $0x80, s30, s20, $0xb8;
	[tilespmem:$0x1D400] =	vst v63  }
0x4a: {  	_ =	swait.ge [sflag:s21], $0x4000  }
0x4b: {  	[sflag:s21] =	ssyncset.done $0x0  }
.Ltmp0:
0x4c: {  	s0 =	sadd.s32 s31, s14;
	[sflag:s21] =	ssyncadd.s32 $0xFFFFC000;
	(pc) =	sbr.rel @p1 .LBB2_2-.Ltmp0, $4  }
0x4d: {  	[tilespmem:s17], [sflag:$0x1] =	stream.linear.gather [hbm4b:s0+s2], $0x4000, $0x38;
	[tilespmem:$0x1D400] =	vst v63  }
0x4e: {  	_ =	swait.ge [sflag:s22], $0x4000  }
0x4f: {  	[sflag:s22] =	ssyncset.done $0x0  }
0x50: {  	s31 =	sadd.s32 $0x80, s30;
	s30 =	sadd.s32 $0x100, s30;
	[sflag:s22] =	ssyncadd.s32 $0xFFFFC000  }
0x51: {  	[spmem:s1] =	stream.indirect.scatter.add.f32 [tilespmem:s18], [sflag:$0x4], $0x80, s31, s20, $0xb8;
	[tilespmem:$0x1D400] =	vst v63  }
0x52: {  	_ =	swait.ge [sflag:s23], $0x4000  }
0x53: {  	[sflag:s23] =	ssyncset.done $0x0  }
0x54: {  	[sflag:s23] =	ssyncadd.s32 $0xFFFFC000  }
0x55: {  	[tilespmem:s18], [sflag:$0x2] =	stream.linear.gather [hbm4b:s11+s2], $0x4000, $0x38;
	[tilespmem:$0x1D400] =	vst v63  }
0x56: {  	_ =	swait.ge [sflag:s19], $0x4000  }
0x57: {  	[sflag:s19] =	ssyncset.done $0x0  }
0x58: {  	[sflag:s19] =	ssyncadd.s32 $0xFFFFC000  }
0x59: {  	[spmem:s1] =	stream.indirect.scatter.add.f32 [tilespmem:s17], [sflag:$0x3], $0x80, s24, s20, $0xb8;
	[tilespmem:$0x1D400] =	vst v63  }
0x5a: {  	_ =	swait.ge [sflag:s21], $0x4000  }
0x5b: {  	[sflag:s21] =	ssyncset.done $0x0  }
0x5c: {  	[sflag:s21] =	ssyncadd.s32 $0xFFFFC000  }
0x5d: {  	[tilespmem:s17], [sflag:$0x1] =	stream.linear.gather [hbm4b:s12+s2], $0x4000, $0x38;
	[tilespmem:$0x1D400] =	vst v63  }
0x5e: {  	_ =	swait.ge [sflag:s22], $0x4000  }
0x5f: {  	[sflag:s22] =	ssyncset.done $0x0  }
0x60: {  	[sflag:s22] =	ssyncadd.s32 $0xFFFFC000  }
0x61: {  	[spmem:s1] =	stream.indirect.scatter.add.f32 [tilespmem:s18], [sflag:$0x4], $0x80, s26, s20, $0xb8;
	[tilespmem:$0x1D400] =	vst v63  }
0x62: {  	_ =	swait.ge [sflag:s19], $0x4000  }
0x63: {  	[sflag:s19] =	ssyncset.done $0x0  }
0x64: {  	[sflag:s19] =	ssyncadd.s32 $0xFFFFC000  }
0x65: {  	_ =	swait.ge [sflag:s23], $0x4000  }
0x66: {  	s28 =	sadd.s32 $0x1, s28;
	[sflag:s23] =	ssyncset.done $0x0  }
0x67: {  	s0 =	sshll.u32 s3, $0x6;
	p1 =	sne.s32 s28, s8;
	[sflag:s23] =	ssyncadd.s32 $0xFFFFC000  }
.Ltmp1:
0x68: {  	s0 =	sor.u32 $0x1C05, s0;
	[bflag:$0x0] =	sbarrier.arrive $0xFFFF;
	(pc) =	sbr.rel @p1 .LBB2_1-.Ltmp1, $4  }
0x69: {  	[hbm:s7], [sflag:s0] =	dma.local [spmem:s25], $0x2800  }
0x6a: {  	_ =	swait.ge [sflag:s16], $0x2800  }
0x6b: {  	[sflag:s16] =	ssyncset.done $0x0  }
0x6c: {  	[sflag:s16] =	ssyncadd.s32 $0xFFFFD800  }
0x6d: {  	_ =	sfence.sel $0x180000  }
0x6e: {  	[bflag:$0x0] =	sbarrier.arrive $0xFFFF  }
0x6f: {  	_ =	strace $0x90000050  }
0x70: {  	[bflag:$0x2] =	sbarrier.arrive $0xFFFF  }
0x71: {  	s0 =	rddreg [dreg:$0x3]  }
0x72: {  	s0 =	sadd.s32 @!p0 $0x100000, s0  }
0x73: {  	[sflag:s0] =	ssyncadd.tile.s32 @!p0 $0x1;
	_ =	shalt  }
.Lfunc_end2:
_tile_overlayer_lowered:
.L_overlay_start_2:
0x74: {  	(tag) =	ssettag $0x2  }
0x75: {  	s0 =	rddreg [dreg:$0x0];
	s2 =	stileid.u32  }
0x76: {  	s1 =	rddreg [dreg:$0x1];
	p0 =	sne.s32 s2, $0x0  }
0x77: {  	s3 =	rddreg [dreg:$0x2];
	[bflag:$0x3] =	sbarrier.arrive $0xFFFF;
	s2 =	simm.s32 @!p0 $0x1C05  }
0x78: {  	[timem:s3], [sflag:s2] =	dma.local @!p0 [hbm:s0], s1  }
0x79: {  	s0 =	simm.s32 @!p0 $0x5  }
0x7a: {  	_ =	swait.ge @!p0 [sflag:s0], s1  }
0x7b: {  	s1 =	ssub.s32 @!p0 $0x0, s1;
	[sflag:s0] =	ssyncset.done @!p0 $0x0  }
0x7c: {  	[sflag:s0] =	ssyncadd.s32 @!p0 s1  }
0x7d: {  	[bflag:$0x3] =	sbarrier.arrive $0xFFFF  }
0x7e: {  	_ =	shalt  }

// kernel: kernel.33.cloned.1.call-start
scs
__scs_entry_jumppad:
0x0: {  	(pc) =	sbr.rel $0x88, $3  }
0x1: {  	(tag) =	ssettag $0x0;
	lr =	simm.s32 $0x1  }
0x2: {  	[smem:$0x3F5E] =	sst lr;
	_ =	strace $0xD0000000  }
0x3: {  	_ = 	snop  }
0x4: {  	_ = 	snop  }
0x5: {  	_ = 	snop  }
0x6: {  	_ = 	snop  }
0x7: {  	_ = 	snop  }
__scs_overlays_trampoline_lowered:
0x8: {  	[smem:$0x3F6D] =	sst s0  }
0x9: {  	[smem:$0x3F6E] =	sst s1  }
0xa: {  	[smem:$0x3F6F] =	sst s2  }
0xb: {  	[smem:$0x3F70] =	sst s3  }
0xc: {  	[smem:$0x3F71] =	sst s4  }
0xd: {  	[smem:$0x3F72] =	sst s5  }
0xe: {  	[smem:$0x3F73] =	sst s6  }
0xf: {  	[smem:$0x3F74] =	sst s7  }
0x10: {  	[smem:$0x3F75] =	sst s8  }
0x11: {  	[smem:$0x3F76] =	sst s9;
	s0 =	simm.s32 @!p0 $0x0  }
0x12: {  	s1 =	sld [smem:$0x3F5C];
	s0 =	simm.s32 @p0 $0x1  }
0x13: {  	[smem:$0x3F77] =	sst s0;
	s0 =	simm.s32 @!p1 $0x0  }
0x14: {  	s2 =	sld [smem:$0x3F5B];
	s0 =	simm.s32 @p1 $0x1  }
0x15: {  	[smem:$0x3F78] =	sst s0;
	s0 =	simm.s32 @!p2 $0x0  }
0x16: {  	s3 =	sld [smem:$0x3FDB];
	s0 =	simm.s32 @p2 $0x1  }
0x17: {  	s4 =	simm.s32 $0x1BF5;
	[smem:$0x3F7A] =	sst s0  }
0x18: {  	s0 =	sld [smem:$0x3F5D];
	_ =	swait.ge [sflag:s4], $0x0  }
0x19: {  	s7 =	sld [smem:$0x3F5E]  }
0x1a: {  	s8 =	sadd.s32 $0xFFFFE003, lr  }
0x1b: {  	s9 =	sadd.s32 $0xFFFFFEF7, lr;
	s5 =	simm.s32 $0xFFFFFFFF;
	p2 =	slt.u32 s8, $0xFFFFF086  }
0x1c: {  	p1 =	slt.u32 s9, $0xF7A;
	s5 =	simm.s32 @!p2 $0x0  }
0x1d: {  	s5 =	simm.s32 @p1 $0x1;
	p0 =	seq.s32 s7, s2  }
0x1e: {  	s7 =	smul.u32 @!p0 $0xF7A, s2;
	p2 =	seq.s32 @!p0 s5, $0x0  }
0x1f: {  	s9 =	smul.u32 $0xF7A, s1;
	s8 =	simm.s32 @!p0 $0x1BF5;
	p2 =	por !p2, p0  }
0x20: {  	[sflag:s8] =	ssyncset.s32 @!p0 $0xFFFFF086;
	s6 =	sadd.s32 @!p0 s3, s7;
	s7 =	simm.s32 @!p0 $0x108  }
0x21: {  	s3 =	sadd.s32 s3, s9;
	s6 =	sadd.s32 @!p0 $0x88, s6;
	s7 =	simm.s32 @p2 $0x1082  }
0x22: {  	[simem:s7], [sflag:s8] =	dma.local @!p0 [hbm:s6], $0xF7A  }
0x23: {  	s9 =	sor.u32 $0xD0000000, s2;
	s6 =	simm.s32 $0x108;
	_ =	swait.ge @!p0 [sflag:s8], $0x0  }
0x24: {  	s3 =	sadd.s32 $0x88, s3;
	s6 =	simm.s32 @!p1 $0x1082;
	[sflag:s4] =	ssyncset.s32 $0xFFFFF086  }
0x25: {  	[simem:s6], [sflag:s4] =	dma.local [hbm:s3], $0xF7A  }
0x26: {  	[smem:$0x3F5E] =	sst s1;
	(tag) =	ssettag s2;
	_ =	strace s9  }
0x27: {  	s1 =	sld [smem:$0x3F6E]  }
0x28: {  	s2 =	sld [smem:$0x3F6F]  }
0x29: {  	s4 =	sld [smem:$0x3F71]  }
0x2a: {  	p0 =	seq.s32 s5, $0x0;
	s5 =	sld [smem:$0x3F72]  }
0x2b: {  	s6 =	sld [smem:$0x3F73]  }
0x2c: {  	s7 =	sld [smem:$0x3F74]  }
0x2d: {  	s3 =	simm.s32 $0x108;
	s8 =	sld [smem:$0x3F75]  }
0x2e: {  	s3 =	simm.s32 @!p0 $0x1082;
	s9 =	sld [smem:$0x3F76]  }
0x2f: {  	lr =	sadd.s32 s0, s3;
	s0 =	sld [smem:$0x3F6D]  }
0x30: {  	s3 =	sld [smem:$0x3F70]  }
0x31: {  	[smem:$0x3F79] =	sst s10  }
0x32: {  	s10 =	sld [smem:$0x3F77];
	_ =	sdelay $0x3  }
0x33: {  	p0 =	seq.s32 s10, $0x1;
	s10 =	sld [smem:$0x3F79];
	_ =	sdelay $0x3  }
0x34: {  	[smem:$0x3F79] =	sst s10  }
0x35: {  	s10 =	sld [smem:$0x3F78];
	_ =	sdelay $0x3  }
0x36: {  	p1 =	seq.s32 s10, $0x1;
	s10 =	sld [smem:$0x3F79];
	_ =	sdelay $0x3  }
0x37: {  	[smem:$0x3F79] =	sst s10  }
0x38: {  	s10 =	sld [smem:$0x3F7A]  }
0x39: {  	_ = 	snop;
	(pc) =	sbr.ind lr, $3  }
0x3a: {  	_ = 	snop  }
0x3b: {  	_ = 	snop  }
0x3c: {  	p2 =	seq.s32 s10, $0x1;
	s10 =	sld [smem:$0x3F79]  }
0x3d: {  	_ =	shalt  }
0x3e: {  	_ =	shalt  }
0x3f: {  	_ =	shalt  }
0x40: {  	_ =	shalt  }
0x41: {  	_ =	shalt  }
0x42: {  	_ =	shalt  }
0x43: {  	_ =	shalt  }
0x44: {  	_ =	shalt  }
0x45: {  	_ =	shalt  }
0x46: {  	_ =	shalt  }
0x47: {  	_ =	shalt  }
0x48: {  	_ =	shalt  }
0x49: {  	_ =	shalt  }
0x4a: {  	_ =	shalt  }
0x4b: {  	_ =	shalt  }
0x4c: {  	_ =	shalt  }
0x4d: {  	_ =	shalt  }
0x4e: {  	_ =	shalt  }
0x4f: {  	_ =	shalt  }
0x50: {  	_ =	shalt  }
0x51: {  	_ =	shalt  }
0x52: {  	_ =	shalt  }
0x53: {  	_ =	shalt  }
0x54: {  	_ =	shalt  }
0x55: {  	_ =	shalt  }
0x56: {  	_ =	shalt  }
0x57: {  	_ =	shalt  }
0x58: {  	_ =	shalt  }
0x59: {  	_ =	shalt  }
0x5a: {  	_ =	shalt  }
0x5b: {  	_ =	shalt  }
0x5c: {  	_ =	shalt  }
0x5d: {  	_ =	shalt  }
0x5e: {  	_ =	shalt  }
0x5f: {  	_ =	shalt  }
0x60: {  	_ =	shalt  }
0x61: {  	_ =	shalt  }
0x62: {  	_ =	shalt  }
0x63: {  	_ =	shalt  }
0x64: {  	_ =	shalt  }
0x65: {  	_ =	shalt  }
0x66: {  	_ =	shalt  }
0x67: {  	_ =	shalt  }
0x68: {  	_ =	shalt  }
0x69: {  	_ =	shalt  }
0x6a: {  	_ =	shalt  }
0x6b: {  	_ =	shalt  }
0x6c: {  	_ =	shalt  }
0x6d: {  	_ =	shalt  }
0x6e: {  	_ =	shalt  }
0x6f: {  	_ =	shalt  }
0x70: {  	_ =	shalt  }
0x71: {  	_ =	shalt  }
0x72: {  	_ =	shalt  }
0x73: {  	_ =	shalt  }
0x74: {  	_ =	shalt  }
0x75: {  	_ =	shalt  }
0x76: {  	_ =	shalt  }
0x77: {  	_ =	shalt  }
0x78: {  	_ =	shalt  }
0x79: {  	_ =	shalt  }
0x7a: {  	_ =	shalt  }
0x7b: {  	_ =	shalt  }
0x7c: {  	_ =	shalt  }
0x7d: {  	_ =	shalt  }
0x7e: {  	_ =	shalt  }
0x7f: {  	_ =	shalt  }
0x80: {  	_ =	shalt  }
0x81: {  	_ =	shalt  }
0x82: {  	_ =	shalt  }
0x83: {  	_ =	shalt  }
0x84: {  	_ =	shalt  }
0x85: {  	_ =	shalt  }
0x86: {  	_ =	shalt  }
0x87: {  	_ =	shalt  }
.Lfunc_end0:
.L_simem_size_0:
called_computation.4_lowered:
.L_overlay_start_0:
0x88: {  	s2 =	sld [smem:$0x3FD9]  }
0x89: {  	s3 =	sld [smem:$0x3FFE];
	_ =	sdelay $0x1  }
0x8a: {  	s1 =	srdreg.scid  }
0x8b: {  	s0 =	sand.u32 $0x1, s1  }
0x8c: {  	s14 =	sshll.u32 s0, $0xA;
	s2 =	sadd.s32 s3, s2  }
0x8d: {  	s2 =	sadd.s32 s2, s14  }
0x8e: {  	[smem:$0x3F85] =	sst s2  }
0x8f: {  	_ = 	snop  }
0x90: {  	s2 =	sld [smem:$0x3FD0];
	_ =	sdelay $0x2  }
0x91: {  	s15 =	simm.s32 $0xA;
	s4 =	simm.s32 $0x10  }
0x92: {  	[smem:s4], [sflag:s15] =	dma.local [hbm:s2], $0x1  }
0x93: {  	_ =	swait.eq [sflag:s15], $0x1  }
0x94: {  	[sflag:s15] =	ssyncset.done $0x0  }
0x95: {  	[sflag:s15] =	ssyncadd.s32 $0xFFFFFFFF  }
0x96: {  	s16 =	sld [smem:$0x11];
	(tm) =	ssettm $0x1  }
0x97: {  	s17 =	sld [smem:$0x3FFB];
	_ =	sdelay $0x3  }
0x98: {  	_ =	strace s17  }
0x99: {  	s3 =	sld [smem:$0x3FFC];
	_ =	sdelay $0x3  }
0x9a: {  	_ =	strace s3  }
0x9b: {  	s3 =	sld [smem:$0x3FFD];
	_ =	sdelay $0x3  }
0x9c: {  	_ =	strace s3  }
0x9d: {  	_ =	strace $0x8FFFFFFF  }
0x9e: {  	s18 =	sld [smem:$0x3FDB];
	_ =	sdelay $0x1  }
0x9f: {  	s19 =	simm.s32 $_scs_section_size  }
0xa0: {  	s5 =	simm.s32 $_size__tile_overlayer_lowered;
	s6 =	simm.s32 $_tile_overlayer_lowered  }
0xa1: {  	s22 =	simm.s32 $0x1BFF;
	s21 =	sshll.u32 s6, $0x1;
	s3 =	sadd.s32 s19, s18  }
0xa2: {  	s7 =	simm.s32 $0x0;
	s20 =	sshll.u32 s5, $0x1;
	s5 =	sadd.s32 s21, s3  }
0xa3: {  	[timem:s7], [sflag:s22] =	dma.local [hbm:s5], s20  }
0xa4: {  	_ =	swait.ge [sflag:s22], s20  }
0xa5: {  	s4 =	ssub.s32 $0x0, s20;
	[sflag:s22] =	ssyncset.done $0x0  }
0xa6: {  	[sflag:s22] =	ssyncadd.s32 s4;
	_ =	sdelay $0x1  }
0xa7: {  	s23 =	simm.s32 $0x1B8B  }
0xa8: {  	_ =	swait.ge [sflag:s23], $0x1  }
0xa9: {  	[sflag:s23] =	ssyncset.done $0x0  }
0xaa: {  	s25 =	simm.s32 $0x1B8E;
	s24 =	sld [smem:$0x3FFE];
	[sflag:s23] =	ssyncadd.s32 $0xFFFFFFFF  }
0xab: {  	s26 =	simm.s32 $execute0_lowered;
	[smem:$0x3FD2] =	sst s25  }
0xac: {  	s5 =	sshll.u32 s26, $0x1;
	_ =	strace $0x80000052;
	[dreg:$0x1] =	wrdreg $0xFFFFFFFF  }
0xad: {  	s28 =	simm.s32 $_size_execute0_lowered;
	s3 =	sadd.s32 s3, s5;
	[dreg:$0x0] =	wrdreg $0x0  }
0xae: {  	s5 =	sshll.u32 s28, $0x1;
	[dreg:$0x2] =	wrdreg s3  }
0xaf: {  	[dreg:$0x3] =	wrdreg s5  }
0xb0: {  	[dreg:$0x4] =	wrdreg $0xC0  }
0xb1: {  	_ =	task [dreg:s7], $0x5FFFF  }
0xb2: {  	[dreg:$0x1] =	wrdreg $0xFFFFFFFF  }
0xb3: {  	[dreg:$0x0] =	wrdreg $0x60  }
0xb4: {  	[dreg:$0x2] =	wrdreg s24  }
0xb5: {  	[dreg:$0x3] =	wrdreg s16  }
0xb6: {  	[dreg:$0x4] =	wrdreg $0x9  }
0xb7: {  	_ =	task.clear_ibuf [dreg:s7], $0x5FFFF;
	_ =	strace $0x90000052  }
0xb8: {  	s29 =	simm.s32 $0x9;
	_ =	strace $0x80000054  }
0xb9: {  	_ =	swait.ge [sflag:s29], $0x1  }
0xba: {  	[sflag:s29] =	ssyncadd.s32 $0xFFFFFFFF  }
0xbb: {  	_ =	strace $0x90000054  }
0xbc: {  	_ =	sfence  }
0xbd: {  	s30 =	sld [smem:$0x0];
	_ =	sdelay $0x2  }
0xbe: {  	s31 =	sshll.u32 s1, $0xD;
	s1 =	sshrl.u32 s1, $0x2  }
0xbf: {  	s3 =	sand.u32 $0x4000, s31;
	s1 =	sadd.s32 s1, s30  }
0xc0: {  	s0 =	sor.u32 s3, s0;
	s1 =	sshll.u32 s1, $0x11  }
0xc1: {  	s0 =	sor.u32 s1, s0  }
0xc2: {  	s0 =	sadd.s32 $0x8F2B, s0  }
0xc3: {  	[sflag:s0] =	ssyncadd.remote.s32 $0x1  }
0xc4: {  	_ =	sfence.sel $0xFFFF  }
0xc5: {  	[dreg:$0x0] =	wrdreg $0xFFFFFFFF;
	(pc) =	sbr.abs _section_cstart, $3  }
0xc6: {  	[dreg:$0x1] =	wrdreg $0xFFFFFFFF  }
0xc7: {  	_ =	task.clear_ibuf [dreg:s7], $0x2FFFF;
	_ =	strace $0x9FFFFFFF  }
0xc8: {  	(tm) =	ssettm $0x7FFFFFFF  }
0xc9: {  	_ =	shalt  }
tec
execute0_lowered:
.L_overlay_start_1:
0x0: {  	(tag) =	ssettag $0x1  }
0x1: {  	s0 =	rddreg [dreg:$0x0];
	s1 =	srdreg.scid  }
0x2: {  	s12 =	stileid.u32;
	s4 =	rddreg [dreg:$0x1];
	s2 =	simm.s32 $0x0  }
0x3: {  	s28 =	simm.s32 $0x1;
	s29 =	simm.s32 $0x3;
	s18 =	smul.u32 $0x140000, s12  }
0x4: {  	s30 =	simm.s32 $0x5;
	s1 =	sand.u32 $0x1, s1;
	s23 =	smul.u32 $0x28000, s12  }
0x5: {  	s31 =	simm.s32 $0x7;
	s3 =	sshll.u32 s12, $0x1;
	s19 =	smul.u32 $0xA0000, s1  }
0x6: {  	s5 =	sor.u32 s1, s3;
	s8 =	ssub.s32 $0x2, s1;
	s1 =	smul.u32 $0x14000, s1  }
0x7: {  	[smem:$0x7FF] =	sst s2;
	s9 =	sadd.s32 $0x38800, s0;
	s6 =	smul.u32 $0x280, s5  }
0x8: {  	_ =	strace $0x80000053;
	s3 =	sadd.s32 $0x11600, s0;
	s11 =	smul.u32 $0xA0000, s5  }
0x9: {  	s10 =	sshrl.u32 s8, $0x1;
	s5 =	smul.u32 $0x14000, s5;
	s25 =	sadd.s32 s23, s9  }
0xa: {  	s8 =	ssub.s32 s8, s10;
	s22 =	sadd.s32 s19, s18;
	s26 =	sadd.s32 s1, s25  }
0xb: {  	s19 =	simm.s32 $0x9;
	s25 =	simm.s32 $0x2;
	s7 =	sadd.s32 s6, s0  }
0xc: {  	s0 =	sadd.s32 $0x542800, s0;
	s4 =	sadd.s32 s4, s6;
	s11 =	sshrl.u32 s11, $0x3  }
0xd: {  	s13 =	smax.u32 s8, $0x1;
	s15 =	sor.u32 $0x800, s5;
	[dreg:$0x4] =	wrdreg s4  }
0xe: {  	s21 =	sadd.s32 $0x13800, s5;
	s7 =	sadd.s32 $0xC600, s7;
	[dreg:$0x5] =	wrdreg s13  }
0xf: {  	s24 =	sor.u32 $0x8000, s22;
	s14 =	sadd.s32 s9, s11;
	[dreg:$0x3] =	wrdreg s7  }
0x10: {  	s22 =	simm.s32 $0x2800;
	s16 =	sadd.s32 s0, s11;
	[dreg:$0x6] =	wrdreg s14  }
0x11: {  	s5 =	simm.s32 $0x1380;
	s17 =	sadd.s32 s9, s15;
	[dreg:$0x7] =	wrdreg s16  }
0x12: {  	s6 =	sadd.s32 s0, s15;
	s4 =	sadd.s32 $0x13000, s11;
	[dreg:$0x8] =	wrdreg s17  }
0x13: {  	s13 =	sadd.s32 s9, s21;
	[dreg:$0x9] =	wrdreg s6;
	s20 =	sadd.s32 s9, s4  }
0x14: {  	s4 =	sadd.s32 s0, s4;
	s14 =	sadd.s32 s0, s21;
	s6 =	sadd.s32 s23, s0  }
0x15: {  	s17 =	sadd.s32 $0x1800, s26;
	s21 =	simm.s32 $0x80;
	s23 =	simm.s32 $0xA800  }
0x16: {  	s26 =	simm.s32 $0xE800;
	s7 =	simm.s32 $0x0;
	[dreg:$0xa] =	wrdreg s20  }
0x17: {  	[dreg:$0xb] =	wrdreg s4;
	s4 =	sshrl.u32 s24, $0x3;
	s1 =	sadd.s32 s1, s6  }
0x18: {  	s20 =	simm.s32 $0x1400;
	s24 =	simm.s32 $0x6800;
	s6 =	simm.s32 $0x2780  }
0x19: {  	s15 =	sadd.s32 s4, s0;
	s16 =	sadd.s32 s4, s9;
	s18 =	sadd.s32 $0x1800, s1  }
0x1a: {  	s1 =	simm.s32 $0x4;
	s0 =	simm.s32 $0x6;
	s4 =	simm.s32 $0x8  }
.LBB2_1:
0x1b: {  	s8 =	rddreg [dreg:$0x3]  }
0x1c: {  	[tilespmem:s2], [sflag:$0x9] =	stream.linear.gather [hbm4b:s8+s2], $0x1400, $0x38;
	[tilespmem:$0x12800] =	vst v63  }
0x1d: {  	_ =	swait.ge [sflag:s19], $0x1400  }
0x1e: {  	[sflag:s19] =	ssyncset.done $0x0  }
0x1f: {  	s10 =	rddreg [dreg:$0x4];
	[sflag:s19] =	ssyncadd.s32 $0xFFFFEC00  }
0x20: {  	[tilespmem:s20], [sflag:$0x9] =	stream.linear.gather [hbm4b:s10+s2], $0x1400, $0x38;
	[tilespmem:$0x12800] =	vst v63  }
0x21: {  	_ =	swait.ge [sflag:s19], $0x1400  }
0x22: {  	[sflag:s19] =	ssyncset.done $0x0  }
0x23: {  	[sflag:s19] =	ssyncadd.s32 $0xFFFFEC00  }
0x24: {  	[tilespmem:s22], [sflag:$0x1] =	stream.indirect.gather [hbm4b:s3+s21], $0x80, s2, s21, $0xb8;
	[tilespmem:$0x12800] =	vst v63  }
0x25: {  	_ = 	snop  }
0x26: {  	[tilespmem:s23], [sflag:$0x3] =	stream.indirect.gather [hbm4b:s3+s21], $0x80, s20, s21, $0xb8;
	[tilespmem:$0x12800] =	vst v63  }
0x27: {  	_ = 	snop  }
0x28: {  	[tilespmem:s24], [sflag:$0x2] =	stream.indirect.gather [hbm4b:s3+s21], $0x80, s21, s21, $0xb8;
	[tilespmem:$0x12800] =	vst v63  }
0x29: {  	s11 =	simm.s32 $0x1480  }
0x2a: {  	[tilespmem:s26], [sflag:$0x4] =	stream.indirect.gather [hbm4b:s3+s21], $0x80, s11, s21, $0xb8;
	[tilespmem:$0x12800] =	vst v63  }
0x2b: {  	_ =	swait.ge [sflag:s28], $0x4000  }
0x2c: {  	[sflag:s28] =	ssyncset.done $0x0  }
0x2d: {  	[sflag:s28] =	ssyncadd.s32 $0xFFFFC000  }
0x2e: {  	_ =	swait.ge [sflag:s29], $0x4000  }
0x2f: {  	[sflag:s29] =	ssyncset.done $0x0  }
0x30: {  	s12 =	rddreg [dreg:$0x6];
	[sflag:s29] =	ssyncadd.s32 $0xFFFFC000  }
0x31: {  	[hbm4b:s12+s2] =	stream.linear.scatter [tilespmem:s22], [sflag:$0x5], $0x4000, $0x38;
	[tilespmem:$0x12800] =	vst v63  }
0x32: {  	s9 =	rddreg [dreg:$0x7]  }
0x33: {  	[hbm4b:s9+s2] =	stream.linear.scatter [tilespmem:s23], [sflag:$0x7], $0x4000, $0x38;
	[tilespmem:$0x12800] =	vst v63  }
0x34: {  	_ =	swait.ge [sflag:s30], $0x4000  }
0x35: {  	[sflag:s30] =	ssyncset.done $0x0  }
0x36: {  	[sflag:s30] =	ssyncadd.s32 $0xFFFFC000  }
0x37: {  	_ =	swait.ge [sflag:s31], $0x4000  }
0x38: {  	[sflag:s31] =	ssyncset.done $0x0  }
0x39: {  	s10 =	simm.s32 $0x100;
	[sflag:s31] =	ssyncadd.s32 $0xFFFFC000  }
0x3a: {  	[tilespmem:s22], [sflag:$0x1] =	stream.indirect.gather [hbm4b:s3+s21], $0x80, s10, s21, $0xb8;
	[tilespmem:$0x12800] =	vst v63  }
0x3b: {  	s11 =	simm.s32 $0x1500  }
0x3c: {  	[tilespmem:s23], [sflag:$0x3] =	stream.indirect.gather [hbm4b:s3+s21], $0x80, s11, s21, $0xb8;
	[tilespmem:$0x12800] =	vst v63  }
0x3d: {  	_ =	swait.ge [sflag:s25], $0x4000  }
0x3e: {  	[sflag:s25] =	ssyncset.done $0x0  }
0x3f: {  	[sflag:s25] =	ssyncadd.s32 $0xFFFFC000  }
0x40: {  	_ =	swait.ge [sflag:s1], $0x4000  }
0x41: {  	[sflag:s1] =	ssyncset.done $0x0  }
0x42: {  	s12 =	rddreg [dreg:$0x8];
	[sflag:s1] =	ssyncadd.s32 $0xFFFFC000  }
0x43: {  	[hbm4b:s12+s2] =	stream.linear.scatter [tilespmem:s24], [sflag:$0x6], $0x4000, $0x38;
	[tilespmem:$0x12800] =	vst v63  }
0x44: {  	s9 =	rddreg [dreg:$0x9]  }
0x45: {  	[hbm4b:s9+s2] =	stream.linear.scatter [tilespmem:s26], [sflag:$0x8], $0x4000, $0x38;
	[tilespmem:$0x12800] =	vst v63  }
0x46: {  	_ =	swait.ge [sflag:s0], $0x4000  }
0x47: {  	[sflag:s0] =	ssyncset.done $0x0  }
0x48: {  	[sflag:s0] =	ssyncadd.s32 $0xFFFFC000  }
0x49: {  	_ =	swait.ge [sflag:s4], $0x4000  }
0x4a: {  	[sflag:s4] =	ssyncset.done $0x0  }
0x4b: {  	s10 =	simm.s32 $0x180;
	[sflag:s4] =	ssyncadd.s32 $0xFFFFC000  }
0x4c: {  	[tilespmem:s24], [sflag:$0x2] =	stream.indirect.gather [hbm4b:s3+s21], $0x80, s10, s21, $0xb8;
	[tilespmem:$0x12800] =	vst v63  }
0x4d: {  	s11 =	simm.s32 $0x1580  }
0x4e: {  	[tilespmem:s26], [sflag:$0x4] =	stream.indirect.gather [hbm4b:s3+s21], $0x80, s11, s21, $0xb8;
	[tilespmem:$0x12800] =	vst v63  }
0x4f: {  	_ =	swait.ge [sflag:s28], $0x4000  }
0x50: {  	[sflag:s28] =	ssyncset.done $0x0  }
0x51: {  	[sflag:s28] =	ssyncadd.s32 $0xFFFFC000  }
0x52: {  	_ =	swait.ge [sflag:s29], $0x4000  }
0x53: {  	[sflag:s29] =	ssyncset.done $0x0  }
0x54: {  	s12 =	sadd.s32 $0x0, s16;
	[sflag:s29] =	ssyncadd.s32 $0xFFFFC000  }
0x55: {  	[hbm4b:s12+s2] =	stream.linear.scatter [tilespmem:s22], [sflag:$0x5], $0x4000, $0x38;
	[tilespmem:$0x12800] =	vst v63  }
0x56: {  	s9 =	sadd.s32 $0x0, s15  }
0x57: {  	[hbm4b:s9+s2] =	stream.linear.scatter [tilespmem:s23], [sflag:$0x7], $0x4000, $0x38;
	[tilespmem:$0x12800] =	vst v63  }
0x58: {  	_ =	swait.ge [sflag:s30], $0x4000  }
0x59: {  	[sflag:s30] =	ssyncset.done $0x0  }
0x5a: {  	[sflag:s30] =	ssyncadd.s32 $0xFFFFC000  }
0x5b: {  	_ =	swait.ge [sflag:s31], $0x4000  }
0x5c: {  	[sflag:s31] =	ssyncset.done $0x0  }
0x5d: {  	s10 =	simm.s32 $0x200;
	[sflag:s31] =	ssyncadd.s32 $0xFFFFC000  }
0x5e: {  	[tilespmem:s22], [sflag:$0x1] =	stream.indirect.gather [hbm4b:s3+s21], $0x80, s10, s21, $0xb8;
	[tilespmem:$0x12800] =	vst v63  }
0x5f: {  	s11 =	simm.s32 $0x1600  }
0x60: {  	[tilespmem:s23], [sflag:$0x3] =	stream.indirect.gather [hbm4b:s3+s21], $0x80, s11, s21, $0xb8;
	[tilespmem:$0x12800] =	vst v63  }
0x61: {  	_ =	swait.ge [sflag:s25], $0x4000  }
0x62: {  	[sflag:s25] =	ssyncset.done $0x0  }
0x63: {  	[sflag:s25] =	ssyncadd.s32 $0xFFFFC000  }
0x64: {  	s8 =	simm.s32 $0x1000;
	_ =	swait.ge [sflag:s1], $0x4000  }
0x65: {  	s12 =	sadd.s32 $0x0, s17;
	s9 =	simm.s32 $0x1680;
	[sflag:s1] =	ssyncset.done $0x0  }
0x66: {  	s10 =	simm.s32 $0x280;
	s11 =	sadd.s32 $0x0, s18;
	[sflag:s1] =	ssyncadd.s32 $0xFFFFC000  }
0x67: {  	[hbm4b:s12+s2] =	stream.linear.scatter [tilespmem:s24], [sflag:$0x6], $0x4000, $0x38;
	[tilespmem:$0x12800] =	vst v63  }
.LBB2_2:
0x68: {  	[hbm4b:s11+s2] =	stream.linear.scatter [tilespmem:s26], [sflag:$0x8], $0x4000, $0x38;
	[tilespmem:$0x12800] =	vst v63  }
0x69: {  	s11 =	smov.u32 s8  }
0x6a: {  	p0 =	sne.s32 s8, $0x11000;
	s8 =	sadd.s32 $0x1000, s8;
	_ =	swait.ge [sflag:s0], $0x4000  }
0x6b: {  	[sflag:s0] =	ssyncset.done $0x0  }
0x6c: {  	[sflag:s0] =	ssyncadd.s32 $0xFFFFC000  }
0x6d: {  	_ =	swait.ge [sflag:s4], $0x4000  }
0x6e: {  	[sflag:s4] =	ssyncset.done $0x0  }
0x6f: {  	[sflag:s4] =	ssyncadd.s32 $0xFFFFC000  }
0x70: {  	[tilespmem:s24], [sflag:$0x2] =	stream.indirect.gather [hbm4b:s3+s21], $0x80, s10, s21, $0xb8;
	[tilespmem:$0x12800] =	vst v63  }
0x71: {  	_ = 	snop  }
0x72: {  	[tilespmem:s26], [sflag:$0x4] =	stream.indirect.gather [hbm4b:s3+s21], $0x80, s9, s21, $0xb8;
	[tilespmem:$0x12800] =	vst v63  }
0x73: {  	_ =	swait.ge [sflag:s28], $0x4000  }
0x74: {  	[sflag:s28] =	ssyncset.done $0x0  }
0x75: {  	[sflag:s28] =	ssyncadd.s32 $0xFFFFC000  }
0x76: {  	_ =	swait.ge [sflag:s29], $0x4000  }
0x77: {  	[sflag:s29] =	ssyncset.done $0x0  }
0x78: {  	s12 =	sadd.s32 s11, s16;
	[sflag:s29] =	ssyncadd.s32 $0xFFFFC000  }
0x79: {  	[hbm4b:s12+s2] =	stream.linear.scatter [tilespmem:s22], [sflag:$0x5], $0x4000, $0x38;
	[tilespmem:$0x12800] =	vst v63  }
0x7a: {  	s12 =	sadd.s32 s11, s15  }
0x7b: {  	[hbm4b:s12+s2] =	stream.linear.scatter [tilespmem:s23], [sflag:$0x7], $0x4000, $0x38;
	[tilespmem:$0x12800] =	vst v63  }
0x7c: {  	_ =	swait.ge [sflag:s30], $0x4000  }
0x7d: {  	[sflag:s30] =	ssyncset.done $0x0  }
0x7e: {  	[sflag:s30] =	ssyncadd.s32 $0xFFFFC000  }
0x7f: {  	_ =	swait.ge [sflag:s31], $0x4000  }
0x80: {  	[sflag:s31] =	ssyncset.done $0x0  }
0x81: {  	s12 =	sadd.s32 $0x80, s10;
	[sflag:s31] =	ssyncadd.s32 $0xFFFFC000  }
0x82: {  	[tilespmem:s22], [sflag:$0x1] =	stream.indirect.gather [hbm4b:s3+s21], $0x80, s12, s21, $0xb8;
	[tilespmem:$0x12800] =	vst v63  }
0x83: {  	s12 =	sadd.s32 $0x80, s9  }
0x84: {  	[tilespmem:s23], [sflag:$0x3] =	stream.indirect.gather [hbm4b:s3+s21], $0x80, s12, s21, $0xb8;
	[tilespmem:$0x12800] =	vst v63  }
0x85: {  	_ =	swait.ge [sflag:s25], $0x4000  }
0x86: {  	[sflag:s25] =	ssyncset.done $0x0  }
0x87: {  	[sflag:s25] =	ssyncadd.s32 $0xFFFFC000  }
.Ltmp0:
0x88: {  	_ =	swait.ge [sflag:s1], $0x4000;
	(pc) =	sbr.rel @p0 .LBB2_2-.Ltmp0, $4  }
0x89: {  	[sflag:s1] =	ssyncset.done $0x0  }
0x8a: {  	s12 =	sadd.s32 s11, s17;
	[sflag:s1] =	ssyncadd.s32 $0xFFFFC000  }
0x8b: {  	[hbm4b:s12+s2] =	stream.linear.scatter [tilespmem:s24], [sflag:$0x6], $0x4000, $0x38;
	[tilespmem:$0x12800] =	vst v63  }
0x8c: {  	s10 =	sadd.s32 $0x100, s10;
	s9 =	sadd.s32 $0x100, s9;
	s11 =	sadd.s32 s11, s18  }
0x8d: {  	[hbm4b:s11+s2] =	stream.linear.scatter [tilespmem:s26], [sflag:$0x8], $0x4000, $0x38;
	[tilespmem:$0x12800] =	vst v63  }
0x8e: {  	_ =	swait.ge [sflag:s0], $0x4000  }
0x8f: {  	[sflag:s0] =	ssyncset.done $0x0  }
0x90: {  	[sflag:s0] =	ssyncadd.s32 $0xFFFFC000  }
0x91: {  	_ =	swait.ge [sflag:s4], $0x4000  }
0x92: {  	[sflag:s4] =	ssyncset.done $0x0  }
0x93: {  	[sflag:s4] =	ssyncadd.s32 $0xFFFFC000  }
0x94: {  	[tilespmem:s24], [sflag:$0x2] =	stream.indirect.gather [hbm4b:s3+s21], $0x80, s5, s21, $0xb8;
	[tilespmem:$0x12800] =	vst v63  }
0x95: {  	_ = 	snop  }
0x96: {  	[tilespmem:s26], [sflag:$0x4] =	stream.indirect.gather [hbm4b:s3+s21], $0x80, s6, s21, $0xb8;
	[tilespmem:$0x12800] =	vst v63  }
0x97: {  	_ =	swait.ge [sflag:s28], $0x4000  }
0x98: {  	[sflag:s28] =	ssyncset.done $0x0  }
0x99: {  	[sflag:s28] =	ssyncadd.s32 $0xFFFFC000  }
0x9a: {  	_ =	swait.ge [sflag:s29], $0x4000  }
0x9b: {  	[sflag:s29] =	ssyncset.done $0x0  }
0x9c: {  	s8 =	rddreg [dreg:$0xa];
	[sflag:s29] =	ssyncadd.s32 $0xFFFFC000  }
0x9d: {  	[hbm4b:s8+s2] =	stream.linear.scatter [tilespmem:s22], [sflag:$0x5], $0x4000, $0x38;
	[tilespmem:$0x12800] =	vst v63  }
0x9e: {  	s11 =	rddreg [dreg:$0xb]  }
0x9f: {  	[hbm4b:s11+s2] =	stream.linear.scatter [tilespmem:s23], [sflag:$0x7], $0x4000, $0x38;
	[tilespmem:$0x12800] =	vst v63  }
0xa0: {  	_ =	swait.ge [sflag:s30], $0x4000  }
0xa1: {  	[sflag:s30] =	ssyncset.done $0x0  }
0xa2: {  	[sflag:s30] =	ssyncadd.s32 $0xFFFFC000  }
0xa3: {  	_ =	swait.ge [sflag:s31], $0x4000  }
0xa4: {  	[sflag:s31] =	ssyncset.done $0x0  }
0xa5: {  	[sflag:s31] =	ssyncadd.s32 $0xFFFFC000  }
0xa6: {  	[tilespmem:s22], [sflag:$0x1] =	stream.indirect.gather [hbm4b:s3+s21], $0x80, s5, s21, $0xb8;
	[tilespmem:$0x12800] =	vst v63  }
0xa7: {  	_ = 	snop  }
0xa8: {  	[tilespmem:s23], [sflag:$0x3] =	stream.indirect.gather [hbm4b:s3+s21], $0x80, s6, s21, $0xb8;
	[tilespmem:$0x12800] =	vst v63  }
0xa9: {  	_ =	swait.ge [sflag:s25], $0x4000  }
0xaa: {  	[sflag:s25] =	ssyncset.done $0x0  }
0xab: {  	[sflag:s25] =	ssyncadd.s32 $0xFFFFC000  }
0xac: {  	_ =	swait.ge [sflag:s1], $0x4000  }
0xad: {  	[sflag:s1] =	ssyncset.done $0x0  }
0xae: {  	[sflag:s1] =	ssyncadd.s32 $0xFFFFC000  }
0xaf: {  	[hbm4b:s13+s2] =	stream.linear.scatter [tilespmem:s24], [sflag:$0x6], $0x4000, $0x38;
	[tilespmem:$0x12800] =	vst v63  }
0xb0: {  	_ = 	snop  }
0xb1: {  	[hbm4b:s14+s2] =	stream.linear.scatter [tilespmem:s26], [sflag:$0x8], $0x4000, $0x38;
	[tilespmem:$0x12800] =	vst v63  }
0xb2: {  	_ =	swait.ge [sflag:s28], $0x4000  }
0xb3: {  	[sflag:s28] =	ssyncset.done $0x0  }
0xb4: {  	[sflag:s28] =	ssyncadd.s32 $0xFFFFC000  }
0xb5: {  	_ =	swait.ge [sflag:s29], $0x4000  }
0xb6: {  	[sflag:s29] =	ssyncset.done $0x0  }
0xb7: {  	[sflag:s29] =	ssyncadd.s32 $0xFFFFC000  }
0xb8: {  	_ =	swait.ge [sflag:s0], $0x4000  }
0xb9: {  	[sflag:s0] =	ssyncset.done $0x0  }
0xba: {  	[sflag:s0] =	ssyncadd.s32 $0xFFFFC000  }
0xbb: {  	_ =	swait.ge [sflag:s4], $0x4000  }
0xbc: {  	s7 =	sadd.s32 $0x1, s7;
	s12 =	rddreg [dreg:$0x5]  }
0xbd: {  	p0 =	sne.s32 s7, s12  }
.Ltmp1:
0xbe: {  	_ = 	snop;
	(pc) =	sbr.rel @p0 .LBB2_1-.Ltmp1, $3  }
0xbf: {  	_ =	sdelay $0x1  }
0xc0: {  	[sflag:s4] =	ssyncset.done $0x0  }
0xc1: {  	[sflag:s4] =	ssyncadd.s32 $0xFFFFC000  }
0xc2: {  	_ =	sfence.sel $0x180000  }
0xc3: {  	[bflag:$0x0] =	sbarrier.arrive $0xFFFF  }
0xc4: {  	_ =	strace $0x90000053  }
0xc5: {  	s0 =	stileid.u32;
	[bflag:$0x2] =	sbarrier.arrive $0xFFFF  }
0xc6: {  	p0 =	sne.s32 s0, $0x0;
	s0 =	rddreg [dreg:$0x2]  }
0xc7: {  	s0 =	sadd.s32 @!p0 $0x100000, s0  }
0xc8: {  	[sflag:s0] =	ssyncadd.tile.s32 @!p0 $0x1;
	_ =	shalt  }
.Lfunc_end2:
_tile_overlayer_lowered:
.L_overlay_start_2:
0xc9: {  	(tag) =	ssettag $0x2  }
0xca: {  	s0 =	rddreg [dreg:$0x0];
	s2 =	stileid.u32  }
0xcb: {  	s1 =	rddreg [dreg:$0x1];
	p0 =	sne.s32 s2, $0x0  }
0xcc: {  	s3 =	rddreg [dreg:$0x2];
	[bflag:$0x3] =	sbarrier.arrive $0xFFFF;
	s2 =	simm.s32 @!p0 $0x1C09  }
0xcd: {  	[timem:s3], [sflag:s2] =	dma.local @!p0 [hbm:s0], s1  }
0xce: {  	s0 =	simm.s32 @!p0 $0x9  }
0xcf: {  	_ =	swait.ge @!p0 [sflag:s0], s1  }
0xd0: {  	s1 =	ssub.s32 @!p0 $0x0, s1;
	[sflag:s0] =	ssyncset.done @!p0 $0x0  }
0xd1: {  	[sflag:s0] =	ssyncadd.s32 @!p0 s1  }
0xd2: {  	[bflag:$0x3] =	sbarrier.arrive $0xFFFF  }
0xd3: {  	_ =	shalt  }

</sc_bundles>
